<compile_context>
chip_gen: v7x
topology: tpu7x:2x2x1
jax: 0.10.2.dev20260603
libtpu: 0.0.44.dev20260713+nightly
codegen_flags: <defaults>
</compile_context>

<pallas_src>
import functools

import jax
import jax.numpy as jnp
from jax import lax
from jax.experimental import pallas as pl
from jax.experimental.pallas import tpu as pltpu
from jax.experimental.pallas import tpu_sc as plsc

_DP = 128


def _make_sc_gather(V, D, B, NC, NS):
    NW = NC * NS
    NSLAB = (V + 127) // 128
    G = 6
    NBANK = 2
    NV = B // 16
    CAP = B + 32
    SPAN = NSLAB // NW + 1
    NGRP = (SPAN + G - 1) // G
    FLUSH = 64
    mesh = plsc.VectorSubcoreMesh(core_axis_name="c", subcore_axis_name="s")

    @functools.partial(
        pl.kernel,
        mesh=mesh,
        out_type=jax.ShapeDtypeStruct((B + 128, _DP), jnp.float32),
        scratch_types=[
            pltpu.VMEM((B,), jnp.int32),
            pltpu.VMEM((CAP,), jnp.int32),
            pltpu.VMEM((NBANK * G * 56, 128), jnp.float32),
            pltpu.VMEM((FLUSH, _DP), jnp.float32),
            pltpu.VMEM((1, FLUSH), jnp.int32),
            pltpu.VMEM((272,), jnp.int32),
            pltpu.VMEM((32,), jnp.int32),
            pltpu.SemaphoreType.DMA((NBANK * G,)),
            pltpu.SemaphoreType.DMA,
        ],
        compiler_params=pltpu.CompilerParams(
            use_tc_tiling_on_sc=True, needs_layout_passes=False),
    )
    def gk(tab, idx_hbm, out, idx_v, lkey, bufs, stg, pstage, occ, scr,
           sems, sem_sc):
        wid = lax.axis_index("s") * NC + lax.axis_index("c")
        lo = (NSLAB * wid) // NW
        hi = (NSLAB * (wid + 1)) // NW
        iota = lax.broadcasted_iota(jnp.int32, (16,), 0)
        zeros16 = jnp.zeros((16,), jnp.float32)
        ones16 = jnp.full((16,), 1, jnp.int32)

        pltpu.sync_copy(idx_hbm, idx_v)

        for k in range(272 // 16):
            occ[pl.ds(16 * k, 16)] = iota * 0

        def scan_body(k, cnt):
            ids = idx_v[pl.ds(16 * k, 16)]
            rel = lax.shift_right_logical(ids, 7) - lo
            m = (rel >= 0) & (rel < hi - lo)
            relc = jnp.clip(rel, 0, 255)
            key = (relc << 21) | ((ids & 127) << 14) | (iota + 16 * k)
            plsc.store_compressed(lkey.at[pl.ds(cnt, 16)], key, mask=m)
            plsc.store_scatter(occ, [relc], ones16, mask=m)
            return cnt + plsc.all_reduce_population_count(m)[0]

        cnt = lax.fori_loop(0, NV, scan_body, 0)
        lkey[pl.ds(cnt, 16)] = iota * 0 - 1
        nvl = (cnt + 15) >> 4

        def zrow(r, c):
            for c8 in range(_DP // 16):
                stg[r, pl.ds(16 * c8, 16)] = zeros16
            return c

        lax.fori_loop(0, FLUSH, zrow, 0)

        def fill_dummies():
            for k in range(FLUSH // 16):
                pstage[0, pl.ds(16 * k, 16)] = B + iota + 16 * k

        fill_dummies()

        def occ_at(rel):
            return occ[pl.ds(jnp.clip(rel, 0, 255), 16)][0]

        def fire_group(gi, bank):
            for b in range(G):
                rel = gi * G + b
                s = lo + rel

                @pl.when((s < hi) & (occ_at(rel) > 0))
                def _(b=b, s=s, rel=rel):
                    pltpu.async_copy(tab.at[:, pl.ds(s * 128, 128)],
                                     bufs.at[pl.ds((bank * G + b) * 56, D)],
                                     sems.at[bank * G + b])

        def flush():
            pltpu.async_copy(stg, out.at[pstage.at[0]], sem_sc).wait()
            fill_dummies()

        def process_group(gi, bank, cursor):
            for b in range(G):
                rel = gi * G + b
                s = lo + rel

                @pl.when((s < hi) & (occ_at(rel) > 0))
                def _(b=b):
                    pltpu.make_async_copy(tab.at[:, pl.ds(0, 128)],
                                          bufs.at[pl.ds((bank * G + b) * 56, D)],
                                          sems.at[bank * G + b]).wait()

            d_vecs = [jnp.minimum(iota + 16 * c, D - 1) for c in range(4)]

            def vreg_work(k2, cursor):
                key16 = lkey[pl.ds(16 * k2, 16)]
                rel16 = lax.shift_right_logical(key16, 21)
                m0 = (rel16 >= gi * G) & (rel16 < gi * G + G)
                c16 = plsc.all_reduce_population_count(m0)[0]

                def match_body(i, carry):
                    cursor, m = carry
                    lane = plsc.all_reduce_ffs(m)[0]
                    key = scr[pl.ds(lane, 16)][0]
                    rel = lax.shift_right_logical(key, 21)
                    srow = (rel - gi * G + bank * G) * 56
                    lvec = ones16 * (lax.shift_right_logical(key, 14) & 127)
                    p = key & 0x3FFF
                    row = cursor & (FLUSH - 1)
                    for c in range(4):
                        vals = plsc.load_gather(bufs, [srow + d_vecs[c], lvec])
                        stg[row, pl.ds(16 * c, 16)] = vals
                    base16 = row - (row & 15)
                    pstage[0, pl.ds(base16, 16)] = jnp.where(
                        iota == (row & 15), p,
                        pstage[0, pl.ds(base16, 16)])

                    @pl.when(row == FLUSH - 1)
                    def _():
                        flush()

                    return cursor + 1, m & (iota != lane)

                def run(cursor):
                    scr[pl.ds(0, 16)] = key16
                    cur, _ = lax.fori_loop(0, c16, match_body, (cursor, m0))
                    return cur

                return lax.cond(c16 > 0, run, lambda cur: cur, cursor)

            return lax.fori_loop(0, nvl, vreg_work, cursor)

        fire_group(0, 0)

        def body2(i, cursor):
            fire_group(2 * i + 1, 1)
            cursor = process_group(2 * i, 0, cursor)
            fire_group(2 * i + 2, 0)
            cursor = process_group(2 * i + 1, 1, cursor)
            return cursor

        lax.fori_loop(0, (NGRP + 1) // 2, body2, 0)
        flush()

    return gk


def _make_tc_proj(B, DP, P, BB):
    grid = B // BB

    def proj_kernel(u_ref, id_ref, ww_ref, bw_ref, wa_ref, ba_ref, ow_ref, oa_ref):
        mask = (id_ref[...] != 0).astype(jnp.float32)
        x = u_ref[...] * mask
        dn = (((0,), (0,)), ((), ()))
        yw = lax.dot_general(ww_ref[...], x, dn,
                             preferred_element_type=jnp.float32) + bw_ref[...]
        ya = lax.dot_general(wa_ref[...], x, dn,
                             preferred_element_type=jnp.float32) + ba_ref[...]
        ow_ref[...] = jnp.maximum(yw, 0.0)
        oa_ref[...] = jnp.maximum(ya, 0.0)

    return pl.pallas_call(
        proj_kernel,
        grid=(grid,),
        in_specs=[
            pl.BlockSpec((DP, BB), lambda i: (0, i)),
            pl.BlockSpec((1, BB), lambda i: (0, i)),
            pl.BlockSpec((DP, P), lambda i: (0, 0)),
            pl.BlockSpec((P, 1), lambda i: (0, 0)),
            pl.BlockSpec((DP, P), lambda i: (0, 0)),
            pl.BlockSpec((P, 1), lambda i: (0, 0)),
        ],
        out_specs=[
            pl.BlockSpec((P, BB), lambda i: (0, i)),
            pl.BlockSpec((P, BB), lambda i: (0, i)),
        ],
        out_shape=[
            jax.ShapeDtypeStruct((P, B), jnp.float32),
            jax.ShapeDtypeStruct((P, B), jnp.float32),
        ],
    )


def kernel(user_id, table, W_word, b_word, W_article, b_article):
    B = user_id.shape[0]
    V, D = table.shape
    P = W_word.shape[1]
    info = plsc.get_sparse_core_info()
    NC, NS = info.num_cores, info.num_subcores

    idx = user_id.astype(jnp.int32)
    u = _make_sc_gather(V, D, B, NC, NS)(table.T, idx)
    uT = u.T
    Wwp = jnp.pad(W_word, ((0, _DP - D), (0, 0)))
    Wap = jnp.pad(W_article, ((0, _DP - D), (0, 0)))
    proj = _make_tc_proj(B, _DP, P, BB=4096)
    ywT, yaT = proj(uT, idx.reshape(1, B), Wwp, b_word.reshape(P, 1),
                    Wap, b_article.reshape(P, 1))
    return (ywT.T, yaT.T)

# --- scband reference (transcript-rebuilt; emitter-appended) ---
"""Pipeline reference for scband-user-embedding-layer-91027536871478 (READ-ONLY COPY).

The authoritative reference and input builder live on the scoring server;
editing this copy changes nothing except your own understanding.
"""

import jax, jax.numpy as jnp
import numpy as np

N_USERS = 1000000
EMB_DIM = 50
PREF_DIM = 200
BATCH = 16384


def setup_inputs(seed: int = 0) -> dict:
    key = jax.random.key(seed)
    k_idx, k_tab, k_ww, k_bw, k_wa, k_ba = jax.random.split(key, 6)
    user_id = jax.random.randint(k_idx, (BATCH,), 0, N_USERS, dtype=jnp.int64 if jax.config.jax_enable_x64 else jnp.int32)
    table = jax.random.normal(k_tab, (N_USERS, EMB_DIM), dtype=jnp.float32) * 0.02
    # nn.Linear weights: (out, in) in torch; store as (in, out) for x @ W
    lim_w = 1.0 / np.sqrt(EMB_DIM)
    W_word = jax.random.uniform(k_ww, (EMB_DIM, PREF_DIM), minval=-lim_w, maxval=lim_w, dtype=jnp.float32)
    b_word = jax.random.uniform(k_bw, (PREF_DIM,), minval=-lim_w, maxval=lim_w, dtype=jnp.float32)
    W_article = jax.random.uniform(k_wa, (EMB_DIM, PREF_DIM), minval=-lim_w, maxval=lim_w, dtype=jnp.float32)
    b_article = jax.random.uniform(k_ba, (PREF_DIM,), minval=-lim_w, maxval=lim_w, dtype=jnp.float32)
    return {"user_id": user_id, "table": table, "W_word": W_word, "b_word": b_word, "W_article": W_article, "b_article": b_article}


def reference(user_id, table, W_word, b_word, W_article, b_article):
    # nn.Embedding with padding_idx=0: row 0 is forced to zero
    table_eff = table.at[0].set(0.0)
    u_emb = jnp.take(table_eff, user_id, axis=0)  # [B, EMB_DIM] gather
    pref_word = jax.nn.relu(u_emb @ W_word + b_word)
    pref_article = jax.nn.relu(u_emb @ W_article + b_article)
    return (pref_word, pref_article)

if __name__ == "__main__":
    import jax
    _d = setup_inputs()
    print(jax.jit(kernel)(*tuple(_d.values())))

</pallas_src>

<mosaic_0001>
#map = affine_map<(d0, d1) -> (0, 0)>
#map1 = affine_map<(d0, d1) -> (0)>
module attributes {stable_mosaic.version = 14 : i64} {
  func.func @gk(%arg0: i32, %arg1: i32, %arg2: memref<50x1000000xf32, #tpu.memory_space<hbm>>, %arg3: memref<16384xi32, #tpu.memory_space<hbm>>, %arg4: memref<16512x128xf32, #tpu.memory_space<hbm>>, %arg5: memref<16384xi32, #tpu.memory_space<vmem>>, %arg6: memref<16416xi32, #tpu.memory_space<vmem>>, %arg7: memref<672x128xf32, #tpu.memory_space<vmem>>, %arg8: memref<64x128xf32, #tpu.memory_space<vmem>>, %arg9: memref<1x64xi32, #tpu.memory_space<vmem>>, %arg10: memref<272xi32, #tpu.memory_space<vmem>>, %arg11: memref<32xi32, #tpu.memory_space<vmem>>, %arg12: memref<12x!tpu.dma_semaphore, #tpu.memory_space<semaphore_mem>>, %arg13: memref<!tpu.dma_semaphore, #tpu.memory_space<semaphore_mem>>) attributes {dimension_semantics = [#tpu.dimension_semantics<core_parallel>, #tpu.dimension_semantics<subcore_parallel>], iteration_bounds = array<i64: 2, 16>, scalar_prefetch = 0 : i64, scratch_operands = 9 : i64, tpu.core_type = #tpu.core_type<sc_vector_subcore>, window_params = [{transform_indices = #map}, {transform_indices = #map1}, {transform_indices = #map}]} {
    %mul3A = arith.constant 2 : i32
    %mul3A_0 = arith.muli %arg1, %mul3A : i32
    %add3A = arith.addi %mul3A_0, %arg0 : i32
    %mul3A_1 = arith.constant 7813 : i32
    %mul3A_2 = arith.muli %mul3A_1, %add3A : i32
    %jit3A = arith.constant 32 : i32
    %div3A = arith.divsi %mul3A_2, %jit3A : i32
    %sign3A = arith.constant 0 : i32
    %sign3A_3 = arith.cmpi sgt, %mul3A_2, %sign3A : i32
    %sign3A_4 = arith.extui %sign3A_3 : i1 to i32
    %sign3A_5 = arith.constant 0 : i32
    %sign3A_6 = arith.cmpi slt, %mul3A_2, %sign3A_5 : i32
    %sign3A_7 = arith.extui %sign3A_6 : i1 to i32
    %sign3A_8 = arith.subi %sign3A_4, %sign3A_7 : i32
    %sign3A_9 = arith.constant 0 : i32
    %sign3A_10 = arith.cmpi sgt, %jit3A, %sign3A_9 : i32
    %sign3A_11 = arith.extui %sign3A_10 : i1 to i32
    %sign3A_12 = arith.constant 0 : i32
    %sign3A_13 = arith.cmpi slt, %jit3A, %sign3A_12 : i32
    %sign3A_14 = arith.extui %sign3A_13 : i1 to i32
    %sign3A_15 = arith.subi %sign3A_11, %sign3A_14 : i32
    %ne3A = arith.cmpi ne, %sign3A_8, %sign3A_15 : i32
    %rem3A = arith.remsi %mul3A_2, %jit3A : i32
    %ne3A_16 = arith.constant 0 : i32
    %ne3A_17 = arith.cmpi ne, %rem3A, %ne3A_16 : i32
    %and3A = arith.andi %ne3A, %ne3A_17 : i1
    %sub3A = arith.constant 1 : i32
    %sub3A_18 = arith.subi %div3A, %sub3A : i32
    %select_n3A = arith.select %and3A, %sub3A_18, %div3A : i32
    %add3A_19 = arith.constant 1 : i32
    %add3A_20 = arith.addi %add3A, %add3A_19 : i32
    %mul3A_21 = arith.constant 7813 : i32
    %mul3A_22 = arith.muli %mul3A_21, %add3A_20 : i32
    %jit3A_23 = arith.constant 32 : i32
    %div3A_24 = arith.divsi %mul3A_22, %jit3A_23 : i32
    %sign3A_25 = arith.constant 0 : i32
    %sign3A_26 = arith.cmpi sgt, %mul3A_22, %sign3A_25 : i32
    %sign3A_27 = arith.extui %sign3A_26 : i1 to i32
    %sign3A_28 = arith.constant 0 : i32
    %sign3A_29 = arith.cmpi slt, %mul3A_22, %sign3A_28 : i32
    %sign3A_30 = arith.extui %sign3A_29 : i1 to i32
    %sign3A_31 = arith.subi %sign3A_27, %sign3A_30 : i32
    %sign3A_32 = arith.constant 0 : i32
    %sign3A_33 = arith.cmpi sgt, %jit3A_23, %sign3A_32 : i32
    %sign3A_34 = arith.extui %sign3A_33 : i1 to i32
    %sign3A_35 = arith.constant 0 : i32
    %sign3A_36 = arith.cmpi slt, %jit3A_23, %sign3A_35 : i32
    %sign3A_37 = arith.extui %sign3A_36 : i1 to i32
    %sign3A_38 = arith.subi %sign3A_34, %sign3A_37 : i32
    %ne3A_39 = arith.cmpi ne, %sign3A_31, %sign3A_38 : i32
    %rem3A_40 = arith.remsi %mul3A_22, %jit3A_23 : i32
    %ne3A_41 = arith.constant 0 : i32
    %ne3A_42 = arith.cmpi ne, %rem3A_40, %ne3A_41 : i32
    %and3A_43 = arith.andi %ne3A_39, %ne3A_42 : i1
    %sub3A_44 = arith.constant 1 : i32
    %sub3A_45 = arith.subi %div3A_24, %sub3A_44 : i32
    %select_n3A_46 = arith.select %and3A_43, %sub3A_45, %div3A_24 : i32
    %iota3A = tpu.iota {dimensions = array<i32: 0>} : vector<16xi32>
    %broadcast_in_dim3A = arith.constant 0.000000e+00 : f32
    %broadcast_in_dim3A_47 = vector.broadcast %broadcast_in_dim3A : f32 to vector<16xf32>
    %broadcast_in_dim3A_48 = arith.constant 1 : i32
    %broadcast_in_dim3A_49 = vector.broadcast %broadcast_in_dim3A_48 : i32 to vector<16xi32>
    "tpu.region"() ({
      %run_scoped3A = tpu.sem_alloc : memref<!tpu.dma_semaphore, #tpu.memory_space<semaphore_mem>>
      tpu.enqueue_dma source(%arg3 : memref<16384xi32, #tpu.memory_space<hbm>>) target(%arg5 : memref<16384xi32, #tpu.memory_space<vmem>>) target_semaphore(%run_scoped3A : memref<!tpu.dma_semaphore, #tpu.memory_space<semaphore_mem>>)
      tpu.wait_dma2 semaphore(%run_scoped3A : memref<!tpu.dma_semaphore, #tpu.memory_space<semaphore_mem>>) src(%arg3 : memref<16384xi32, #tpu.memory_space<hbm>>) dst(%arg5 : memref<16384xi32, #tpu.memory_space<vmem>>)
      tpu.yield
    }) : () -> ()
    %mul3A_50 = arith.constant 0 : i32
    %mul3A_51 = vector.broadcast %mul3A_50 : i32 to vector<16xi32>
    %mul3A_52 = arith.muli %iota3A, %mul3A_51 : vector<16xi32>
    %swap3A = arith.constant 0 : index
    %swap3A_53 = tpu.vector_load %arg10[%swap3A] {strides = array<i32>} : memref<272xi32, #tpu.memory_space<vmem>>, vector<16xi32>,
    tpu.vector_store %arg10[%swap3A], %mul3A_52 {strides = array<i32>} : memref<272xi32, #tpu.memory_space<vmem>>, vector<16xi32>,
    %mul3A_54 = arith.constant 0 : i32
    %mul3A_55 = vector.broadcast %mul3A_54 : i32 to vector<16xi32>
    %mul3A_56 = arith.muli %iota3A, %mul3A_55 : vector<16xi32>
    %swap3A_57 = arith.constant 16 : index
    %swap3A_58 = tpu.vector_load %arg10[%swap3A_57] {strides = array<i32>} : memref<272xi32, #tpu.memory_space<vmem>>, vector<16xi32>,
    tpu.vector_store %arg10[%swap3A_57], %mul3A_56 {strides = array<i32>} : memref<272xi32, #tpu.memory_space<vmem>>, vector<16xi32>,
    %mul3A_59 = arith.constant 0 : i32
    %mul3A_60 = vector.broadcast %mul3A_59 : i32 to vector<16xi32>
    %mul3A_61 = arith.muli %iota3A, %mul3A_60 : vector<16xi32>
    %swap3A_62 = arith.constant 32 : index
    %swap3A_63 = tpu.vector_load %arg10[%swap3A_62] {strides = array<i32>} : memref<272xi32, #tpu.memory_space<vmem>>, vector<16xi32>,
    tpu.vector_store %arg10[%swap3A_62], %mul3A_61 {strides = array<i32>} : memref<272xi32, #tpu.memory_space<vmem>>, vector<16xi32>,
    %mul3A_64 = arith.constant 0 : i32
    %mul3A_65 = vector.broadcast %mul3A_64 : i32 to vector<16xi32>
    %mul3A_66 = arith.muli %iota3A, %mul3A_65 : vector<16xi32>
    %swap3A_67 = arith.constant 48 : index
    %swap3A_68 = tpu.vector_load %arg10[%swap3A_67] {strides = array<i32>} : memref<272xi32, #tpu.memory_space<vmem>>, vector<16xi32>,
    tpu.vector_store %arg10[%swap3A_67], %mul3A_66 {strides = array<i32>} : memref<272xi32, #tpu.memory_space<vmem>>, vector<16xi32>,
    %mul3A_69 = arith.constant 0 : i32
    %mul3A_70 = vector.broadcast %mul3A_69 : i32 to vector<16xi32>
    %mul3A_71 = arith.muli %iota3A, %mul3A_70 : vector<16xi32>
    %swap3A_72 = arith.constant 64 : index
    %swap3A_73 = tpu.vector_load %arg10[%swap3A_72] {strides = array<i32>} : memref<272xi32, #tpu.memory_space<vmem>>, vector<16xi32>,
    tpu.vector_store %arg10[%swap3A_72], %mul3A_71 {strides = array<i32>} : memref<272xi32, #tpu.memory_space<vmem>>, vector<16xi32>,
    %mul3A_74 = arith.constant 0 : i32
    %mul3A_75 = vector.broadcast %mul3A_74 : i32 to vector<16xi32>
    %mul3A_76 = arith.muli %iota3A, %mul3A_75 : vector<16xi32>
    %swap3A_77 = arith.constant 80 : index
    %swap3A_78 = tpu.vector_load %arg10[%swap3A_77] {strides = array<i32>} : memref<272xi32, #tpu.memory_space<vmem>>, vector<16xi32>,
    tpu.vector_store %arg10[%swap3A_77], %mul3A_76 {strides = array<i32>} : memref<272xi32, #tpu.memory_space<vmem>>, vector<16xi32>,
    %mul3A_79 = arith.constant 0 : i32
    %mul3A_80 = vector.broadcast %mul3A_79 : i32 to vector<16xi32>
    %mul3A_81 = arith.muli %iota3A, %mul3A_80 : vector<16xi32>
    %swap3A_82 = arith.constant 96 : index
    %swap3A_83 = tpu.vector_load %arg10[%swap3A_82] {strides = array<i32>} : memref<272xi32, #tpu.memory_space<vmem>>, vector<16xi32>,
    tpu.vector_store %arg10[%swap3A_82], %mul3A_81 {strides = array<i32>} : memref<272xi32, #tpu.memory_space<vmem>>, vector<16xi32>,
    %mul3A_84 = arith.constant 0 : i32
    %mul3A_85 = vector.broadcast %mul3A_84 : i32 to vector<16xi32>
    %mul3A_86 = arith.muli %iota3A, %mul3A_85 : vector<16xi32>
    %swap3A_87 = arith.constant 112 : index
    %swap3A_88 = tpu.vector_load %arg10[%swap3A_87] {strides = array<i32>} : memref<272xi32, #tpu.memory_space<vmem>>, vector<16xi32>,
    tpu.vector_store %arg10[%swap3A_87], %mul3A_86 {strides = array<i32>} : memref<272xi32, #tpu.memory_space<vmem>>, vector<16xi32>,
    %mul3A_89 = arith.constant 0 : i32
    %mul3A_90 = vector.broadcast %mul3A_89 : i32 to vector<16xi32>
    %mul3A_91 = arith.muli %iota3A, %mul3A_90 : vector<16xi32>
    %swap3A_92 = arith.constant 128 : index
    %swap3A_93 = tpu.vector_load %arg10[%swap3A_92] {strides = array<i32>} : memref<272xi32, #tpu.memory_space<vmem>>, vector<16xi32>,
    tpu.vector_store %arg10[%swap3A_92], %mul3A_91 {strides = array<i32>} : memref<272xi32, #tpu.memory_space<vmem>>, vector<16xi32>,
    %mul3A_94 = arith.constant 0 : i32
    %mul3A_95 = vector.broadcast %mul3A_94 : i32 to vector<16xi32>
    %mul3A_96 = arith.muli %iota3A, %mul3A_95 : vector<16xi32>
    %swap3A_97 = arith.constant 144 : index
    %swap3A_98 = tpu.vector_load %arg10[%swap3A_97] {strides = array<i32>} : memref<272xi32, #tpu.memory_space<vmem>>, vector<16xi32>,
    tpu.vector_store %arg10[%swap3A_97], %mul3A_96 {strides = array<i32>} : memref<272xi32, #tpu.memory_space<vmem>>, vector<16xi32>,
    %mul3A_99 = arith.constant 0 : i32
    %mul3A_100 = vector.broadcast %mul3A_99 : i32 to vector<16xi32>
    %mul3A_101 = arith.muli %iota3A, %mul3A_100 : vector<16xi32>
    %swap3A_102 = arith.constant 160 : index
    %swap3A_103 = tpu.vector_load %arg10[%swap3A_102] {strides = array<i32>} : memref<272xi32, #tpu.memory_space<vmem>>, vector<16xi32>,
    tpu.vector_store %arg10[%swap3A_102], %mul3A_101 {strides = array<i32>} : memref<272xi32, #tpu.memory_space<vmem>>, vector<16xi32>,
    %mul3A_104 = arith.constant 0 : i32
    %mul3A_105 = vector.broadcast %mul3A_104 : i32 to vector<16xi32>
    %mul3A_106 = arith.muli %iota3A, %mul3A_105 : vector<16xi32>
    %swap3A_107 = arith.constant 176 : index
    %swap3A_108 = tpu.vector_load %arg10[%swap3A_107] {strides = array<i32>} : memref<272xi32, #tpu.memory_space<vmem>>, vector<16xi32>,
    tpu.vector_store %arg10[%swap3A_107], %mul3A_106 {strides = array<i32>} : memref<272xi32, #tpu.memory_space<vmem>>, vector<16xi32>,
    %mul3A_109 = arith.constant 0 : i32
    %mul3A_110 = vector.broadcast %mul3A_109 : i32 to vector<16xi32>
    %mul3A_111 = arith.muli %iota3A, %mul3A_110 : vector<16xi32>
    %swap3A_112 = arith.constant 192 : index
    %swap3A_113 = tpu.vector_load %arg10[%swap3A_112] {strides = array<i32>} : memref<272xi32, #tpu.memory_space<vmem>>, vector<16xi32>,
    tpu.vector_store %arg10[%swap3A_112], %mul3A_111 {strides = array<i32>} : memref<272xi32, #tpu.memory_space<vmem>>, vector<16xi32>,
    %mul3A_114 = arith.constant 0 : i32
    %mul3A_115 = vector.broadcast %mul3A_114 : i32 to vector<16xi32>
    %mul3A_116 = arith.muli %iota3A, %mul3A_115 : vector<16xi32>
    %swap3A_117 = arith.constant 208 : index
    %swap3A_118 = tpu.vector_load %arg10[%swap3A_117] {strides = array<i32>} : memref<272xi32, #tpu.memory_space<vmem>>, vector<16xi32>,
    tpu.vector_store %arg10[%swap3A_117], %mul3A_116 {strides = array<i32>} : memref<272xi32, #tpu.memory_space<vmem>>, vector<16xi32>,
    %mul3A_119 = arith.constant 0 : i32
    %mul3A_120 = vector.broadcast %mul3A_119 : i32 to vector<16xi32>
    %mul3A_121 = arith.muli %iota3A, %mul3A_120 : vector<16xi32>
    %swap3A_122 = arith.constant 224 : index
    %swap3A_123 = tpu.vector_load %arg10[%swap3A_122] {strides = array<i32>} : memref<272xi32, #tpu.memory_space<vmem>>, vector<16xi32>,
    tpu.vector_store %arg10[%swap3A_122], %mul3A_121 {strides = array<i32>} : memref<272xi32, #tpu.memory_space<vmem>>, vector<16xi32>,
    %mul3A_124 = arith.constant 0 : i32
    %mul3A_125 = vector.broadcast %mul3A_124 : i32 to vector<16xi32>
    %mul3A_126 = arith.muli %iota3A, %mul3A_125 : vector<16xi32>
    %swap3A_127 = arith.constant 240 : index
    %swap3A_128 = tpu.vector_load %arg10[%swap3A_127] {strides = array<i32>} : memref<272xi32, #tpu.memory_space<vmem>>, vector<16xi32>,
    tpu.vector_store %arg10[%swap3A_127], %mul3A_126 {strides = array<i32>} : memref<272xi32, #tpu.memory_space<vmem>>, vector<16xi32>,
    %mul3A_129 = arith.constant 0 : i32
    %mul3A_130 = vector.broadcast %mul3A_129 : i32 to vector<16xi32>
    %mul3A_131 = arith.muli %iota3A, %mul3A_130 : vector<16xi32>
    %swap3A_132 = arith.constant 256 : index
    %swap3A_133 = tpu.vector_load %arg10[%swap3A_132] {strides = array<i32>} : memref<272xi32, #tpu.memory_space<vmem>>, vector<16xi32>,
    tpu.vector_store %arg10[%swap3A_132], %mul3A_131 {strides = array<i32>} : memref<272xi32, #tpu.memory_space<vmem>>, vector<16xi32>,
    %scan3A = arith.constant 0 : i32
    %scan3A_134 = arith.constant 0 : i32
    %scan3A_135 = arith.constant 1024 : i32
    %scan3A_136 = arith.addi %scan3A_134, %scan3A_135 : i32
    %scan3A_137 = arith.constant 1 : i32
    %scan3A_138 = scf.for %scan3A_355 = %scan3A_134 to %scan3A_136 step %scan3A_137 iter_args(%scan3A_356 = %scan3A) -> (i32)  : i32 {
      %mul3A_357 = arith.constant 16 : i32
      %mul3A_358 = arith.muli %mul3A_357, %scan3A_355 : i32
      %get3A_359 = arith.index_cast %mul3A_358 : i32 to index
      %get3A_360 = tpu.vector_load %arg5[%get3A_359] {strides = array<i32>} : memref<16384xi32, #tpu.memory_space<vmem>>, vector<16xi32>,
      %shift_right_logical3A = arith.constant 7 : i32
      %shift_right_logical3A_361 = vector.broadcast %shift_right_logical3A : i32 to vector<16xi32>
      %shift_right_logical3A_362 = arith.shrui %get3A_360, %shift_right_logical3A_361 : vector<16xi32>
      %sub3A_363 = vector.broadcast %select_n3A : i32 to vector<16xi32>
      %sub3A_364 = arith.subi %shift_right_logical3A_362, %sub3A_363 : vector<16xi32>
      %ge3A = arith.constant 0 : i32
      %ge3A_365 = vector.broadcast %ge3A : i32 to vector<16xi32>
      %ge3A_366 = arith.cmpi sge, %sub3A_364, %ge3A_365 : vector<16xi32>
      %sub3A_367 = arith.subi %select_n3A_46, %select_n3A : i32
      %lt3A_368 = vector.broadcast %sub3A_367 : i32 to vector<16xi32>
      %lt3A_369 = arith.cmpi slt, %sub3A_364, %lt3A_368 : vector<16xi32>
      %and3A_370 = arith.andi %ge3A_366, %lt3A_369 : vector<16xi1>
      %jit3A_371 = arith.constant 0 : i32
      %jit3A_372 = arith.constant 255 : i32
      %max3A_373 = vector.broadcast %jit3A_371 : i32 to vector<16xi32>
      %max3A_374 = arith.maxsi %max3A_373, %sub3A_364 : vector<16xi32>
      %min3A_375 = vector.broadcast %jit3A_372 : i32 to vector<16xi32>
      %min3A_376 = arith.minsi %min3A_375, %max3A_374 : vector<16xi32>
      %shift_left3A = arith.constant 21 : i32
      %shift_left3A_377 = vector.broadcast %shift_left3A : i32 to vector<16xi32>
      %shift_left3A_378 = arith.shli %min3A_376, %shift_left3A_377 : vector<16xi32>
      %and3A_379 = arith.constant 127 : i32
      %and3A_380 = vector.broadcast %and3A_379 : i32 to vector<16xi32>
      %and3A_381 = arith.andi %get3A_360, %and3A_380 : vector<16xi32>
      %shift_left3A_382 = arith.constant 14 : i32
      %shift_left3A_383 = vector.broadcast %shift_left3A_382 : i32 to vector<16xi32>
      %shift_left3A_384 = arith.shli %and3A_381, %shift_left3A_383 : vector<16xi32>
      %or3A = arith.ori %shift_left3A_378, %shift_left3A_384 : vector<16xi32>
      %mul3A_385 = arith.constant 16 : i32
      %mul3A_386 = arith.muli %mul3A_385, %scan3A_355 : i32
      %add3A_387 = vector.broadcast %mul3A_386 : i32 to vector<16xi32>
      %add3A_388 = arith.addi %iota3A, %add3A_387 : vector<16xi32>
      %or3A_389 = arith.ori %or3A, %add3A_388 : vector<16xi32>
      %swap3A_390 = arith.index_cast %scan3A_356 : i32 to index
      %swap3A_391 = tpu.vector_load %arg6[%swap3A_390] masked %and3A_370 {strides = array<i32>} : memref<16416xi32, #tpu.memory_space<vmem>>, vector<16xi32>, vector<16xi1>
      tpu.vector_store %arg6[%swap3A_390], %or3A_389 masked %and3A_370 {strides = array<i32>} : memref<16416xi32, #tpu.memory_space<vmem>>, vector<16xi32>, vector<16xi1>
      tpu.vector_store_idx %arg10[%min3A_376], %broadcast_in_dim3A_49 masked %and3A_370 : memref<272xi32, #tpu.memory_space<vmem>>[vector<16xi32>], vector<16xi32>, vector<16xi1>
      %all_reduce_population_count3A = tpu.all_reduce %and3A_370 {dim = 0 : i64, kind = #tpu.reduction_kind<sum>} : vector<16xi1> -> vector<16xi32>
      %slice3A_392 = vector.extract_strided_slice %all_reduce_population_count3A {offsets = [0], sizes = [1], strides = [1]} : vector<16xi32> to vector<1xi32>
      %squeeze3A_393 = vector.extract %slice3A_392[0] : i32 from vector<1xi32>
      %add3A_394 = arith.addi %scan3A_356, %squeeze3A_393 : i32
      scf.yield %add3A_394 : i32
    }
    %scan3A_139 = arith.constant 1024 : i32
    %mul3A_140 = arith.constant 0 : i32
    %mul3A_141 = vector.broadcast %mul3A_140 : i32 to vector<16xi32>
    %mul3A_142 = arith.muli %iota3A, %mul3A_141 : vector<16xi32>
    %sub3A_143 = arith.constant 1 : i32
    %sub3A_144 = vector.broadcast %sub3A_143 : i32 to vector<16xi32>
    %sub3A_145 = arith.subi %mul3A_142, %sub3A_144 : vector<16xi32>
    %swap3A_146 = arith.index_cast %scan3A_138 : i32 to index
    %swap3A_147 = tpu.vector_load %arg6[%swap3A_146] {strides = array<i32>} : memref<16416xi32, #tpu.memory_space<vmem>>, vector<16xi32>,
    tpu.vector_store %arg6[%swap3A_146], %sub3A_145 {strides = array<i32>} : memref<16416xi32, #tpu.memory_space<vmem>>, vector<16xi32>,
    %add3A_148 = arith.constant 15 : i32
    %add3A_149 = arith.addi %scan3A_138, %add3A_148 : i32
    %shift_right_arithmetic3A = arith.constant 4 : i32
    %shift_right_arithmetic3A_150 = arith.shrsi %add3A_149, %shift_right_arithmetic3A : i32
    %scan3A_151 = arith.constant 0 : i32
    %scan3A_152 = arith.constant 0 : i32
    %scan3A_153 = arith.constant 64 : i32
    %scan3A_154 = arith.addi %scan3A_152, %scan3A_153 : i32
    %scan3A_155 = arith.constant 1 : i32
    scf.for %scan3A_355 = %scan3A_152 to %scan3A_154 step %scan3A_155  : i32 {
      %swap3A_356 = arith.index_cast %scan3A_355 : i32 to index
      %swap3A_357 = arith.constant 0 : index
      %swap3A_358 = tpu.vector_load %arg8[%swap3A_356, %swap3A_357] {strides = array<i32>} : memref<64x128xf32, #tpu.memory_space<vmem>>, vector<16xf32>,
      tpu.vector_store %arg8[%swap3A_356, %swap3A_357], %broadcast_in_dim3A_47 {strides = array<i32>} : memref<64x128xf32, #tpu.memory_space<vmem>>, vector<16xf32>,
      %swap3A_359 = arith.index_cast %scan3A_355 : i32 to index
      %swap3A_360 = arith.constant 16 : index
      %swap3A_361 = tpu.vector_load %arg8[%swap3A_359, %swap3A_360] {strides = array<i32>} : memref<64x128xf32, #tpu.memory_space<vmem>>, vector<16xf32>,
      tpu.vector_store %arg8[%swap3A_359, %swap3A_360], %broadcast_in_dim3A_47 {strides = array<i32>} : memref<64x128xf32, #tpu.memory_space<vmem>>, vector<16xf32>,
      %swap3A_362 = arith.index_cast %scan3A_355 : i32 to index
      %swap3A_363 = arith.constant 32 : index
      %swap3A_364 = tpu.vector_load %arg8[%swap3A_362, %swap3A_363] {strides = array<i32>} : memref<64x128xf32, #tpu.memory_space<vmem>>, vector<16xf32>,
      tpu.vector_store %arg8[%swap3A_362, %swap3A_363], %broadcast_in_dim3A_47 {strides = array<i32>} : memref<64x128xf32, #tpu.memory_space<vmem>>, vector<16xf32>,
      %swap3A_365 = arith.index_cast %scan3A_355 : i32 to index
      %swap3A_366 = arith.constant 48 : index
      %swap3A_367 = tpu.vector_load %arg8[%swap3A_365, %swap3A_366] {strides = array<i32>} : memref<64x128xf32, #tpu.memory_space<vmem>>, vector<16xf32>,
      tpu.vector_store %arg8[%swap3A_365, %swap3A_366], %broadcast_in_dim3A_47 {strides = array<i32>} : memref<64x128xf32, #tpu.memory_space<vmem>>, vector<16xf32>,
      %swap3A_368 = arith.index_cast %scan3A_355 : i32 to index
      %swap3A_369 = arith.constant 64 : index
      %swap3A_370 = tpu.vector_load %arg8[%swap3A_368, %swap3A_369] {strides = array<i32>} : memref<64x128xf32, #tpu.memory_space<vmem>>, vector<16xf32>,
      tpu.vector_store %arg8[%swap3A_368, %swap3A_369], %broadcast_in_dim3A_47 {strides = array<i32>} : memref<64x128xf32, #tpu.memory_space<vmem>>, vector<16xf32>,
      %swap3A_371 = arith.index_cast %scan3A_355 : i32 to index
      %swap3A_372 = arith.constant 80 : index
      %swap3A_373 = tpu.vector_load %arg8[%swap3A_371, %swap3A_372] {strides = array<i32>} : memref<64x128xf32, #tpu.memory_space<vmem>>, vector<16xf32>,
      tpu.vector_store %arg8[%swap3A_371, %swap3A_372], %broadcast_in_dim3A_47 {strides = array<i32>} : memref<64x128xf32, #tpu.memory_space<vmem>>, vector<16xf32>,
      %swap3A_374 = arith.index_cast %scan3A_355 : i32 to index
      %swap3A_375 = arith.constant 96 : index
      %swap3A_376 = tpu.vector_load %arg8[%swap3A_374, %swap3A_375] {strides = array<i32>} : memref<64x128xf32, #tpu.memory_space<vmem>>, vector<16xf32>,
      tpu.vector_store %arg8[%swap3A_374, %swap3A_375], %broadcast_in_dim3A_47 {strides = array<i32>} : memref<64x128xf32, #tpu.memory_space<vmem>>, vector<16xf32>,
      %swap3A_377 = arith.index_cast %scan3A_355 : i32 to index
      %swap3A_378 = arith.constant 112 : index
      %swap3A_379 = tpu.vector_load %arg8[%swap3A_377, %swap3A_378] {strides = array<i32>} : memref<64x128xf32, #tpu.memory_space<vmem>>, vector<16xf32>,
      tpu.vector_store %arg8[%swap3A_377, %swap3A_378], %broadcast_in_dim3A_47 {strides = array<i32>} : memref<64x128xf32, #tpu.memory_space<vmem>>, vector<16xf32>,
    }
    %scan3A_156 = arith.constant 64 : i32
    %add3A_157 = arith.constant 16384 : i32
    %add3A_158 = vector.broadcast %add3A_157 : i32 to vector<16xi32>
    %add3A_159 = arith.addi %add3A_158, %iota3A : vector<16xi32>
    %add3A_160 = arith.constant 0 : i32
    %add3A_161 = vector.broadcast %add3A_160 : i32 to vector<16xi32>
    %add3A_162 = arith.addi %add3A_159, %add3A_161 : vector<16xi32>
    %swap3A_163 = arith.constant 0 : i32
    %swap3A_164 = arith.index_cast %swap3A_163 : i32 to index
    %swap3A_165 = arith.constant 0 : index
    %swap3A_166 = tpu.vector_load %arg9[%swap3A_164, %swap3A_165] {strides = array<i32>} : memref<1x64xi32, #tpu.memory_space<vmem>>, vector<16xi32>,
    tpu.vector_store %arg9[%swap3A_164, %swap3A_165], %add3A_162 {strides = array<i32>} : memref<1x64xi32, #tpu.memory_space<vmem>>, vector<16xi32>,
    %add3A_167 = arith.constant 16384 : i32
    %add3A_168 = vector.broadcast %add3A_167 : i32 to vector<16xi32>
    %add3A_169 = arith.addi %add3A_168, %iota3A : vector<16xi32>
    %add3A_170 = arith.constant 16 : i32
    %add3A_171 = vector.broadcast %add3A_170 : i32 to vector<16xi32>
    %add3A_172 = arith.addi %add3A_169, %add3A_171 : vector<16xi32>
    %swap3A_173 = arith.constant 0 : i32
    %swap3A_174 = arith.index_cast %swap3A_173 : i32 to index
    %swap3A_175 = arith.constant 16 : index
    %swap3A_176 = tpu.vector_load %arg9[%swap3A_174, %swap3A_175] {strides = array<i32>} : memref<1x64xi32, #tpu.memory_space<vmem>>, vector<16xi32>,
    tpu.vector_store %arg9[%swap3A_174, %swap3A_175], %add3A_172 {strides = array<i32>} : memref<1x64xi32, #tpu.memory_space<vmem>>, vector<16xi32>,
    %add3A_177 = arith.constant 16384 : i32
    %add3A_178 = vector.broadcast %add3A_177 : i32 to vector<16xi32>
    %add3A_179 = arith.addi %add3A_178, %iota3A : vector<16xi32>
    %add3A_180 = arith.constant 32 : i32
    %add3A_181 = vector.broadcast %add3A_180 : i32 to vector<16xi32>
    %add3A_182 = arith.addi %add3A_179, %add3A_181 : vector<16xi32>
    %swap3A_183 = arith.constant 0 : i32
    %swap3A_184 = arith.index_cast %swap3A_183 : i32 to index
    %swap3A_185 = arith.constant 32 : index
    %swap3A_186 = tpu.vector_load %arg9[%swap3A_184, %swap3A_185] {strides = array<i32>} : memref<1x64xi32, #tpu.memory_space<vmem>>, vector<16xi32>,
    tpu.vector_store %arg9[%swap3A_184, %swap3A_185], %add3A_182 {strides = array<i32>} : memref<1x64xi32, #tpu.memory_space<vmem>>, vector<16xi32>,
    %add3A_187 = arith.constant 16384 : i32
    %add3A_188 = vector.broadcast %add3A_187 : i32 to vector<16xi32>
    %add3A_189 = arith.addi %add3A_188, %iota3A : vector<16xi32>
    %add3A_190 = arith.constant 48 : i32
    %add3A_191 = vector.broadcast %add3A_190 : i32 to vector<16xi32>
    %add3A_192 = arith.addi %add3A_189, %add3A_191 : vector<16xi32>
    %swap3A_193 = arith.constant 0 : i32
    %swap3A_194 = arith.index_cast %swap3A_193 : i32 to index
    %swap3A_195 = arith.constant 48 : index
    %swap3A_196 = tpu.vector_load %arg9[%swap3A_194, %swap3A_195] {strides = array<i32>} : memref<1x64xi32, #tpu.memory_space<vmem>>, vector<16xi32>,
    tpu.vector_store %arg9[%swap3A_194, %swap3A_195], %add3A_192 {strides = array<i32>} : memref<1x64xi32, #tpu.memory_space<vmem>>, vector<16xi32>,
    %add3A_197 = arith.constant 0 : i32
    %add3A_198 = arith.addi %select_n3A, %add3A_197 : i32
    %lt3A = arith.cmpi slt, %add3A_198, %select_n3A_46 : i32
    %jit3A_199 = arith.constant 0 : i32
    %jit3A_200 = arith.constant 0 : i32
    %jit3A_201 = arith.constant 255 : i32
    %max3A = arith.maxsi %jit3A_200, %jit3A_199 : i32
    %min3A = arith.minsi %jit3A_201, %max3A : i32
    %get3A = arith.index_cast %min3A : i32 to index
    %get3A_202 = tpu.vector_load %arg10[%get3A] {strides = array<i32>} : memref<272xi32, #tpu.memory_space<vmem>>, vector<16xi32>,
    %slice3A = vector.extract_strided_slice %get3A_202 {offsets = [0], sizes = [1], strides = [1]} : vector<16xi32> to vector<1xi32>
    %squeeze3A = vector.extract %slice3A[0] : i32 from vector<1xi32>
    %gt3A = arith.constant 0 : i32
    %gt3A_203 = arith.cmpi sgt, %squeeze3A, %gt3A : i32
    %and3A_204 = arith.andi %lt3A, %gt3A_203 : i1
    %convert_element_type3A = arith.extui %and3A_204 : i1 to i32
    %cond3A = arith.constant 0 : i32
    %cond3A_205 = arith.cmpi ne, %convert_element_type3A, %cond3A : i32
    scf.if %cond3A_205 {
      %mul3A_355 = arith.constant 128 : i32
      %mul3A_356 = arith.muli %add3A_198, %mul3A_355 : i32
      %dma_start3A_357 = arith.constant 0 : i32
      %dma_start3A_358 = arith.constant 0 : i32
      %dma_start3A_359 = arith.constant 0 : i32
      %dma_start3A_360 = tpu.memref_slice %arg7[%dma_start3A_358, %dma_start3A_359] : memref<672x128xf32, #tpu.memory_space<vmem>> -> memref<50x128xf32, #tpu.memory_space<vmem>>
      %dma_start3A_361 = arith.constant 0 : i32
      %dma_start3A_362 = tpu.memref_slice %arg2[%dma_start3A_361, %mul3A_356] : memref<50x1000000xf32, #tpu.memory_space<hbm>> -> memref<50x128xf32, #tpu.memory_space<hbm>>
      %dma_start3A_363 = tpu.memref_slice %arg12[%dma_start3A_357] : memref<12x!tpu.dma_semaphore, #tpu.memory_space<semaphore_mem>> -> memref<1x!tpu.dma_semaphore, #tpu.memory_space<semaphore_mem>>
      %dma_start3A_364 = tpu.memref_squeeze %dma_start3A_363 : memref<1x!tpu.dma_semaphore, #tpu.memory_space<semaphore_mem>> -> memref<!tpu.dma_semaphore, #tpu.memory_space<semaphore_mem>>
      %dma_start3A_365 = arith.constant 0 : i32
      %dma_start3A_366 = arith.constant 0 : i32
      %dma_start3A_367 = tpu.memref_slice %arg7[%dma_start3A_365, %dma_start3A_366] : memref<672x128xf32, #tpu.memory_space<vmem>> -> memref<50x128xf32, #tpu.memory_space<vmem>>
      %dma_start3A_368 = arith.constant 0 : i32
      %dma_start3A_369 = tpu.memref_slice %arg2[%dma_start3A_368, %mul3A_356] : memref<50x1000000xf32, #tpu.memory_space<hbm>> -> memref<50x128xf32, #tpu.memory_space<hbm>>
      tpu.enqueue_dma source(%dma_start3A_369 : memref<50x128xf32, #tpu.memory_space<hbm>>) target(%dma_start3A_367 : memref<50x128xf32, #tpu.memory_space<vmem>>) target_semaphore(%dma_start3A_364 : memref<!tpu.dma_semaphore, #tpu.memory_space<semaphore_mem>>)
    } else {
    }
    %add3A_206 = arith.constant 1 : i32
    %add3A_207 = arith.addi %select_n3A, %add3A_206 : i32
    %lt3A_208 = arith.cmpi slt, %add3A_207, %select_n3A_46 : i32
    %jit3A_209 = arith.constant 1 : i32
    %jit3A_210 = arith.constant 0 : i32
    %jit3A_211 = arith.constant 255 : i32
    %max3A_212 = arith.maxsi %jit3A_210, %jit3A_209 : i32
    %min3A_213 = arith.minsi %jit3A_211, %max3A_212 : i32
    %get3A_214 = arith.index_cast %min3A_213 : i32 to index
    %get3A_215 = tpu.vector_load %arg10[%get3A_214] {strides = array<i32>} : memref<272xi32, #tpu.memory_space<vmem>>, vector<16xi32>,
    %slice3A_216 = vector.extract_strided_slice %get3A_215 {offsets = [0], sizes = [1], strides = [1]} : vector<16xi32> to vector<1xi32>
    %squeeze3A_217 = vector.extract %slice3A_216[0] : i32 from vector<1xi32>
    %gt3A_218 = arith.constant 0 : i32
    %gt3A_219 = arith.cmpi sgt, %squeeze3A_217, %gt3A_218 : i32
    %and3A_220 = arith.andi %lt3A_208, %gt3A_219 : i1
    %convert_element_type3A_221 = arith.extui %and3A_220 : i1 to i32
    %cond3A_222 = arith.constant 0 : i32
    %cond3A_223 = arith.cmpi ne, %convert_element_type3A_221, %cond3A_222 : i32
    scf.if %cond3A_223 {
      %mul3A_355 = arith.constant 128 : i32
      %mul3A_356 = arith.muli %add3A_207, %mul3A_355 : i32
      %dma_start3A_357 = arith.constant 1 : i32
      %dma_start3A_358 = arith.constant 56 : i32
      %dma_start3A_359 = arith.constant 0 : i32
      %dma_start3A_360 = tpu.memref_slice %arg7[%dma_start3A_358, %dma_start3A_359] : memref<672x128xf32, #tpu.memory_space<vmem>> -> memref<50x128xf32, #tpu.memory_space<vmem>>
      %dma_start3A_361 = arith.constant 0 : i32
      %dma_start3A_362 = tpu.memref_slice %arg2[%dma_start3A_361, %mul3A_356] : memref<50x1000000xf32, #tpu.memory_space<hbm>> -> memref<50x128xf32, #tpu.memory_space<hbm>>
      %dma_start3A_363 = tpu.memref_slice %arg12[%dma_start3A_357] : memref<12x!tpu.dma_semaphore, #tpu.memory_space<semaphore_mem>> -> memref<1x!tpu.dma_semaphore, #tpu.memory_space<semaphore_mem>>
      %dma_start3A_364 = tpu.memref_squeeze %dma_start3A_363 : memref<1x!tpu.dma_semaphore, #tpu.memory_space<semaphore_mem>> -> memref<!tpu.dma_semaphore, #tpu.memory_space<semaphore_mem>>
      %dma_start3A_365 = arith.constant 56 : i32
      %dma_start3A_366 = arith.constant 0 : i32
      %dma_start3A_367 = tpu.memref_slice %arg7[%dma_start3A_365, %dma_start3A_366] : memref<672x128xf32, #tpu.memory_space<vmem>> -> memref<50x128xf32, #tpu.memory_space<vmem>>
      %dma_start3A_368 = arith.constant 0 : i32
      %dma_start3A_369 = tpu.memref_slice %arg2[%dma_start3A_368, %mul3A_356] : memref<50x1000000xf32, #tpu.memory_space<hbm>> -> memref<50x128xf32, #tpu.memory_space<hbm>>
      tpu.enqueue_dma source(%dma_start3A_369 : memref<50x128xf32, #tpu.memory_space<hbm>>) target(%dma_start3A_367 : memref<50x128xf32, #tpu.memory_space<vmem>>) target_semaphore(%dma_start3A_364 : memref<!tpu.dma_semaphore, #tpu.memory_space<semaphore_mem>>)
    } else {
    }
    %add3A_224 = arith.constant 2 : i32
    %add3A_225 = arith.addi %select_n3A, %add3A_224 : i32
    %lt3A_226 = arith.cmpi slt, %add3A_225, %select_n3A_46 : i32
    %jit3A_227 = arith.constant 2 : i32
    %jit3A_228 = arith.constant 0 : i32
    %jit3A_229 = arith.constant 255 : i32
    %max3A_230 = arith.maxsi %jit3A_228, %jit3A_227 : i32
    %min3A_231 = arith.minsi %jit3A_229, %max3A_230 : i32
    %get3A_232 = arith.index_cast %min3A_231 : i32 to index
    %get3A_233 = tpu.vector_load %arg10[%get3A_232] {strides = array<i32>} : memref<272xi32, #tpu.memory_space<vmem>>, vector<16xi32>,
    %slice3A_234 = vector.extract_strided_slice %get3A_233 {offsets = [0], sizes = [1], strides = [1]} : vector<16xi32> to vector<1xi32>
    %squeeze3A_235 = vector.extract %slice3A_234[0] : i32 from vector<1xi32>
    %gt3A_236 = arith.constant 0 : i32
    %gt3A_237 = arith.cmpi sgt, %squeeze3A_235, %gt3A_236 : i32
    %and3A_238 = arith.andi %lt3A_226, %gt3A_237 : i1
    %convert_element_type3A_239 = arith.extui %and3A_238 : i1 to i32
    %cond3A_240 = arith.constant 0 : i32
    %cond3A_241 = arith.cmpi ne, %convert_element_type3A_239, %cond3A_240 : i32
    scf.if %cond3A_241 {
      %mul3A_355 = arith.constant 128 : i32
      %mul3A_356 = arith.muli %add3A_225, %mul3A_355 : i32
      %dma_start3A_357 = arith.constant 2 : i32
      %dma_start3A_358 = arith.constant 112 : i32
      %dma_start3A_359 = arith.constant 0 : i32
      %dma_start3A_360 = tpu.memref_slice %arg7[%dma_start3A_358, %dma_start3A_359] : memref<672x128xf32, #tpu.memory_space<vmem>> -> memref<50x128xf32, #tpu.memory_space<vmem>>
      %dma_start3A_361 = arith.constant 0 : i32
      %dma_start3A_362 = tpu.memref_slice %arg2[%dma_start3A_361, %mul3A_356] : memref<50x1000000xf32, #tpu.memory_space<hbm>> -> memref<50x128xf32, #tpu.memory_space<hbm>>
      %dma_start3A_363 = tpu.memref_slice %arg12[%dma_start3A_357] : memref<12x!tpu.dma_semaphore, #tpu.memory_space<semaphore_mem>> -> memref<1x!tpu.dma_semaphore, #tpu.memory_space<semaphore_mem>>
      %dma_start3A_364 = tpu.memref_squeeze %dma_start3A_363 : memref<1x!tpu.dma_semaphore, #tpu.memory_space<semaphore_mem>> -> memref<!tpu.dma_semaphore, #tpu.memory_space<semaphore_mem>>
      %dma_start3A_365 = arith.constant 112 : i32
      %dma_start3A_366 = arith.constant 0 : i32
      %dma_start3A_367 = tpu.memref_slice %arg7[%dma_start3A_365, %dma_start3A_366] : memref<672x128xf32, #tpu.memory_space<vmem>> -> memref<50x128xf32, #tpu.memory_space<vmem>>
      %dma_start3A_368 = arith.constant 0 : i32
      %dma_start3A_369 = tpu.memref_slice %arg2[%dma_start3A_368, %mul3A_356] : memref<50x1000000xf32, #tpu.memory_space<hbm>> -> memref<50x128xf32, #tpu.memory_space<hbm>>
      tpu.enqueue_dma source(%dma_start3A_369 : memref<50x128xf32, #tpu.memory_space<hbm>>) target(%dma_start3A_367 : memref<50x128xf32, #tpu.memory_space<vmem>>) target_semaphore(%dma_start3A_364 : memref<!tpu.dma_semaphore, #tpu.memory_space<semaphore_mem>>)
    } else {
    }
    %add3A_242 = arith.constant 3 : i32
    %add3A_243 = arith.addi %select_n3A, %add3A_242 : i32
    %lt3A_244 = arith.cmpi slt, %add3A_243, %select_n3A_46 : i32
    %jit3A_245 = arith.constant 3 : i32
    %jit3A_246 = arith.constant 0 : i32
    %jit3A_247 = arith.constant 255 : i32
    %max3A_248 = arith.maxsi %jit3A_246, %jit3A_245 : i32
    %min3A_249 = arith.minsi %jit3A_247, %max3A_248 : i32
    %get3A_250 = arith.index_cast %min3A_249 : i32 to index
    %get3A_251 = tpu.vector_load %arg10[%get3A_250] {strides = array<i32>} : memref<272xi32, #tpu.memory_space<vmem>>, vector<16xi32>,
    %slice3A_252 = vector.extract_strided_slice %get3A_251 {offsets = [0], sizes = [1], strides = [1]} : vector<16xi32> to vector<1xi32>
    %squeeze3A_253 = vector.extract %slice3A_252[0] : i32 from vector<1xi32>
    %gt3A_254 = arith.constant 0 : i32
    %gt3A_255 = arith.cmpi sgt, %squeeze3A_253, %gt3A_254 : i32
    %and3A_256 = arith.andi %lt3A_244, %gt3A_255 : i1
    %convert_element_type3A_257 = arith.extui %and3A_256 : i1 to i32
    %cond3A_258 = arith.constant 0 : i32
    %cond3A_259 = arith.cmpi ne, %convert_element_type3A_257, %cond3A_258 : i32
    scf.if %cond3A_259 {
      %mul3A_355 = arith.constant 128 : i32
      %mul3A_356 = arith.muli %add3A_243, %mul3A_355 : i32
      %dma_start3A_357 = arith.constant 3 : i32
      %dma_start3A_358 = arith.constant 168 : i32
      %dma_start3A_359 = arith.constant 0 : i32
      %dma_start3A_360 = tpu.memref_slice %arg7[%dma_start3A_358, %dma_start3A_359] : memref<672x128xf32, #tpu.memory_space<vmem>> -> memref<50x128xf32, #tpu.memory_space<vmem>>
      %dma_start3A_361 = arith.constant 0 : i32
      %dma_start3A_362 = tpu.memref_slice %arg2[%dma_start3A_361, %mul3A_356] : memref<50x1000000xf32, #tpu.memory_space<hbm>> -> memref<50x128xf32, #tpu.memory_space<hbm>>
      %dma_start3A_363 = tpu.memref_slice %arg12[%dma_start3A_357] : memref<12x!tpu.dma_semaphore, #tpu.memory_space<semaphore_mem>> -> memref<1x!tpu.dma_semaphore, #tpu.memory_space<semaphore_mem>>
      %dma_start3A_364 = tpu.memref_squeeze %dma_start3A_363 : memref<1x!tpu.dma_semaphore, #tpu.memory_space<semaphore_mem>> -> memref<!tpu.dma_semaphore, #tpu.memory_space<semaphore_mem>>
      %dma_start3A_365 = arith.constant 168 : i32
      %dma_start3A_366 = arith.constant 0 : i32
      %dma_start3A_367 = tpu.memref_slice %arg7[%dma_start3A_365, %dma_start3A_366] : memref<672x128xf32, #tpu.memory_space<vmem>> -> memref<50x128xf32, #tpu.memory_space<vmem>>
      %dma_start3A_368 = arith.constant 0 : i32
      %dma_start3A_369 = tpu.memref_slice %arg2[%dma_start3A_368, %mul3A_356] : memref<50x1000000xf32, #tpu.memory_space<hbm>> -> memref<50x128xf32, #tpu.memory_space<hbm>>
      tpu.enqueue_dma source(%dma_start3A_369 : memref<50x128xf32, #tpu.memory_space<hbm>>) target(%dma_start3A_367 : memref<50x128xf32, #tpu.memory_space<vmem>>) target_semaphore(%dma_start3A_364 : memref<!tpu.dma_semaphore, #tpu.memory_space<semaphore_mem>>)
    } else {
    }
    %add3A_260 = arith.constant 4 : i32
    %add3A_261 = arith.addi %select_n3A, %add3A_260 : i32
    %lt3A_262 = arith.cmpi slt, %add3A_261, %select_n3A_46 : i32
    %jit3A_263 = arith.constant 4 : i32
    %jit3A_264 = arith.constant 0 : i32
    %jit3A_265 = arith.constant 255 : i32
    %max3A_266 = arith.maxsi %jit3A_264, %jit3A_263 : i32
    %min3A_267 = arith.minsi %jit3A_265, %max3A_266 : i32
    %get3A_268 = arith.index_cast %min3A_267 : i32 to index
    %get3A_269 = tpu.vector_load %arg10[%get3A_268] {strides = array<i32>} : memref<272xi32, #tpu.memory_space<vmem>>, vector<16xi32>,
    %slice3A_270 = vector.extract_strided_slice %get3A_269 {offsets = [0], sizes = [1], strides = [1]} : vector<16xi32> to vector<1xi32>
    %squeeze3A_271 = vector.extract %slice3A_270[0] : i32 from vector<1xi32>
    %gt3A_272 = arith.constant 0 : i32
    %gt3A_273 = arith.cmpi sgt, %squeeze3A_271, %gt3A_272 : i32
    %and3A_274 = arith.andi %lt3A_262, %gt3A_273 : i1
    %convert_element_type3A_275 = arith.extui %and3A_274 : i1 to i32
    %cond3A_276 = arith.constant 0 : i32
    %cond3A_277 = arith.cmpi ne, %convert_element_type3A_275, %cond3A_276 : i32
    scf.if %cond3A_277 {
      %mul3A_355 = arith.constant 128 : i32
      %mul3A_356 = arith.muli %add3A_261, %mul3A_355 : i32
      %dma_start3A_357 = arith.constant 4 : i32
      %dma_start3A_358 = arith.constant 224 : i32
      %dma_start3A_359 = arith.constant 0 : i32
      %dma_start3A_360 = tpu.memref_slice %arg7[%dma_start3A_358, %dma_start3A_359] : memref<672x128xf32, #tpu.memory_space<vmem>> -> memref<50x128xf32, #tpu.memory_space<vmem>>
      %dma_start3A_361 = arith.constant 0 : i32
      %dma_start3A_362 = tpu.memref_slice %arg2[%dma_start3A_361, %mul3A_356] : memref<50x1000000xf32, #tpu.memory_space<hbm>> -> memref<50x128xf32, #tpu.memory_space<hbm>>
      %dma_start3A_363 = tpu.memref_slice %arg12[%dma_start3A_357] : memref<12x!tpu.dma_semaphore, #tpu.memory_space<semaphore_mem>> -> memref<1x!tpu.dma_semaphore, #tpu.memory_space<semaphore_mem>>
      %dma_start3A_364 = tpu.memref_squeeze %dma_start3A_363 : memref<1x!tpu.dma_semaphore, #tpu.memory_space<semaphore_mem>> -> memref<!tpu.dma_semaphore, #tpu.memory_space<semaphore_mem>>
      %dma_start3A_365 = arith.constant 224 : i32
      %dma_start3A_366 = arith.constant 0 : i32
      %dma_start3A_367 = tpu.memref_slice %arg7[%dma_start3A_365, %dma_start3A_366] : memref<672x128xf32, #tpu.memory_space<vmem>> -> memref<50x128xf32, #tpu.memory_space<vmem>>
      %dma_start3A_368 = arith.constant 0 : i32
      %dma_start3A_369 = tpu.memref_slice %arg2[%dma_start3A_368, %mul3A_356] : memref<50x1000000xf32, #tpu.memory_space<hbm>> -> memref<50x128xf32, #tpu.memory_space<hbm>>
      tpu.enqueue_dma source(%dma_start3A_369 : memref<50x128xf32, #tpu.memory_space<hbm>>) target(%dma_start3A_367 : memref<50x128xf32, #tpu.memory_space<vmem>>) target_semaphore(%dma_start3A_364 : memref<!tpu.dma_semaphore, #tpu.memory_space<semaphore_mem>>)
    } else {
    }
    %add3A_278 = arith.constant 5 : i32
    %add3A_279 = arith.addi %select_n3A, %add3A_278 : i32
    %lt3A_280 = arith.cmpi slt, %add3A_279, %select_n3A_46 : i32
    %jit3A_281 = arith.constant 5 : i32
    %jit3A_282 = arith.constant 0 : i32
    %jit3A_283 = arith.constant 255 : i32
    %max3A_284 = arith.maxsi %jit3A_282, %jit3A_281 : i32
    %min3A_285 = arith.minsi %jit3A_283, %max3A_284 : i32
    %get3A_286 = arith.index_cast %min3A_285 : i32 to index
    %get3A_287 = tpu.vector_load %arg10[%get3A_286] {strides = array<i32>} : memref<272xi32, #tpu.memory_space<vmem>>, vector<16xi32>,
    %slice3A_288 = vector.extract_strided_slice %get3A_287 {offsets = [0], sizes = [1], strides = [1]} : vector<16xi32> to vector<1xi32>
    %squeeze3A_289 = vector.extract %slice3A_288[0] : i32 from vector<1xi32>
    %gt3A_290 = arith.constant 0 : i32
    %gt3A_291 = arith.cmpi sgt, %squeeze3A_289, %gt3A_290 : i32
    %and3A_292 = arith.andi %lt3A_280, %gt3A_291 : i1
    %convert_element_type3A_293 = arith.extui %and3A_292 : i1 to i32
    %cond3A_294 = arith.constant 0 : i32
    %cond3A_295 = arith.cmpi ne, %convert_element_type3A_293, %cond3A_294 : i32
    scf.if %cond3A_295 {
      %mul3A_355 = arith.constant 128 : i32
      %mul3A_356 = arith.muli %add3A_279, %mul3A_355 : i32
      %dma_start3A_357 = arith.constant 5 : i32
      %dma_start3A_358 = arith.constant 280 : i32
      %dma_start3A_359 = arith.constant 0 : i32
      %dma_start3A_360 = tpu.memref_slice %arg7[%dma_start3A_358, %dma_start3A_359] : memref<672x128xf32, #tpu.memory_space<vmem>> -> memref<50x128xf32, #tpu.memory_space<vmem>>
      %dma_start3A_361 = arith.constant 0 : i32
      %dma_start3A_362 = tpu.memref_slice %arg2[%dma_start3A_361, %mul3A_356] : memref<50x1000000xf32, #tpu.memory_space<hbm>> -> memref<50x128xf32, #tpu.memory_space<hbm>>
      %dma_start3A_363 = tpu.memref_slice %arg12[%dma_start3A_357] : memref<12x!tpu.dma_semaphore, #tpu.memory_space<semaphore_mem>> -> memref<1x!tpu.dma_semaphore, #tpu.memory_space<semaphore_mem>>
      %dma_start3A_364 = tpu.memref_squeeze %dma_start3A_363 : memref<1x!tpu.dma_semaphore, #tpu.memory_space<semaphore_mem>> -> memref<!tpu.dma_semaphore, #tpu.memory_space<semaphore_mem>>
      %dma_start3A_365 = arith.constant 280 : i32
      %dma_start3A_366 = arith.constant 0 : i32
      %dma_start3A_367 = tpu.memref_slice %arg7[%dma_start3A_365, %dma_start3A_366] : memref<672x128xf32, #tpu.memory_space<vmem>> -> memref<50x128xf32, #tpu.memory_space<vmem>>
      %dma_start3A_368 = arith.constant 0 : i32
      %dma_start3A_369 = tpu.memref_slice %arg2[%dma_start3A_368, %mul3A_356] : memref<50x1000000xf32, #tpu.memory_space<hbm>> -> memref<50x128xf32, #tpu.memory_space<hbm>>
      tpu.enqueue_dma source(%dma_start3A_369 : memref<50x128xf32, #tpu.memory_space<hbm>>) target(%dma_start3A_367 : memref<50x128xf32, #tpu.memory_space<vmem>>) target_semaphore(%dma_start3A_364 : memref<!tpu.dma_semaphore, #tpu.memory_space<semaphore_mem>>)
    } else {
    }
    %scan3A_296 = arith.constant 0 : i32
    %scan3A_297 = arith.constant 0 : i32
    %scan3A_298 = arith.constant 21 : i32
    %scan3A_299 = arith.addi %scan3A_297, %scan3A_298 : i32
    %scan3A_300 = arith.constant 1 : i32
    %scan3A_301 = scf.for %scan3A_355 = %scan3A_297 to %scan3A_299 step %scan3A_300 iter_args(%scan3A_356 = %scan3A_296) -> (i32)  : i32 {
      %mul3A_357 = arith.constant 2 : i32
      %mul3A_358 = arith.muli %mul3A_357, %scan3A_355 : i32
      %add3A_359 = arith.constant 1 : i32
      %add3A_360 = arith.addi %mul3A_358, %add3A_359 : i32
      %mul3A_361 = arith.constant 6 : i32
      %mul3A_362 = arith.muli %add3A_360, %mul3A_361 : i32
      %add3A_363 = arith.constant 0 : i32
      %add3A_364 = arith.addi %mul3A_362, %add3A_363 : i32
      %add3A_365 = arith.addi %select_n3A, %add3A_364 : i32
      %lt3A_366 = arith.cmpi slt, %add3A_365, %select_n3A_46 : i32
      %jit3A_367 = arith.constant 0 : i32
      %jit3A_368 = arith.constant 255 : i32
      %max3A_369 = arith.maxsi %jit3A_367, %add3A_364 : i32
      %min3A_370 = arith.minsi %jit3A_368, %max3A_369 : i32
      %get3A_371 = arith.index_cast %min3A_370 : i32 to index
      %get3A_372 = tpu.vector_load %arg10[%get3A_371] {strides = array<i32>} : memref<272xi32, #tpu.memory_space<vmem>>, vector<16xi32>,
      %slice3A_373 = vector.extract_strided_slice %get3A_372 {offsets = [0], sizes = [1], strides = [1]} : vector<16xi32> to vector<1xi32>
      %squeeze3A_374 = vector.extract %slice3A_373[0] : i32 from vector<1xi32>
      %gt3A_375 = arith.constant 0 : i32
      %gt3A_376 = arith.cmpi sgt, %squeeze3A_374, %gt3A_375 : i32
      %and3A_377 = arith.andi %lt3A_366, %gt3A_376 : i1
      %convert_element_type3A_378 = arith.extui %and3A_377 : i1 to i32
      %cond3A_379 = arith.constant 0 : i32
      %cond3A_380 = arith.cmpi ne, %convert_element_type3A_378, %cond3A_379 : i32
      scf.if %cond3A_380 {
        %mul3A_920 = arith.constant 128 : i32
        %mul3A_921 = arith.muli %add3A_365, %mul3A_920 : i32
        %dma_start3A_922 = arith.constant 6 : i32
        %dma_start3A_923 = arith.constant 336 : i32
        %dma_start3A_924 = arith.constant 0 : i32
        %dma_start3A_925 = tpu.memref_slice %arg7[%dma_start3A_923, %dma_start3A_924] : memref<672x128xf32, #tpu.memory_space<vmem>> -> memref<50x128xf32, #tpu.memory_space<vmem>>
        %dma_start3A_926 = arith.constant 0 : i32
        %dma_start3A_927 = tpu.memref_slice %arg2[%dma_start3A_926, %mul3A_921] : memref<50x1000000xf32, #tpu.memory_space<hbm>> -> memref<50x128xf32, #tpu.memory_space<hbm>>
        %dma_start3A_928 = tpu.memref_slice %arg12[%dma_start3A_922] : memref<12x!tpu.dma_semaphore, #tpu.memory_space<semaphore_mem>> -> memref<1x!tpu.dma_semaphore, #tpu.memory_space<semaphore_mem>>
        %dma_start3A_929 = tpu.memref_squeeze %dma_start3A_928 : memref<1x!tpu.dma_semaphore, #tpu.memory_space<semaphore_mem>> -> memref<!tpu.dma_semaphore, #tpu.memory_space<semaphore_mem>>
        %dma_start3A_930 = arith.constant 336 : i32
        %dma_start3A_931 = arith.constant 0 : i32
        %dma_start3A_932 = tpu.memref_slice %arg7[%dma_start3A_930, %dma_start3A_931] : memref<672x128xf32, #tpu.memory_space<vmem>> -> memref<50x128xf32, #tpu.memory_space<vmem>>
        %dma_start3A_933 = arith.constant 0 : i32
        %dma_start3A_934 = tpu.memref_slice %arg2[%dma_start3A_933, %mul3A_921] : memref<50x1000000xf32, #tpu.memory_space<hbm>> -> memref<50x128xf32, #tpu.memory_space<hbm>>
        tpu.enqueue_dma source(%dma_start3A_934 : memref<50x128xf32, #tpu.memory_space<hbm>>) target(%dma_start3A_932 : memref<50x128xf32, #tpu.memory_space<vmem>>) target_semaphore(%dma_start3A_929 : memref<!tpu.dma_semaphore, #tpu.memory_space<semaphore_mem>>)
      } else {
      }
      %mul3A_381 = arith.constant 6 : i32
      %mul3A_382 = arith.muli %add3A_360, %mul3A_381 : i32
      %add3A_383 = arith.constant 1 : i32
      %add3A_384 = arith.addi %mul3A_382, %add3A_383 : i32
      %add3A_385 = arith.addi %select_n3A, %add3A_384 : i32
      %lt3A_386 = arith.cmpi slt, %add3A_385, %select_n3A_46 : i32
      %jit3A_387 = arith.constant 0 : i32
      %jit3A_388 = arith.constant 255 : i32
      %max3A_389 = arith.maxsi %jit3A_387, %add3A_384 : i32
      %min3A_390 = arith.minsi %jit3A_388, %max3A_389 : i32
      %get3A_391 = arith.index_cast %min3A_390 : i32 to index
      %get3A_392 = tpu.vector_load %arg10[%get3A_391] {strides = array<i32>} : memref<272xi32, #tpu.memory_space<vmem>>, vector<16xi32>,
      %slice3A_393 = vector.extract_strided_slice %get3A_392 {offsets = [0], sizes = [1], strides = [1]} : vector<16xi32> to vector<1xi32>
      %squeeze3A_394 = vector.extract %slice3A_393[0] : i32 from vector<1xi32>
      %gt3A_395 = arith.constant 0 : i32
      %gt3A_396 = arith.cmpi sgt, %squeeze3A_394, %gt3A_395 : i32
      %and3A_397 = arith.andi %lt3A_386, %gt3A_396 : i1
      %convert_element_type3A_398 = arith.extui %and3A_397 : i1 to i32
      %cond3A_399 = arith.constant 0 : i32
      %cond3A_400 = arith.cmpi ne, %convert_element_type3A_398, %cond3A_399 : i32
      scf.if %cond3A_400 {
        %mul3A_920 = arith.constant 128 : i32
        %mul3A_921 = arith.muli %add3A_385, %mul3A_920 : i32
        %dma_start3A_922 = arith.constant 7 : i32
        %dma_start3A_923 = arith.constant 392 : i32
        %dma_start3A_924 = arith.constant 0 : i32
        %dma_start3A_925 = tpu.memref_slice %arg7[%dma_start3A_923, %dma_start3A_924] : memref<672x128xf32, #tpu.memory_space<vmem>> -> memref<50x128xf32, #tpu.memory_space<vmem>>
        %dma_start3A_926 = arith.constant 0 : i32
        %dma_start3A_927 = tpu.memref_slice %arg2[%dma_start3A_926, %mul3A_921] : memref<50x1000000xf32, #tpu.memory_space<hbm>> -> memref<50x128xf32, #tpu.memory_space<hbm>>
        %dma_start3A_928 = tpu.memref_slice %arg12[%dma_start3A_922] : memref<12x!tpu.dma_semaphore, #tpu.memory_space<semaphore_mem>> -> memref<1x!tpu.dma_semaphore, #tpu.memory_space<semaphore_mem>>
        %dma_start3A_929 = tpu.memref_squeeze %dma_start3A_928 : memref<1x!tpu.dma_semaphore, #tpu.memory_space<semaphore_mem>> -> memref<!tpu.dma_semaphore, #tpu.memory_space<semaphore_mem>>
        %dma_start3A_930 = arith.constant 392 : i32
        %dma_start3A_931 = arith.constant 0 : i32
        %dma_start3A_932 = tpu.memref_slice %arg7[%dma_start3A_930, %dma_start3A_931] : memref<672x128xf32, #tpu.memory_space<vmem>> -> memref<50x128xf32, #tpu.memory_space<vmem>>
        %dma_start3A_933 = arith.constant 0 : i32
        %dma_start3A_934 = tpu.memref_slice %arg2[%dma_start3A_933, %mul3A_921] : memref<50x1000000xf32, #tpu.memory_space<hbm>> -> memref<50x128xf32, #tpu.memory_space<hbm>>
        tpu.enqueue_dma source(%dma_start3A_934 : memref<50x128xf32, #tpu.memory_space<hbm>>) target(%dma_start3A_932 : memref<50x128xf32, #tpu.memory_space<vmem>>) target_semaphore(%dma_start3A_929 : memref<!tpu.dma_semaphore, #tpu.memory_space<semaphore_mem>>)
      } else {
      }
      %mul3A_401 = arith.constant 6 : i32
      %mul3A_402 = arith.muli %add3A_360, %mul3A_401 : i32
      %add3A_403 = arith.constant 2 : i32
      %add3A_404 = arith.addi %mul3A_402, %add3A_403 : i32
      %add3A_405 = arith.addi %select_n3A, %add3A_404 : i32
      %lt3A_406 = arith.cmpi slt, %add3A_405, %select_n3A_46 : i32
      %jit3A_407 = arith.constant 0 : i32
      %jit3A_408 = arith.constant 255 : i32
      %max3A_409 = arith.maxsi %jit3A_407, %add3A_404 : i32
      %min3A_410 = arith.minsi %jit3A_408, %max3A_409 : i32
      %get3A_411 = arith.index_cast %min3A_410 : i32 to index
      %get3A_412 = tpu.vector_load %arg10[%get3A_411] {strides = array<i32>} : memref<272xi32, #tpu.memory_space<vmem>>, vector<16xi32>,
      %slice3A_413 = vector.extract_strided_slice %get3A_412 {offsets = [0], sizes = [1], strides = [1]} : vector<16xi32> to vector<1xi32>
      %squeeze3A_414 = vector.extract %slice3A_413[0] : i32 from vector<1xi32>
      %gt3A_415 = arith.constant 0 : i32
      %gt3A_416 = arith.cmpi sgt, %squeeze3A_414, %gt3A_415 : i32
      %and3A_417 = arith.andi %lt3A_406, %gt3A_416 : i1
      %convert_element_type3A_418 = arith.extui %and3A_417 : i1 to i32
      %cond3A_419 = arith.constant 0 : i32
      %cond3A_420 = arith.cmpi ne, %convert_element_type3A_418, %cond3A_419 : i32
      scf.if %cond3A_420 {
        %mul3A_920 = arith.constant 128 : i32
        %mul3A_921 = arith.muli %add3A_405, %mul3A_920 : i32
        %dma_start3A_922 = arith.constant 8 : i32
        %dma_start3A_923 = arith.constant 448 : i32
        %dma_start3A_924 = arith.constant 0 : i32
        %dma_start3A_925 = tpu.memref_slice %arg7[%dma_start3A_923, %dma_start3A_924] : memref<672x128xf32, #tpu.memory_space<vmem>> -> memref<50x128xf32, #tpu.memory_space<vmem>>
        %dma_start3A_926 = arith.constant 0 : i32
        %dma_start3A_927 = tpu.memref_slice %arg2[%dma_start3A_926, %mul3A_921] : memref<50x1000000xf32, #tpu.memory_space<hbm>> -> memref<50x128xf32, #tpu.memory_space<hbm>>
        %dma_start3A_928 = tpu.memref_slice %arg12[%dma_start3A_922] : memref<12x!tpu.dma_semaphore, #tpu.memory_space<semaphore_mem>> -> memref<1x!tpu.dma_semaphore, #tpu.memory_space<semaphore_mem>>
        %dma_start3A_929 = tpu.memref_squeeze %dma_start3A_928 : memref<1x!tpu.dma_semaphore, #tpu.memory_space<semaphore_mem>> -> memref<!tpu.dma_semaphore, #tpu.memory_space<semaphore_mem>>
        %dma_start3A_930 = arith.constant 448 : i32
        %dma_start3A_931 = arith.constant 0 : i32
        %dma_start3A_932 = tpu.memref_slice %arg7[%dma_start3A_930, %dma_start3A_931] : memref<672x128xf32, #tpu.memory_space<vmem>> -> memref<50x128xf32, #tpu.memory_space<vmem>>
        %dma_start3A_933 = arith.constant 0 : i32
        %dma_start3A_934 = tpu.memref_slice %arg2[%dma_start3A_933, %mul3A_921] : memref<50x1000000xf32, #tpu.memory_space<hbm>> -> memref<50x128xf32, #tpu.memory_space<hbm>>
        tpu.enqueue_dma source(%dma_start3A_934 : memref<50x128xf32, #tpu.memory_space<hbm>>) target(%dma_start3A_932 : memref<50x128xf32, #tpu.memory_space<vmem>>) target_semaphore(%dma_start3A_929 : memref<!tpu.dma_semaphore, #tpu.memory_space<semaphore_mem>>)
      } else {
      }
      %mul3A_421 = arith.constant 6 : i32
      %mul3A_422 = arith.muli %add3A_360, %mul3A_421 : i32
      %add3A_423 = arith.constant 3 : i32
      %add3A_424 = arith.addi %mul3A_422, %add3A_423 : i32
      %add3A_425 = arith.addi %select_n3A, %add3A_424 : i32
      %lt3A_426 = arith.cmpi slt, %add3A_425, %select_n3A_46 : i32
      %jit3A_427 = arith.constant 0 : i32
      %jit3A_428 = arith.constant 255 : i32
      %max3A_429 = arith.maxsi %jit3A_427, %add3A_424 : i32
      %min3A_430 = arith.minsi %jit3A_428, %max3A_429 : i32
      %get3A_431 = arith.index_cast %min3A_430 : i32 to index
      %get3A_432 = tpu.vector_load %arg10[%get3A_431] {strides = array<i32>} : memref<272xi32, #tpu.memory_space<vmem>>, vector<16xi32>,
      %slice3A_433 = vector.extract_strided_slice %get3A_432 {offsets = [0], sizes = [1], strides = [1]} : vector<16xi32> to vector<1xi32>
      %squeeze3A_434 = vector.extract %slice3A_433[0] : i32 from vector<1xi32>
      %gt3A_435 = arith.constant 0 : i32
      %gt3A_436 = arith.cmpi sgt, %squeeze3A_434, %gt3A_435 : i32
      %and3A_437 = arith.andi %lt3A_426, %gt3A_436 : i1
      %convert_element_type3A_438 = arith.extui %and3A_437 : i1 to i32
      %cond3A_439 = arith.constant 0 : i32
      %cond3A_440 = arith.cmpi ne, %convert_element_type3A_438, %cond3A_439 : i32
      scf.if %cond3A_440 {
        %mul3A_920 = arith.constant 128 : i32
        %mul3A_921 = arith.muli %add3A_425, %mul3A_920 : i32
        %dma_start3A_922 = arith.constant 9 : i32
        %dma_start3A_923 = arith.constant 504 : i32
        %dma_start3A_924 = arith.constant 0 : i32
        %dma_start3A_925 = tpu.memref_slice %arg7[%dma_start3A_923, %dma_start3A_924] : memref<672x128xf32, #tpu.memory_space<vmem>> -> memref<50x128xf32, #tpu.memory_space<vmem>>
        %dma_start3A_926 = arith.constant 0 : i32
        %dma_start3A_927 = tpu.memref_slice %arg2[%dma_start3A_926, %mul3A_921] : memref<50x1000000xf32, #tpu.memory_space<hbm>> -> memref<50x128xf32, #tpu.memory_space<hbm>>
        %dma_start3A_928 = tpu.memref_slice %arg12[%dma_start3A_922] : memref<12x!tpu.dma_semaphore, #tpu.memory_space<semaphore_mem>> -> memref<1x!tpu.dma_semaphore, #tpu.memory_space<semaphore_mem>>
        %dma_start3A_929 = tpu.memref_squeeze %dma_start3A_928 : memref<1x!tpu.dma_semaphore, #tpu.memory_space<semaphore_mem>> -> memref<!tpu.dma_semaphore, #tpu.memory_space<semaphore_mem>>
        %dma_start3A_930 = arith.constant 504 : i32
        %dma_start3A_931 = arith.constant 0 : i32
        %dma_start3A_932 = tpu.memref_slice %arg7[%dma_start3A_930, %dma_start3A_931] : memref<672x128xf32, #tpu.memory_space<vmem>> -> memref<50x128xf32, #tpu.memory_space<vmem>>
        %dma_start3A_933 = arith.constant 0 : i32
        %dma_start3A_934 = tpu.memref_slice %arg2[%dma_start3A_933, %mul3A_921] : memref<50x1000000xf32, #tpu.memory_space<hbm>> -> memref<50x128xf32, #tpu.memory_space<hbm>>
        tpu.enqueue_dma source(%dma_start3A_934 : memref<50x128xf32, #tpu.memory_space<hbm>>) target(%dma_start3A_932 : memref<50x128xf32, #tpu.memory_space<vmem>>) target_semaphore(%dma_start3A_929 : memref<!tpu.dma_semaphore, #tpu.memory_space<semaphore_mem>>)
      } else {
      }
      %mul3A_441 = arith.constant 6 : i32
      %mul3A_442 = arith.muli %add3A_360, %mul3A_441 : i32
      %add3A_443 = arith.constant 4 : i32
      %add3A_444 = arith.addi %mul3A_442, %add3A_443 : i32
      %add3A_445 = arith.addi %select_n3A, %add3A_444 : i32
      %lt3A_446 = arith.cmpi slt, %add3A_445, %select_n3A_46 : i32
      %jit3A_447 = arith.constant 0 : i32
      %jit3A_448 = arith.constant 255 : i32
      %max3A_449 = arith.maxsi %jit3A_447, %add3A_444 : i32
      %min3A_450 = arith.minsi %jit3A_448, %max3A_449 : i32
      %get3A_451 = arith.index_cast %min3A_450 : i32 to index
      %get3A_452 = tpu.vector_load %arg10[%get3A_451] {strides = array<i32>} : memref<272xi32, #tpu.memory_space<vmem>>, vector<16xi32>,
      %slice3A_453 = vector.extract_strided_slice %get3A_452 {offsets = [0], sizes = [1], strides = [1]} : vector<16xi32> to vector<1xi32>
      %squeeze3A_454 = vector.extract %slice3A_453[0] : i32 from vector<1xi32>
      %gt3A_455 = arith.constant 0 : i32
      %gt3A_456 = arith.cmpi sgt, %squeeze3A_454, %gt3A_455 : i32
      %and3A_457 = arith.andi %lt3A_446, %gt3A_456 : i1
      %convert_element_type3A_458 = arith.extui %and3A_457 : i1 to i32
      %cond3A_459 = arith.constant 0 : i32
      %cond3A_460 = arith.cmpi ne, %convert_element_type3A_458, %cond3A_459 : i32
      scf.if %cond3A_460 {
        %mul3A_920 = arith.constant 128 : i32
        %mul3A_921 = arith.muli %add3A_445, %mul3A_920 : i32
        %dma_start3A_922 = arith.constant 10 : i32
        %dma_start3A_923 = arith.constant 560 : i32
        %dma_start3A_924 = arith.constant 0 : i32
        %dma_start3A_925 = tpu.memref_slice %arg7[%dma_start3A_923, %dma_start3A_924] : memref<672x128xf32, #tpu.memory_space<vmem>> -> memref<50x128xf32, #tpu.memory_space<vmem>>
        %dma_start3A_926 = arith.constant 0 : i32
        %dma_start3A_927 = tpu.memref_slice %arg2[%dma_start3A_926, %mul3A_921] : memref<50x1000000xf32, #tpu.memory_space<hbm>> -> memref<50x128xf32, #tpu.memory_space<hbm>>
        %dma_start3A_928 = tpu.memref_slice %arg12[%dma_start3A_922] : memref<12x!tpu.dma_semaphore, #tpu.memory_space<semaphore_mem>> -> memref<1x!tpu.dma_semaphore, #tpu.memory_space<semaphore_mem>>
        %dma_start3A_929 = tpu.memref_squeeze %dma_start3A_928 : memref<1x!tpu.dma_semaphore, #tpu.memory_space<semaphore_mem>> -> memref<!tpu.dma_semaphore, #tpu.memory_space<semaphore_mem>>
        %dma_start3A_930 = arith.constant 560 : i32
        %dma_start3A_931 = arith.constant 0 : i32
        %dma_start3A_932 = tpu.memref_slice %arg7[%dma_start3A_930, %dma_start3A_931] : memref<672x128xf32, #tpu.memory_space<vmem>> -> memref<50x128xf32, #tpu.memory_space<vmem>>
        %dma_start3A_933 = arith.constant 0 : i32
        %dma_start3A_934 = tpu.memref_slice %arg2[%dma_start3A_933, %mul3A_921] : memref<50x1000000xf32, #tpu.memory_space<hbm>> -> memref<50x128xf32, #tpu.memory_space<hbm>>
        tpu.enqueue_dma source(%dma_start3A_934 : memref<50x128xf32, #tpu.memory_space<hbm>>) target(%dma_start3A_932 : memref<50x128xf32, #tpu.memory_space<vmem>>) target_semaphore(%dma_start3A_929 : memref<!tpu.dma_semaphore, #tpu.memory_space<semaphore_mem>>)
      } else {
      }
      %mul3A_461 = arith.constant 6 : i32
      %mul3A_462 = arith.muli %add3A_360, %mul3A_461 : i32
      %add3A_463 = arith.constant 5 : i32
      %add3A_464 = arith.addi %mul3A_462, %add3A_463 : i32
      %add3A_465 = arith.addi %select_n3A, %add3A_464 : i32
      %lt3A_466 = arith.cmpi slt, %add3A_465, %select_n3A_46 : i32
      %jit3A_467 = arith.constant 0 : i32
      %jit3A_468 = arith.constant 255 : i32
      %max3A_469 = arith.maxsi %jit3A_467, %add3A_464 : i32
      %min3A_470 = arith.minsi %jit3A_468, %max3A_469 : i32
      %get3A_471 = arith.index_cast %min3A_470 : i32 to index
      %get3A_472 = tpu.vector_load %arg10[%get3A_471] {strides = array<i32>} : memref<272xi32, #tpu.memory_space<vmem>>, vector<16xi32>,
      %slice3A_473 = vector.extract_strided_slice %get3A_472 {offsets = [0], sizes = [1], strides = [1]} : vector<16xi32> to vector<1xi32>
      %squeeze3A_474 = vector.extract %slice3A_473[0] : i32 from vector<1xi32>
      %gt3A_475 = arith.constant 0 : i32
      %gt3A_476 = arith.cmpi sgt, %squeeze3A_474, %gt3A_475 : i32
      %and3A_477 = arith.andi %lt3A_466, %gt3A_476 : i1
      %convert_element_type3A_478 = arith.extui %and3A_477 : i1 to i32
      %cond3A_479 = arith.constant 0 : i32
      %cond3A_480 = arith.cmpi ne, %convert_element_type3A_478, %cond3A_479 : i32
      scf.if %cond3A_480 {
        %mul3A_920 = arith.constant 128 : i32
        %mul3A_921 = arith.muli %add3A_465, %mul3A_920 : i32
        %dma_start3A_922 = arith.constant 11 : i32
        %dma_start3A_923 = arith.constant 616 : i32
        %dma_start3A_924 = arith.constant 0 : i32
        %dma_start3A_925 = tpu.memref_slice %arg7[%dma_start3A_923, %dma_start3A_924] : memref<672x128xf32, #tpu.memory_space<vmem>> -> memref<50x128xf32, #tpu.memory_space<vmem>>
        %dma_start3A_926 = arith.constant 0 : i32
        %dma_start3A_927 = tpu.memref_slice %arg2[%dma_start3A_926, %mul3A_921] : memref<50x1000000xf32, #tpu.memory_space<hbm>> -> memref<50x128xf32, #tpu.memory_space<hbm>>
        %dma_start3A_928 = tpu.memref_slice %arg12[%dma_start3A_922] : memref<12x!tpu.dma_semaphore, #tpu.memory_space<semaphore_mem>> -> memref<1x!tpu.dma_semaphore, #tpu.memory_space<semaphore_mem>>
        %dma_start3A_929 = tpu.memref_squeeze %dma_start3A_928 : memref<1x!tpu.dma_semaphore, #tpu.memory_space<semaphore_mem>> -> memref<!tpu.dma_semaphore, #tpu.memory_space<semaphore_mem>>
        %dma_start3A_930 = arith.constant 616 : i32
        %dma_start3A_931 = arith.constant 0 : i32
        %dma_start3A_932 = tpu.memref_slice %arg7[%dma_start3A_930, %dma_start3A_931] : memref<672x128xf32, #tpu.memory_space<vmem>> -> memref<50x128xf32, #tpu.memory_space<vmem>>
        %dma_start3A_933 = arith.constant 0 : i32
        %dma_start3A_934 = tpu.memref_slice %arg2[%dma_start3A_933, %mul3A_921] : memref<50x1000000xf32, #tpu.memory_space<hbm>> -> memref<50x128xf32, #tpu.memory_space<hbm>>
        tpu.enqueue_dma source(%dma_start3A_934 : memref<50x128xf32, #tpu.memory_space<hbm>>) target(%dma_start3A_932 : memref<50x128xf32, #tpu.memory_space<vmem>>) target_semaphore(%dma_start3A_929 : memref<!tpu.dma_semaphore, #tpu.memory_space<semaphore_mem>>)
      } else {
      }
      %mul3A_481 = arith.constant 2 : i32
      %mul3A_482 = arith.muli %mul3A_481, %scan3A_355 : i32
      %mul3A_483 = arith.constant 6 : i32
      %mul3A_484 = arith.muli %mul3A_482, %mul3A_483 : i32
      %add3A_485 = arith.constant 0 : i32
      %add3A_486 = arith.addi %mul3A_484, %add3A_485 : i32
      %add3A_487 = arith.addi %select_n3A, %add3A_486 : i32
      %lt3A_488 = arith.cmpi slt, %add3A_487, %select_n3A_46 : i32
      %jit3A_489 = arith.constant 0 : i32
      %jit3A_490 = arith.constant 255 : i32
      %max3A_491 = arith.maxsi %jit3A_489, %add3A_486 : i32
      %min3A_492 = arith.minsi %jit3A_490, %max3A_491 : i32
      %get3A_493 = arith.index_cast %min3A_492 : i32 to index
      %get3A_494 = tpu.vector_load %arg10[%get3A_493] {strides = array<i32>} : memref<272xi32, #tpu.memory_space<vmem>>, vector<16xi32>,
      %slice3A_495 = vector.extract_strided_slice %get3A_494 {offsets = [0], sizes = [1], strides = [1]} : vector<16xi32> to vector<1xi32>
      %squeeze3A_496 = vector.extract %slice3A_495[0] : i32 from vector<1xi32>
      %gt3A_497 = arith.constant 0 : i32
      %gt3A_498 = arith.cmpi sgt, %squeeze3A_496, %gt3A_497 : i32
      %and3A_499 = arith.andi %lt3A_488, %gt3A_498 : i1
      %convert_element_type3A_500 = arith.extui %and3A_499 : i1 to i32
      %cond3A_501 = arith.constant 0 : i32
      %cond3A_502 = arith.cmpi ne, %convert_element_type3A_500, %cond3A_501 : i32
      scf.if %cond3A_502 {
        %dma_wait3A_920 = arith.constant 0 : i32
        %dma_wait3A_921 = arith.constant 0 : i32
        %dma_wait3A_922 = arith.constant 0 : i32
        %dma_wait3A_923 = tpu.memref_slice %arg7[%dma_wait3A_921, %dma_wait3A_922] : memref<672x128xf32, #tpu.memory_space<vmem>> -> memref<50x128xf32, #tpu.memory_space<vmem>>
        %dma_wait3A_924 = arith.constant 0 : i32
        %dma_wait3A_925 = arith.constant 0 : i32
        %dma_wait3A_926 = tpu.memref_slice %arg2[%dma_wait3A_924, %dma_wait3A_925] : memref<50x1000000xf32, #tpu.memory_space<hbm>> -> memref<50x128xf32, #tpu.memory_space<hbm>>
        %dma_wait3A_927 = tpu.memref_slice %arg12[%dma_wait3A_920] : memref<12x!tpu.dma_semaphore, #tpu.memory_space<semaphore_mem>> -> memref<1x!tpu.dma_semaphore, #tpu.memory_space<semaphore_mem>>
        %dma_wait3A_928 = tpu.memref_squeeze %dma_wait3A_927 : memref<1x!tpu.dma_semaphore, #tpu.memory_space<semaphore_mem>> -> memref<!tpu.dma_semaphore, #tpu.memory_space<semaphore_mem>>
        %dma_wait3A_929 = arith.constant 0 : i32
        %dma_wait3A_930 = arith.constant 0 : i32
        %dma_wait3A_931 = tpu.memref_slice %arg7[%dma_wait3A_929, %dma_wait3A_930] : memref<672x128xf32, #tpu.memory_space<vmem>> -> memref<50x128xf32, #tpu.memory_space<vmem>>
        %dma_wait3A_932 = arith.constant 0 : i32
        %dma_wait3A_933 = arith.constant 0 : i32
        %dma_wait3A_934 = tpu.memref_slice %arg2[%dma_wait3A_932, %dma_wait3A_933] : memref<50x1000000xf32, #tpu.memory_space<hbm>> -> memref<50x128xf32, #tpu.memory_space<hbm>>
        tpu.wait_dma2 semaphore(%dma_wait3A_928 : memref<!tpu.dma_semaphore, #tpu.memory_space<semaphore_mem>>) src(%dma_wait3A_934 : memref<50x128xf32, #tpu.memory_space<hbm>>) dst(%dma_wait3A_931 : memref<50x128xf32, #tpu.memory_space<vmem>>)
      } else {
      }
      %mul3A_503 = arith.constant 6 : i32
      %mul3A_504 = arith.muli %mul3A_482, %mul3A_503 : i32
      %add3A_505 = arith.constant 1 : i32
      %add3A_506 = arith.addi %mul3A_504, %add3A_505 : i32
      %add3A_507 = arith.addi %select_n3A, %add3A_506 : i32
      %lt3A_508 = arith.cmpi slt, %add3A_507, %select_n3A_46 : i32
      %jit3A_509 = arith.constant 0 : i32
      %jit3A_510 = arith.constant 255 : i32
      %max3A_511 = arith.maxsi %jit3A_509, %add3A_506 : i32
      %min3A_512 = arith.minsi %jit3A_510, %max3A_511 : i32
      %get3A_513 = arith.index_cast %min3A_512 : i32 to index
      %get3A_514 = tpu.vector_load %arg10[%get3A_513] {strides = array<i32>} : memref<272xi32, #tpu.memory_space<vmem>>, vector<16xi32>,
      %slice3A_515 = vector.extract_strided_slice %get3A_514 {offsets = [0], sizes = [1], strides = [1]} : vector<16xi32> to vector<1xi32>
      %squeeze3A_516 = vector.extract %slice3A_515[0] : i32 from vector<1xi32>
      %gt3A_517 = arith.constant 0 : i32
      %gt3A_518 = arith.cmpi sgt, %squeeze3A_516, %gt3A_517 : i32
      %and3A_519 = arith.andi %lt3A_508, %gt3A_518 : i1
      %convert_element_type3A_520 = arith.extui %and3A_519 : i1 to i32
      %cond3A_521 = arith.constant 0 : i32
      %cond3A_522 = arith.cmpi ne, %convert_element_type3A_520, %cond3A_521 : i32
      scf.if %cond3A_522 {
        %dma_wait3A_920 = arith.constant 1 : i32
        %dma_wait3A_921 = arith.constant 56 : i32
        %dma_wait3A_922 = arith.constant 0 : i32
        %dma_wait3A_923 = tpu.memref_slice %arg7[%dma_wait3A_921, %dma_wait3A_922] : memref<672x128xf32, #tpu.memory_space<vmem>> -> memref<50x128xf32, #tpu.memory_space<vmem>>
        %dma_wait3A_924 = arith.constant 0 : i32
        %dma_wait3A_925 = arith.constant 0 : i32
        %dma_wait3A_926 = tpu.memref_slice %arg2[%dma_wait3A_924, %dma_wait3A_925] : memref<50x1000000xf32, #tpu.memory_space<hbm>> -> memref<50x128xf32, #tpu.memory_space<hbm>>
        %dma_wait3A_927 = tpu.memref_slice %arg12[%dma_wait3A_920] : memref<12x!tpu.dma_semaphore, #tpu.memory_space<semaphore_mem>> -> memref<1x!tpu.dma_semaphore, #tpu.memory_space<semaphore_mem>>
        %dma_wait3A_928 = tpu.memref_squeeze %dma_wait3A_927 : memref<1x!tpu.dma_semaphore, #tpu.memory_space<semaphore_mem>> -> memref<!tpu.dma_semaphore, #tpu.memory_space<semaphore_mem>>
        %dma_wait3A_929 = arith.constant 56 : i32
        %dma_wait3A_930 = arith.constant 0 : i32
        %dma_wait3A_931 = tpu.memref_slice %arg7[%dma_wait3A_929, %dma_wait3A_930] : memref<672x128xf32, #tpu.memory_space<vmem>> -> memref<50x128xf32, #tpu.memory_space<vmem>>
        %dma_wait3A_932 = arith.constant 0 : i32
        %dma_wait3A_933 = arith.constant 0 : i32
        %dma_wait3A_934 = tpu.memref_slice %arg2[%dma_wait3A_932, %dma_wait3A_933] : memref<50x1000000xf32, #tpu.memory_space<hbm>> -> memref<50x128xf32, #tpu.memory_space<hbm>>
        tpu.wait_dma2 semaphore(%dma_wait3A_928 : memref<!tpu.dma_semaphore, #tpu.memory_space<semaphore_mem>>) src(%dma_wait3A_934 : memref<50x128xf32, #tpu.memory_space<hbm>>) dst(%dma_wait3A_931 : memref<50x128xf32, #tpu.memory_space<vmem>>)
      } else {
      }
      %mul3A_523 = arith.constant 6 : i32
      %mul3A_524 = arith.muli %mul3A_482, %mul3A_523 : i32
      %add3A_525 = arith.constant 2 : i32
      %add3A_526 = arith.addi %mul3A_524, %add3A_525 : i32
      %add3A_527 = arith.addi %select_n3A, %add3A_526 : i32
      %lt3A_528 = arith.cmpi slt, %add3A_527, %select_n3A_46 : i32
      %jit3A_529 = arith.constant 0 : i32
      %jit3A_530 = arith.constant 255 : i32
      %max3A_531 = arith.maxsi %jit3A_529, %add3A_526 : i32
      %min3A_532 = arith.minsi %jit3A_530, %max3A_531 : i32
      %get3A_533 = arith.index_cast %min3A_532 : i32 to index
      %get3A_534 = tpu.vector_load %arg10[%get3A_533] {strides = array<i32>} : memref<272xi32, #tpu.memory_space<vmem>>, vector<16xi32>,
      %slice3A_535 = vector.extract_strided_slice %get3A_534 {offsets = [0], sizes = [1], strides = [1]} : vector<16xi32> to vector<1xi32>
      %squeeze3A_536 = vector.extract %slice3A_535[0] : i32 from vector<1xi32>
      %gt3A_537 = arith.constant 0 : i32
      %gt3A_538 = arith.cmpi sgt, %squeeze3A_536, %gt3A_537 : i32
      %and3A_539 = arith.andi %lt3A_528, %gt3A_538 : i1
      %convert_element_type3A_540 = arith.extui %and3A_539 : i1 to i32
      %cond3A_541 = arith.constant 0 : i32
      %cond3A_542 = arith.cmpi ne, %convert_element_type3A_540, %cond3A_541 : i32
      scf.if %cond3A_542 {
        %dma_wait3A_920 = arith.constant 2 : i32
        %dma_wait3A_921 = arith.constant 112 : i32
        %dma_wait3A_922 = arith.constant 0 : i32
        %dma_wait3A_923 = tpu.memref_slice %arg7[%dma_wait3A_921, %dma_wait3A_922] : memref<672x128xf32, #tpu.memory_space<vmem>> -> memref<50x128xf32, #tpu.memory_space<vmem>>
        %dma_wait3A_924 = arith.constant 0 : i32
        %dma_wait3A_925 = arith.constant 0 : i32
        %dma_wait3A_926 = tpu.memref_slice %arg2[%dma_wait3A_924, %dma_wait3A_925] : memref<50x1000000xf32, #tpu.memory_space<hbm>> -> memref<50x128xf32, #tpu.memory_space<hbm>>
        %dma_wait3A_927 = tpu.memref_slice %arg12[%dma_wait3A_920] : memref<12x!tpu.dma_semaphore, #tpu.memory_space<semaphore_mem>> -> memref<1x!tpu.dma_semaphore, #tpu.memory_space<semaphore_mem>>
        %dma_wait3A_928 = tpu.memref_squeeze %dma_wait3A_927 : memref<1x!tpu.dma_semaphore, #tpu.memory_space<semaphore_mem>> -> memref<!tpu.dma_semaphore, #tpu.memory_space<semaphore_mem>>
        %dma_wait3A_929 = arith.constant 112 : i32
        %dma_wait3A_930 = arith.constant 0 : i32
        %dma_wait3A_931 = tpu.memref_slice %arg7[%dma_wait3A_929, %dma_wait3A_930] : memref<672x128xf32, #tpu.memory_space<vmem>> -> memref<50x128xf32, #tpu.memory_space<vmem>>
        %dma_wait3A_932 = arith.constant 0 : i32
        %dma_wait3A_933 = arith.constant 0 : i32
        %dma_wait3A_934 = tpu.memref_slice %arg2[%dma_wait3A_932, %dma_wait3A_933] : memref<50x1000000xf32, #tpu.memory_space<hbm>> -> memref<50x128xf32, #tpu.memory_space<hbm>>
        tpu.wait_dma2 semaphore(%dma_wait3A_928 : memref<!tpu.dma_semaphore, #tpu.memory_space<semaphore_mem>>) src(%dma_wait3A_934 : memref<50x128xf32, #tpu.memory_space<hbm>>) dst(%dma_wait3A_931 : memref<50x128xf32, #tpu.memory_space<vmem>>)
      } else {
      }
      %mul3A_543 = arith.constant 6 : i32
      %mul3A_544 = arith.muli %mul3A_482, %mul3A_543 : i32
      %add3A_545 = arith.constant 3 : i32
      %add3A_546 = arith.addi %mul3A_544, %add3A_545 : i32
      %add3A_547 = arith.addi %select_n3A, %add3A_546 : i32
      %lt3A_548 = arith.cmpi slt, %add3A_547, %select_n3A_46 : i32
      %jit3A_549 = arith.constant 0 : i32
      %jit3A_550 = arith.constant 255 : i32
      %max3A_551 = arith.maxsi %jit3A_549, %add3A_546 : i32
      %min3A_552 = arith.minsi %jit3A_550, %max3A_551 : i32
      %get3A_553 = arith.index_cast %min3A_552 : i32 to index
      %get3A_554 = tpu.vector_load %arg10[%get3A_553] {strides = array<i32>} : memref<272xi32, #tpu.memory_space<vmem>>, vector<16xi32>,
      %slice3A_555 = vector.extract_strided_slice %get3A_554 {offsets = [0], sizes = [1], strides = [1]} : vector<16xi32> to vector<1xi32>
      %squeeze3A_556 = vector.extract %slice3A_555[0] : i32 from vector<1xi32>
      %gt3A_557 = arith.constant 0 : i32
      %gt3A_558 = arith.cmpi sgt, %squeeze3A_556, %gt3A_557 : i32
      %and3A_559 = arith.andi %lt3A_548, %gt3A_558 : i1
      %convert_element_type3A_560 = arith.extui %and3A_559 : i1 to i32
      %cond3A_561 = arith.constant 0 : i32
      %cond3A_562 = arith.cmpi ne, %convert_element_type3A_560, %cond3A_561 : i32
      scf.if %cond3A_562 {
        %dma_wait3A_920 = arith.constant 3 : i32
        %dma_wait3A_921 = arith.constant 168 : i32
        %dma_wait3A_922 = arith.constant 0 : i32
        %dma_wait3A_923 = tpu.memref_slice %arg7[%dma_wait3A_921, %dma_wait3A_922] : memref<672x128xf32, #tpu.memory_space<vmem>> -> memref<50x128xf32, #tpu.memory_space<vmem>>
        %dma_wait3A_924 = arith.constant 0 : i32
        %dma_wait3A_925 = arith.constant 0 : i32
        %dma_wait3A_926 = tpu.memref_slice %arg2[%dma_wait3A_924, %dma_wait3A_925] : memref<50x1000000xf32, #tpu.memory_space<hbm>> -> memref<50x128xf32, #tpu.memory_space<hbm>>
        %dma_wait3A_927 = tpu.memref_slice %arg12[%dma_wait3A_920] : memref<12x!tpu.dma_semaphore, #tpu.memory_space<semaphore_mem>> -> memref<1x!tpu.dma_semaphore, #tpu.memory_space<semaphore_mem>>
        %dma_wait3A_928 = tpu.memref_squeeze %dma_wait3A_927 : memref<1x!tpu.dma_semaphore, #tpu.memory_space<semaphore_mem>> -> memref<!tpu.dma_semaphore, #tpu.memory_space<semaphore_mem>>
        %dma_wait3A_929 = arith.constant 168 : i32
        %dma_wait3A_930 = arith.constant 0 : i32
        %dma_wait3A_931 = tpu.memref_slice %arg7[%dma_wait3A_929, %dma_wait3A_930] : memref<672x128xf32, #tpu.memory_space<vmem>> -> memref<50x128xf32, #tpu.memory_space<vmem>>
        %dma_wait3A_932 = arith.constant 0 : i32
        %dma_wait3A_933 = arith.constant 0 : i32
        %dma_wait3A_934 = tpu.memref_slice %arg2[%dma_wait3A_932, %dma_wait3A_933] : memref<50x1000000xf32, #tpu.memory_space<hbm>> -> memref<50x128xf32, #tpu.memory_space<hbm>>
        tpu.wait_dma2 semaphore(%dma_wait3A_928 : memref<!tpu.dma_semaphore, #tpu.memory_space<semaphore_mem>>) src(%dma_wait3A_934 : memref<50x128xf32, #tpu.memory_space<hbm>>) dst(%dma_wait3A_931 : memref<50x128xf32, #tpu.memory_space<vmem>>)
      } else {
      }
      %mul3A_563 = arith.constant 6 : i32
      %mul3A_564 = arith.muli %mul3A_482, %mul3A_563 : i32
      %add3A_565 = arith.constant 4 : i32
      %add3A_566 = arith.addi %mul3A_564, %add3A_565 : i32
      %add3A_567 = arith.addi %select_n3A, %add3A_566 : i32
      %lt3A_568 = arith.cmpi slt, %add3A_567, %select_n3A_46 : i32
      %jit3A_569 = arith.constant 0 : i32
      %jit3A_570 = arith.constant 255 : i32
      %max3A_571 = arith.maxsi %jit3A_569, %add3A_566 : i32
      %min3A_572 = arith.minsi %jit3A_570, %max3A_571 : i32
      %get3A_573 = arith.index_cast %min3A_572 : i32 to index
      %get3A_574 = tpu.vector_load %arg10[%get3A_573] {strides = array<i32>} : memref<272xi32, #tpu.memory_space<vmem>>, vector<16xi32>,
      %slice3A_575 = vector.extract_strided_slice %get3A_574 {offsets = [0], sizes = [1], strides = [1]} : vector<16xi32> to vector<1xi32>
      %squeeze3A_576 = vector.extract %slice3A_575[0] : i32 from vector<1xi32>
      %gt3A_577 = arith.constant 0 : i32
      %gt3A_578 = arith.cmpi sgt, %squeeze3A_576, %gt3A_577 : i32
      %and3A_579 = arith.andi %lt3A_568, %gt3A_578 : i1
      %convert_element_type3A_580 = arith.extui %and3A_579 : i1 to i32
      %cond3A_581 = arith.constant 0 : i32
      %cond3A_582 = arith.cmpi ne, %convert_element_type3A_580, %cond3A_581 : i32
      scf.if %cond3A_582 {
        %dma_wait3A_920 = arith.constant 4 : i32
        %dma_wait3A_921 = arith.constant 224 : i32
        %dma_wait3A_922 = arith.constant 0 : i32
        %dma_wait3A_923 = tpu.memref_slice %arg7[%dma_wait3A_921, %dma_wait3A_922] : memref<672x128xf32, #tpu.memory_space<vmem>> -> memref<50x128xf32, #tpu.memory_space<vmem>>
        %dma_wait3A_924 = arith.constant 0 : i32
        %dma_wait3A_925 = arith.constant 0 : i32
        %dma_wait3A_926 = tpu.memref_slice %arg2[%dma_wait3A_924, %dma_wait3A_925] : memref<50x1000000xf32, #tpu.memory_space<hbm>> -> memref<50x128xf32, #tpu.memory_space<hbm>>
        %dma_wait3A_927 = tpu.memref_slice %arg12[%dma_wait3A_920] : memref<12x!tpu.dma_semaphore, #tpu.memory_space<semaphore_mem>> -> memref<1x!tpu.dma_semaphore, #tpu.memory_space<semaphore_mem>>
        %dma_wait3A_928 = tpu.memref_squeeze %dma_wait3A_927 : memref<1x!tpu.dma_semaphore, #tpu.memory_space<semaphore_mem>> -> memref<!tpu.dma_semaphore, #tpu.memory_space<semaphore_mem>>
        %dma_wait3A_929 = arith.constant 224 : i32
        %dma_wait3A_930 = arith.constant 0 : i32
        %dma_wait3A_931 = tpu.memref_slice %arg7[%dma_wait3A_929, %dma_wait3A_930] : memref<672x128xf32, #tpu.memory_space<vmem>> -> memref<50x128xf32, #tpu.memory_space<vmem>>
        %dma_wait3A_932 = arith.constant 0 : i32
        %dma_wait3A_933 = arith.constant 0 : i32
        %dma_wait3A_934 = tpu.memref_slice %arg2[%dma_wait3A_932, %dma_wait3A_933] : memref<50x1000000xf32, #tpu.memory_space<hbm>> -> memref<50x128xf32, #tpu.memory_space<hbm>>
        tpu.wait_dma2 semaphore(%dma_wait3A_928 : memref<!tpu.dma_semaphore, #tpu.memory_space<semaphore_mem>>) src(%dma_wait3A_934 : memref<50x128xf32, #tpu.memory_space<hbm>>) dst(%dma_wait3A_931 : memref<50x128xf32, #tpu.memory_space<vmem>>)
      } else {
      }
      %mul3A_583 = arith.constant 6 : i32
      %mul3A_584 = arith.muli %mul3A_482, %mul3A_583 : i32
      %add3A_585 = arith.constant 5 : i32
      %add3A_586 = arith.addi %mul3A_584, %add3A_585 : i32
      %add3A_587 = arith.addi %select_n3A, %add3A_586 : i32
      %lt3A_588 = arith.cmpi slt, %add3A_587, %select_n3A_46 : i32
      %jit3A_589 = arith.constant 0 : i32
      %jit3A_590 = arith.constant 255 : i32
      %max3A_591 = arith.maxsi %jit3A_589, %add3A_586 : i32
      %min3A_592 = arith.minsi %jit3A_590, %max3A_591 : i32
      %get3A_593 = arith.index_cast %min3A_592 : i32 to index
      %get3A_594 = tpu.vector_load %arg10[%get3A_593] {strides = array<i32>} : memref<272xi32, #tpu.memory_space<vmem>>, vector<16xi32>,
      %slice3A_595 = vector.extract_strided_slice %get3A_594 {offsets = [0], sizes = [1], strides = [1]} : vector<16xi32> to vector<1xi32>
      %squeeze3A_596 = vector.extract %slice3A_595[0] : i32 from vector<1xi32>
      %gt3A_597 = arith.constant 0 : i32
      %gt3A_598 = arith.cmpi sgt, %squeeze3A_596, %gt3A_597 : i32
      %and3A_599 = arith.andi %lt3A_588, %gt3A_598 : i1
      %convert_element_type3A_600 = arith.extui %and3A_599 : i1 to i32
      %cond3A_601 = arith.constant 0 : i32
      %cond3A_602 = arith.cmpi ne, %convert_element_type3A_600, %cond3A_601 : i32
      scf.if %cond3A_602 {
        %dma_wait3A_920 = arith.constant 5 : i32
        %dma_wait3A_921 = arith.constant 280 : i32
        %dma_wait3A_922 = arith.constant 0 : i32
        %dma_wait3A_923 = tpu.memref_slice %arg7[%dma_wait3A_921, %dma_wait3A_922] : memref<672x128xf32, #tpu.memory_space<vmem>> -> memref<50x128xf32, #tpu.memory_space<vmem>>
        %dma_wait3A_924 = arith.constant 0 : i32
        %dma_wait3A_925 = arith.constant 0 : i32
        %dma_wait3A_926 = tpu.memref_slice %arg2[%dma_wait3A_924, %dma_wait3A_925] : memref<50x1000000xf32, #tpu.memory_space<hbm>> -> memref<50x128xf32, #tpu.memory_space<hbm>>
        %dma_wait3A_927 = tpu.memref_slice %arg12[%dma_wait3A_920] : memref<12x!tpu.dma_semaphore, #tpu.memory_space<semaphore_mem>> -> memref<1x!tpu.dma_semaphore, #tpu.memory_space<semaphore_mem>>
        %dma_wait3A_928 = tpu.memref_squeeze %dma_wait3A_927 : memref<1x!tpu.dma_semaphore, #tpu.memory_space<semaphore_mem>> -> memref<!tpu.dma_semaphore, #tpu.memory_space<semaphore_mem>>
        %dma_wait3A_929 = arith.constant 280 : i32
        %dma_wait3A_930 = arith.constant 0 : i32
        %dma_wait3A_931 = tpu.memref_slice %arg7[%dma_wait3A_929, %dma_wait3A_930] : memref<672x128xf32, #tpu.memory_space<vmem>> -> memref<50x128xf32, #tpu.memory_space<vmem>>
        %dma_wait3A_932 = arith.constant 0 : i32
        %dma_wait3A_933 = arith.constant 0 : i32
        %dma_wait3A_934 = tpu.memref_slice %arg2[%dma_wait3A_932, %dma_wait3A_933] : memref<50x1000000xf32, #tpu.memory_space<hbm>> -> memref<50x128xf32, #tpu.memory_space<hbm>>
        tpu.wait_dma2 semaphore(%dma_wait3A_928 : memref<!tpu.dma_semaphore, #tpu.memory_space<semaphore_mem>>) src(%dma_wait3A_934 : memref<50x128xf32, #tpu.memory_space<hbm>>) dst(%dma_wait3A_931 : memref<50x128xf32, #tpu.memory_space<vmem>>)
      } else {
      }
      %add3A_603 = arith.constant 0 : i32
      %add3A_604 = vector.broadcast %add3A_603 : i32 to vector<16xi32>
      %add3A_605 = arith.addi %iota3A, %add3A_604 : vector<16xi32>
      %min3A_606 = arith.constant 49 : i32
      %min3A_607 = vector.broadcast %min3A_606 : i32 to vector<16xi32>
      %min3A_608 = arith.minsi %add3A_605, %min3A_607 : vector<16xi32>
      %add3A_609 = arith.constant 16 : i32
      %add3A_610 = vector.broadcast %add3A_609 : i32 to vector<16xi32>
      %add3A_611 = arith.addi %iota3A, %add3A_610 : vector<16xi32>
      %min3A_612 = arith.constant 49 : i32
      %min3A_613 = vector.broadcast %min3A_612 : i32 to vector<16xi32>
      %min3A_614 = arith.minsi %add3A_611, %min3A_613 : vector<16xi32>
      %add3A_615 = arith.constant 32 : i32
      %add3A_616 = vector.broadcast %add3A_615 : i32 to vector<16xi32>
      %add3A_617 = arith.addi %iota3A, %add3A_616 : vector<16xi32>
      %min3A_618 = arith.constant 49 : i32
      %min3A_619 = vector.broadcast %min3A_618 : i32 to vector<16xi32>
      %min3A_620 = arith.minsi %add3A_617, %min3A_619 : vector<16xi32>
      %add3A_621 = arith.constant 48 : i32
      %add3A_622 = vector.broadcast %add3A_621 : i32 to vector<16xi32>
      %add3A_623 = arith.addi %iota3A, %add3A_622 : vector<16xi32>
      %min3A_624 = arith.constant 49 : i32
      %min3A_625 = vector.broadcast %min3A_624 : i32 to vector<16xi32>
      %min3A_626 = arith.minsi %add3A_623, %min3A_625 : vector<16xi32>
      %while3A = arith.constant 0 : i32
      %while3A_627 = arith.subi %shift_right_arithmetic3A_150, %while3A : i32
      %while3A_628 = arith.addi %while3A, %while3A_627 : i32
      %while3A_629 = arith.constant 1 : i32
      %while3A_630 = arith.divsi %while3A_627, %while3A_629 : i32
      %while3A_631 = arith.muli %while3A_630, %while3A_629 : i32
      %while3A_632 = arith.addi %while3A, %while3A_631 : i32
      %while3A_633 = arith.constant 1 : i32
      %while3A_634 = scf.for %while3A_920 = %while3A to %while3A_632 step %while3A_633 iter_args(%while3A_921 = %scan3A_356) -> (i32)  : i32 {
        %mul3A_922 = arith.constant 16 : i32
        %mul3A_923 = arith.muli %mul3A_922, %while3A_920 : i32
        %get3A_924 = arith.index_cast %mul3A_923 : i32 to index
        %get3A_925 = tpu.vector_load %arg6[%get3A_924] {strides = array<i32>} : memref<16416xi32, #tpu.memory_space<vmem>>, vector<16xi32>,
        %shift_right_logical3A = arith.constant 21 : i32
        %shift_right_logical3A_926 = vector.broadcast %shift_right_logical3A : i32 to vector<16xi32>
        %shift_right_logical3A_927 = arith.shrui %get3A_925, %shift_right_logical3A_926 : vector<16xi32>
        %mul3A_928 = arith.constant 6 : i32
        %mul3A_929 = arith.muli %mul3A_482, %mul3A_928 : i32
        %ge3A = vector.broadcast %mul3A_929 : i32 to vector<16xi32>
        %ge3A_930 = arith.cmpi sge, %shift_right_logical3A_927, %ge3A : vector<16xi32>
        %mul3A_931 = arith.constant 6 : i32
        %mul3A_932 = arith.muli %mul3A_482, %mul3A_931 : i32
        %add3A_933 = arith.constant 6 : i32
        %add3A_934 = arith.addi %mul3A_932, %add3A_933 : i32
        %lt3A_935 = vector.broadcast %add3A_934 : i32 to vector<16xi32>
        %lt3A_936 = arith.cmpi slt, %shift_right_logical3A_927, %lt3A_935 : vector<16xi32>
        %and3A_937 = arith.andi %ge3A_930, %lt3A_936 : vector<16xi1>
        %all_reduce_population_count3A = tpu.all_reduce %and3A_937 {dim = 0 : i64, kind = #tpu.reduction_kind<sum>} : vector<16xi1> -> vector<16xi32>
        %slice3A_938 = vector.extract_strided_slice %all_reduce_population_count3A {offsets = [0], sizes = [1], strides = [1]} : vector<16xi32> to vector<1xi32>
        %squeeze3A_939 = vector.extract %slice3A_938[0] : i32 from vector<1xi32>
        %gt3A_940 = arith.constant 0 : i32
        %gt3A_941 = arith.cmpi sgt, %squeeze3A_939, %gt3A_940 : i32
        %convert_element_type3A_942 = arith.extui %gt3A_941 : i1 to i32
        %cond3A_943 = arith.constant 0 : i32
        %cond3A_944 = arith.cmpi ne, %convert_element_type3A_942, %cond3A_943 : i32
        %cond3A_945 = scf.if %cond3A_944 -> (i32) {
          %swap3A_946 = arith.constant 0 : index
          %swap3A_947 = tpu.vector_load %arg11[%swap3A_946] {strides = array<i32>} : memref<32xi32, #tpu.memory_space<vmem>>, vector<16xi32>,
          tpu.vector_store %arg11[%swap3A_946], %get3A_925 {strides = array<i32>} : memref<32xi32, #tpu.memory_space<vmem>>, vector<16xi32>,
          %while3A_948 = arith.constant 0 : i32
          %while3A_949 = arith.subi %squeeze3A_939, %while3A_948 : i32
          %while3A_950 = arith.addi %while3A_948, %while3A_949 : i32
          %while3A_951 = arith.constant 1 : i32
          %while3A_952 = arith.divsi %while3A_949, %while3A_951 : i32
          %while3A_953 = arith.muli %while3A_952, %while3A_951 : i32
          %while3A_954 = arith.addi %while3A_948, %while3A_953 : i32
          %while3A_955 = arith.constant 1 : i32
          %while3A_956:2 = scf.for %while3A_959 = %while3A_948 to %while3A_954 step %while3A_955 iter_args(%while3A_960 = %while3A_921, %while3A_961 = %and3A_937) -> (i32, vector<16xi1>)  : i32 {
            %all_reduce_ffs3A = tpu.all_reduce %while3A_961 {dim = 0 : i64, kind = #tpu.reduction_kind<find_first_set>} : vector<16xi1> -> vector<16xi32>
            %slice3A_962 = vector.extract_strided_slice %all_reduce_ffs3A {offsets = [0], sizes = [1], strides = [1]} : vector<16xi32> to vector<1xi32>
            %squeeze3A_963 = vector.extract %slice3A_962[0] : i32 from vector<1xi32>
            %get3A_964 = arith.index_cast %squeeze3A_963 : i32 to index
            %get3A_965 = tpu.vector_load %arg11[%get3A_964] {strides = array<i32>} : memref<32xi32, #tpu.memory_space<vmem>>, vector<16xi32>,
            %slice3A_966 = vector.extract_strided_slice %get3A_965 {offsets = [0], sizes = [1], strides = [1]} : vector<16xi32> to vector<1xi32>
            %squeeze3A_967 = vector.extract %slice3A_966[0] : i32 from vector<1xi32>
            %shift_right_logical3A_968 = arith.constant 21 : i32
            %shift_right_logical3A_969 = arith.shrui %squeeze3A_967, %shift_right_logical3A_968 : i32
            %mul3A_970 = arith.constant 6 : i32
            %mul3A_971 = arith.muli %mul3A_482, %mul3A_970 : i32
            %sub3A_972 = arith.subi %shift_right_logical3A_969, %mul3A_971 : i32
            %add3A_973 = arith.constant 0 : i32
            %add3A_974 = arith.addi %sub3A_972, %add3A_973 : i32
            %mul3A_975 = arith.constant 56 : i32
            %mul3A_976 = arith.muli %add3A_974, %mul3A_975 : i32
            %shift_right_logical3A_977 = arith.constant 14 : i32
            %shift_right_logical3A_978 = arith.shrui %squeeze3A_967, %shift_right_logical3A_977 : i32
            %and3A_979 = arith.constant 127 : i32
            %and3A_980 = arith.andi %shift_right_logical3A_978, %and3A_979 : i32
            %mul3A_981 = vector.broadcast %and3A_980 : i32 to vector<16xi32>
            %mul3A_982 = arith.muli %broadcast_in_dim3A_49, %mul3A_981 : vector<16xi32>
            %and3A_983 = arith.constant 16383 : i32
            %and3A_984 = arith.andi %squeeze3A_967, %and3A_983 : i32
            %and3A_985 = arith.constant 63 : i32
            %and3A_986 = arith.andi %while3A_960, %and3A_985 : i32
            %add3A_987 = vector.broadcast %mul3A_976 : i32 to vector<16xi32>
            %add3A_988 = arith.addi %add3A_987, %min3A_608 : vector<16xi32>
            %gather3A = tpu.vector_load_idx %arg7[%add3A_988, %mul3A_982] : memref<672x128xf32, #tpu.memory_space<vmem>>[vector<16xi32>, vector<16xi32>], vector<16xf32>,
            %swap3A_989 = arith.index_cast %and3A_986 : i32 to index
            %swap3A_990 = arith.constant 0 : index
            %swap3A_991 = tpu.vector_load %arg8[%swap3A_989, %swap3A_990] {strides = array<i32>} : memref<64x128xf32, #tpu.memory_space<vmem>>, vector<16xf32>,
            tpu.vector_store %arg8[%swap3A_989, %swap3A_990], %gather3A {strides = array<i32>} : memref<64x128xf32, #tpu.memory_space<vmem>>, vector<16xf32>,
            %add3A_992 = vector.broadcast %mul3A_976 : i32 to vector<16xi32>
            %add3A_993 = arith.addi %add3A_992, %min3A_614 : vector<16xi32>
            %gather3A_994 = tpu.vector_load_idx %arg7[%add3A_993, %mul3A_982] : memref<672x128xf32, #tpu.memory_space<vmem>>[vector<16xi32>, vector<16xi32>], vector<16xf32>,
            %swap3A_995 = arith.index_cast %and3A_986 : i32 to index
            %swap3A_996 = arith.constant 16 : index
            %swap3A_997 = tpu.vector_load %arg8[%swap3A_995, %swap3A_996] {strides = array<i32>} : memref<64x128xf32, #tpu.memory_space<vmem>>, vector<16xf32>,
            tpu.vector_store %arg8[%swap3A_995, %swap3A_996], %gather3A_994 {strides = array<i32>} : memref<64x128xf32, #tpu.memory_space<vmem>>, vector<16xf32>,
            %add3A_998 = vector.broadcast %mul3A_976 : i32 to vector<16xi32>
            %add3A_999 = arith.addi %add3A_998, %min3A_620 : vector<16xi32>
            %gather3A_1000 = tpu.vector_load_idx %arg7[%add3A_999, %mul3A_982] : memref<672x128xf32, #tpu.memory_space<vmem>>[vector<16xi32>, vector<16xi32>], vector<16xf32>,
            %swap3A_1001 = arith.index_cast %and3A_986 : i32 to index
            %swap3A_1002 = arith.constant 32 : index
            %swap3A_1003 = tpu.vector_load %arg8[%swap3A_1001, %swap3A_1002] {strides = array<i32>} : memref<64x128xf32, #tpu.memory_space<vmem>>, vector<16xf32>,
            tpu.vector_store %arg8[%swap3A_1001, %swap3A_1002], %gather3A_1000 {strides = array<i32>} : memref<64x128xf32, #tpu.memory_space<vmem>>, vector<16xf32>,
            %add3A_1004 = vector.broadcast %mul3A_976 : i32 to vector<16xi32>
            %add3A_1005 = arith.addi %add3A_1004, %min3A_626 : vector<16xi32>
            %gather3A_1006 = tpu.vector_load_idx %arg7[%add3A_1005, %mul3A_982] : memref<672x128xf32, #tpu.memory_space<vmem>>[vector<16xi32>, vector<16xi32>], vector<16xf32>,
            %swap3A_1007 = arith.index_cast %and3A_986 : i32 to index
            %swap3A_1008 = arith.constant 48 : index
            %swap3A_1009 = tpu.vector_load %arg8[%swap3A_1007, %swap3A_1008] {strides = array<i32>} : memref<64x128xf32, #tpu.memory_space<vmem>>, vector<16xf32>,
            tpu.vector_store %arg8[%swap3A_1007, %swap3A_1008], %gather3A_1006 {strides = array<i32>} : memref<64x128xf32, #tpu.memory_space<vmem>>, vector<16xf32>,
            %and3A_1010 = arith.constant 15 : i32
            %and3A_1011 = arith.andi %and3A_986, %and3A_1010 : i32
            %sub3A_1012 = arith.subi %and3A_986, %and3A_1011 : i32
            %and3A_1013 = arith.constant 15 : i32
            %and3A_1014 = arith.andi %and3A_986, %and3A_1013 : i32
            %eq3A = vector.broadcast %and3A_1014 : i32 to vector<16xi32>
            %eq3A_1015 = arith.cmpi eq, %iota3A, %eq3A : vector<16xi32>
            %get3A_1016 = arith.constant 0 : i32
            %get3A_1017 = arith.index_cast %get3A_1016 : i32 to index
            %get3A_1018 = arith.index_cast %sub3A_1012 : i32 to index
            %get3A_1019 = tpu.vector_load %arg9[%get3A_1017, %get3A_1018] {strides = array<i32>} : memref<1x64xi32, #tpu.memory_space<vmem>>, vector<16xi32>,
            %broadcast_in_dim3A_1020 = vector.broadcast %and3A_984 : i32 to vector<16xi32>
            %select_n3A_1021 = arith.select %eq3A_1015, %broadcast_in_dim3A_1020, %get3A_1019 : vector<16xi1>, vector<16xi32>
            %swap3A_1022 = arith.constant 0 : i32
            %swap3A_1023 = arith.index_cast %swap3A_1022 : i32 to index
            %swap3A_1024 = arith.index_cast %sub3A_1012 : i32 to index
            %swap3A_1025 = tpu.vector_load %arg9[%swap3A_1023, %swap3A_1024] {strides = array<i32>} : memref<1x64xi32, #tpu.memory_space<vmem>>, vector<16xi32>,
            tpu.vector_store %arg9[%swap3A_1023, %swap3A_1024], %select_n3A_1021 {strides = array<i32>} : memref<1x64xi32, #tpu.memory_space<vmem>>, vector<16xi32>,
            %eq3A_1026 = arith.constant 63 : i32
            %eq3A_1027 = arith.cmpi eq, %and3A_986, %eq3A_1026 : i32
            %convert_element_type3A_1028 = arith.extui %eq3A_1027 : i1 to i32
            %cond3A_1029 = arith.constant 0 : i32
            %cond3A_1030 = arith.cmpi ne, %convert_element_type3A_1028, %cond3A_1029 : i32
            scf.if %cond3A_1030 {
              %dma_start3A_1036 = arith.constant 0 : i32
              %dma_start3A_1037 = arith.constant 0 : i32
              %dma_start3A_1038 = tpu.memref_slice %arg9[%dma_start3A_1036, %dma_start3A_1037] : memref<1x64xi32, #tpu.memory_space<vmem>> -> memref<1x64xi32, #tpu.memory_space<vmem>>
              %dma_start3A_1039 = tpu.memref_squeeze %dma_start3A_1038 : memref<1x64xi32, #tpu.memory_space<vmem>> -> memref<64xi32, #tpu.memory_space<vmem>>
              %dma_start3A_1040 = arith.constant 0 : i32
              %dma_start3A_1041 = arith.constant 0 : i32
              %dma_start3A_1042 = tpu.memref_slice %arg4[%dma_start3A_1040, %dma_start3A_1041] : memref<16512x128xf32, #tpu.memory_space<hbm>> -> memref<16512x128xf32, #tpu.memory_space<hbm>>
              tpu.enqueue_indirect_dma source(%arg8 : memref<64x128xf32, #tpu.memory_space<vmem>>) target(%dma_start3A_1042 : memref<16512x128xf32, #tpu.memory_space<hbm>>) offsets(%dma_start3A_1039 : memref<64xi32, #tpu.memory_space<vmem>>) semaphore(%arg13 : memref<!tpu.dma_semaphore, #tpu.memory_space<semaphore_mem>>)
              %dma_wait3A_1043 = arith.constant 0 : i32
              %dma_wait3A_1044 = arith.constant 0 : i32
              %dma_wait3A_1045 = tpu.memref_slice %arg9[%dma_wait3A_1043, %dma_wait3A_1044] : memref<1x64xi32, #tpu.memory_space<vmem>> -> memref<1x64xi32, #tpu.memory_space<vmem>>
              %dma_wait3A_1046 = tpu.memref_squeeze %dma_wait3A_1045 : memref<1x64xi32, #tpu.memory_space<vmem>> -> memref<64xi32, #tpu.memory_space<vmem>>
              %dma_wait3A_1047 = arith.constant 0 : i32
              %dma_wait3A_1048 = arith.constant 0 : i32
              %dma_wait3A_1049 = tpu.memref_slice %arg4[%dma_wait3A_1047, %dma_wait3A_1048] : memref<16512x128xf32, #tpu.memory_space<hbm>> -> memref<16512x128xf32, #tpu.memory_space<hbm>>
              tpu.wait_indirect_dma semaphore(%arg13 : memref<!tpu.dma_semaphore, #tpu.memory_space<semaphore_mem>>) src(%arg8 : memref<64x128xf32, #tpu.memory_space<vmem>>) dst(%dma_wait3A_1049 : memref<16512x128xf32, #tpu.memory_space<hbm>>)
              %add3A_1050 = arith.constant 16384 : i32
              %add3A_1051 = vector.broadcast %add3A_1050 : i32 to vector<16xi32>
              %add3A_1052 = arith.addi %add3A_1051, %iota3A : vector<16xi32>
              %add3A_1053 = arith.constant 0 : i32
              %add3A_1054 = vector.broadcast %add3A_1053 : i32 to vector<16xi32>
              %add3A_1055 = arith.addi %add3A_1052, %add3A_1054 : vector<16xi32>
              %swap3A_1056 = arith.constant 0 : i32
              %swap3A_1057 = arith.index_cast %swap3A_1056 : i32 to index
              %swap3A_1058 = arith.constant 0 : index
              %swap3A_1059 = tpu.vector_load %arg9[%swap3A_1057, %swap3A_1058] {strides = array<i32>} : memref<1x64xi32, #tpu.memory_space<vmem>>, vector<16xi32>,
              tpu.vector_store %arg9[%swap3A_1057, %swap3A_1058], %add3A_1055 {strides = array<i32>} : memref<1x64xi32, #tpu.memory_space<vmem>>, vector<16xi32>,
              %add3A_1060 = arith.constant 16384 : i32
              %add3A_1061 = vector.broadcast %add3A_1060 : i32 to vector<16xi32>
              %add3A_1062 = arith.addi %add3A_1061, %iota3A : vector<16xi32>
              %add3A_1063 = arith.constant 16 : i32
              %add3A_1064 = vector.broadcast %add3A_1063 : i32 to vector<16xi32>
              %add3A_1065 = arith.addi %add3A_1062, %add3A_1064 : vector<16xi32>
              %swap3A_1066 = arith.constant 0 : i32
              %swap3A_1067 = arith.index_cast %swap3A_1066 : i32 to index
              %swap3A_1068 = arith.constant 16 : index
              %swap3A_1069 = tpu.vector_load %arg9[%swap3A_1067, %swap3A_1068] {strides = array<i32>} : memref<1x64xi32, #tpu.memory_space<vmem>>, vector<16xi32>,
              tpu.vector_store %arg9[%swap3A_1067, %swap3A_1068], %add3A_1065 {strides = array<i32>} : memref<1x64xi32, #tpu.memory_space<vmem>>, vector<16xi32>,
              %add3A_1070 = arith.constant 16384 : i32
              %add3A_1071 = vector.broadcast %add3A_1070 : i32 to vector<16xi32>
              %add3A_1072 = arith.addi %add3A_1071, %iota3A : vector<16xi32>
              %add3A_1073 = arith.constant 32 : i32
              %add3A_1074 = vector.broadcast %add3A_1073 : i32 to vector<16xi32>
              %add3A_1075 = arith.addi %add3A_1072, %add3A_1074 : vector<16xi32>
              %swap3A_1076 = arith.constant 0 : i32
              %swap3A_1077 = arith.index_cast %swap3A_1076 : i32 to index
              %swap3A_1078 = arith.constant 32 : index
              %swap3A_1079 = tpu.vector_load %arg9[%swap3A_1077, %swap3A_1078] {strides = array<i32>} : memref<1x64xi32, #tpu.memory_space<vmem>>, vector<16xi32>,
              tpu.vector_store %arg9[%swap3A_1077, %swap3A_1078], %add3A_1075 {strides = array<i32>} : memref<1x64xi32, #tpu.memory_space<vmem>>, vector<16xi32>,
              %add3A_1080 = arith.constant 16384 : i32
              %add3A_1081 = vector.broadcast %add3A_1080 : i32 to vector<16xi32>
              %add3A_1082 = arith.addi %add3A_1081, %iota3A : vector<16xi32>
              %add3A_1083 = arith.constant 48 : i32
              %add3A_1084 = vector.broadcast %add3A_1083 : i32 to vector<16xi32>
              %add3A_1085 = arith.addi %add3A_1082, %add3A_1084 : vector<16xi32>
              %swap3A_1086 = arith.constant 0 : i32
              %swap3A_1087 = arith.index_cast %swap3A_1086 : i32 to index
              %swap3A_1088 = arith.constant 48 : index
              %swap3A_1089 = tpu.vector_load %arg9[%swap3A_1087, %swap3A_1088] {strides = array<i32>} : memref<1x64xi32, #tpu.memory_space<vmem>>, vector<16xi32>,
              tpu.vector_store %arg9[%swap3A_1087, %swap3A_1088], %add3A_1085 {strides = array<i32>} : memref<1x64xi32, #tpu.memory_space<vmem>>, vector<16xi32>,
            } else {
            }
            %add3A_1031 = arith.constant 1 : i32
            %add3A_1032 = arith.addi %while3A_960, %add3A_1031 : i32
            %ne3A_1033 = vector.broadcast %squeeze3A_963 : i32 to vector<16xi32>
            %ne3A_1034 = arith.cmpi ne, %iota3A, %ne3A_1033 : vector<16xi32>
            %and3A_1035 = arith.andi %while3A_961, %ne3A_1034 : vector<16xi1>
            scf.yield %add3A_1032, %and3A_1035 : i32, vector<16xi1>
          }
          %while3A_957 = arith.constant 1 : i32
          %while3A_958:2 = scf.for %while3A_959 = %while3A_954 to %while3A_950 step %while3A_957 iter_args(%while3A_960 = %while3A_956#0, %while3A_961 = %while3A_956#1) -> (i32, vector<16xi1>)  : i32 {
            %all_reduce_ffs3A = tpu.all_reduce %while3A_961 {dim = 0 : i64, kind = #tpu.reduction_kind<find_first_set>} : vector<16xi1> -> vector<16xi32>
            %slice3A_962 = vector.extract_strided_slice %all_reduce_ffs3A {offsets = [0], sizes = [1], strides = [1]} : vector<16xi32> to vector<1xi32>
            %squeeze3A_963 = vector.extract %slice3A_962[0] : i32 from vector<1xi32>
            %get3A_964 = arith.index_cast %squeeze3A_963 : i32 to index
            %get3A_965 = tpu.vector_load %arg11[%get3A_964] {strides = array<i32>} : memref<32xi32, #tpu.memory_space<vmem>>, vector<16xi32>,
            %slice3A_966 = vector.extract_strided_slice %get3A_965 {offsets = [0], sizes = [1], strides = [1]} : vector<16xi32> to vector<1xi32>
            %squeeze3A_967 = vector.extract %slice3A_966[0] : i32 from vector<1xi32>
            %shift_right_logical3A_968 = arith.constant 21 : i32
            %shift_right_logical3A_969 = arith.shrui %squeeze3A_967, %shift_right_logical3A_968 : i32
            %mul3A_970 = arith.constant 6 : i32
            %mul3A_971 = arith.muli %mul3A_482, %mul3A_970 : i32
            %sub3A_972 = arith.subi %shift_right_logical3A_969, %mul3A_971 : i32
            %add3A_973 = arith.constant 0 : i32
            %add3A_974 = arith.addi %sub3A_972, %add3A_973 : i32
            %mul3A_975 = arith.constant 56 : i32
            %mul3A_976 = arith.muli %add3A_974, %mul3A_975 : i32
            %shift_right_logical3A_977 = arith.constant 14 : i32
            %shift_right_logical3A_978 = arith.shrui %squeeze3A_967, %shift_right_logical3A_977 : i32
            %and3A_979 = arith.constant 127 : i32
            %and3A_980 = arith.andi %shift_right_logical3A_978, %and3A_979 : i32
            %mul3A_981 = vector.broadcast %and3A_980 : i32 to vector<16xi32>
            %mul3A_982 = arith.muli %broadcast_in_dim3A_49, %mul3A_981 : vector<16xi32>
            %and3A_983 = arith.constant 16383 : i32
            %and3A_984 = arith.andi %squeeze3A_967, %and3A_983 : i32
            %and3A_985 = arith.constant 63 : i32
            %and3A_986 = arith.andi %while3A_960, %and3A_985 : i32
            %add3A_987 = vector.broadcast %mul3A_976 : i32 to vector<16xi32>
            %add3A_988 = arith.addi %add3A_987, %min3A_608 : vector<16xi32>
            %gather3A = tpu.vector_load_idx %arg7[%add3A_988, %mul3A_982] : memref<672x128xf32, #tpu.memory_space<vmem>>[vector<16xi32>, vector<16xi32>], vector<16xf32>,
            %swap3A_989 = arith.index_cast %and3A_986 : i32 to index
            %swap3A_990 = arith.constant 0 : index
            %swap3A_991 = tpu.vector_load %arg8[%swap3A_989, %swap3A_990] {strides = array<i32>} : memref<64x128xf32, #tpu.memory_space<vmem>>, vector<16xf32>,
            tpu.vector_store %arg8[%swap3A_989, %swap3A_990], %gather3A {strides = array<i32>} : memref<64x128xf32, #tpu.memory_space<vmem>>, vector<16xf32>,
            %add3A_992 = vector.broadcast %mul3A_976 : i32 to vector<16xi32>
            %add3A_993 = arith.addi %add3A_992, %min3A_614 : vector<16xi32>
            %gather3A_994 = tpu.vector_load_idx %arg7[%add3A_993, %mul3A_982] : memref<672x128xf32, #tpu.memory_space<vmem>>[vector<16xi32>, vector<16xi32>], vector<16xf32>,
            %swap3A_995 = arith.index_cast %and3A_986 : i32 to index
            %swap3A_996 = arith.constant 16 : index
            %swap3A_997 = tpu.vector_load %arg8[%swap3A_995, %swap3A_996] {strides = array<i32>} : memref<64x128xf32, #tpu.memory_space<vmem>>, vector<16xf32>,
            tpu.vector_store %arg8[%swap3A_995, %swap3A_996], %gather3A_994 {strides = array<i32>} : memref<64x128xf32, #tpu.memory_space<vmem>>, vector<16xf32>,
            %add3A_998 = vector.broadcast %mul3A_976 : i32 to vector<16xi32>
            %add3A_999 = arith.addi %add3A_998, %min3A_620 : vector<16xi32>
            %gather3A_1000 = tpu.vector_load_idx %arg7[%add3A_999, %mul3A_982] : memref<672x128xf32, #tpu.memory_space<vmem>>[vector<16xi32>, vector<16xi32>], vector<16xf32>,
            %swap3A_1001 = arith.index_cast %and3A_986 : i32 to index
            %swap3A_1002 = arith.constant 32 : index
            %swap3A_1003 = tpu.vector_load %arg8[%swap3A_1001, %swap3A_1002] {strides = array<i32>} : memref<64x128xf32, #tpu.memory_space<vmem>>, vector<16xf32>,
            tpu.vector_store %arg8[%swap3A_1001, %swap3A_1002], %gather3A_1000 {strides = array<i32>} : memref<64x128xf32, #tpu.memory_space<vmem>>, vector<16xf32>,
            %add3A_1004 = vector.broadcast %mul3A_976 : i32 to vector<16xi32>
            %add3A_1005 = arith.addi %add3A_1004, %min3A_626 : vector<16xi32>
            %gather3A_1006 = tpu.vector_load_idx %arg7[%add3A_1005, %mul3A_982] : memref<672x128xf32, #tpu.memory_space<vmem>>[vector<16xi32>, vector<16xi32>], vector<16xf32>,
            %swap3A_1007 = arith.index_cast %and3A_986 : i32 to index
            %swap3A_1008 = arith.constant 48 : index
            %swap3A_1009 = tpu.vector_load %arg8[%swap3A_1007, %swap3A_1008] {strides = array<i32>} : memref<64x128xf32, #tpu.memory_space<vmem>>, vector<16xf32>,
            tpu.vector_store %arg8[%swap3A_1007, %swap3A_1008], %gather3A_1006 {strides = array<i32>} : memref<64x128xf32, #tpu.memory_space<vmem>>, vector<16xf32>,
            %and3A_1010 = arith.constant 15 : i32
            %and3A_1011 = arith.andi %and3A_986, %and3A_1010 : i32
            %sub3A_1012 = arith.subi %and3A_986, %and3A_1011 : i32
            %and3A_1013 = arith.constant 15 : i32
            %and3A_1014 = arith.andi %and3A_986, %and3A_1013 : i32
            %eq3A = vector.broadcast %and3A_1014 : i32 to vector<16xi32>
            %eq3A_1015 = arith.cmpi eq, %iota3A, %eq3A : vector<16xi32>
            %get3A_1016 = arith.constant 0 : i32
            %get3A_1017 = arith.index_cast %get3A_1016 : i32 to index
            %get3A_1018 = arith.index_cast %sub3A_1012 : i32 to index
            %get3A_1019 = tpu.vector_load %arg9[%get3A_1017, %get3A_1018] {strides = array<i32>} : memref<1x64xi32, #tpu.memory_space<vmem>>, vector<16xi32>,
            %broadcast_in_dim3A_1020 = vector.broadcast %and3A_984 : i32 to vector<16xi32>
            %select_n3A_1021 = arith.select %eq3A_1015, %broadcast_in_dim3A_1020, %get3A_1019 : vector<16xi1>, vector<16xi32>
            %swap3A_1022 = arith.constant 0 : i32
            %swap3A_1023 = arith.index_cast %swap3A_1022 : i32 to index
            %swap3A_1024 = arith.index_cast %sub3A_1012 : i32 to index
            %swap3A_1025 = tpu.vector_load %arg9[%swap3A_1023, %swap3A_1024] {strides = array<i32>} : memref<1x64xi32, #tpu.memory_space<vmem>>, vector<16xi32>,
            tpu.vector_store %arg9[%swap3A_1023, %swap3A_1024], %select_n3A_1021 {strides = array<i32>} : memref<1x64xi32, #tpu.memory_space<vmem>>, vector<16xi32>,
            %eq3A_1026 = arith.constant 63 : i32
            %eq3A_1027 = arith.cmpi eq, %and3A_986, %eq3A_1026 : i32
            %convert_element_type3A_1028 = arith.extui %eq3A_1027 : i1 to i32
            %cond3A_1029 = arith.constant 0 : i32
            %cond3A_1030 = arith.cmpi ne, %convert_element_type3A_1028, %cond3A_1029 : i32
            scf.if %cond3A_1030 {
              %dma_start3A_1036 = arith.constant 0 : i32
              %dma_start3A_1037 = arith.constant 0 : i32
              %dma_start3A_1038 = tpu.memref_slice %arg9[%dma_start3A_1036, %dma_start3A_1037] : memref<1x64xi32, #tpu.memory_space<vmem>> -> memref<1x64xi32, #tpu.memory_space<vmem>>
              %dma_start3A_1039 = tpu.memref_squeeze %dma_start3A_1038 : memref<1x64xi32, #tpu.memory_space<vmem>> -> memref<64xi32, #tpu.memory_space<vmem>>
              %dma_start3A_1040 = arith.constant 0 : i32
              %dma_start3A_1041 = arith.constant 0 : i32
              %dma_start3A_1042 = tpu.memref_slice %arg4[%dma_start3A_1040, %dma_start3A_1041] : memref<16512x128xf32, #tpu.memory_space<hbm>> -> memref<16512x128xf32, #tpu.memory_space<hbm>>
              tpu.enqueue_indirect_dma source(%arg8 : memref<64x128xf32, #tpu.memory_space<vmem>>) target(%dma_start3A_1042 : memref<16512x128xf32, #tpu.memory_space<hbm>>) offsets(%dma_start3A_1039 : memref<64xi32, #tpu.memory_space<vmem>>) semaphore(%arg13 : memref<!tpu.dma_semaphore, #tpu.memory_space<semaphore_mem>>)
              %dma_wait3A_1043 = arith.constant 0 : i32
              %dma_wait3A_1044 = arith.constant 0 : i32
              %dma_wait3A_1045 = tpu.memref_slice %arg9[%dma_wait3A_1043, %dma_wait3A_1044] : memref<1x64xi32, #tpu.memory_space<vmem>> -> memref<1x64xi32, #tpu.memory_space<vmem>>
              %dma_wait3A_1046 = tpu.memref_squeeze %dma_wait3A_1045 : memref<1x64xi32, #tpu.memory_space<vmem>> -> memref<64xi32, #tpu.memory_space<vmem>>
              %dma_wait3A_1047 = arith.constant 0 : i32
              %dma_wait3A_1048 = arith.constant 0 : i32
              %dma_wait3A_1049 = tpu.memref_slice %arg4[%dma_wait3A_1047, %dma_wait3A_1048] : memref<16512x128xf32, #tpu.memory_space<hbm>> -> memref<16512x128xf32, #tpu.memory_space<hbm>>
              tpu.wait_indirect_dma semaphore(%arg13 : memref<!tpu.dma_semaphore, #tpu.memory_space<semaphore_mem>>) src(%arg8 : memref<64x128xf32, #tpu.memory_space<vmem>>) dst(%dma_wait3A_1049 : memref<16512x128xf32, #tpu.memory_space<hbm>>)
              %add3A_1050 = arith.constant 16384 : i32
              %add3A_1051 = vector.broadcast %add3A_1050 : i32 to vector<16xi32>
              %add3A_1052 = arith.addi %add3A_1051, %iota3A : vector<16xi32>
              %add3A_1053 = arith.constant 0 : i32
              %add3A_1054 = vector.broadcast %add3A_1053 : i32 to vector<16xi32>
              %add3A_1055 = arith.addi %add3A_1052, %add3A_1054 : vector<16xi32>
              %swap3A_1056 = arith.constant 0 : i32
              %swap3A_1057 = arith.index_cast %swap3A_1056 : i32 to index
              %swap3A_1058 = arith.constant 0 : index
              %swap3A_1059 = tpu.vector_load %arg9[%swap3A_1057, %swap3A_1058] {strides = array<i32>} : memref<1x64xi32, #tpu.memory_space<vmem>>, vector<16xi32>,
              tpu.vector_store %arg9[%swap3A_1057, %swap3A_1058], %add3A_1055 {strides = array<i32>} : memref<1x64xi32, #tpu.memory_space<vmem>>, vector<16xi32>,
              %add3A_1060 = arith.constant 16384 : i32
              %add3A_1061 = vector.broadcast %add3A_1060 : i32 to vector<16xi32>
              %add3A_1062 = arith.addi %add3A_1061, %iota3A : vector<16xi32>
              %add3A_1063 = arith.constant 16 : i32
              %add3A_1064 = vector.broadcast %add3A_1063 : i32 to vector<16xi32>
              %add3A_1065 = arith.addi %add3A_1062, %add3A_1064 : vector<16xi32>
              %swap3A_1066 = arith.constant 0 : i32
              %swap3A_1067 = arith.index_cast %swap3A_1066 : i32 to index
              %swap3A_1068 = arith.constant 16 : index
              %swap3A_1069 = tpu.vector_load %arg9[%swap3A_1067, %swap3A_1068] {strides = array<i32>} : memref<1x64xi32, #tpu.memory_space<vmem>>, vector<16xi32>,
              tpu.vector_store %arg9[%swap3A_1067, %swap3A_1068], %add3A_1065 {strides = array<i32>} : memref<1x64xi32, #tpu.memory_space<vmem>>, vector<16xi32>,
              %add3A_1070 = arith.constant 16384 : i32
              %add3A_1071 = vector.broadcast %add3A_1070 : i32 to vector<16xi32>
              %add3A_1072 = arith.addi %add3A_1071, %iota3A : vector<16xi32>
              %add3A_1073 = arith.constant 32 : i32
              %add3A_1074 = vector.broadcast %add3A_1073 : i32 to vector<16xi32>
              %add3A_1075 = arith.addi %add3A_1072, %add3A_1074 : vector<16xi32>
              %swap3A_1076 = arith.constant 0 : i32
              %swap3A_1077 = arith.index_cast %swap3A_1076 : i32 to index
              %swap3A_1078 = arith.constant 32 : index
              %swap3A_1079 = tpu.vector_load %arg9[%swap3A_1077, %swap3A_1078] {strides = array<i32>} : memref<1x64xi32, #tpu.memory_space<vmem>>, vector<16xi32>,
              tpu.vector_store %arg9[%swap3A_1077, %swap3A_1078], %add3A_1075 {strides = array<i32>} : memref<1x64xi32, #tpu.memory_space<vmem>>, vector<16xi32>,
              %add3A_1080 = arith.constant 16384 : i32
              %add3A_1081 = vector.broadcast %add3A_1080 : i32 to vector<16xi32>
              %add3A_1082 = arith.addi %add3A_1081, %iota3A : vector<16xi32>
              %add3A_1083 = arith.constant 48 : i32
              %add3A_1084 = vector.broadcast %add3A_1083 : i32 to vector<16xi32>
              %add3A_1085 = arith.addi %add3A_1082, %add3A_1084 : vector<16xi32>
              %swap3A_1086 = arith.constant 0 : i32
              %swap3A_1087 = arith.index_cast %swap3A_1086 : i32 to index
              %swap3A_1088 = arith.constant 48 : index
              %swap3A_1089 = tpu.vector_load %arg9[%swap3A_1087, %swap3A_1088] {strides = array<i32>} : memref<1x64xi32, #tpu.memory_space<vmem>>, vector<16xi32>,
              tpu.vector_store %arg9[%swap3A_1087, %swap3A_1088], %add3A_1085 {strides = array<i32>} : memref<1x64xi32, #tpu.memory_space<vmem>>, vector<16xi32>,
            } else {
            }
            %add3A_1031 = arith.constant 1 : i32
            %add3A_1032 = arith.addi %while3A_960, %add3A_1031 : i32
            %ne3A_1033 = vector.broadcast %squeeze3A_963 : i32 to vector<16xi32>
            %ne3A_1034 = arith.cmpi ne, %iota3A, %ne3A_1033 : vector<16xi32>
            %and3A_1035 = arith.andi %while3A_961, %ne3A_1034 : vector<16xi1>
            scf.yield %add3A_1032, %and3A_1035 : i32, vector<16xi1>
          }
          scf.yield %while3A_958#0 : i32
        } else {
          scf.yield %while3A_921 : i32
        }
        scf.yield %cond3A_945 : i32
      }
      %while3A_635 = arith.constant 1 : i32
      %while3A_636 = scf.for %while3A_920 = %while3A_632 to %while3A_628 step %while3A_635 iter_args(%while3A_921 = %while3A_634) -> (i32)  : i32 {
        %mul3A_922 = arith.constant 16 : i32
        %mul3A_923 = arith.muli %mul3A_922, %while3A_920 : i32
        %get3A_924 = arith.index_cast %mul3A_923 : i32 to index
        %get3A_925 = tpu.vector_load %arg6[%get3A_924] {strides = array<i32>} : memref<16416xi32, #tpu.memory_space<vmem>>, vector<16xi32>,
        %shift_right_logical3A = arith.constant 21 : i32
        %shift_right_logical3A_926 = vector.broadcast %shift_right_logical3A : i32 to vector<16xi32>
        %shift_right_logical3A_927 = arith.shrui %get3A_925, %shift_right_logical3A_926 : vector<16xi32>
        %mul3A_928 = arith.constant 6 : i32
        %mul3A_929 = arith.muli %mul3A_482, %mul3A_928 : i32
        %ge3A = vector.broadcast %mul3A_929 : i32 to vector<16xi32>
        %ge3A_930 = arith.cmpi sge, %shift_right_logical3A_927, %ge3A : vector<16xi32>
        %mul3A_931 = arith.constant 6 : i32
        %mul3A_932 = arith.muli %mul3A_482, %mul3A_931 : i32
        %add3A_933 = arith.constant 6 : i32
        %add3A_934 = arith.addi %mul3A_932, %add3A_933 : i32
        %lt3A_935 = vector.broadcast %add3A_934 : i32 to vector<16xi32>
        %lt3A_936 = arith.cmpi slt, %shift_right_logical3A_927, %lt3A_935 : vector<16xi32>
        %and3A_937 = arith.andi %ge3A_930, %lt3A_936 : vector<16xi1>
        %all_reduce_population_count3A = tpu.all_reduce %and3A_937 {dim = 0 : i64, kind = #tpu.reduction_kind<sum>} : vector<16xi1> -> vector<16xi32>
        %slice3A_938 = vector.extract_strided_slice %all_reduce_population_count3A {offsets = [0], sizes = [1], strides = [1]} : vector<16xi32> to vector<1xi32>
        %squeeze3A_939 = vector.extract %slice3A_938[0] : i32 from vector<1xi32>
        %gt3A_940 = arith.constant 0 : i32
        %gt3A_941 = arith.cmpi sgt, %squeeze3A_939, %gt3A_940 : i32
        %convert_element_type3A_942 = arith.extui %gt3A_941 : i1 to i32
        %cond3A_943 = arith.constant 0 : i32
        %cond3A_944 = arith.cmpi ne, %convert_element_type3A_942, %cond3A_943 : i32
        %cond3A_945 = scf.if %cond3A_944 -> (i32) {
          %swap3A_946 = arith.constant 0 : index
          %swap3A_947 = tpu.vector_load %arg11[%swap3A_946] {strides = array<i32>} : memref<32xi32, #tpu.memory_space<vmem>>, vector<16xi32>,
          tpu.vector_store %arg11[%swap3A_946], %get3A_925 {strides = array<i32>} : memref<32xi32, #tpu.memory_space<vmem>>, vector<16xi32>,
          %while3A_948 = arith.constant 0 : i32
          %while3A_949 = arith.subi %squeeze3A_939, %while3A_948 : i32
          %while3A_950 = arith.addi %while3A_948, %while3A_949 : i32
          %while3A_951 = arith.constant 1 : i32
          %while3A_952 = arith.divsi %while3A_949, %while3A_951 : i32
          %while3A_953 = arith.muli %while3A_952, %while3A_951 : i32
          %while3A_954 = arith.addi %while3A_948, %while3A_953 : i32
          %while3A_955 = arith.constant 1 : i32
          %while3A_956:2 = scf.for %while3A_959 = %while3A_948 to %while3A_954 step %while3A_955 iter_args(%while3A_960 = %while3A_921, %while3A_961 = %and3A_937) -> (i32, vector<16xi1>)  : i32 {
            %all_reduce_ffs3A = tpu.all_reduce %while3A_961 {dim = 0 : i64, kind = #tpu.reduction_kind<find_first_set>} : vector<16xi1> -> vector<16xi32>
            %slice3A_962 = vector.extract_strided_slice %all_reduce_ffs3A {offsets = [0], sizes = [1], strides = [1]} : vector<16xi32> to vector<1xi32>
            %squeeze3A_963 = vector.extract %slice3A_962[0] : i32 from vector<1xi32>
            %get3A_964 = arith.index_cast %squeeze3A_963 : i32 to index
            %get3A_965 = tpu.vector_load %arg11[%get3A_964] {strides = array<i32>} : memref<32xi32, #tpu.memory_space<vmem>>, vector<16xi32>,
            %slice3A_966 = vector.extract_strided_slice %get3A_965 {offsets = [0], sizes = [1], strides = [1]} : vector<16xi32> to vector<1xi32>
            %squeeze3A_967 = vector.extract %slice3A_966[0] : i32 from vector<1xi32>
            %shift_right_logical3A_968 = arith.constant 21 : i32
            %shift_right_logical3A_969 = arith.shrui %squeeze3A_967, %shift_right_logical3A_968 : i32
            %mul3A_970 = arith.constant 6 : i32
            %mul3A_971 = arith.muli %mul3A_482, %mul3A_970 : i32
            %sub3A_972 = arith.subi %shift_right_logical3A_969, %mul3A_971 : i32
            %add3A_973 = arith.constant 0 : i32
            %add3A_974 = arith.addi %sub3A_972, %add3A_973 : i32
            %mul3A_975 = arith.constant 56 : i32
            %mul3A_976 = arith.muli %add3A_974, %mul3A_975 : i32
            %shift_right_logical3A_977 = arith.constant 14 : i32
            %shift_right_logical3A_978 = arith.shrui %squeeze3A_967, %shift_right_logical3A_977 : i32
            %and3A_979 = arith.constant 127 : i32
            %and3A_980 = arith.andi %shift_right_logical3A_978, %and3A_979 : i32
            %mul3A_981 = vector.broadcast %and3A_980 : i32 to vector<16xi32>
            %mul3A_982 = arith.muli %broadcast_in_dim3A_49, %mul3A_981 : vector<16xi32>
            %and3A_983 = arith.constant 16383 : i32
            %and3A_984 = arith.andi %squeeze3A_967, %and3A_983 : i32
            %and3A_985 = arith.constant 63 : i32
            %and3A_986 = arith.andi %while3A_960, %and3A_985 : i32
            %add3A_987 = vector.broadcast %mul3A_976 : i32 to vector<16xi32>
            %add3A_988 = arith.addi %add3A_987, %min3A_608 : vector<16xi32>
            %gather3A = tpu.vector_load_idx %arg7[%add3A_988, %mul3A_982] : memref<672x128xf32, #tpu.memory_space<vmem>>[vector<16xi32>, vector<16xi32>], vector<16xf32>,
            %swap3A_989 = arith.index_cast %and3A_986 : i32 to index
            %swap3A_990 = arith.constant 0 : index
            %swap3A_991 = tpu.vector_load %arg8[%swap3A_989, %swap3A_990] {strides = array<i32>} : memref<64x128xf32, #tpu.memory_space<vmem>>, vector<16xf32>,
            tpu.vector_store %arg8[%swap3A_989, %swap3A_990], %gather3A {strides = array<i32>} : memref<64x128xf32, #tpu.memory_space<vmem>>, vector<16xf32>,
            %add3A_992 = vector.broadcast %mul3A_976 : i32 to vector<16xi32>
            %add3A_993 = arith.addi %add3A_992, %min3A_614 : vector<16xi32>
            %gather3A_994 = tpu.vector_load_idx %arg7[%add3A_993, %mul3A_982] : memref<672x128xf32, #tpu.memory_space<vmem>>[vector<16xi32>, vector<16xi32>], vector<16xf32>,
            %swap3A_995 = arith.index_cast %and3A_986 : i32 to index
            %swap3A_996 = arith.constant 16 : index
            %swap3A_997 = tpu.vector_load %arg8[%swap3A_995, %swap3A_996] {strides = array<i32>} : memref<64x128xf32, #tpu.memory_space<vmem>>, vector<16xf32>,
            tpu.vector_store %arg8[%swap3A_995, %swap3A_996], %gather3A_994 {strides = array<i32>} : memref<64x128xf32, #tpu.memory_space<vmem>>, vector<16xf32>,
            %add3A_998 = vector.broadcast %mul3A_976 : i32 to vector<16xi32>
            %add3A_999 = arith.addi %add3A_998, %min3A_620 : vector<16xi32>
            %gather3A_1000 = tpu.vector_load_idx %arg7[%add3A_999, %mul3A_982] : memref<672x128xf32, #tpu.memory_space<vmem>>[vector<16xi32>, vector<16xi32>], vector<16xf32>,
            %swap3A_1001 = arith.index_cast %and3A_986 : i32 to index
            %swap3A_1002 = arith.constant 32 : index
            %swap3A_1003 = tpu.vector_load %arg8[%swap3A_1001, %swap3A_1002] {strides = array<i32>} : memref<64x128xf32, #tpu.memory_space<vmem>>, vector<16xf32>,
            tpu.vector_store %arg8[%swap3A_1001, %swap3A_1002], %gather3A_1000 {strides = array<i32>} : memref<64x128xf32, #tpu.memory_space<vmem>>, vector<16xf32>,
            %add3A_1004 = vector.broadcast %mul3A_976 : i32 to vector<16xi32>
            %add3A_1005 = arith.addi %add3A_1004, %min3A_626 : vector<16xi32>
            %gather3A_1006 = tpu.vector_load_idx %arg7[%add3A_1005, %mul3A_982] : memref<672x128xf32, #tpu.memory_space<vmem>>[vector<16xi32>, vector<16xi32>], vector<16xf32>,
            %swap3A_1007 = arith.index_cast %and3A_986 : i32 to index
            %swap3A_1008 = arith.constant 48 : index
            %swap3A_1009 = tpu.vector_load %arg8[%swap3A_1007, %swap3A_1008] {strides = array<i32>} : memref<64x128xf32, #tpu.memory_space<vmem>>, vector<16xf32>,
            tpu.vector_store %arg8[%swap3A_1007, %swap3A_1008], %gather3A_1006 {strides = array<i32>} : memref<64x128xf32, #tpu.memory_space<vmem>>, vector<16xf32>,
            %and3A_1010 = arith.constant 15 : i32
            %and3A_1011 = arith.andi %and3A_986, %and3A_1010 : i32
            %sub3A_1012 = arith.subi %and3A_986, %and3A_1011 : i32
            %and3A_1013 = arith.constant 15 : i32
            %and3A_1014 = arith.andi %and3A_986, %and3A_1013 : i32
            %eq3A = vector.broadcast %and3A_1014 : i32 to vector<16xi32>
            %eq3A_1015 = arith.cmpi eq, %iota3A, %eq3A : vector<16xi32>
            %get3A_1016 = arith.constant 0 : i32
            %get3A_1017 = arith.index_cast %get3A_1016 : i32 to index
            %get3A_1018 = arith.index_cast %sub3A_1012 : i32 to index
            %get3A_1019 = tpu.vector_load %arg9[%get3A_1017, %get3A_1018] {strides = array<i32>} : memref<1x64xi32, #tpu.memory_space<vmem>>, vector<16xi32>,
            %broadcast_in_dim3A_1020 = vector.broadcast %and3A_984 : i32 to vector<16xi32>
            %select_n3A_1021 = arith.select %eq3A_1015, %broadcast_in_dim3A_1020, %get3A_1019 : vector<16xi1>, vector<16xi32>
            %swap3A_1022 = arith.constant 0 : i32
            %swap3A_1023 = arith.index_cast %swap3A_1022 : i32 to index
            %swap3A_1024 = arith.index_cast %sub3A_1012 : i32 to index
            %swap3A_1025 = tpu.vector_load %arg9[%swap3A_1023, %swap3A_1024] {strides = array<i32>} : memref<1x64xi32, #tpu.memory_space<vmem>>, vector<16xi32>,
            tpu.vector_store %arg9[%swap3A_1023, %swap3A_1024], %select_n3A_1021 {strides = array<i32>} : memref<1x64xi32, #tpu.memory_space<vmem>>, vector<16xi32>,
            %eq3A_1026 = arith.constant 63 : i32
            %eq3A_1027 = arith.cmpi eq, %and3A_986, %eq3A_1026 : i32
            %convert_element_type3A_1028 = arith.extui %eq3A_1027 : i1 to i32
            %cond3A_1029 = arith.constant 0 : i32
            %cond3A_1030 = arith.cmpi ne, %convert_element_type3A_1028, %cond3A_1029 : i32
            scf.if %cond3A_1030 {
              %dma_start3A_1036 = arith.constant 0 : i32
              %dma_start3A_1037 = arith.constant 0 : i32
              %dma_start3A_1038 = tpu.memref_slice %arg9[%dma_start3A_1036, %dma_start3A_1037] : memref<1x64xi32, #tpu.memory_space<vmem>> -> memref<1x64xi32, #tpu.memory_space<vmem>>
              %dma_start3A_1039 = tpu.memref_squeeze %dma_start3A_1038 : memref<1x64xi32, #tpu.memory_space<vmem>> -> memref<64xi32, #tpu.memory_space<vmem>>
              %dma_start3A_1040 = arith.constant 0 : i32
              %dma_start3A_1041 = arith.constant 0 : i32
              %dma_start3A_1042 = tpu.memref_slice %arg4[%dma_start3A_1040, %dma_start3A_1041] : memref<16512x128xf32, #tpu.memory_space<hbm>> -> memref<16512x128xf32, #tpu.memory_space<hbm>>
              tpu.enqueue_indirect_dma source(%arg8 : memref<64x128xf32, #tpu.memory_space<vmem>>) target(%dma_start3A_1042 : memref<16512x128xf32, #tpu.memory_space<hbm>>) offsets(%dma_start3A_1039 : memref<64xi32, #tpu.memory_space<vmem>>) semaphore(%arg13 : memref<!tpu.dma_semaphore, #tpu.memory_space<semaphore_mem>>)
              %dma_wait3A_1043 = arith.constant 0 : i32
              %dma_wait3A_1044 = arith.constant 0 : i32
              %dma_wait3A_1045 = tpu.memref_slice %arg9[%dma_wait3A_1043, %dma_wait3A_1044] : memref<1x64xi32, #tpu.memory_space<vmem>> -> memref<1x64xi32, #tpu.memory_space<vmem>>
              %dma_wait3A_1046 = tpu.memref_squeeze %dma_wait3A_1045 : memref<1x64xi32, #tpu.memory_space<vmem>> -> memref<64xi32, #tpu.memory_space<vmem>>
              %dma_wait3A_1047 = arith.constant 0 : i32
              %dma_wait3A_1048 = arith.constant 0 : i32
              %dma_wait3A_1049 = tpu.memref_slice %arg4[%dma_wait3A_1047, %dma_wait3A_1048] : memref<16512x128xf32, #tpu.memory_space<hbm>> -> memref<16512x128xf32, #tpu.memory_space<hbm>>
              tpu.wait_indirect_dma semaphore(%arg13 : memref<!tpu.dma_semaphore, #tpu.memory_space<semaphore_mem>>) src(%arg8 : memref<64x128xf32, #tpu.memory_space<vmem>>) dst(%dma_wait3A_1049 : memref<16512x128xf32, #tpu.memory_space<hbm>>)
              %add3A_1050 = arith.constant 16384 : i32
              %add3A_1051 = vector.broadcast %add3A_1050 : i32 to vector<16xi32>
              %add3A_1052 = arith.addi %add3A_1051, %iota3A : vector<16xi32>
              %add3A_1053 = arith.constant 0 : i32
              %add3A_1054 = vector.broadcast %add3A_1053 : i32 to vector<16xi32>
              %add3A_1055 = arith.addi %add3A_1052, %add3A_1054 : vector<16xi32>
              %swap3A_1056 = arith.constant 0 : i32
              %swap3A_1057 = arith.index_cast %swap3A_1056 : i32 to index
              %swap3A_1058 = arith.constant 0 : index
              %swap3A_1059 = tpu.vector_load %arg9[%swap3A_1057, %swap3A_1058] {strides = array<i32>} : memref<1x64xi32, #tpu.memory_space<vmem>>, vector<16xi32>,
              tpu.vector_store %arg9[%swap3A_1057, %swap3A_1058], %add3A_1055 {strides = array<i32>} : memref<1x64xi32, #tpu.memory_space<vmem>>, vector<16xi32>,
              %add3A_1060 = arith.constant 16384 : i32
              %add3A_1061 = vector.broadcast %add3A_1060 : i32 to vector<16xi32>
              %add3A_1062 = arith.addi %add3A_1061, %iota3A : vector<16xi32>
              %add3A_1063 = arith.constant 16 : i32
              %add3A_1064 = vector.broadcast %add3A_1063 : i32 to vector<16xi32>
              %add3A_1065 = arith.addi %add3A_1062, %add3A_1064 : vector<16xi32>
              %swap3A_1066 = arith.constant 0 : i32
              %swap3A_1067 = arith.index_cast %swap3A_1066 : i32 to index
              %swap3A_1068 = arith.constant 16 : index
              %swap3A_1069 = tpu.vector_load %arg9[%swap3A_1067, %swap3A_1068] {strides = array<i32>} : memref<1x64xi32, #tpu.memory_space<vmem>>, vector<16xi32>,
              tpu.vector_store %arg9[%swap3A_1067, %swap3A_1068], %add3A_1065 {strides = array<i32>} : memref<1x64xi32, #tpu.memory_space<vmem>>, vector<16xi32>,
              %add3A_1070 = arith.constant 16384 : i32
              %add3A_1071 = vector.broadcast %add3A_1070 : i32 to vector<16xi32>
              %add3A_1072 = arith.addi %add3A_1071, %iota3A : vector<16xi32>
              %add3A_1073 = arith.constant 32 : i32
              %add3A_1074 = vector.broadcast %add3A_1073 : i32 to vector<16xi32>
              %add3A_1075 = arith.addi %add3A_1072, %add3A_1074 : vector<16xi32>
              %swap3A_1076 = arith.constant 0 : i32
              %swap3A_1077 = arith.index_cast %swap3A_1076 : i32 to index
              %swap3A_1078 = arith.constant 32 : index
              %swap3A_1079 = tpu.vector_load %arg9[%swap3A_1077, %swap3A_1078] {strides = array<i32>} : memref<1x64xi32, #tpu.memory_space<vmem>>, vector<16xi32>,
              tpu.vector_store %arg9[%swap3A_1077, %swap3A_1078], %add3A_1075 {strides = array<i32>} : memref<1x64xi32, #tpu.memory_space<vmem>>, vector<16xi32>,
              %add3A_1080 = arith.constant 16384 : i32
              %add3A_1081 = vector.broadcast %add3A_1080 : i32 to vector<16xi32>
              %add3A_1082 = arith.addi %add3A_1081, %iota3A : vector<16xi32>
              %add3A_1083 = arith.constant 48 : i32
              %add3A_1084 = vector.broadcast %add3A_1083 : i32 to vector<16xi32>
              %add3A_1085 = arith.addi %add3A_1082, %add3A_1084 : vector<16xi32>
              %swap3A_1086 = arith.constant 0 : i32
              %swap3A_1087 = arith.index_cast %swap3A_1086 : i32 to index
              %swap3A_1088 = arith.constant 48 : index
              %swap3A_1089 = tpu.vector_load %arg9[%swap3A_1087, %swap3A_1088] {strides = array<i32>} : memref<1x64xi32, #tpu.memory_space<vmem>>, vector<16xi32>,
              tpu.vector_store %arg9[%swap3A_1087, %swap3A_1088], %add3A_1085 {strides = array<i32>} : memref<1x64xi32, #tpu.memory_space<vmem>>, vector<16xi32>,
            } else {
            }
            %add3A_1031 = arith.constant 1 : i32
            %add3A_1032 = arith.addi %while3A_960, %add3A_1031 : i32
            %ne3A_1033 = vector.broadcast %squeeze3A_963 : i32 to vector<16xi32>
            %ne3A_1034 = arith.cmpi ne, %iota3A, %ne3A_1033 : vector<16xi32>
            %and3A_1035 = arith.andi %while3A_961, %ne3A_1034 : vector<16xi1>
            scf.yield %add3A_1032, %and3A_1035 : i32, vector<16xi1>
          }
          %while3A_957 = arith.constant 1 : i32
          %while3A_958:2 = scf.for %while3A_959 = %while3A_954 to %while3A_950 step %while3A_957 iter_args(%while3A_960 = %while3A_956#0, %while3A_961 = %while3A_956#1) -> (i32, vector<16xi1>)  : i32 {
            %all_reduce_ffs3A = tpu.all_reduce %while3A_961 {dim = 0 : i64, kind = #tpu.reduction_kind<find_first_set>} : vector<16xi1> -> vector<16xi32>
            %slice3A_962 = vector.extract_strided_slice %all_reduce_ffs3A {offsets = [0], sizes = [1], strides = [1]} : vector<16xi32> to vector<1xi32>
            %squeeze3A_963 = vector.extract %slice3A_962[0] : i32 from vector<1xi32>
            %get3A_964 = arith.index_cast %squeeze3A_963 : i32 to index
            %get3A_965 = tpu.vector_load %arg11[%get3A_964] {strides = array<i32>} : memref<32xi32, #tpu.memory_space<vmem>>, vector<16xi32>,
            %slice3A_966 = vector.extract_strided_slice %get3A_965 {offsets = [0], sizes = [1], strides = [1]} : vector<16xi32> to vector<1xi32>
            %squeeze3A_967 = vector.extract %slice3A_966[0] : i32 from vector<1xi32>
            %shift_right_logical3A_968 = arith.constant 21 : i32
            %shift_right_logical3A_969 = arith.shrui %squeeze3A_967, %shift_right_logical3A_968 : i32
            %mul3A_970 = arith.constant 6 : i32
            %mul3A_971 = arith.muli %mul3A_482, %mul3A_970 : i32
            %sub3A_972 = arith.subi %shift_right_logical3A_969, %mul3A_971 : i32
            %add3A_973 = arith.constant 0 : i32
            %add3A_974 = arith.addi %sub3A_972, %add3A_973 : i32
            %mul3A_975 = arith.constant 56 : i32
            %mul3A_976 = arith.muli %add3A_974, %mul3A_975 : i32
            %shift_right_logical3A_977 = arith.constant 14 : i32
            %shift_right_logical3A_978 = arith.shrui %squeeze3A_967, %shift_right_logical3A_977 : i32
            %and3A_979 = arith.constant 127 : i32
            %and3A_980 = arith.andi %shift_right_logical3A_978, %and3A_979 : i32
            %mul3A_981 = vector.broadcast %and3A_980 : i32 to vector<16xi32>
            %mul3A_982 = arith.muli %broadcast_in_dim3A_49, %mul3A_981 : vector<16xi32>
            %and3A_983 = arith.constant 16383 : i32
            %and3A_984 = arith.andi %squeeze3A_967, %and3A_983 : i32
            %and3A_985 = arith.constant 63 : i32
            %and3A_986 = arith.andi %while3A_960, %and3A_985 : i32
            %add3A_987 = vector.broadcast %mul3A_976 : i32 to vector<16xi32>
            %add3A_988 = arith.addi %add3A_987, %min3A_608 : vector<16xi32>
            %gather3A = tpu.vector_load_idx %arg7[%add3A_988, %mul3A_982] : memref<672x128xf32, #tpu.memory_space<vmem>>[vector<16xi32>, vector<16xi32>], vector<16xf32>,
            %swap3A_989 = arith.index_cast %and3A_986 : i32 to index
            %swap3A_990 = arith.constant 0 : index
            %swap3A_991 = tpu.vector_load %arg8[%swap3A_989, %swap3A_990] {strides = array<i32>} : memref<64x128xf32, #tpu.memory_space<vmem>>, vector<16xf32>,
            tpu.vector_store %arg8[%swap3A_989, %swap3A_990], %gather3A {strides = array<i32>} : memref<64x128xf32, #tpu.memory_space<vmem>>, vector<16xf32>,
            %add3A_992 = vector.broadcast %mul3A_976 : i32 to vector<16xi32>
            %add3A_993 = arith.addi %add3A_992, %min3A_614 : vector<16xi32>
            %gather3A_994 = tpu.vector_load_idx %arg7[%add3A_993, %mul3A_982] : memref<672x128xf32, #tpu.memory_space<vmem>>[vector<16xi32>, vector<16xi32>], vector<16xf32>,
            %swap3A_995 = arith.index_cast %and3A_986 : i32 to index
            %swap3A_996 = arith.constant 16 : index
            %swap3A_997 = tpu.vector_load %arg8[%swap3A_995, %swap3A_996] {strides = array<i32>} : memref<64x128xf32, #tpu.memory_space<vmem>>, vector<16xf32>,
            tpu.vector_store %arg8[%swap3A_995, %swap3A_996], %gather3A_994 {strides = array<i32>} : memref<64x128xf32, #tpu.memory_space<vmem>>, vector<16xf32>,
            %add3A_998 = vector.broadcast %mul3A_976 : i32 to vector<16xi32>
            %add3A_999 = arith.addi %add3A_998, %min3A_620 : vector<16xi32>
            %gather3A_1000 = tpu.vector_load_idx %arg7[%add3A_999, %mul3A_982] : memref<672x128xf32, #tpu.memory_space<vmem>>[vector<16xi32>, vector<16xi32>], vector<16xf32>,
            %swap3A_1001 = arith.index_cast %and3A_986 : i32 to index
            %swap3A_1002 = arith.constant 32 : index
            %swap3A_1003 = tpu.vector_load %arg8[%swap3A_1001, %swap3A_1002] {strides = array<i32>} : memref<64x128xf32, #tpu.memory_space<vmem>>, vector<16xf32>,
            tpu.vector_store %arg8[%swap3A_1001, %swap3A_1002], %gather3A_1000 {strides = array<i32>} : memref<64x128xf32, #tpu.memory_space<vmem>>, vector<16xf32>,
            %add3A_1004 = vector.broadcast %mul3A_976 : i32 to vector<16xi32>
            %add3A_1005 = arith.addi %add3A_1004, %min3A_626 : vector<16xi32>
            %gather3A_1006 = tpu.vector_load_idx %arg7[%add3A_1005, %mul3A_982] : memref<672x128xf32, #tpu.memory_space<vmem>>[vector<16xi32>, vector<16xi32>], vector<16xf32>,
            %swap3A_1007 = arith.index_cast %and3A_986 : i32 to index
            %swap3A_1008 = arith.constant 48 : index
            %swap3A_1009 = tpu.vector_load %arg8[%swap3A_1007, %swap3A_1008] {strides = array<i32>} : memref<64x128xf32, #tpu.memory_space<vmem>>, vector<16xf32>,
            tpu.vector_store %arg8[%swap3A_1007, %swap3A_1008], %gather3A_1006 {strides = array<i32>} : memref<64x128xf32, #tpu.memory_space<vmem>>, vector<16xf32>,
            %and3A_1010 = arith.constant 15 : i32
            %and3A_1011 = arith.andi %and3A_986, %and3A_1010 : i32
            %sub3A_1012 = arith.subi %and3A_986, %and3A_1011 : i32
            %and3A_1013 = arith.constant 15 : i32
            %and3A_1014 = arith.andi %and3A_986, %and3A_1013 : i32
            %eq3A = vector.broadcast %and3A_1014 : i32 to vector<16xi32>
            %eq3A_1015 = arith.cmpi eq, %iota3A, %eq3A : vector<16xi32>
            %get3A_1016 = arith.constant 0 : i32
            %get3A_1017 = arith.index_cast %get3A_1016 : i32 to index
            %get3A_1018 = arith.index_cast %sub3A_1012 : i32 to index
            %get3A_1019 = tpu.vector_load %arg9[%get3A_1017, %get3A_1018] {strides = array<i32>} : memref<1x64xi32, #tpu.memory_space<vmem>>, vector<16xi32>,
            %broadcast_in_dim3A_1020 = vector.broadcast %and3A_984 : i32 to vector<16xi32>
            %select_n3A_1021 = arith.select %eq3A_1015, %broadcast_in_dim3A_1020, %get3A_1019 : vector<16xi1>, vector<16xi32>
            %swap3A_1022 = arith.constant 0 : i32
            %swap3A_1023 = arith.index_cast %swap3A_1022 : i32 to index
            %swap3A_1024 = arith.index_cast %sub3A_1012 : i32 to index
            %swap3A_1025 = tpu.vector_load %arg9[%swap3A_1023, %swap3A_1024] {strides = array<i32>} : memref<1x64xi32, #tpu.memory_space<vmem>>, vector<16xi32>,
            tpu.vector_store %arg9[%swap3A_1023, %swap3A_1024], %select_n3A_1021 {strides = array<i32>} : memref<1x64xi32, #tpu.memory_space<vmem>>, vector<16xi32>,
            %eq3A_1026 = arith.constant 63 : i32
            %eq3A_1027 = arith.cmpi eq, %and3A_986, %eq3A_1026 : i32
            %convert_element_type3A_1028 = arith.extui %eq3A_1027 : i1 to i32
            %cond3A_1029 = arith.constant 0 : i32
            %cond3A_1030 = arith.cmpi ne, %convert_element_type3A_1028, %cond3A_1029 : i32
            scf.if %cond3A_1030 {
              %dma_start3A_1036 = arith.constant 0 : i32
              %dma_start3A_1037 = arith.constant 0 : i32
              %dma_start3A_1038 = tpu.memref_slice %arg9[%dma_start3A_1036, %dma_start3A_1037] : memref<1x64xi32, #tpu.memory_space<vmem>> -> memref<1x64xi32, #tpu.memory_space<vmem>>
              %dma_start3A_1039 = tpu.memref_squeeze %dma_start3A_1038 : memref<1x64xi32, #tpu.memory_space<vmem>> -> memref<64xi32, #tpu.memory_space<vmem>>
              %dma_start3A_1040 = arith.constant 0 : i32
              %dma_start3A_1041 = arith.constant 0 : i32
              %dma_start3A_1042 = tpu.memref_slice %arg4[%dma_start3A_1040, %dma_start3A_1041] : memref<16512x128xf32, #tpu.memory_space<hbm>> -> memref<16512x128xf32, #tpu.memory_space<hbm>>
              tpu.enqueue_indirect_dma source(%arg8 : memref<64x128xf32, #tpu.memory_space<vmem>>) target(%dma_start3A_1042 : memref<16512x128xf32, #tpu.memory_space<hbm>>) offsets(%dma_start3A_1039 : memref<64xi32, #tpu.memory_space<vmem>>) semaphore(%arg13 : memref<!tpu.dma_semaphore, #tpu.memory_space<semaphore_mem>>)
              %dma_wait3A_1043 = arith.constant 0 : i32
              %dma_wait3A_1044 = arith.constant 0 : i32
              %dma_wait3A_1045 = tpu.memref_slice %arg9[%dma_wait3A_1043, %dma_wait3A_1044] : memref<1x64xi32, #tpu.memory_space<vmem>> -> memref<1x64xi32, #tpu.memory_space<vmem>>
              %dma_wait3A_1046 = tpu.memref_squeeze %dma_wait3A_1045 : memref<1x64xi32, #tpu.memory_space<vmem>> -> memref<64xi32, #tpu.memory_space<vmem>>
              %dma_wait3A_1047 = arith.constant 0 : i32
              %dma_wait3A_1048 = arith.constant 0 : i32
              %dma_wait3A_1049 = tpu.memref_slice %arg4[%dma_wait3A_1047, %dma_wait3A_1048] : memref<16512x128xf32, #tpu.memory_space<hbm>> -> memref<16512x128xf32, #tpu.memory_space<hbm>>
              tpu.wait_indirect_dma semaphore(%arg13 : memref<!tpu.dma_semaphore, #tpu.memory_space<semaphore_mem>>) src(%arg8 : memref<64x128xf32, #tpu.memory_space<vmem>>) dst(%dma_wait3A_1049 : memref<16512x128xf32, #tpu.memory_space<hbm>>)
              %add3A_1050 = arith.constant 16384 : i32
              %add3A_1051 = vector.broadcast %add3A_1050 : i32 to vector<16xi32>
              %add3A_1052 = arith.addi %add3A_1051, %iota3A : vector<16xi32>
              %add3A_1053 = arith.constant 0 : i32
              %add3A_1054 = vector.broadcast %add3A_1053 : i32 to vector<16xi32>
              %add3A_1055 = arith.addi %add3A_1052, %add3A_1054 : vector<16xi32>
              %swap3A_1056 = arith.constant 0 : i32
              %swap3A_1057 = arith.index_cast %swap3A_1056 : i32 to index
              %swap3A_1058 = arith.constant 0 : index
              %swap3A_1059 = tpu.vector_load %arg9[%swap3A_1057, %swap3A_1058] {strides = array<i32>} : memref<1x64xi32, #tpu.memory_space<vmem>>, vector<16xi32>,
              tpu.vector_store %arg9[%swap3A_1057, %swap3A_1058], %add3A_1055 {strides = array<i32>} : memref<1x64xi32, #tpu.memory_space<vmem>>, vector<16xi32>,
              %add3A_1060 = arith.constant 16384 : i32
              %add3A_1061 = vector.broadcast %add3A_1060 : i32 to vector<16xi32>
              %add3A_1062 = arith.addi %add3A_1061, %iota3A : vector<16xi32>
              %add3A_1063 = arith.constant 16 : i32
              %add3A_1064 = vector.broadcast %add3A_1063 : i32 to vector<16xi32>
              %add3A_1065 = arith.addi %add3A_1062, %add3A_1064 : vector<16xi32>
              %swap3A_1066 = arith.constant 0 : i32
              %swap3A_1067 = arith.index_cast %swap3A_1066 : i32 to index
              %swap3A_1068 = arith.constant 16 : index
              %swap3A_1069 = tpu.vector_load %arg9[%swap3A_1067, %swap3A_1068] {strides = array<i32>} : memref<1x64xi32, #tpu.memory_space<vmem>>, vector<16xi32>,
              tpu.vector_store %arg9[%swap3A_1067, %swap3A_1068], %add3A_1065 {strides = array<i32>} : memref<1x64xi32, #tpu.memory_space<vmem>>, vector<16xi32>,
              %add3A_1070 = arith.constant 16384 : i32
              %add3A_1071 = vector.broadcast %add3A_1070 : i32 to vector<16xi32>
              %add3A_1072 = arith.addi %add3A_1071, %iota3A : vector<16xi32>
              %add3A_1073 = arith.constant 32 : i32
              %add3A_1074 = vector.broadcast %add3A_1073 : i32 to vector<16xi32>
              %add3A_1075 = arith.addi %add3A_1072, %add3A_1074 : vector<16xi32>
              %swap3A_1076 = arith.constant 0 : i32
              %swap3A_1077 = arith.index_cast %swap3A_1076 : i32 to index
              %swap3A_1078 = arith.constant 32 : index
              %swap3A_1079 = tpu.vector_load %arg9[%swap3A_1077, %swap3A_1078] {strides = array<i32>} : memref<1x64xi32, #tpu.memory_space<vmem>>, vector<16xi32>,
              tpu.vector_store %arg9[%swap3A_1077, %swap3A_1078], %add3A_1075 {strides = array<i32>} : memref<1x64xi32, #tpu.memory_space<vmem>>, vector<16xi32>,
              %add3A_1080 = arith.constant 16384 : i32
              %add3A_1081 = vector.broadcast %add3A_1080 : i32 to vector<16xi32>
              %add3A_1082 = arith.addi %add3A_1081, %iota3A : vector<16xi32>
              %add3A_1083 = arith.constant 48 : i32
              %add3A_1084 = vector.broadcast %add3A_1083 : i32 to vector<16xi32>
              %add3A_1085 = arith.addi %add3A_1082, %add3A_1084 : vector<16xi32>
              %swap3A_1086 = arith.constant 0 : i32
              %swap3A_1087 = arith.index_cast %swap3A_1086 : i32 to index
              %swap3A_1088 = arith.constant 48 : index
              %swap3A_1089 = tpu.vector_load %arg9[%swap3A_1087, %swap3A_1088] {strides = array<i32>} : memref<1x64xi32, #tpu.memory_space<vmem>>, vector<16xi32>,
              tpu.vector_store %arg9[%swap3A_1087, %swap3A_1088], %add3A_1085 {strides = array<i32>} : memref<1x64xi32, #tpu.memory_space<vmem>>, vector<16xi32>,
            } else {
            }
            %add3A_1031 = arith.constant 1 : i32
            %add3A_1032 = arith.addi %while3A_960, %add3A_1031 : i32
            %ne3A_1033 = vector.broadcast %squeeze3A_963 : i32 to vector<16xi32>
            %ne3A_1034 = arith.cmpi ne, %iota3A, %ne3A_1033 : vector<16xi32>
            %and3A_1035 = arith.andi %while3A_961, %ne3A_1034 : vector<16xi1>
            scf.yield %add3A_1032, %and3A_1035 : i32, vector<16xi1>
          }
          scf.yield %while3A_958#0 : i32
        } else {
          scf.yield %while3A_921 : i32
        }
        scf.yield %cond3A_945 : i32
      }
      %mul3A_637 = arith.constant 2 : i32
      %mul3A_638 = arith.muli %mul3A_637, %scan3A_355 : i32
      %add3A_639 = arith.constant 2 : i32
      %add3A_640 = arith.addi %mul3A_638, %add3A_639 : i32
      %mul3A_641 = arith.constant 6 : i32
      %mul3A_642 = arith.muli %add3A_640, %mul3A_641 : i32
      %add3A_643 = arith.constant 0 : i32
      %add3A_644 = arith.addi %mul3A_642, %add3A_643 : i32
      %add3A_645 = arith.addi %select_n3A, %add3A_644 : i32
      %lt3A_646 = arith.cmpi slt, %add3A_645, %select_n3A_46 : i32
      %jit3A_647 = arith.constant 0 : i32
      %jit3A_648 = arith.constant 255 : i32
      %max3A_649 = arith.maxsi %jit3A_647, %add3A_644 : i32
      %min3A_650 = arith.minsi %jit3A_648, %max3A_649 : i32
      %get3A_651 = arith.index_cast %min3A_650 : i32 to index
      %get3A_652 = tpu.vector_load %arg10[%get3A_651] {strides = array<i32>} : memref<272xi32, #tpu.memory_space<vmem>>, vector<16xi32>,
      %slice3A_653 = vector.extract_strided_slice %get3A_652 {offsets = [0], sizes = [1], strides = [1]} : vector<16xi32> to vector<1xi32>
      %squeeze3A_654 = vector.extract %slice3A_653[0] : i32 from vector<1xi32>
      %gt3A_655 = arith.constant 0 : i32
      %gt3A_656 = arith.cmpi sgt, %squeeze3A_654, %gt3A_655 : i32
      %and3A_657 = arith.andi %lt3A_646, %gt3A_656 : i1
      %convert_element_type3A_658 = arith.extui %and3A_657 : i1 to i32
      %cond3A_659 = arith.constant 0 : i32
      %cond3A_660 = arith.cmpi ne, %convert_element_type3A_658, %cond3A_659 : i32
      scf.if %cond3A_660 {
        %mul3A_920 = arith.constant 128 : i32
        %mul3A_921 = arith.muli %add3A_645, %mul3A_920 : i32
        %dma_start3A_922 = arith.constant 0 : i32
        %dma_start3A_923 = arith.constant 0 : i32
        %dma_start3A_924 = arith.constant 0 : i32
        %dma_start3A_925 = tpu.memref_slice %arg7[%dma_start3A_923, %dma_start3A_924] : memref<672x128xf32, #tpu.memory_space<vmem>> -> memref<50x128xf32, #tpu.memory_space<vmem>>
        %dma_start3A_926 = arith.constant 0 : i32
        %dma_start3A_927 = tpu.memref_slice %arg2[%dma_start3A_926, %mul3A_921] : memref<50x1000000xf32, #tpu.memory_space<hbm>> -> memref<50x128xf32, #tpu.memory_space<hbm>>
        %dma_start3A_928 = tpu.memref_slice %arg12[%dma_start3A_922] : memref<12x!tpu.dma_semaphore, #tpu.memory_space<semaphore_mem>> -> memref<1x!tpu.dma_semaphore, #tpu.memory_space<semaphore_mem>>
        %dma_start3A_929 = tpu.memref_squeeze %dma_start3A_928 : memref<1x!tpu.dma_semaphore, #tpu.memory_space<semaphore_mem>> -> memref<!tpu.dma_semaphore, #tpu.memory_space<semaphore_mem>>
        %dma_start3A_930 = arith.constant 0 : i32
        %dma_start3A_931 = arith.constant 0 : i32
        %dma_start3A_932 = tpu.memref_slice %arg7[%dma_start3A_930, %dma_start3A_931] : memref<672x128xf32, #tpu.memory_space<vmem>> -> memref<50x128xf32, #tpu.memory_space<vmem>>
        %dma_start3A_933 = arith.constant 0 : i32
        %dma_start3A_934 = tpu.memref_slice %arg2[%dma_start3A_933, %mul3A_921] : memref<50x1000000xf32, #tpu.memory_space<hbm>> -> memref<50x128xf32, #tpu.memory_space<hbm>>
        tpu.enqueue_dma source(%dma_start3A_934 : memref<50x128xf32, #tpu.memory_space<hbm>>) target(%dma_start3A_932 : memref<50x128xf32, #tpu.memory_space<vmem>>) target_semaphore(%dma_start3A_929 : memref<!tpu.dma_semaphore, #tpu.memory_space<semaphore_mem>>)
      } else {
      }
      %mul3A_661 = arith.constant 6 : i32
      %mul3A_662 = arith.muli %add3A_640, %mul3A_661 : i32
      %add3A_663 = arith.constant 1 : i32
      %add3A_664 = arith.addi %mul3A_662, %add3A_663 : i32
      %add3A_665 = arith.addi %select_n3A, %add3A_664 : i32
      %lt3A_666 = arith.cmpi slt, %add3A_665, %select_n3A_46 : i32
      %jit3A_667 = arith.constant 0 : i32
      %jit3A_668 = arith.constant 255 : i32
      %max3A_669 = arith.maxsi %jit3A_667, %add3A_664 : i32
      %min3A_670 = arith.minsi %jit3A_668, %max3A_669 : i32
      %get3A_671 = arith.index_cast %min3A_670 : i32 to index
      %get3A_672 = tpu.vector_load %arg10[%get3A_671] {strides = array<i32>} : memref<272xi32, #tpu.memory_space<vmem>>, vector<16xi32>,
      %slice3A_673 = vector.extract_strided_slice %get3A_672 {offsets = [0], sizes = [1], strides = [1]} : vector<16xi32> to vector<1xi32>
      %squeeze3A_674 = vector.extract %slice3A_673[0] : i32 from vector<1xi32>
      %gt3A_675 = arith.constant 0 : i32
      %gt3A_676 = arith.cmpi sgt, %squeeze3A_674, %gt3A_675 : i32
      %and3A_677 = arith.andi %lt3A_666, %gt3A_676 : i1
      %convert_element_type3A_678 = arith.extui %and3A_677 : i1 to i32
      %cond3A_679 = arith.constant 0 : i32
      %cond3A_680 = arith.cmpi ne, %convert_element_type3A_678, %cond3A_679 : i32
      scf.if %cond3A_680 {
        %mul3A_920 = arith.constant 128 : i32
        %mul3A_921 = arith.muli %add3A_665, %mul3A_920 : i32
        %dma_start3A_922 = arith.constant 1 : i32
        %dma_start3A_923 = arith.constant 56 : i32
        %dma_start3A_924 = arith.constant 0 : i32
        %dma_start3A_925 = tpu.memref_slice %arg7[%dma_start3A_923, %dma_start3A_924] : memref<672x128xf32, #tpu.memory_space<vmem>> -> memref<50x128xf32, #tpu.memory_space<vmem>>
        %dma_start3A_926 = arith.constant 0 : i32
        %dma_start3A_927 = tpu.memref_slice %arg2[%dma_start3A_926, %mul3A_921] : memref<50x1000000xf32, #tpu.memory_space<hbm>> -> memref<50x128xf32, #tpu.memory_space<hbm>>
        %dma_start3A_928 = tpu.memref_slice %arg12[%dma_start3A_922] : memref<12x!tpu.dma_semaphore, #tpu.memory_space<semaphore_mem>> -> memref<1x!tpu.dma_semaphore, #tpu.memory_space<semaphore_mem>>
        %dma_start3A_929 = tpu.memref_squeeze %dma_start3A_928 : memref<1x!tpu.dma_semaphore, #tpu.memory_space<semaphore_mem>> -> memref<!tpu.dma_semaphore, #tpu.memory_space<semaphore_mem>>
        %dma_start3A_930 = arith.constant 56 : i32
        %dma_start3A_931 = arith.constant 0 : i32
        %dma_start3A_932 = tpu.memref_slice %arg7[%dma_start3A_930, %dma_start3A_931] : memref<672x128xf32, #tpu.memory_space<vmem>> -> memref<50x128xf32, #tpu.memory_space<vmem>>
        %dma_start3A_933 = arith.constant 0 : i32
        %dma_start3A_934 = tpu.memref_slice %arg2[%dma_start3A_933, %mul3A_921] : memref<50x1000000xf32, #tpu.memory_space<hbm>> -> memref<50x128xf32, #tpu.memory_space<hbm>>
        tpu.enqueue_dma source(%dma_start3A_934 : memref<50x128xf32, #tpu.memory_space<hbm>>) target(%dma_start3A_932 : memref<50x128xf32, #tpu.memory_space<vmem>>) target_semaphore(%dma_start3A_929 : memref<!tpu.dma_semaphore, #tpu.memory_space<semaphore_mem>>)
      } else {
      }
      %mul3A_681 = arith.constant 6 : i32
      %mul3A_682 = arith.muli %add3A_640, %mul3A_681 : i32
      %add3A_683 = arith.constant 2 : i32
      %add3A_684 = arith.addi %mul3A_682, %add3A_683 : i32
      %add3A_685 = arith.addi %select_n3A, %add3A_684 : i32
      %lt3A_686 = arith.cmpi slt, %add3A_685, %select_n3A_46 : i32
      %jit3A_687 = arith.constant 0 : i32
      %jit3A_688 = arith.constant 255 : i32
      %max3A_689 = arith.maxsi %jit3A_687, %add3A_684 : i32
      %min3A_690 = arith.minsi %jit3A_688, %max3A_689 : i32
      %get3A_691 = arith.index_cast %min3A_690 : i32 to index
      %get3A_692 = tpu.vector_load %arg10[%get3A_691] {strides = array<i32>} : memref<272xi32, #tpu.memory_space<vmem>>, vector<16xi32>,
      %slice3A_693 = vector.extract_strided_slice %get3A_692 {offsets = [0], sizes = [1], strides = [1]} : vector<16xi32> to vector<1xi32>
      %squeeze3A_694 = vector.extract %slice3A_693[0] : i32 from vector<1xi32>
      %gt3A_695 = arith.constant 0 : i32
      %gt3A_696 = arith.cmpi sgt, %squeeze3A_694, %gt3A_695 : i32
      %and3A_697 = arith.andi %lt3A_686, %gt3A_696 : i1
      %convert_element_type3A_698 = arith.extui %and3A_697 : i1 to i32
      %cond3A_699 = arith.constant 0 : i32
      %cond3A_700 = arith.cmpi ne, %convert_element_type3A_698, %cond3A_699 : i32
      scf.if %cond3A_700 {
        %mul3A_920 = arith.constant 128 : i32
        %mul3A_921 = arith.muli %add3A_685, %mul3A_920 : i32
        %dma_start3A_922 = arith.constant 2 : i32
        %dma_start3A_923 = arith.constant 112 : i32
        %dma_start3A_924 = arith.constant 0 : i32
        %dma_start3A_925 = tpu.memref_slice %arg7[%dma_start3A_923, %dma_start3A_924] : memref<672x128xf32, #tpu.memory_space<vmem>> -> memref<50x128xf32, #tpu.memory_space<vmem>>
        %dma_start3A_926 = arith.constant 0 : i32
        %dma_start3A_927 = tpu.memref_slice %arg2[%dma_start3A_926, %mul3A_921] : memref<50x1000000xf32, #tpu.memory_space<hbm>> -> memref<50x128xf32, #tpu.memory_space<hbm>>
        %dma_start3A_928 = tpu.memref_slice %arg12[%dma_start3A_922] : memref<12x!tpu.dma_semaphore, #tpu.memory_space<semaphore_mem>> -> memref<1x!tpu.dma_semaphore, #tpu.memory_space<semaphore_mem>>
        %dma_start3A_929 = tpu.memref_squeeze %dma_start3A_928 : memref<1x!tpu.dma_semaphore, #tpu.memory_space<semaphore_mem>> -> memref<!tpu.dma_semaphore, #tpu.memory_space<semaphore_mem>>
        %dma_start3A_930 = arith.constant 112 : i32
        %dma_start3A_931 = arith.constant 0 : i32
        %dma_start3A_932 = tpu.memref_slice %arg7[%dma_start3A_930, %dma_start3A_931] : memref<672x128xf32, #tpu.memory_space<vmem>> -> memref<50x128xf32, #tpu.memory_space<vmem>>
        %dma_start3A_933 = arith.constant 0 : i32
        %dma_start3A_934 = tpu.memref_slice %arg2[%dma_start3A_933, %mul3A_921] : memref<50x1000000xf32, #tpu.memory_space<hbm>> -> memref<50x128xf32, #tpu.memory_space<hbm>>
        tpu.enqueue_dma source(%dma_start3A_934 : memref<50x128xf32, #tpu.memory_space<hbm>>) target(%dma_start3A_932 : memref<50x128xf32, #tpu.memory_space<vmem>>) target_semaphore(%dma_start3A_929 : memref<!tpu.dma_semaphore, #tpu.memory_space<semaphore_mem>>)
      } else {
      }
      %mul3A_701 = arith.constant 6 : i32
      %mul3A_702 = arith.muli %add3A_640, %mul3A_701 : i32
      %add3A_703 = arith.constant 3 : i32
      %add3A_704 = arith.addi %mul3A_702, %add3A_703 : i32
      %add3A_705 = arith.addi %select_n3A, %add3A_704 : i32
      %lt3A_706 = arith.cmpi slt, %add3A_705, %select_n3A_46 : i32
      %jit3A_707 = arith.constant 0 : i32
      %jit3A_708 = arith.constant 255 : i32
      %max3A_709 = arith.maxsi %jit3A_707, %add3A_704 : i32
      %min3A_710 = arith.minsi %jit3A_708, %max3A_709 : i32
      %get3A_711 = arith.index_cast %min3A_710 : i32 to index
      %get3A_712 = tpu.vector_load %arg10[%get3A_711] {strides = array<i32>} : memref<272xi32, #tpu.memory_space<vmem>>, vector<16xi32>,
      %slice3A_713 = vector.extract_strided_slice %get3A_712 {offsets = [0], sizes = [1], strides = [1]} : vector<16xi32> to vector<1xi32>
      %squeeze3A_714 = vector.extract %slice3A_713[0] : i32 from vector<1xi32>
      %gt3A_715 = arith.constant 0 : i32
      %gt3A_716 = arith.cmpi sgt, %squeeze3A_714, %gt3A_715 : i32
      %and3A_717 = arith.andi %lt3A_706, %gt3A_716 : i1
      %convert_element_type3A_718 = arith.extui %and3A_717 : i1 to i32
      %cond3A_719 = arith.constant 0 : i32
      %cond3A_720 = arith.cmpi ne, %convert_element_type3A_718, %cond3A_719 : i32
      scf.if %cond3A_720 {
        %mul3A_920 = arith.constant 128 : i32
        %mul3A_921 = arith.muli %add3A_705, %mul3A_920 : i32
        %dma_start3A_922 = arith.constant 3 : i32
        %dma_start3A_923 = arith.constant 168 : i32
        %dma_start3A_924 = arith.constant 0 : i32
        %dma_start3A_925 = tpu.memref_slice %arg7[%dma_start3A_923, %dma_start3A_924] : memref<672x128xf32, #tpu.memory_space<vmem>> -> memref<50x128xf32, #tpu.memory_space<vmem>>
        %dma_start3A_926 = arith.constant 0 : i32
        %dma_start3A_927 = tpu.memref_slice %arg2[%dma_start3A_926, %mul3A_921] : memref<50x1000000xf32, #tpu.memory_space<hbm>> -> memref<50x128xf32, #tpu.memory_space<hbm>>
        %dma_start3A_928 = tpu.memref_slice %arg12[%dma_start3A_922] : memref<12x!tpu.dma_semaphore, #tpu.memory_space<semaphore_mem>> -> memref<1x!tpu.dma_semaphore, #tpu.memory_space<semaphore_mem>>
        %dma_start3A_929 = tpu.memref_squeeze %dma_start3A_928 : memref<1x!tpu.dma_semaphore, #tpu.memory_space<semaphore_mem>> -> memref<!tpu.dma_semaphore, #tpu.memory_space<semaphore_mem>>
        %dma_start3A_930 = arith.constant 168 : i32
        %dma_start3A_931 = arith.constant 0 : i32
        %dma_start3A_932 = tpu.memref_slice %arg7[%dma_start3A_930, %dma_start3A_931] : memref<672x128xf32, #tpu.memory_space<vmem>> -> memref<50x128xf32, #tpu.memory_space<vmem>>
        %dma_start3A_933 = arith.constant 0 : i32
        %dma_start3A_934 = tpu.memref_slice %arg2[%dma_start3A_933, %mul3A_921] : memref<50x1000000xf32, #tpu.memory_space<hbm>> -> memref<50x128xf32, #tpu.memory_space<hbm>>
        tpu.enqueue_dma source(%dma_start3A_934 : memref<50x128xf32, #tpu.memory_space<hbm>>) target(%dma_start3A_932 : memref<50x128xf32, #tpu.memory_space<vmem>>) target_semaphore(%dma_start3A_929 : memref<!tpu.dma_semaphore, #tpu.memory_space<semaphore_mem>>)
      } else {
      }
      %mul3A_721 = arith.constant 6 : i32
      %mul3A_722 = arith.muli %add3A_640, %mul3A_721 : i32
      %add3A_723 = arith.constant 4 : i32
      %add3A_724 = arith.addi %mul3A_722, %add3A_723 : i32
      %add3A_725 = arith.addi %select_n3A, %add3A_724 : i32
      %lt3A_726 = arith.cmpi slt, %add3A_725, %select_n3A_46 : i32
      %jit3A_727 = arith.constant 0 : i32
      %jit3A_728 = arith.constant 255 : i32
      %max3A_729 = arith.maxsi %jit3A_727, %add3A_724 : i32
      %min3A_730 = arith.minsi %jit3A_728, %max3A_729 : i32
      %get3A_731 = arith.index_cast %min3A_730 : i32 to index
      %get3A_732 = tpu.vector_load %arg10[%get3A_731] {strides = array<i32>} : memref<272xi32, #tpu.memory_space<vmem>>, vector<16xi32>,
      %slice3A_733 = vector.extract_strided_slice %get3A_732 {offsets = [0], sizes = [1], strides = [1]} : vector<16xi32> to vector<1xi32>
      %squeeze3A_734 = vector.extract %slice3A_733[0] : i32 from vector<1xi32>
      %gt3A_735 = arith.constant 0 : i32
      %gt3A_736 = arith.cmpi sgt, %squeeze3A_734, %gt3A_735 : i32
      %and3A_737 = arith.andi %lt3A_726, %gt3A_736 : i1
      %convert_element_type3A_738 = arith.extui %and3A_737 : i1 to i32
      %cond3A_739 = arith.constant 0 : i32
      %cond3A_740 = arith.cmpi ne, %convert_element_type3A_738, %cond3A_739 : i32
      scf.if %cond3A_740 {
        %mul3A_920 = arith.constant 128 : i32
        %mul3A_921 = arith.muli %add3A_725, %mul3A_920 : i32
        %dma_start3A_922 = arith.constant 4 : i32
        %dma_start3A_923 = arith.constant 224 : i32
        %dma_start3A_924 = arith.constant 0 : i32
        %dma_start3A_925 = tpu.memref_slice %arg7[%dma_start3A_923, %dma_start3A_924] : memref<672x128xf32, #tpu.memory_space<vmem>> -> memref<50x128xf32, #tpu.memory_space<vmem>>
        %dma_start3A_926 = arith.constant 0 : i32
        %dma_start3A_927 = tpu.memref_slice %arg2[%dma_start3A_926, %mul3A_921] : memref<50x1000000xf32, #tpu.memory_space<hbm>> -> memref<50x128xf32, #tpu.memory_space<hbm>>
        %dma_start3A_928 = tpu.memref_slice %arg12[%dma_start3A_922] : memref<12x!tpu.dma_semaphore, #tpu.memory_space<semaphore_mem>> -> memref<1x!tpu.dma_semaphore, #tpu.memory_space<semaphore_mem>>
        %dma_start3A_929 = tpu.memref_squeeze %dma_start3A_928 : memref<1x!tpu.dma_semaphore, #tpu.memory_space<semaphore_mem>> -> memref<!tpu.dma_semaphore, #tpu.memory_space<semaphore_mem>>
        %dma_start3A_930 = arith.constant 224 : i32
        %dma_start3A_931 = arith.constant 0 : i32
        %dma_start3A_932 = tpu.memref_slice %arg7[%dma_start3A_930, %dma_start3A_931] : memref<672x128xf32, #tpu.memory_space<vmem>> -> memref<50x128xf32, #tpu.memory_space<vmem>>
        %dma_start3A_933 = arith.constant 0 : i32
        %dma_start3A_934 = tpu.memref_slice %arg2[%dma_start3A_933, %mul3A_921] : memref<50x1000000xf32, #tpu.memory_space<hbm>> -> memref<50x128xf32, #tpu.memory_space<hbm>>
        tpu.enqueue_dma source(%dma_start3A_934 : memref<50x128xf32, #tpu.memory_space<hbm>>) target(%dma_start3A_932 : memref<50x128xf32, #tpu.memory_space<vmem>>) target_semaphore(%dma_start3A_929 : memref<!tpu.dma_semaphore, #tpu.memory_space<semaphore_mem>>)
      } else {
      }
      %mul3A_741 = arith.constant 6 : i32
      %mul3A_742 = arith.muli %add3A_640, %mul3A_741 : i32
      %add3A_743 = arith.constant 5 : i32
      %add3A_744 = arith.addi %mul3A_742, %add3A_743 : i32
      %add3A_745 = arith.addi %select_n3A, %add3A_744 : i32
      %lt3A_746 = arith.cmpi slt, %add3A_745, %select_n3A_46 : i32
      %jit3A_747 = arith.constant 0 : i32
      %jit3A_748 = arith.constant 255 : i32
      %max3A_749 = arith.maxsi %jit3A_747, %add3A_744 : i32
      %min3A_750 = arith.minsi %jit3A_748, %max3A_749 : i32
      %get3A_751 = arith.index_cast %min3A_750 : i32 to index
      %get3A_752 = tpu.vector_load %arg10[%get3A_751] {strides = array<i32>} : memref<272xi32, #tpu.memory_space<vmem>>, vector<16xi32>,
      %slice3A_753 = vector.extract_strided_slice %get3A_752 {offsets = [0], sizes = [1], strides = [1]} : vector<16xi32> to vector<1xi32>
      %squeeze3A_754 = vector.extract %slice3A_753[0] : i32 from vector<1xi32>
      %gt3A_755 = arith.constant 0 : i32
      %gt3A_756 = arith.cmpi sgt, %squeeze3A_754, %gt3A_755 : i32
      %and3A_757 = arith.andi %lt3A_746, %gt3A_756 : i1
      %convert_element_type3A_758 = arith.extui %and3A_757 : i1 to i32
      %cond3A_759 = arith.constant 0 : i32
      %cond3A_760 = arith.cmpi ne, %convert_element_type3A_758, %cond3A_759 : i32
      scf.if %cond3A_760 {
        %mul3A_920 = arith.constant 128 : i32
        %mul3A_921 = arith.muli %add3A_745, %mul3A_920 : i32
        %dma_start3A_922 = arith.constant 5 : i32
        %dma_start3A_923 = arith.constant 280 : i32
        %dma_start3A_924 = arith.constant 0 : i32
        %dma_start3A_925 = tpu.memref_slice %arg7[%dma_start3A_923, %dma_start3A_924] : memref<672x128xf32, #tpu.memory_space<vmem>> -> memref<50x128xf32, #tpu.memory_space<vmem>>
        %dma_start3A_926 = arith.constant 0 : i32
        %dma_start3A_927 = tpu.memref_slice %arg2[%dma_start3A_926, %mul3A_921] : memref<50x1000000xf32, #tpu.memory_space<hbm>> -> memref<50x128xf32, #tpu.memory_space<hbm>>
        %dma_start3A_928 = tpu.memref_slice %arg12[%dma_start3A_922] : memref<12x!tpu.dma_semaphore, #tpu.memory_space<semaphore_mem>> -> memref<1x!tpu.dma_semaphore, #tpu.memory_space<semaphore_mem>>
        %dma_start3A_929 = tpu.memref_squeeze %dma_start3A_928 : memref<1x!tpu.dma_semaphore, #tpu.memory_space<semaphore_mem>> -> memref<!tpu.dma_semaphore, #tpu.memory_space<semaphore_mem>>
        %dma_start3A_930 = arith.constant 280 : i32
        %dma_start3A_931 = arith.constant 0 : i32
        %dma_start3A_932 = tpu.memref_slice %arg7[%dma_start3A_930, %dma_start3A_931] : memref<672x128xf32, #tpu.memory_space<vmem>> -> memref<50x128xf32, #tpu.memory_space<vmem>>
        %dma_start3A_933 = arith.constant 0 : i32
        %dma_start3A_934 = tpu.memref_slice %arg2[%dma_start3A_933, %mul3A_921] : memref<50x1000000xf32, #tpu.memory_space<hbm>> -> memref<50x128xf32, #tpu.memory_space<hbm>>
        tpu.enqueue_dma source(%dma_start3A_934 : memref<50x128xf32, #tpu.memory_space<hbm>>) target(%dma_start3A_932 : memref<50x128xf32, #tpu.memory_space<vmem>>) target_semaphore(%dma_start3A_929 : memref<!tpu.dma_semaphore, #tpu.memory_space<semaphore_mem>>)
      } else {
      }
      %mul3A_761 = arith.constant 2 : i32
      %mul3A_762 = arith.muli %mul3A_761, %scan3A_355 : i32
      %add3A_763 = arith.constant 1 : i32
      %add3A_764 = arith.addi %mul3A_762, %add3A_763 : i32
      %mul3A_765 = arith.constant 6 : i32
      %mul3A_766 = arith.muli %add3A_764, %mul3A_765 : i32
      %add3A_767 = arith.constant 0 : i32
      %add3A_768 = arith.addi %mul3A_766, %add3A_767 : i32
      %add3A_769 = arith.addi %select_n3A, %add3A_768 : i32
      %lt3A_770 = arith.cmpi slt, %add3A_769, %select_n3A_46 : i32
      %jit3A_771 = arith.constant 0 : i32
      %jit3A_772 = arith.constant 255 : i32
      %max3A_773 = arith.maxsi %jit3A_771, %add3A_768 : i32
      %min3A_774 = arith.minsi %jit3A_772, %max3A_773 : i32
      %get3A_775 = arith.index_cast %min3A_774 : i32 to index
      %get3A_776 = tpu.vector_load %arg10[%get3A_775] {strides = array<i32>} : memref<272xi32, #tpu.memory_space<vmem>>, vector<16xi32>,
      %slice3A_777 = vector.extract_strided_slice %get3A_776 {offsets = [0], sizes = [1], strides = [1]} : vector<16xi32> to vector<1xi32>
      %squeeze3A_778 = vector.extract %slice3A_777[0] : i32 from vector<1xi32>
      %gt3A_779 = arith.constant 0 : i32
      %gt3A_780 = arith.cmpi sgt, %squeeze3A_778, %gt3A_779 : i32
      %and3A_781 = arith.andi %lt3A_770, %gt3A_780 : i1
      %convert_element_type3A_782 = arith.extui %and3A_781 : i1 to i32
      %cond3A_783 = arith.constant 0 : i32
      %cond3A_784 = arith.cmpi ne, %convert_element_type3A_782, %cond3A_783 : i32
      scf.if %cond3A_784 {
        %dma_wait3A_920 = arith.constant 6 : i32
        %dma_wait3A_921 = arith.constant 336 : i32
        %dma_wait3A_922 = arith.constant 0 : i32
        %dma_wait3A_923 = tpu.memref_slice %arg7[%dma_wait3A_921, %dma_wait3A_922] : memref<672x128xf32, #tpu.memory_space<vmem>> -> memref<50x128xf32, #tpu.memory_space<vmem>>
        %dma_wait3A_924 = arith.constant 0 : i32
        %dma_wait3A_925 = arith.constant 0 : i32
        %dma_wait3A_926 = tpu.memref_slice %arg2[%dma_wait3A_924, %dma_wait3A_925] : memref<50x1000000xf32, #tpu.memory_space<hbm>> -> memref<50x128xf32, #tpu.memory_space<hbm>>
        %dma_wait3A_927 = tpu.memref_slice %arg12[%dma_wait3A_920] : memref<12x!tpu.dma_semaphore, #tpu.memory_space<semaphore_mem>> -> memref<1x!tpu.dma_semaphore, #tpu.memory_space<semaphore_mem>>
        %dma_wait3A_928 = tpu.memref_squeeze %dma_wait3A_927 : memref<1x!tpu.dma_semaphore, #tpu.memory_space<semaphore_mem>> -> memref<!tpu.dma_semaphore, #tpu.memory_space<semaphore_mem>>
        %dma_wait3A_929 = arith.constant 336 : i32
        %dma_wait3A_930 = arith.constant 0 : i32
        %dma_wait3A_931 = tpu.memref_slice %arg7[%dma_wait3A_929, %dma_wait3A_930] : memref<672x128xf32, #tpu.memory_space<vmem>> -> memref<50x128xf32, #tpu.memory_space<vmem>>
        %dma_wait3A_932 = arith.constant 0 : i32
        %dma_wait3A_933 = arith.constant 0 : i32
        %dma_wait3A_934 = tpu.memref_slice %arg2[%dma_wait3A_932, %dma_wait3A_933] : memref<50x1000000xf32, #tpu.memory_space<hbm>> -> memref<50x128xf32, #tpu.memory_space<hbm>>
        tpu.wait_dma2 semaphore(%dma_wait3A_928 : memref<!tpu.dma_semaphore, #tpu.memory_space<semaphore_mem>>) src(%dma_wait3A_934 : memref<50x128xf32, #tpu.memory_space<hbm>>) dst(%dma_wait3A_931 : memref<50x128xf32, #tpu.memory_space<vmem>>)
      } else {
      }
      %mul3A_785 = arith.constant 6 : i32
      %mul3A_786 = arith.muli %add3A_764, %mul3A_785 : i32
      %add3A_787 = arith.constant 1 : i32
      %add3A_788 = arith.addi %mul3A_786, %add3A_787 : i32
      %add3A_789 = arith.addi %select_n3A, %add3A_788 : i32
      %lt3A_790 = arith.cmpi slt, %add3A_789, %select_n3A_46 : i32
      %jit3A_791 = arith.constant 0 : i32
      %jit3A_792 = arith.constant 255 : i32
      %max3A_793 = arith.maxsi %jit3A_791, %add3A_788 : i32
      %min3A_794 = arith.minsi %jit3A_792, %max3A_793 : i32
      %get3A_795 = arith.index_cast %min3A_794 : i32 to index
      %get3A_796 = tpu.vector_load %arg10[%get3A_795] {strides = array<i32>} : memref<272xi32, #tpu.memory_space<vmem>>, vector<16xi32>,
      %slice3A_797 = vector.extract_strided_slice %get3A_796 {offsets = [0], sizes = [1], strides = [1]} : vector<16xi32> to vector<1xi32>
      %squeeze3A_798 = vector.extract %slice3A_797[0] : i32 from vector<1xi32>
      %gt3A_799 = arith.constant 0 : i32
      %gt3A_800 = arith.cmpi sgt, %squeeze3A_798, %gt3A_799 : i32
      %and3A_801 = arith.andi %lt3A_790, %gt3A_800 : i1
      %convert_element_type3A_802 = arith.extui %and3A_801 : i1 to i32
      %cond3A_803 = arith.constant 0 : i32
      %cond3A_804 = arith.cmpi ne, %convert_element_type3A_802, %cond3A_803 : i32
      scf.if %cond3A_804 {
        %dma_wait3A_920 = arith.constant 7 : i32
        %dma_wait3A_921 = arith.constant 392 : i32
        %dma_wait3A_922 = arith.constant 0 : i32
        %dma_wait3A_923 = tpu.memref_slice %arg7[%dma_wait3A_921, %dma_wait3A_922] : memref<672x128xf32, #tpu.memory_space<vmem>> -> memref<50x128xf32, #tpu.memory_space<vmem>>
        %dma_wait3A_924 = arith.constant 0 : i32
        %dma_wait3A_925 = arith.constant 0 : i32
        %dma_wait3A_926 = tpu.memref_slice %arg2[%dma_wait3A_924, %dma_wait3A_925] : memref<50x1000000xf32, #tpu.memory_space<hbm>> -> memref<50x128xf32, #tpu.memory_space<hbm>>
        %dma_wait3A_927 = tpu.memref_slice %arg12[%dma_wait3A_920] : memref<12x!tpu.dma_semaphore, #tpu.memory_space<semaphore_mem>> -> memref<1x!tpu.dma_semaphore, #tpu.memory_space<semaphore_mem>>
        %dma_wait3A_928 = tpu.memref_squeeze %dma_wait3A_927 : memref<1x!tpu.dma_semaphore, #tpu.memory_space<semaphore_mem>> -> memref<!tpu.dma_semaphore, #tpu.memory_space<semaphore_mem>>
        %dma_wait3A_929 = arith.constant 392 : i32
        %dma_wait3A_930 = arith.constant 0 : i32
        %dma_wait3A_931 = tpu.memref_slice %arg7[%dma_wait3A_929, %dma_wait3A_930] : memref<672x128xf32, #tpu.memory_space<vmem>> -> memref<50x128xf32, #tpu.memory_space<vmem>>
        %dma_wait3A_932 = arith.constant 0 : i32
        %dma_wait3A_933 = arith.constant 0 : i32
        %dma_wait3A_934 = tpu.memref_slice %arg2[%dma_wait3A_932, %dma_wait3A_933] : memref<50x1000000xf32, #tpu.memory_space<hbm>> -> memref<50x128xf32, #tpu.memory_space<hbm>>
        tpu.wait_dma2 semaphore(%dma_wait3A_928 : memref<!tpu.dma_semaphore, #tpu.memory_space<semaphore_mem>>) src(%dma_wait3A_934 : memref<50x128xf32, #tpu.memory_space<hbm>>) dst(%dma_wait3A_931 : memref<50x128xf32, #tpu.memory_space<vmem>>)
      } else {
      }
      %mul3A_805 = arith.constant 6 : i32
      %mul3A_806 = arith.muli %add3A_764, %mul3A_805 : i32
      %add3A_807 = arith.constant 2 : i32
      %add3A_808 = arith.addi %mul3A_806, %add3A_807 : i32
      %add3A_809 = arith.addi %select_n3A, %add3A_808 : i32
      %lt3A_810 = arith.cmpi slt, %add3A_809, %select_n3A_46 : i32
      %jit3A_811 = arith.constant 0 : i32
      %jit3A_812 = arith.constant 255 : i32
      %max3A_813 = arith.maxsi %jit3A_811, %add3A_808 : i32
      %min3A_814 = arith.minsi %jit3A_812, %max3A_813 : i32
      %get3A_815 = arith.index_cast %min3A_814 : i32 to index
      %get3A_816 = tpu.vector_load %arg10[%get3A_815] {strides = array<i32>} : memref<272xi32, #tpu.memory_space<vmem>>, vector<16xi32>,
      %slice3A_817 = vector.extract_strided_slice %get3A_816 {offsets = [0], sizes = [1], strides = [1]} : vector<16xi32> to vector<1xi32>
      %squeeze3A_818 = vector.extract %slice3A_817[0] : i32 from vector<1xi32>
      %gt3A_819 = arith.constant 0 : i32
      %gt3A_820 = arith.cmpi sgt, %squeeze3A_818, %gt3A_819 : i32
      %and3A_821 = arith.andi %lt3A_810, %gt3A_820 : i1
      %convert_element_type3A_822 = arith.extui %and3A_821 : i1 to i32
      %cond3A_823 = arith.constant 0 : i32
      %cond3A_824 = arith.cmpi ne, %convert_element_type3A_822, %cond3A_823 : i32
      scf.if %cond3A_824 {
        %dma_wait3A_920 = arith.constant 8 : i32
        %dma_wait3A_921 = arith.constant 448 : i32
        %dma_wait3A_922 = arith.constant 0 : i32
        %dma_wait3A_923 = tpu.memref_slice %arg7[%dma_wait3A_921, %dma_wait3A_922] : memref<672x128xf32, #tpu.memory_space<vmem>> -> memref<50x128xf32, #tpu.memory_space<vmem>>
        %dma_wait3A_924 = arith.constant 0 : i32
        %dma_wait3A_925 = arith.constant 0 : i32
        %dma_wait3A_926 = tpu.memref_slice %arg2[%dma_wait3A_924, %dma_wait3A_925] : memref<50x1000000xf32, #tpu.memory_space<hbm>> -> memref<50x128xf32, #tpu.memory_space<hbm>>
        %dma_wait3A_927 = tpu.memref_slice %arg12[%dma_wait3A_920] : memref<12x!tpu.dma_semaphore, #tpu.memory_space<semaphore_mem>> -> memref<1x!tpu.dma_semaphore, #tpu.memory_space<semaphore_mem>>
        %dma_wait3A_928 = tpu.memref_squeeze %dma_wait3A_927 : memref<1x!tpu.dma_semaphore, #tpu.memory_space<semaphore_mem>> -> memref<!tpu.dma_semaphore, #tpu.memory_space<semaphore_mem>>
        %dma_wait3A_929 = arith.constant 448 : i32
        %dma_wait3A_930 = arith.constant 0 : i32
        %dma_wait3A_931 = tpu.memref_slice %arg7[%dma_wait3A_929, %dma_wait3A_930] : memref<672x128xf32, #tpu.memory_space<vmem>> -> memref<50x128xf32, #tpu.memory_space<vmem>>
        %dma_wait3A_932 = arith.constant 0 : i32
        %dma_wait3A_933 = arith.constant 0 : i32
        %dma_wait3A_934 = tpu.memref_slice %arg2[%dma_wait3A_932, %dma_wait3A_933] : memref<50x1000000xf32, #tpu.memory_space<hbm>> -> memref<50x128xf32, #tpu.memory_space<hbm>>
        tpu.wait_dma2 semaphore(%dma_wait3A_928 : memref<!tpu.dma_semaphore, #tpu.memory_space<semaphore_mem>>) src(%dma_wait3A_934 : memref<50x128xf32, #tpu.memory_space<hbm>>) dst(%dma_wait3A_931 : memref<50x128xf32, #tpu.memory_space<vmem>>)
      } else {
      }
      %mul3A_825 = arith.constant 6 : i32
      %mul3A_826 = arith.muli %add3A_764, %mul3A_825 : i32
      %add3A_827 = arith.constant 3 : i32
      %add3A_828 = arith.addi %mul3A_826, %add3A_827 : i32
      %add3A_829 = arith.addi %select_n3A, %add3A_828 : i32
      %lt3A_830 = arith.cmpi slt, %add3A_829, %select_n3A_46 : i32
      %jit3A_831 = arith.constant 0 : i32
      %jit3A_832 = arith.constant 255 : i32
      %max3A_833 = arith.maxsi %jit3A_831, %add3A_828 : i32
      %min3A_834 = arith.minsi %jit3A_832, %max3A_833 : i32
      %get3A_835 = arith.index_cast %min3A_834 : i32 to index
      %get3A_836 = tpu.vector_load %arg10[%get3A_835] {strides = array<i32>} : memref<272xi32, #tpu.memory_space<vmem>>, vector<16xi32>,
      %slice3A_837 = vector.extract_strided_slice %get3A_836 {offsets = [0], sizes = [1], strides = [1]} : vector<16xi32> to vector<1xi32>
      %squeeze3A_838 = vector.extract %slice3A_837[0] : i32 from vector<1xi32>
      %gt3A_839 = arith.constant 0 : i32
      %gt3A_840 = arith.cmpi sgt, %squeeze3A_838, %gt3A_839 : i32
      %and3A_841 = arith.andi %lt3A_830, %gt3A_840 : i1
      %convert_element_type3A_842 = arith.extui %and3A_841 : i1 to i32
      %cond3A_843 = arith.constant 0 : i32
      %cond3A_844 = arith.cmpi ne, %convert_element_type3A_842, %cond3A_843 : i32
      scf.if %cond3A_844 {
        %dma_wait3A_920 = arith.constant 9 : i32
        %dma_wait3A_921 = arith.constant 504 : i32
        %dma_wait3A_922 = arith.constant 0 : i32
        %dma_wait3A_923 = tpu.memref_slice %arg7[%dma_wait3A_921, %dma_wait3A_922] : memref<672x128xf32, #tpu.memory_space<vmem>> -> memref<50x128xf32, #tpu.memory_space<vmem>>
        %dma_wait3A_924 = arith.constant 0 : i32
        %dma_wait3A_925 = arith.constant 0 : i32
        %dma_wait3A_926 = tpu.memref_slice %arg2[%dma_wait3A_924, %dma_wait3A_925] : memref<50x1000000xf32, #tpu.memory_space<hbm>> -> memref<50x128xf32, #tpu.memory_space<hbm>>
        %dma_wait3A_927 = tpu.memref_slice %arg12[%dma_wait3A_920] : memref<12x!tpu.dma_semaphore, #tpu.memory_space<semaphore_mem>> -> memref<1x!tpu.dma_semaphore, #tpu.memory_space<semaphore_mem>>
        %dma_wait3A_928 = tpu.memref_squeeze %dma_wait3A_927 : memref<1x!tpu.dma_semaphore, #tpu.memory_space<semaphore_mem>> -> memref<!tpu.dma_semaphore, #tpu.memory_space<semaphore_mem>>
        %dma_wait3A_929 = arith.constant 504 : i32
        %dma_wait3A_930 = arith.constant 0 : i32
        %dma_wait3A_931 = tpu.memref_slice %arg7[%dma_wait3A_929, %dma_wait3A_930] : memref<672x128xf32, #tpu.memory_space<vmem>> -> memref<50x128xf32, #tpu.memory_space<vmem>>
        %dma_wait3A_932 = arith.constant 0 : i32
        %dma_wait3A_933 = arith.constant 0 : i32
        %dma_wait3A_934 = tpu.memref_slice %arg2[%dma_wait3A_932, %dma_wait3A_933] : memref<50x1000000xf32, #tpu.memory_space<hbm>> -> memref<50x128xf32, #tpu.memory_space<hbm>>
        tpu.wait_dma2 semaphore(%dma_wait3A_928 : memref<!tpu.dma_semaphore, #tpu.memory_space<semaphore_mem>>) src(%dma_wait3A_934 : memref<50x128xf32, #tpu.memory_space<hbm>>) dst(%dma_wait3A_931 : memref<50x128xf32, #tpu.memory_space<vmem>>)
      } else {
      }
      %mul3A_845 = arith.constant 6 : i32
      %mul3A_846 = arith.muli %add3A_764, %mul3A_845 : i32
      %add3A_847 = arith.constant 4 : i32
      %add3A_848 = arith.addi %mul3A_846, %add3A_847 : i32
      %add3A_849 = arith.addi %select_n3A, %add3A_848 : i32
      %lt3A_850 = arith.cmpi slt, %add3A_849, %select_n3A_46 : i32
      %jit3A_851 = arith.constant 0 : i32
      %jit3A_852 = arith.constant 255 : i32
      %max3A_853 = arith.maxsi %jit3A_851, %add3A_848 : i32
      %min3A_854 = arith.minsi %jit3A_852, %max3A_853 : i32
      %get3A_855 = arith.index_cast %min3A_854 : i32 to index
      %get3A_856 = tpu.vector_load %arg10[%get3A_855] {strides = array<i32>} : memref<272xi32, #tpu.memory_space<vmem>>, vector<16xi32>,
      %slice3A_857 = vector.extract_strided_slice %get3A_856 {offsets = [0], sizes = [1], strides = [1]} : vector<16xi32> to vector<1xi32>
      %squeeze3A_858 = vector.extract %slice3A_857[0] : i32 from vector<1xi32>
      %gt3A_859 = arith.constant 0 : i32
      %gt3A_860 = arith.cmpi sgt, %squeeze3A_858, %gt3A_859 : i32
      %and3A_861 = arith.andi %lt3A_850, %gt3A_860 : i1
      %convert_element_type3A_862 = arith.extui %and3A_861 : i1 to i32
      %cond3A_863 = arith.constant 0 : i32
      %cond3A_864 = arith.cmpi ne, %convert_element_type3A_862, %cond3A_863 : i32
      scf.if %cond3A_864 {
        %dma_wait3A_920 = arith.constant 10 : i32
        %dma_wait3A_921 = arith.constant 560 : i32
        %dma_wait3A_922 = arith.constant 0 : i32
        %dma_wait3A_923 = tpu.memref_slice %arg7[%dma_wait3A_921, %dma_wait3A_922] : memref<672x128xf32, #tpu.memory_space<vmem>> -> memref<50x128xf32, #tpu.memory_space<vmem>>
        %dma_wait3A_924 = arith.constant 0 : i32
        %dma_wait3A_925 = arith.constant 0 : i32
        %dma_wait3A_926 = tpu.memref_slice %arg2[%dma_wait3A_924, %dma_wait3A_925] : memref<50x1000000xf32, #tpu.memory_space<hbm>> -> memref<50x128xf32, #tpu.memory_space<hbm>>
        %dma_wait3A_927 = tpu.memref_slice %arg12[%dma_wait3A_920] : memref<12x!tpu.dma_semaphore, #tpu.memory_space<semaphore_mem>> -> memref<1x!tpu.dma_semaphore, #tpu.memory_space<semaphore_mem>>
        %dma_wait3A_928 = tpu.memref_squeeze %dma_wait3A_927 : memref<1x!tpu.dma_semaphore, #tpu.memory_space<semaphore_mem>> -> memref<!tpu.dma_semaphore, #tpu.memory_space<semaphore_mem>>
        %dma_wait3A_929 = arith.constant 560 : i32
        %dma_wait3A_930 = arith.constant 0 : i32
        %dma_wait3A_931 = tpu.memref_slice %arg7[%dma_wait3A_929, %dma_wait3A_930] : memref<672x128xf32, #tpu.memory_space<vmem>> -> memref<50x128xf32, #tpu.memory_space<vmem>>
        %dma_wait3A_932 = arith.constant 0 : i32
        %dma_wait3A_933 = arith.constant 0 : i32
        %dma_wait3A_934 = tpu.memref_slice %arg2[%dma_wait3A_932, %dma_wait3A_933] : memref<50x1000000xf32, #tpu.memory_space<hbm>> -> memref<50x128xf32, #tpu.memory_space<hbm>>
        tpu.wait_dma2 semaphore(%dma_wait3A_928 : memref<!tpu.dma_semaphore, #tpu.memory_space<semaphore_mem>>) src(%dma_wait3A_934 : memref<50x128xf32, #tpu.memory_space<hbm>>) dst(%dma_wait3A_931 : memref<50x128xf32, #tpu.memory_space<vmem>>)
      } else {
      }
      %mul3A_865 = arith.constant 6 : i32
      %mul3A_866 = arith.muli %add3A_764, %mul3A_865 : i32
      %add3A_867 = arith.constant 5 : i32
      %add3A_868 = arith.addi %mul3A_866, %add3A_867 : i32
      %add3A_869 = arith.addi %select_n3A, %add3A_868 : i32
      %lt3A_870 = arith.cmpi slt, %add3A_869, %select_n3A_46 : i32
      %jit3A_871 = arith.constant 0 : i32
      %jit3A_872 = arith.constant 255 : i32
      %max3A_873 = arith.maxsi %jit3A_871, %add3A_868 : i32
      %min3A_874 = arith.minsi %jit3A_872, %max3A_873 : i32
      %get3A_875 = arith.index_cast %min3A_874 : i32 to index
      %get3A_876 = tpu.vector_load %arg10[%get3A_875] {strides = array<i32>} : memref<272xi32, #tpu.memory_space<vmem>>, vector<16xi32>,
      %slice3A_877 = vector.extract_strided_slice %get3A_876 {offsets = [0], sizes = [1], strides = [1]} : vector<16xi32> to vector<1xi32>
      %squeeze3A_878 = vector.extract %slice3A_877[0] : i32 from vector<1xi32>
      %gt3A_879 = arith.constant 0 : i32
      %gt3A_880 = arith.cmpi sgt, %squeeze3A_878, %gt3A_879 : i32
      %and3A_881 = arith.andi %lt3A_870, %gt3A_880 : i1
      %convert_element_type3A_882 = arith.extui %and3A_881 : i1 to i32
      %cond3A_883 = arith.constant 0 : i32
      %cond3A_884 = arith.cmpi ne, %convert_element_type3A_882, %cond3A_883 : i32
      scf.if %cond3A_884 {
        %dma_wait3A_920 = arith.constant 11 : i32
        %dma_wait3A_921 = arith.constant 616 : i32
        %dma_wait3A_922 = arith.constant 0 : i32
        %dma_wait3A_923 = tpu.memref_slice %arg7[%dma_wait3A_921, %dma_wait3A_922] : memref<672x128xf32, #tpu.memory_space<vmem>> -> memref<50x128xf32, #tpu.memory_space<vmem>>
        %dma_wait3A_924 = arith.constant 0 : i32
        %dma_wait3A_925 = arith.constant 0 : i32
        %dma_wait3A_926 = tpu.memref_slice %arg2[%dma_wait3A_924, %dma_wait3A_925] : memref<50x1000000xf32, #tpu.memory_space<hbm>> -> memref<50x128xf32, #tpu.memory_space<hbm>>
        %dma_wait3A_927 = tpu.memref_slice %arg12[%dma_wait3A_920] : memref<12x!tpu.dma_semaphore, #tpu.memory_space<semaphore_mem>> -> memref<1x!tpu.dma_semaphore, #tpu.memory_space<semaphore_mem>>
        %dma_wait3A_928 = tpu.memref_squeeze %dma_wait3A_927 : memref<1x!tpu.dma_semaphore, #tpu.memory_space<semaphore_mem>> -> memref<!tpu.dma_semaphore, #tpu.memory_space<semaphore_mem>>
        %dma_wait3A_929 = arith.constant 616 : i32
        %dma_wait3A_930 = arith.constant 0 : i32
        %dma_wait3A_931 = tpu.memref_slice %arg7[%dma_wait3A_929, %dma_wait3A_930] : memref<672x128xf32, #tpu.memory_space<vmem>> -> memref<50x128xf32, #tpu.memory_space<vmem>>
        %dma_wait3A_932 = arith.constant 0 : i32
        %dma_wait3A_933 = arith.constant 0 : i32
        %dma_wait3A_934 = tpu.memref_slice %arg2[%dma_wait3A_932, %dma_wait3A_933] : memref<50x1000000xf32, #tpu.memory_space<hbm>> -> memref<50x128xf32, #tpu.memory_space<hbm>>
        tpu.wait_dma2 semaphore(%dma_wait3A_928 : memref<!tpu.dma_semaphore, #tpu.memory_space<semaphore_mem>>) src(%dma_wait3A_934 : memref<50x128xf32, #tpu.memory_space<hbm>>) dst(%dma_wait3A_931 : memref<50x128xf32, #tpu.memory_space<vmem>>)
      } else {
      }
      %add3A_885 = arith.constant 0 : i32
      %add3A_886 = vector.broadcast %add3A_885 : i32 to vector<16xi32>
      %add3A_887 = arith.addi %iota3A, %add3A_886 : vector<16xi32>
      %min3A_888 = arith.constant 49 : i32
      %min3A_889 = vector.broadcast %min3A_888 : i32 to vector<16xi32>
      %min3A_890 = arith.minsi %add3A_887, %min3A_889 : vector<16xi32>
      %add3A_891 = arith.constant 16 : i32
      %add3A_892 = vector.broadcast %add3A_891 : i32 to vector<16xi32>
      %add3A_893 = arith.addi %iota3A, %add3A_892 : vector<16xi32>
      %min3A_894 = arith.constant 49 : i32
      %min3A_895 = vector.broadcast %min3A_894 : i32 to vector<16xi32>
      %min3A_896 = arith.minsi %add3A_893, %min3A_895 : vector<16xi32>
      %add3A_897 = arith.constant 32 : i32
      %add3A_898 = vector.broadcast %add3A_897 : i32 to vector<16xi32>
      %add3A_899 = arith.addi %iota3A, %add3A_898 : vector<16xi32>
      %min3A_900 = arith.constant 49 : i32
      %min3A_901 = vector.broadcast %min3A_900 : i32 to vector<16xi32>
      %min3A_902 = arith.minsi %add3A_899, %min3A_901 : vector<16xi32>
      %add3A_903 = arith.constant 48 : i32
      %add3A_904 = vector.broadcast %add3A_903 : i32 to vector<16xi32>
      %add3A_905 = arith.addi %iota3A, %add3A_904 : vector<16xi32>
      %min3A_906 = arith.constant 49 : i32
      %min3A_907 = vector.broadcast %min3A_906 : i32 to vector<16xi32>
      %min3A_908 = arith.minsi %add3A_905, %min3A_907 : vector<16xi32>
      %while3A_909 = arith.constant 0 : i32
      %while3A_910 = arith.subi %shift_right_arithmetic3A_150, %while3A_909 : i32
      %while3A_911 = arith.addi %while3A_909, %while3A_910 : i32
      %while3A_912 = arith.constant 1 : i32
      %while3A_913 = arith.divsi %while3A_910, %while3A_912 : i32
      %while3A_914 = arith.muli %while3A_913, %while3A_912 : i32
      %while3A_915 = arith.addi %while3A_909, %while3A_914 : i32
      %while3A_916 = arith.constant 1 : i32
      %while3A_917 = scf.for %while3A_920 = %while3A_909 to %while3A_915 step %while3A_916 iter_args(%while3A_921 = %while3A_636) -> (i32)  : i32 {
        %mul3A_922 = arith.constant 16 : i32
        %mul3A_923 = arith.muli %mul3A_922, %while3A_920 : i32
        %get3A_924 = arith.index_cast %mul3A_923 : i32 to index
        %get3A_925 = tpu.vector_load %arg6[%get3A_924] {strides = array<i32>} : memref<16416xi32, #tpu.memory_space<vmem>>, vector<16xi32>,
        %shift_right_logical3A = arith.constant 21 : i32
        %shift_right_logical3A_926 = vector.broadcast %shift_right_logical3A : i32 to vector<16xi32>
        %shift_right_logical3A_927 = arith.shrui %get3A_925, %shift_right_logical3A_926 : vector<16xi32>
        %mul3A_928 = arith.constant 6 : i32
        %mul3A_929 = arith.muli %add3A_764, %mul3A_928 : i32
        %ge3A = vector.broadcast %mul3A_929 : i32 to vector<16xi32>
        %ge3A_930 = arith.cmpi sge, %shift_right_logical3A_927, %ge3A : vector<16xi32>
        %mul3A_931 = arith.constant 6 : i32
        %mul3A_932 = arith.muli %add3A_764, %mul3A_931 : i32
        %add3A_933 = arith.constant 6 : i32
        %add3A_934 = arith.addi %mul3A_932, %add3A_933 : i32
        %lt3A_935 = vector.broadcast %add3A_934 : i32 to vector<16xi32>
        %lt3A_936 = arith.cmpi slt, %shift_right_logical3A_927, %lt3A_935 : vector<16xi32>
        %and3A_937 = arith.andi %ge3A_930, %lt3A_936 : vector<16xi1>
        %all_reduce_population_count3A = tpu.all_reduce %and3A_937 {dim = 0 : i64, kind = #tpu.reduction_kind<sum>} : vector<16xi1> -> vector<16xi32>
        %slice3A_938 = vector.extract_strided_slice %all_reduce_population_count3A {offsets = [0], sizes = [1], strides = [1]} : vector<16xi32> to vector<1xi32>
        %squeeze3A_939 = vector.extract %slice3A_938[0] : i32 from vector<1xi32>
        %gt3A_940 = arith.constant 0 : i32
        %gt3A_941 = arith.cmpi sgt, %squeeze3A_939, %gt3A_940 : i32
        %convert_element_type3A_942 = arith.extui %gt3A_941 : i1 to i32
        %cond3A_943 = arith.constant 0 : i32
        %cond3A_944 = arith.cmpi ne, %convert_element_type3A_942, %cond3A_943 : i32
        %cond3A_945 = scf.if %cond3A_944 -> (i32) {
          %swap3A_946 = arith.constant 0 : index
          %swap3A_947 = tpu.vector_load %arg11[%swap3A_946] {strides = array<i32>} : memref<32xi32, #tpu.memory_space<vmem>>, vector<16xi32>,
          tpu.vector_store %arg11[%swap3A_946], %get3A_925 {strides = array<i32>} : memref<32xi32, #tpu.memory_space<vmem>>, vector<16xi32>,
          %while3A_948 = arith.constant 0 : i32
          %while3A_949 = arith.subi %squeeze3A_939, %while3A_948 : i32
          %while3A_950 = arith.addi %while3A_948, %while3A_949 : i32
          %while3A_951 = arith.constant 1 : i32
          %while3A_952 = arith.divsi %while3A_949, %while3A_951 : i32
          %while3A_953 = arith.muli %while3A_952, %while3A_951 : i32
          %while3A_954 = arith.addi %while3A_948, %while3A_953 : i32
          %while3A_955 = arith.constant 1 : i32
          %while3A_956:2 = scf.for %while3A_959 = %while3A_948 to %while3A_954 step %while3A_955 iter_args(%while3A_960 = %while3A_921, %while3A_961 = %and3A_937) -> (i32, vector<16xi1>)  : i32 {
            %all_reduce_ffs3A = tpu.all_reduce %while3A_961 {dim = 0 : i64, kind = #tpu.reduction_kind<find_first_set>} : vector<16xi1> -> vector<16xi32>
            %slice3A_962 = vector.extract_strided_slice %all_reduce_ffs3A {offsets = [0], sizes = [1], strides = [1]} : vector<16xi32> to vector<1xi32>
            %squeeze3A_963 = vector.extract %slice3A_962[0] : i32 from vector<1xi32>
            %get3A_964 = arith.index_cast %squeeze3A_963 : i32 to index
            %get3A_965 = tpu.vector_load %arg11[%get3A_964] {strides = array<i32>} : memref<32xi32, #tpu.memory_space<vmem>>, vector<16xi32>,
            %slice3A_966 = vector.extract_strided_slice %get3A_965 {offsets = [0], sizes = [1], strides = [1]} : vector<16xi32> to vector<1xi32>
            %squeeze3A_967 = vector.extract %slice3A_966[0] : i32 from vector<1xi32>
            %shift_right_logical3A_968 = arith.constant 21 : i32
            %shift_right_logical3A_969 = arith.shrui %squeeze3A_967, %shift_right_logical3A_968 : i32
            %mul3A_970 = arith.constant 6 : i32
            %mul3A_971 = arith.muli %add3A_764, %mul3A_970 : i32
            %sub3A_972 = arith.subi %shift_right_logical3A_969, %mul3A_971 : i32
            %add3A_973 = arith.constant 6 : i32
            %add3A_974 = arith.addi %sub3A_972, %add3A_973 : i32
            %mul3A_975 = arith.constant 56 : i32
            %mul3A_976 = arith.muli %add3A_974, %mul3A_975 : i32
            %shift_right_logical3A_977 = arith.constant 14 : i32
            %shift_right_logical3A_978 = arith.shrui %squeeze3A_967, %shift_right_logical3A_977 : i32
            %and3A_979 = arith.constant 127 : i32
            %and3A_980 = arith.andi %shift_right_logical3A_978, %and3A_979 : i32
            %mul3A_981 = vector.broadcast %and3A_980 : i32 to vector<16xi32>
            %mul3A_982 = arith.muli %broadcast_in_dim3A_49, %mul3A_981 : vector<16xi32>
            %and3A_983 = arith.constant 16383 : i32
            %and3A_984 = arith.andi %squeeze3A_967, %and3A_983 : i32
            %and3A_985 = arith.constant 63 : i32
            %and3A_986 = arith.andi %while3A_960, %and3A_985 : i32
            %add3A_987 = vector.broadcast %mul3A_976 : i32 to vector<16xi32>
            %add3A_988 = arith.addi %add3A_987, %min3A_890 : vector<16xi32>
            %gather3A = tpu.vector_load_idx %arg7[%add3A_988, %mul3A_982] : memref<672x128xf32, #tpu.memory_space<vmem>>[vector<16xi32>, vector<16xi32>], vector<16xf32>,
            %swap3A_989 = arith.index_cast %and3A_986 : i32 to index
            %swap3A_990 = arith.constant 0 : index
            %swap3A_991 = tpu.vector_load %arg8[%swap3A_989, %swap3A_990] {strides = array<i32>} : memref<64x128xf32, #tpu.memory_space<vmem>>, vector<16xf32>,
            tpu.vector_store %arg8[%swap3A_989, %swap3A_990], %gather3A {strides = array<i32>} : memref<64x128xf32, #tpu.memory_space<vmem>>, vector<16xf32>,
            %add3A_992 = vector.broadcast %mul3A_976 : i32 to vector<16xi32>
            %add3A_993 = arith.addi %add3A_992, %min3A_896 : vector<16xi32>
            %gather3A_994 = tpu.vector_load_idx %arg7[%add3A_993, %mul3A_982] : memref<672x128xf32, #tpu.memory_space<vmem>>[vector<16xi32>, vector<16xi32>], vector<16xf32>,
            %swap3A_995 = arith.index_cast %and3A_986 : i32 to index
            %swap3A_996 = arith.constant 16 : index
            %swap3A_997 = tpu.vector_load %arg8[%swap3A_995, %swap3A_996] {strides = array<i32>} : memref<64x128xf32, #tpu.memory_space<vmem>>, vector<16xf32>,
            tpu.vector_store %arg8[%swap3A_995, %swap3A_996], %gather3A_994 {strides = array<i32>} : memref<64x128xf32, #tpu.memory_space<vmem>>, vector<16xf32>,
            %add3A_998 = vector.broadcast %mul3A_976 : i32 to vector<16xi32>
            %add3A_999 = arith.addi %add3A_998, %min3A_902 : vector<16xi32>
            %gather3A_1000 = tpu.vector_load_idx %arg7[%add3A_999, %mul3A_982] : memref<672x128xf32, #tpu.memory_space<vmem>>[vector<16xi32>, vector<16xi32>], vector<16xf32>,
            %swap3A_1001 = arith.index_cast %and3A_986 : i32 to index
            %swap3A_1002 = arith.constant 32 : index
            %swap3A_1003 = tpu.vector_load %arg8[%swap3A_1001, %swap3A_1002] {strides = array<i32>} : memref<64x128xf32, #tpu.memory_space<vmem>>, vector<16xf32>,
            tpu.vector_store %arg8[%swap3A_1001, %swap3A_1002], %gather3A_1000 {strides = array<i32>} : memref<64x128xf32, #tpu.memory_space<vmem>>, vector<16xf32>,
            %add3A_1004 = vector.broadcast %mul3A_976 : i32 to vector<16xi32>
            %add3A_1005 = arith.addi %add3A_1004, %min3A_908 : vector<16xi32>
            %gather3A_1006 = tpu.vector_load_idx %arg7[%add3A_1005, %mul3A_982] : memref<672x128xf32, #tpu.memory_space<vmem>>[vector<16xi32>, vector<16xi32>], vector<16xf32>,
            %swap3A_1007 = arith.index_cast %and3A_986 : i32 to index
            %swap3A_1008 = arith.constant 48 : index
            %swap3A_1009 = tpu.vector_load %arg8[%swap3A_1007, %swap3A_1008] {strides = array<i32>} : memref<64x128xf32, #tpu.memory_space<vmem>>, vector<16xf32>,
            tpu.vector_store %arg8[%swap3A_1007, %swap3A_1008], %gather3A_1006 {strides = array<i32>} : memref<64x128xf32, #tpu.memory_space<vmem>>, vector<16xf32>,
            %and3A_1010 = arith.constant 15 : i32
            %and3A_1011 = arith.andi %and3A_986, %and3A_1010 : i32
            %sub3A_1012 = arith.subi %and3A_986, %and3A_1011 : i32
            %and3A_1013 = arith.constant 15 : i32
            %and3A_1014 = arith.andi %and3A_986, %and3A_1013 : i32
            %eq3A = vector.broadcast %and3A_1014 : i32 to vector<16xi32>
            %eq3A_1015 = arith.cmpi eq, %iota3A, %eq3A : vector<16xi32>
            %get3A_1016 = arith.constant 0 : i32
            %get3A_1017 = arith.index_cast %get3A_1016 : i32 to index
            %get3A_1018 = arith.index_cast %sub3A_1012 : i32 to index
            %get3A_1019 = tpu.vector_load %arg9[%get3A_1017, %get3A_1018] {strides = array<i32>} : memref<1x64xi32, #tpu.memory_space<vmem>>, vector<16xi32>,
            %broadcast_in_dim3A_1020 = vector.broadcast %and3A_984 : i32 to vector<16xi32>
            %select_n3A_1021 = arith.select %eq3A_1015, %broadcast_in_dim3A_1020, %get3A_1019 : vector<16xi1>, vector<16xi32>
            %swap3A_1022 = arith.constant 0 : i32
            %swap3A_1023 = arith.index_cast %swap3A_1022 : i32 to index
            %swap3A_1024 = arith.index_cast %sub3A_1012 : i32 to index
            %swap3A_1025 = tpu.vector_load %arg9[%swap3A_1023, %swap3A_1024] {strides = array<i32>} : memref<1x64xi32, #tpu.memory_space<vmem>>, vector<16xi32>,
            tpu.vector_store %arg9[%swap3A_1023, %swap3A_1024], %select_n3A_1021 {strides = array<i32>} : memref<1x64xi32, #tpu.memory_space<vmem>>, vector<16xi32>,
            %eq3A_1026 = arith.constant 63 : i32
            %eq3A_1027 = arith.cmpi eq, %and3A_986, %eq3A_1026 : i32
            %convert_element_type3A_1028 = arith.extui %eq3A_1027 : i1 to i32
            %cond3A_1029 = arith.constant 0 : i32
            %cond3A_1030 = arith.cmpi ne, %convert_element_type3A_1028, %cond3A_1029 : i32
            scf.if %cond3A_1030 {
              %dma_start3A_1036 = arith.constant 0 : i32
              %dma_start3A_1037 = arith.constant 0 : i32
              %dma_start3A_1038 = tpu.memref_slice %arg9[%dma_start3A_1036, %dma_start3A_1037] : memref<1x64xi32, #tpu.memory_space<vmem>> -> memref<1x64xi32, #tpu.memory_space<vmem>>
              %dma_start3A_1039 = tpu.memref_squeeze %dma_start3A_1038 : memref<1x64xi32, #tpu.memory_space<vmem>> -> memref<64xi32, #tpu.memory_space<vmem>>
              %dma_start3A_1040 = arith.constant 0 : i32
              %dma_start3A_1041 = arith.constant 0 : i32
              %dma_start3A_1042 = tpu.memref_slice %arg4[%dma_start3A_1040, %dma_start3A_1041] : memref<16512x128xf32, #tpu.memory_space<hbm>> -> memref<16512x128xf32, #tpu.memory_space<hbm>>
              tpu.enqueue_indirect_dma source(%arg8 : memref<64x128xf32, #tpu.memory_space<vmem>>) target(%dma_start3A_1042 : memref<16512x128xf32, #tpu.memory_space<hbm>>) offsets(%dma_start3A_1039 : memref<64xi32, #tpu.memory_space<vmem>>) semaphore(%arg13 : memref<!tpu.dma_semaphore, #tpu.memory_space<semaphore_mem>>)
              %dma_wait3A_1043 = arith.constant 0 : i32
              %dma_wait3A_1044 = arith.constant 0 : i32
              %dma_wait3A_1045 = tpu.memref_slice %arg9[%dma_wait3A_1043, %dma_wait3A_1044] : memref<1x64xi32, #tpu.memory_space<vmem>> -> memref<1x64xi32, #tpu.memory_space<vmem>>
              %dma_wait3A_1046 = tpu.memref_squeeze %dma_wait3A_1045 : memref<1x64xi32, #tpu.memory_space<vmem>> -> memref<64xi32, #tpu.memory_space<vmem>>
              %dma_wait3A_1047 = arith.constant 0 : i32
              %dma_wait3A_1048 = arith.constant 0 : i32
              %dma_wait3A_1049 = tpu.memref_slice %arg4[%dma_wait3A_1047, %dma_wait3A_1048] : memref<16512x128xf32, #tpu.memory_space<hbm>> -> memref<16512x128xf32, #tpu.memory_space<hbm>>
              tpu.wait_indirect_dma semaphore(%arg13 : memref<!tpu.dma_semaphore, #tpu.memory_space<semaphore_mem>>) src(%arg8 : memref<64x128xf32, #tpu.memory_space<vmem>>) dst(%dma_wait3A_1049 : memref<16512x128xf32, #tpu.memory_space<hbm>>)
              %add3A_1050 = arith.constant 16384 : i32
              %add3A_1051 = vector.broadcast %add3A_1050 : i32 to vector<16xi32>
              %add3A_1052 = arith.addi %add3A_1051, %iota3A : vector<16xi32>
              %add3A_1053 = arith.constant 0 : i32
              %add3A_1054 = vector.broadcast %add3A_1053 : i32 to vector<16xi32>
              %add3A_1055 = arith.addi %add3A_1052, %add3A_1054 : vector<16xi32>
              %swap3A_1056 = arith.constant 0 : i32
              %swap3A_1057 = arith.index_cast %swap3A_1056 : i32 to index
              %swap3A_1058 = arith.constant 0 : index
              %swap3A_1059 = tpu.vector_load %arg9[%swap3A_1057, %swap3A_1058] {strides = array<i32>} : memref<1x64xi32, #tpu.memory_space<vmem>>, vector<16xi32>,
              tpu.vector_store %arg9[%swap3A_1057, %swap3A_1058], %add3A_1055 {strides = array<i32>} : memref<1x64xi32, #tpu.memory_space<vmem>>, vector<16xi32>,
              %add3A_1060 = arith.constant 16384 : i32
              %add3A_1061 = vector.broadcast %add3A_1060 : i32 to vector<16xi32>
              %add3A_1062 = arith.addi %add3A_1061, %iota3A : vector<16xi32>
              %add3A_1063 = arith.constant 16 : i32
              %add3A_1064 = vector.broadcast %add3A_1063 : i32 to vector<16xi32>
              %add3A_1065 = arith.addi %add3A_1062, %add3A_1064 : vector<16xi32>
              %swap3A_1066 = arith.constant 0 : i32
              %swap3A_1067 = arith.index_cast %swap3A_1066 : i32 to index
              %swap3A_1068 = arith.constant 16 : index
              %swap3A_1069 = tpu.vector_load %arg9[%swap3A_1067, %swap3A_1068] {strides = array<i32>} : memref<1x64xi32, #tpu.memory_space<vmem>>, vector<16xi32>,
              tpu.vector_store %arg9[%swap3A_1067, %swap3A_1068], %add3A_1065 {strides = array<i32>} : memref<1x64xi32, #tpu.memory_space<vmem>>, vector<16xi32>,
              %add3A_1070 = arith.constant 16384 : i32
              %add3A_1071 = vector.broadcast %add3A_1070 : i32 to vector<16xi32>
              %add3A_1072 = arith.addi %add3A_1071, %iota3A : vector<16xi32>
              %add3A_1073 = arith.constant 32 : i32
              %add3A_1074 = vector.broadcast %add3A_1073 : i32 to vector<16xi32>
              %add3A_1075 = arith.addi %add3A_1072, %add3A_1074 : vector<16xi32>
              %swap3A_1076 = arith.constant 0 : i32
              %swap3A_1077 = arith.index_cast %swap3A_1076 : i32 to index
              %swap3A_1078 = arith.constant 32 : index
              %swap3A_1079 = tpu.vector_load %arg9[%swap3A_1077, %swap3A_1078] {strides = array<i32>} : memref<1x64xi32, #tpu.memory_space<vmem>>, vector<16xi32>,
              tpu.vector_store %arg9[%swap3A_1077, %swap3A_1078], %add3A_1075 {strides = array<i32>} : memref<1x64xi32, #tpu.memory_space<vmem>>, vector<16xi32>,
              %add3A_1080 = arith.constant 16384 : i32
              %add3A_1081 = vector.broadcast %add3A_1080 : i32 to vector<16xi32>
              %add3A_1082 = arith.addi %add3A_1081, %iota3A : vector<16xi32>
              %add3A_1083 = arith.constant 48 : i32
              %add3A_1084 = vector.broadcast %add3A_1083 : i32 to vector<16xi32>
              %add3A_1085 = arith.addi %add3A_1082, %add3A_1084 : vector<16xi32>
              %swap3A_1086 = arith.constant 0 : i32
              %swap3A_1087 = arith.index_cast %swap3A_1086 : i32 to index
              %swap3A_1088 = arith.constant 48 : index
              %swap3A_1089 = tpu.vector_load %arg9[%swap3A_1087, %swap3A_1088] {strides = array<i32>} : memref<1x64xi32, #tpu.memory_space<vmem>>, vector<16xi32>,
              tpu.vector_store %arg9[%swap3A_1087, %swap3A_1088], %add3A_1085 {strides = array<i32>} : memref<1x64xi32, #tpu.memory_space<vmem>>, vector<16xi32>,
            } else {
            }
            %add3A_1031 = arith.constant 1 : i32
            %add3A_1032 = arith.addi %while3A_960, %add3A_1031 : i32
            %ne3A_1033 = vector.broadcast %squeeze3A_963 : i32 to vector<16xi32>
            %ne3A_1034 = arith.cmpi ne, %iota3A, %ne3A_1033 : vector<16xi32>
            %and3A_1035 = arith.andi %while3A_961, %ne3A_1034 : vector<16xi1>
            scf.yield %add3A_1032, %and3A_1035 : i32, vector<16xi1>
          }
          %while3A_957 = arith.constant 1 : i32
          %while3A_958:2 = scf.for %while3A_959 = %while3A_954 to %while3A_950 step %while3A_957 iter_args(%while3A_960 = %while3A_956#0, %while3A_961 = %while3A_956#1) -> (i32, vector<16xi1>)  : i32 {
            %all_reduce_ffs3A = tpu.all_reduce %while3A_961 {dim = 0 : i64, kind = #tpu.reduction_kind<find_first_set>} : vector<16xi1> -> vector<16xi32>
            %slice3A_962 = vector.extract_strided_slice %all_reduce_ffs3A {offsets = [0], sizes = [1], strides = [1]} : vector<16xi32> to vector<1xi32>
            %squeeze3A_963 = vector.extract %slice3A_962[0] : i32 from vector<1xi32>
            %get3A_964 = arith.index_cast %squeeze3A_963 : i32 to index
            %get3A_965 = tpu.vector_load %arg11[%get3A_964] {strides = array<i32>} : memref<32xi32, #tpu.memory_space<vmem>>, vector<16xi32>,
            %slice3A_966 = vector.extract_strided_slice %get3A_965 {offsets = [0], sizes = [1], strides = [1]} : vector<16xi32> to vector<1xi32>
            %squeeze3A_967 = vector.extract %slice3A_966[0] : i32 from vector<1xi32>
            %shift_right_logical3A_968 = arith.constant 21 : i32
            %shift_right_logical3A_969 = arith.shrui %squeeze3A_967, %shift_right_logical3A_968 : i32
            %mul3A_970 = arith.constant 6 : i32
            %mul3A_971 = arith.muli %add3A_764, %mul3A_970 : i32
            %sub3A_972 = arith.subi %shift_right_logical3A_969, %mul3A_971 : i32
            %add3A_973 = arith.constant 6 : i32
            %add3A_974 = arith.addi %sub3A_972, %add3A_973 : i32
            %mul3A_975 = arith.constant 56 : i32
            %mul3A_976 = arith.muli %add3A_974, %mul3A_975 : i32
            %shift_right_logical3A_977 = arith.constant 14 : i32
            %shift_right_logical3A_978 = arith.shrui %squeeze3A_967, %shift_right_logical3A_977 : i32
            %and3A_979 = arith.constant 127 : i32
            %and3A_980 = arith.andi %shift_right_logical3A_978, %and3A_979 : i32
            %mul3A_981 = vector.broadcast %and3A_980 : i32 to vector<16xi32>
            %mul3A_982 = arith.muli %broadcast_in_dim3A_49, %mul3A_981 : vector<16xi32>
            %and3A_983 = arith.constant 16383 : i32
            %and3A_984 = arith.andi %squeeze3A_967, %and3A_983 : i32
            %and3A_985 = arith.constant 63 : i32
            %and3A_986 = arith.andi %while3A_960, %and3A_985 : i32
            %add3A_987 = vector.broadcast %mul3A_976 : i32 to vector<16xi32>
            %add3A_988 = arith.addi %add3A_987, %min3A_890 : vector<16xi32>
            %gather3A = tpu.vector_load_idx %arg7[%add3A_988, %mul3A_982] : memref<672x128xf32, #tpu.memory_space<vmem>>[vector<16xi32>, vector<16xi32>], vector<16xf32>,
            %swap3A_989 = arith.index_cast %and3A_986 : i32 to index
            %swap3A_990 = arith.constant 0 : index
            %swap3A_991 = tpu.vector_load %arg8[%swap3A_989, %swap3A_990] {strides = array<i32>} : memref<64x128xf32, #tpu.memory_space<vmem>>, vector<16xf32>,
            tpu.vector_store %arg8[%swap3A_989, %swap3A_990], %gather3A {strides = array<i32>} : memref<64x128xf32, #tpu.memory_space<vmem>>, vector<16xf32>,
            %add3A_992 = vector.broadcast %mul3A_976 : i32 to vector<16xi32>
            %add3A_993 = arith.addi %add3A_992, %min3A_896 : vector<16xi32>
            %gather3A_994 = tpu.vector_load_idx %arg7[%add3A_993, %mul3A_982] : memref<672x128xf32, #tpu.memory_space<vmem>>[vector<16xi32>, vector<16xi32>], vector<16xf32>,
            %swap3A_995 = arith.index_cast %and3A_986 : i32 to index
            %swap3A_996 = arith.constant 16 : index
            %swap3A_997 = tpu.vector_load %arg8[%swap3A_995, %swap3A_996] {strides = array<i32>} : memref<64x128xf32, #tpu.memory_space<vmem>>, vector<16xf32>,
            tpu.vector_store %arg8[%swap3A_995, %swap3A_996], %gather3A_994 {strides = array<i32>} : memref<64x128xf32, #tpu.memory_space<vmem>>, vector<16xf32>,
            %add3A_998 = vector.broadcast %mul3A_976 : i32 to vector<16xi32>
            %add3A_999 = arith.addi %add3A_998, %min3A_902 : vector<16xi32>
            %gather3A_1000 = tpu.vector_load_idx %arg7[%add3A_999, %mul3A_982] : memref<672x128xf32, #tpu.memory_space<vmem>>[vector<16xi32>, vector<16xi32>], vector<16xf32>,
            %swap3A_1001 = arith.index_cast %and3A_986 : i32 to index
            %swap3A_1002 = arith.constant 32 : index
            %swap3A_1003 = tpu.vector_load %arg8[%swap3A_1001, %swap3A_1002] {strides = array<i32>} : memref<64x128xf32, #tpu.memory_space<vmem>>, vector<16xf32>,
            tpu.vector_store %arg8[%swap3A_1001, %swap3A_1002], %gather3A_1000 {strides = array<i32>} : memref<64x128xf32, #tpu.memory_space<vmem>>, vector<16xf32>,
            %add3A_1004 = vector.broadcast %mul3A_976 : i32 to vector<16xi32>
            %add3A_1005 = arith.addi %add3A_1004, %min3A_908 : vector<16xi32>
            %gather3A_1006 = tpu.vector_load_idx %arg7[%add3A_1005, %mul3A_982] : memref<672x128xf32, #tpu.memory_space<vmem>>[vector<16xi32>, vector<16xi32>], vector<16xf32>,
            %swap3A_1007 = arith.index_cast %and3A_986 : i32 to index
            %swap3A_1008 = arith.constant 48 : index
            %swap3A_1009 = tpu.vector_load %arg8[%swap3A_1007, %swap3A_1008] {strides = array<i32>} : memref<64x128xf32, #tpu.memory_space<vmem>>, vector<16xf32>,
            tpu.vector_store %arg8[%swap3A_1007, %swap3A_1008], %gather3A_1006 {strides = array<i32>} : memref<64x128xf32, #tpu.memory_space<vmem>>, vector<16xf32>,
            %and3A_1010 = arith.constant 15 : i32
            %and3A_1011 = arith.andi %and3A_986, %and3A_1010 : i32
            %sub3A_1012 = arith.subi %and3A_986, %and3A_1011 : i32
            %and3A_1013 = arith.constant 15 : i32
            %and3A_1014 = arith.andi %and3A_986, %and3A_1013 : i32
            %eq3A = vector.broadcast %and3A_1014 : i32 to vector<16xi32>
            %eq3A_1015 = arith.cmpi eq, %iota3A, %eq3A : vector<16xi32>
            %get3A_1016 = arith.constant 0 : i32
            %get3A_1017 = arith.index_cast %get3A_1016 : i32 to index
            %get3A_1018 = arith.index_cast %sub3A_1012 : i32 to index
            %get3A_1019 = tpu.vector_load %arg9[%get3A_1017, %get3A_1018] {strides = array<i32>} : memref<1x64xi32, #tpu.memory_space<vmem>>, vector<16xi32>,
            %broadcast_in_dim3A_1020 = vector.broadcast %and3A_984 : i32 to vector<16xi32>
            %select_n3A_1021 = arith.select %eq3A_1015, %broadcast_in_dim3A_1020, %get3A_1019 : vector<16xi1>, vector<16xi32>
            %swap3A_1022 = arith.constant 0 : i32
            %swap3A_1023 = arith.index_cast %swap3A_1022 : i32 to index
            %swap3A_1024 = arith.index_cast %sub3A_1012 : i32 to index
            %swap3A_1025 = tpu.vector_load %arg9[%swap3A_1023, %swap3A_1024] {strides = array<i32>} : memref<1x64xi32, #tpu.memory_space<vmem>>, vector<16xi32>,
            tpu.vector_store %arg9[%swap3A_1023, %swap3A_1024], %select_n3A_1021 {strides = array<i32>} : memref<1x64xi32, #tpu.memory_space<vmem>>, vector<16xi32>,
            %eq3A_1026 = arith.constant 63 : i32
            %eq3A_1027 = arith.cmpi eq, %and3A_986, %eq3A_1026 : i32
            %convert_element_type3A_1028 = arith.extui %eq3A_1027 : i1 to i32
            %cond3A_1029 = arith.constant 0 : i32
            %cond3A_1030 = arith.cmpi ne, %convert_element_type3A_1028, %cond3A_1029 : i32
            scf.if %cond3A_1030 {
              %dma_start3A_1036 = arith.constant 0 : i32
              %dma_start3A_1037 = arith.constant 0 : i32
              %dma_start3A_1038 = tpu.memref_slice %arg9[%dma_start3A_1036, %dma_start3A_1037] : memref<1x64xi32, #tpu.memory_space<vmem>> -> memref<1x64xi32, #tpu.memory_space<vmem>>
              %dma_start3A_1039 = tpu.memref_squeeze %dma_start3A_1038 : memref<1x64xi32, #tpu.memory_space<vmem>> -> memref<64xi32, #tpu.memory_space<vmem>>
              %dma_start3A_1040 = arith.constant 0 : i32
              %dma_start3A_1041 = arith.constant 0 : i32
              %dma_start3A_1042 = tpu.memref_slice %arg4[%dma_start3A_1040, %dma_start3A_1041] : memref<16512x128xf32, #tpu.memory_space<hbm>> -> memref<16512x128xf32, #tpu.memory_space<hbm>>
              tpu.enqueue_indirect_dma source(%arg8 : memref<64x128xf32, #tpu.memory_space<vmem>>) target(%dma_start3A_1042 : memref<16512x128xf32, #tpu.memory_space<hbm>>) offsets(%dma_start3A_1039 : memref<64xi32, #tpu.memory_space<vmem>>) semaphore(%arg13 : memref<!tpu.dma_semaphore, #tpu.memory_space<semaphore_mem>>)
              %dma_wait3A_1043 = arith.constant 0 : i32
              %dma_wait3A_1044 = arith.constant 0 : i32
              %dma_wait3A_1045 = tpu.memref_slice %arg9[%dma_wait3A_1043, %dma_wait3A_1044] : memref<1x64xi32, #tpu.memory_space<vmem>> -> memref<1x64xi32, #tpu.memory_space<vmem>>
              %dma_wait3A_1046 = tpu.memref_squeeze %dma_wait3A_1045 : memref<1x64xi32, #tpu.memory_space<vmem>> -> memref<64xi32, #tpu.memory_space<vmem>>
              %dma_wait3A_1047 = arith.constant 0 : i32
              %dma_wait3A_1048 = arith.constant 0 : i32
              %dma_wait3A_1049 = tpu.memref_slice %arg4[%dma_wait3A_1047, %dma_wait3A_1048] : memref<16512x128xf32, #tpu.memory_space<hbm>> -> memref<16512x128xf32, #tpu.memory_space<hbm>>
              tpu.wait_indirect_dma semaphore(%arg13 : memref<!tpu.dma_semaphore, #tpu.memory_space<semaphore_mem>>) src(%arg8 : memref<64x128xf32, #tpu.memory_space<vmem>>) dst(%dma_wait3A_1049 : memref<16512x128xf32, #tpu.memory_space<hbm>>)
              %add3A_1050 = arith.constant 16384 : i32
              %add3A_1051 = vector.broadcast %add3A_1050 : i32 to vector<16xi32>
              %add3A_1052 = arith.addi %add3A_1051, %iota3A : vector<16xi32>
              %add3A_1053 = arith.constant 0 : i32
              %add3A_1054 = vector.broadcast %add3A_1053 : i32 to vector<16xi32>
              %add3A_1055 = arith.addi %add3A_1052, %add3A_1054 : vector<16xi32>
              %swap3A_1056 = arith.constant 0 : i32
              %swap3A_1057 = arith.index_cast %swap3A_1056 : i32 to index
              %swap3A_1058 = arith.constant 0 : index
              %swap3A_1059 = tpu.vector_load %arg9[%swap3A_1057, %swap3A_1058] {strides = array<i32>} : memref<1x64xi32, #tpu.memory_space<vmem>>, vector<16xi32>,
              tpu.vector_store %arg9[%swap3A_1057, %swap3A_1058], %add3A_1055 {strides = array<i32>} : memref<1x64xi32, #tpu.memory_space<vmem>>, vector<16xi32>,
              %add3A_1060 = arith.constant 16384 : i32
              %add3A_1061 = vector.broadcast %add3A_1060 : i32 to vector<16xi32>
              %add3A_1062 = arith.addi %add3A_1061, %iota3A : vector<16xi32>
              %add3A_1063 = arith.constant 16 : i32
              %add3A_1064 = vector.broadcast %add3A_1063 : i32 to vector<16xi32>
              %add3A_1065 = arith.addi %add3A_1062, %add3A_1064 : vector<16xi32>
              %swap3A_1066 = arith.constant 0 : i32
              %swap3A_1067 = arith.index_cast %swap3A_1066 : i32 to index
              %swap3A_1068 = arith.constant 16 : index
              %swap3A_1069 = tpu.vector_load %arg9[%swap3A_1067, %swap3A_1068] {strides = array<i32>} : memref<1x64xi32, #tpu.memory_space<vmem>>, vector<16xi32>,
              tpu.vector_store %arg9[%swap3A_1067, %swap3A_1068], %add3A_1065 {strides = array<i32>} : memref<1x64xi32, #tpu.memory_space<vmem>>, vector<16xi32>,
              %add3A_1070 = arith.constant 16384 : i32
              %add3A_1071 = vector.broadcast %add3A_1070 : i32 to vector<16xi32>
              %add3A_1072 = arith.addi %add3A_1071, %iota3A : vector<16xi32>
              %add3A_1073 = arith.constant 32 : i32
              %add3A_1074 = vector.broadcast %add3A_1073 : i32 to vector<16xi32>
              %add3A_1075 = arith.addi %add3A_1072, %add3A_1074 : vector<16xi32>
              %swap3A_1076 = arith.constant 0 : i32
              %swap3A_1077 = arith.index_cast %swap3A_1076 : i32 to index
              %swap3A_1078 = arith.constant 32 : index
              %swap3A_1079 = tpu.vector_load %arg9[%swap3A_1077, %swap3A_1078] {strides = array<i32>} : memref<1x64xi32, #tpu.memory_space<vmem>>, vector<16xi32>,
              tpu.vector_store %arg9[%swap3A_1077, %swap3A_1078], %add3A_1075 {strides = array<i32>} : memref<1x64xi32, #tpu.memory_space<vmem>>, vector<16xi32>,
              %add3A_1080 = arith.constant 16384 : i32
              %add3A_1081 = vector.broadcast %add3A_1080 : i32 to vector<16xi32>
              %add3A_1082 = arith.addi %add3A_1081, %iota3A : vector<16xi32>
              %add3A_1083 = arith.constant 48 : i32
              %add3A_1084 = vector.broadcast %add3A_1083 : i32 to vector<16xi32>
              %add3A_1085 = arith.addi %add3A_1082, %add3A_1084 : vector<16xi32>
              %swap3A_1086 = arith.constant 0 : i32
              %swap3A_1087 = arith.index_cast %swap3A_1086 : i32 to index
              %swap3A_1088 = arith.constant 48 : index
              %swap3A_1089 = tpu.vector_load %arg9[%swap3A_1087, %swap3A_1088] {strides = array<i32>} : memref<1x64xi32, #tpu.memory_space<vmem>>, vector<16xi32>,
              tpu.vector_store %arg9[%swap3A_1087, %swap3A_1088], %add3A_1085 {strides = array<i32>} : memref<1x64xi32, #tpu.memory_space<vmem>>, vector<16xi32>,
            } else {
            }
            %add3A_1031 = arith.constant 1 : i32
            %add3A_1032 = arith.addi %while3A_960, %add3A_1031 : i32
            %ne3A_1033 = vector.broadcast %squeeze3A_963 : i32 to vector<16xi32>
            %ne3A_1034 = arith.cmpi ne, %iota3A, %ne3A_1033 : vector<16xi32>
            %and3A_1035 = arith.andi %while3A_961, %ne3A_1034 : vector<16xi1>
            scf.yield %add3A_1032, %and3A_1035 : i32, vector<16xi1>
          }
          scf.yield %while3A_958#0 : i32
        } else {
          scf.yield %while3A_921 : i32
        }
        scf.yield %cond3A_945 : i32
      }
      %while3A_918 = arith.constant 1 : i32
      %while3A_919 = scf.for %while3A_920 = %while3A_915 to %while3A_911 step %while3A_918 iter_args(%while3A_921 = %while3A_917) -> (i32)  : i32 {
        %mul3A_922 = arith.constant 16 : i32
        %mul3A_923 = arith.muli %mul3A_922, %while3A_920 : i32
        %get3A_924 = arith.index_cast %mul3A_923 : i32 to index
        %get3A_925 = tpu.vector_load %arg6[%get3A_924] {strides = array<i32>} : memref<16416xi32, #tpu.memory_space<vmem>>, vector<16xi32>,
        %shift_right_logical3A = arith.constant 21 : i32
        %shift_right_logical3A_926 = vector.broadcast %shift_right_logical3A : i32 to vector<16xi32>
        %shift_right_logical3A_927 = arith.shrui %get3A_925, %shift_right_logical3A_926 : vector<16xi32>
        %mul3A_928 = arith.constant 6 : i32
        %mul3A_929 = arith.muli %add3A_764, %mul3A_928 : i32
        %ge3A = vector.broadcast %mul3A_929 : i32 to vector<16xi32>
        %ge3A_930 = arith.cmpi sge, %shift_right_logical3A_927, %ge3A : vector<16xi32>
        %mul3A_931 = arith.constant 6 : i32
        %mul3A_932 = arith.muli %add3A_764, %mul3A_931 : i32
        %add3A_933 = arith.constant 6 : i32
        %add3A_934 = arith.addi %mul3A_932, %add3A_933 : i32
        %lt3A_935 = vector.broadcast %add3A_934 : i32 to vector<16xi32>
        %lt3A_936 = arith.cmpi slt, %shift_right_logical3A_927, %lt3A_935 : vector<16xi32>
        %and3A_937 = arith.andi %ge3A_930, %lt3A_936 : vector<16xi1>
        %all_reduce_population_count3A = tpu.all_reduce %and3A_937 {dim = 0 : i64, kind = #tpu.reduction_kind<sum>} : vector<16xi1> -> vector<16xi32>
        %slice3A_938 = vector.extract_strided_slice %all_reduce_population_count3A {offsets = [0], sizes = [1], strides = [1]} : vector<16xi32> to vector<1xi32>
        %squeeze3A_939 = vector.extract %slice3A_938[0] : i32 from vector<1xi32>
        %gt3A_940 = arith.constant 0 : i32
        %gt3A_941 = arith.cmpi sgt, %squeeze3A_939, %gt3A_940 : i32
        %convert_element_type3A_942 = arith.extui %gt3A_941 : i1 to i32
        %cond3A_943 = arith.constant 0 : i32
        %cond3A_944 = arith.cmpi ne, %convert_element_type3A_942, %cond3A_943 : i32
        %cond3A_945 = scf.if %cond3A_944 -> (i32) {
          %swap3A_946 = arith.constant 0 : index
          %swap3A_947 = tpu.vector_load %arg11[%swap3A_946] {strides = array<i32>} : memref<32xi32, #tpu.memory_space<vmem>>, vector<16xi32>,
          tpu.vector_store %arg11[%swap3A_946], %get3A_925 {strides = array<i32>} : memref<32xi32, #tpu.memory_space<vmem>>, vector<16xi32>,
          %while3A_948 = arith.constant 0 : i32
          %while3A_949 = arith.subi %squeeze3A_939, %while3A_948 : i32
          %while3A_950 = arith.addi %while3A_948, %while3A_949 : i32
          %while3A_951 = arith.constant 1 : i32
          %while3A_952 = arith.divsi %while3A_949, %while3A_951 : i32
          %while3A_953 = arith.muli %while3A_952, %while3A_951 : i32
          %while3A_954 = arith.addi %while3A_948, %while3A_953 : i32
          %while3A_955 = arith.constant 1 : i32
          %while3A_956:2 = scf.for %while3A_959 = %while3A_948 to %while3A_954 step %while3A_955 iter_args(%while3A_960 = %while3A_921, %while3A_961 = %and3A_937) -> (i32, vector<16xi1>)  : i32 {
            %all_reduce_ffs3A = tpu.all_reduce %while3A_961 {dim = 0 : i64, kind = #tpu.reduction_kind<find_first_set>} : vector<16xi1> -> vector<16xi32>
            %slice3A_962 = vector.extract_strided_slice %all_reduce_ffs3A {offsets = [0], sizes = [1], strides = [1]} : vector<16xi32> to vector<1xi32>
            %squeeze3A_963 = vector.extract %slice3A_962[0] : i32 from vector<1xi32>
            %get3A_964 = arith.index_cast %squeeze3A_963 : i32 to index
            %get3A_965 = tpu.vector_load %arg11[%get3A_964] {strides = array<i32>} : memref<32xi32, #tpu.memory_space<vmem>>, vector<16xi32>,
            %slice3A_966 = vector.extract_strided_slice %get3A_965 {offsets = [0], sizes = [1], strides = [1]} : vector<16xi32> to vector<1xi32>
            %squeeze3A_967 = vector.extract %slice3A_966[0] : i32 from vector<1xi32>
            %shift_right_logical3A_968 = arith.constant 21 : i32
            %shift_right_logical3A_969 = arith.shrui %squeeze3A_967, %shift_right_logical3A_968 : i32
            %mul3A_970 = arith.constant 6 : i32
            %mul3A_971 = arith.muli %add3A_764, %mul3A_970 : i32
            %sub3A_972 = arith.subi %shift_right_logical3A_969, %mul3A_971 : i32
            %add3A_973 = arith.constant 6 : i32
            %add3A_974 = arith.addi %sub3A_972, %add3A_973 : i32
            %mul3A_975 = arith.constant 56 : i32
            %mul3A_976 = arith.muli %add3A_974, %mul3A_975 : i32
            %shift_right_logical3A_977 = arith.constant 14 : i32
            %shift_right_logical3A_978 = arith.shrui %squeeze3A_967, %shift_right_logical3A_977 : i32
            %and3A_979 = arith.constant 127 : i32
            %and3A_980 = arith.andi %shift_right_logical3A_978, %and3A_979 : i32
            %mul3A_981 = vector.broadcast %and3A_980 : i32 to vector<16xi32>
            %mul3A_982 = arith.muli %broadcast_in_dim3A_49, %mul3A_981 : vector<16xi32>
            %and3A_983 = arith.constant 16383 : i32
            %and3A_984 = arith.andi %squeeze3A_967, %and3A_983 : i32
            %and3A_985 = arith.constant 63 : i32
            %and3A_986 = arith.andi %while3A_960, %and3A_985 : i32
            %add3A_987 = vector.broadcast %mul3A_976 : i32 to vector<16xi32>
            %add3A_988 = arith.addi %add3A_987, %min3A_890 : vector<16xi32>
            %gather3A = tpu.vector_load_idx %arg7[%add3A_988, %mul3A_982] : memref<672x128xf32, #tpu.memory_space<vmem>>[vector<16xi32>, vector<16xi32>], vector<16xf32>,
            %swap3A_989 = arith.index_cast %and3A_986 : i32 to index
            %swap3A_990 = arith.constant 0 : index
            %swap3A_991 = tpu.vector_load %arg8[%swap3A_989, %swap3A_990] {strides = array<i32>} : memref<64x128xf32, #tpu.memory_space<vmem>>, vector<16xf32>,
            tpu.vector_store %arg8[%swap3A_989, %swap3A_990], %gather3A {strides = array<i32>} : memref<64x128xf32, #tpu.memory_space<vmem>>, vector<16xf32>,
            %add3A_992 = vector.broadcast %mul3A_976 : i32 to vector<16xi32>
            %add3A_993 = arith.addi %add3A_992, %min3A_896 : vector<16xi32>
            %gather3A_994 = tpu.vector_load_idx %arg7[%add3A_993, %mul3A_982] : memref<672x128xf32, #tpu.memory_space<vmem>>[vector<16xi32>, vector<16xi32>], vector<16xf32>,
            %swap3A_995 = arith.index_cast %and3A_986 : i32 to index
            %swap3A_996 = arith.constant 16 : index
            %swap3A_997 = tpu.vector_load %arg8[%swap3A_995, %swap3A_996] {strides = array<i32>} : memref<64x128xf32, #tpu.memory_space<vmem>>, vector<16xf32>,
            tpu.vector_store %arg8[%swap3A_995, %swap3A_996], %gather3A_994 {strides = array<i32>} : memref<64x128xf32, #tpu.memory_space<vmem>>, vector<16xf32>,
            %add3A_998 = vector.broadcast %mul3A_976 : i32 to vector<16xi32>
            %add3A_999 = arith.addi %add3A_998, %min3A_902 : vector<16xi32>
            %gather3A_1000 = tpu.vector_load_idx %arg7[%add3A_999, %mul3A_982] : memref<672x128xf32, #tpu.memory_space<vmem>>[vector<16xi32>, vector<16xi32>], vector<16xf32>,
            %swap3A_1001 = arith.index_cast %and3A_986 : i32 to index
            %swap3A_1002 = arith.constant 32 : index
            %swap3A_1003 = tpu.vector_load %arg8[%swap3A_1001, %swap3A_1002] {strides = array<i32>} : memref<64x128xf32, #tpu.memory_space<vmem>>, vector<16xf32>,
            tpu.vector_store %arg8[%swap3A_1001, %swap3A_1002], %gather3A_1000 {strides = array<i32>} : memref<64x128xf32, #tpu.memory_space<vmem>>, vector<16xf32>,
            %add3A_1004 = vector.broadcast %mul3A_976 : i32 to vector<16xi32>
            %add3A_1005 = arith.addi %add3A_1004, %min3A_908 : vector<16xi32>
            %gather3A_1006 = tpu.vector_load_idx %arg7[%add3A_1005, %mul3A_982] : memref<672x128xf32, #tpu.memory_space<vmem>>[vector<16xi32>, vector<16xi32>], vector<16xf32>,
            %swap3A_1007 = arith.index_cast %and3A_986 : i32 to index
            %swap3A_1008 = arith.constant 48 : index
            %swap3A_1009 = tpu.vector_load %arg8[%swap3A_1007, %swap3A_1008] {strides = array<i32>} : memref<64x128xf32, #tpu.memory_space<vmem>>, vector<16xf32>,
            tpu.vector_store %arg8[%swap3A_1007, %swap3A_1008], %gather3A_1006 {strides = array<i32>} : memref<64x128xf32, #tpu.memory_space<vmem>>, vector<16xf32>,
            %and3A_1010 = arith.constant 15 : i32
            %and3A_1011 = arith.andi %and3A_986, %and3A_1010 : i32
            %sub3A_1012 = arith.subi %and3A_986, %and3A_1011 : i32
            %and3A_1013 = arith.constant 15 : i32
            %and3A_1014 = arith.andi %and3A_986, %and3A_1013 : i32
            %eq3A = vector.broadcast %and3A_1014 : i32 to vector<16xi32>
            %eq3A_1015 = arith.cmpi eq, %iota3A, %eq3A : vector<16xi32>
            %get3A_1016 = arith.constant 0 : i32
            %get3A_1017 = arith.index_cast %get3A_1016 : i32 to index
            %get3A_1018 = arith.index_cast %sub3A_1012 : i32 to index
            %get3A_1019 = tpu.vector_load %arg9[%get3A_1017, %get3A_1018] {strides = array<i32>} : memref<1x64xi32, #tpu.memory_space<vmem>>, vector<16xi32>,
            %broadcast_in_dim3A_1020 = vector.broadcast %and3A_984 : i32 to vector<16xi32>
            %select_n3A_1021 = arith.select %eq3A_1015, %broadcast_in_dim3A_1020, %get3A_1019 : vector<16xi1>, vector<16xi32>
            %swap3A_1022 = arith.constant 0 : i32
            %swap3A_1023 = arith.index_cast %swap3A_1022 : i32 to index
            %swap3A_1024 = arith.index_cast %sub3A_1012 : i32 to index
            %swap3A_1025 = tpu.vector_load %arg9[%swap3A_1023, %swap3A_1024] {strides = array<i32>} : memref<1x64xi32, #tpu.memory_space<vmem>>, vector<16xi32>,
            tpu.vector_store %arg9[%swap3A_1023, %swap3A_1024], %select_n3A_1021 {strides = array<i32>} : memref<1x64xi32, #tpu.memory_space<vmem>>, vector<16xi32>,
            %eq3A_1026 = arith.constant 63 : i32
            %eq3A_1027 = arith.cmpi eq, %and3A_986, %eq3A_1026 : i32
            %convert_element_type3A_1028 = arith.extui %eq3A_1027 : i1 to i32
            %cond3A_1029 = arith.constant 0 : i32
            %cond3A_1030 = arith.cmpi ne, %convert_element_type3A_1028, %cond3A_1029 : i32
            scf.if %cond3A_1030 {
              %dma_start3A_1036 = arith.constant 0 : i32
              %dma_start3A_1037 = arith.constant 0 : i32
              %dma_start3A_1038 = tpu.memref_slice %arg9[%dma_start3A_1036, %dma_start3A_1037] : memref<1x64xi32, #tpu.memory_space<vmem>> -> memref<1x64xi32, #tpu.memory_space<vmem>>
              %dma_start3A_1039 = tpu.memref_squeeze %dma_start3A_1038 : memref<1x64xi32, #tpu.memory_space<vmem>> -> memref<64xi32, #tpu.memory_space<vmem>>
              %dma_start3A_1040 = arith.constant 0 : i32
              %dma_start3A_1041 = arith.constant 0 : i32
              %dma_start3A_1042 = tpu.memref_slice %arg4[%dma_start3A_1040, %dma_start3A_1041] : memref<16512x128xf32, #tpu.memory_space<hbm>> -> memref<16512x128xf32, #tpu.memory_space<hbm>>
              tpu.enqueue_indirect_dma source(%arg8 : memref<64x128xf32, #tpu.memory_space<vmem>>) target(%dma_start3A_1042 : memref<16512x128xf32, #tpu.memory_space<hbm>>) offsets(%dma_start3A_1039 : memref<64xi32, #tpu.memory_space<vmem>>) semaphore(%arg13 : memref<!tpu.dma_semaphore, #tpu.memory_space<semaphore_mem>>)
              %dma_wait3A_1043 = arith.constant 0 : i32
              %dma_wait3A_1044 = arith.constant 0 : i32
              %dma_wait3A_1045 = tpu.memref_slice %arg9[%dma_wait3A_1043, %dma_wait3A_1044] : memref<1x64xi32, #tpu.memory_space<vmem>> -> memref<1x64xi32, #tpu.memory_space<vmem>>
              %dma_wait3A_1046 = tpu.memref_squeeze %dma_wait3A_1045 : memref<1x64xi32, #tpu.memory_space<vmem>> -> memref<64xi32, #tpu.memory_space<vmem>>
              %dma_wait3A_1047 = arith.constant 0 : i32
              %dma_wait3A_1048 = arith.constant 0 : i32
              %dma_wait3A_1049 = tpu.memref_slice %arg4[%dma_wait3A_1047, %dma_wait3A_1048] : memref<16512x128xf32, #tpu.memory_space<hbm>> -> memref<16512x128xf32, #tpu.memory_space<hbm>>
              tpu.wait_indirect_dma semaphore(%arg13 : memref<!tpu.dma_semaphore, #tpu.memory_space<semaphore_mem>>) src(%arg8 : memref<64x128xf32, #tpu.memory_space<vmem>>) dst(%dma_wait3A_1049 : memref<16512x128xf32, #tpu.memory_space<hbm>>)
              %add3A_1050 = arith.constant 16384 : i32
              %add3A_1051 = vector.broadcast %add3A_1050 : i32 to vector<16xi32>
              %add3A_1052 = arith.addi %add3A_1051, %iota3A : vector<16xi32>
              %add3A_1053 = arith.constant 0 : i32
              %add3A_1054 = vector.broadcast %add3A_1053 : i32 to vector<16xi32>
              %add3A_1055 = arith.addi %add3A_1052, %add3A_1054 : vector<16xi32>
              %swap3A_1056 = arith.constant 0 : i32
              %swap3A_1057 = arith.index_cast %swap3A_1056 : i32 to index
              %swap3A_1058 = arith.constant 0 : index
              %swap3A_1059 = tpu.vector_load %arg9[%swap3A_1057, %swap3A_1058] {strides = array<i32>} : memref<1x64xi32, #tpu.memory_space<vmem>>, vector<16xi32>,
              tpu.vector_store %arg9[%swap3A_1057, %swap3A_1058], %add3A_1055 {strides = array<i32>} : memref<1x64xi32, #tpu.memory_space<vmem>>, vector<16xi32>,
              %add3A_1060 = arith.constant 16384 : i32
              %add3A_1061 = vector.broadcast %add3A_1060 : i32 to vector<16xi32>
              %add3A_1062 = arith.addi %add3A_1061, %iota3A : vector<16xi32>
              %add3A_1063 = arith.constant 16 : i32
              %add3A_1064 = vector.broadcast %add3A_1063 : i32 to vector<16xi32>
              %add3A_1065 = arith.addi %add3A_1062, %add3A_1064 : vector<16xi32>
              %swap3A_1066 = arith.constant 0 : i32
              %swap3A_1067 = arith.index_cast %swap3A_1066 : i32 to index
              %swap3A_1068 = arith.constant 16 : index
              %swap3A_1069 = tpu.vector_load %arg9[%swap3A_1067, %swap3A_1068] {strides = array<i32>} : memref<1x64xi32, #tpu.memory_space<vmem>>, vector<16xi32>,
              tpu.vector_store %arg9[%swap3A_1067, %swap3A_1068], %add3A_1065 {strides = array<i32>} : memref<1x64xi32, #tpu.memory_space<vmem>>, vector<16xi32>,
              %add3A_1070 = arith.constant 16384 : i32
              %add3A_1071 = vector.broadcast %add3A_1070 : i32 to vector<16xi32>
              %add3A_1072 = arith.addi %add3A_1071, %iota3A : vector<16xi32>
              %add3A_1073 = arith.constant 32 : i32
              %add3A_1074 = vector.broadcast %add3A_1073 : i32 to vector<16xi32>
              %add3A_1075 = arith.addi %add3A_1072, %add3A_1074 : vector<16xi32>
              %swap3A_1076 = arith.constant 0 : i32
              %swap3A_1077 = arith.index_cast %swap3A_1076 : i32 to index
              %swap3A_1078 = arith.constant 32 : index
              %swap3A_1079 = tpu.vector_load %arg9[%swap3A_1077, %swap3A_1078] {strides = array<i32>} : memref<1x64xi32, #tpu.memory_space<vmem>>, vector<16xi32>,
              tpu.vector_store %arg9[%swap3A_1077, %swap3A_1078], %add3A_1075 {strides = array<i32>} : memref<1x64xi32, #tpu.memory_space<vmem>>, vector<16xi32>,
              %add3A_1080 = arith.constant 16384 : i32
              %add3A_1081 = vector.broadcast %add3A_1080 : i32 to vector<16xi32>
              %add3A_1082 = arith.addi %add3A_1081, %iota3A : vector<16xi32>
              %add3A_1083 = arith.constant 48 : i32
              %add3A_1084 = vector.broadcast %add3A_1083 : i32 to vector<16xi32>
              %add3A_1085 = arith.addi %add3A_1082, %add3A_1084 : vector<16xi32>
              %swap3A_1086 = arith.constant 0 : i32
              %swap3A_1087 = arith.index_cast %swap3A_1086 : i32 to index
              %swap3A_1088 = arith.constant 48 : index
              %swap3A_1089 = tpu.vector_load %arg9[%swap3A_1087, %swap3A_1088] {strides = array<i32>} : memref<1x64xi32, #tpu.memory_space<vmem>>, vector<16xi32>,
              tpu.vector_store %arg9[%swap3A_1087, %swap3A_1088], %add3A_1085 {strides = array<i32>} : memref<1x64xi32, #tpu.memory_space<vmem>>, vector<16xi32>,
            } else {
            }
            %add3A_1031 = arith.constant 1 : i32
            %add3A_1032 = arith.addi %while3A_960, %add3A_1031 : i32
            %ne3A_1033 = vector.broadcast %squeeze3A_963 : i32 to vector<16xi32>
            %ne3A_1034 = arith.cmpi ne, %iota3A, %ne3A_1033 : vector<16xi32>
            %and3A_1035 = arith.andi %while3A_961, %ne3A_1034 : vector<16xi1>
            scf.yield %add3A_1032, %and3A_1035 : i32, vector<16xi1>
          }
          %while3A_957 = arith.constant 1 : i32
          %while3A_958:2 = scf.for %while3A_959 = %while3A_954 to %while3A_950 step %while3A_957 iter_args(%while3A_960 = %while3A_956#0, %while3A_961 = %while3A_956#1) -> (i32, vector<16xi1>)  : i32 {
            %all_reduce_ffs3A = tpu.all_reduce %while3A_961 {dim = 0 : i64, kind = #tpu.reduction_kind<find_first_set>} : vector<16xi1> -> vector<16xi32>
            %slice3A_962 = vector.extract_strided_slice %all_reduce_ffs3A {offsets = [0], sizes = [1], strides = [1]} : vector<16xi32> to vector<1xi32>
            %squeeze3A_963 = vector.extract %slice3A_962[0] : i32 from vector<1xi32>
            %get3A_964 = arith.index_cast %squeeze3A_963 : i32 to index
            %get3A_965 = tpu.vector_load %arg11[%get3A_964] {strides = array<i32>} : memref<32xi32, #tpu.memory_space<vmem>>, vector<16xi32>,
            %slice3A_966 = vector.extract_strided_slice %get3A_965 {offsets = [0], sizes = [1], strides = [1]} : vector<16xi32> to vector<1xi32>
            %squeeze3A_967 = vector.extract %slice3A_966[0] : i32 from vector<1xi32>
            %shift_right_logical3A_968 = arith.constant 21 : i32
            %shift_right_logical3A_969 = arith.shrui %squeeze3A_967, %shift_right_logical3A_968 : i32
            %mul3A_970 = arith.constant 6 : i32
            %mul3A_971 = arith.muli %add3A_764, %mul3A_970 : i32
            %sub3A_972 = arith.subi %shift_right_logical3A_969, %mul3A_971 : i32
            %add3A_973 = arith.constant 6 : i32
            %add3A_974 = arith.addi %sub3A_972, %add3A_973 : i32
            %mul3A_975 = arith.constant 56 : i32
            %mul3A_976 = arith.muli %add3A_974, %mul3A_975 : i32
            %shift_right_logical3A_977 = arith.constant 14 : i32
            %shift_right_logical3A_978 = arith.shrui %squeeze3A_967, %shift_right_logical3A_977 : i32
            %and3A_979 = arith.constant 127 : i32
            %and3A_980 = arith.andi %shift_right_logical3A_978, %and3A_979 : i32
            %mul3A_981 = vector.broadcast %and3A_980 : i32 to vector<16xi32>
            %mul3A_982 = arith.muli %broadcast_in_dim3A_49, %mul3A_981 : vector<16xi32>
            %and3A_983 = arith.constant 16383 : i32
            %and3A_984 = arith.andi %squeeze3A_967, %and3A_983 : i32
            %and3A_985 = arith.constant 63 : i32
            %and3A_986 = arith.andi %while3A_960, %and3A_985 : i32
            %add3A_987 = vector.broadcast %mul3A_976 : i32 to vector<16xi32>
            %add3A_988 = arith.addi %add3A_987, %min3A_890 : vector<16xi32>
            %gather3A = tpu.vector_load_idx %arg7[%add3A_988, %mul3A_982] : memref<672x128xf32, #tpu.memory_space<vmem>>[vector<16xi32>, vector<16xi32>], vector<16xf32>,
            %swap3A_989 = arith.index_cast %and3A_986 : i32 to index
            %swap3A_990 = arith.constant 0 : index
            %swap3A_991 = tpu.vector_load %arg8[%swap3A_989, %swap3A_990] {strides = array<i32>} : memref<64x128xf32, #tpu.memory_space<vmem>>, vector<16xf32>,
            tpu.vector_store %arg8[%swap3A_989, %swap3A_990], %gather3A {strides = array<i32>} : memref<64x128xf32, #tpu.memory_space<vmem>>, vector<16xf32>,
            %add3A_992 = vector.broadcast %mul3A_976 : i32 to vector<16xi32>
            %add3A_993 = arith.addi %add3A_992, %min3A_896 : vector<16xi32>
            %gather3A_994 = tpu.vector_load_idx %arg7[%add3A_993, %mul3A_982] : memref<672x128xf32, #tpu.memory_space<vmem>>[vector<16xi32>, vector<16xi32>], vector<16xf32>,
            %swap3A_995 = arith.index_cast %and3A_986 : i32 to index
            %swap3A_996 = arith.constant 16 : index
            %swap3A_997 = tpu.vector_load %arg8[%swap3A_995, %swap3A_996] {strides = array<i32>} : memref<64x128xf32, #tpu.memory_space<vmem>>, vector<16xf32>,
            tpu.vector_store %arg8[%swap3A_995, %swap3A_996], %gather3A_994 {strides = array<i32>} : memref<64x128xf32, #tpu.memory_space<vmem>>, vector<16xf32>,
            %add3A_998 = vector.broadcast %mul3A_976 : i32 to vector<16xi32>
            %add3A_999 = arith.addi %add3A_998, %min3A_902 : vector<16xi32>
            %gather3A_1000 = tpu.vector_load_idx %arg7[%add3A_999, %mul3A_982] : memref<672x128xf32, #tpu.memory_space<vmem>>[vector<16xi32>, vector<16xi32>], vector<16xf32>,
            %swap3A_1001 = arith.index_cast %and3A_986 : i32 to index
            %swap3A_1002 = arith.constant 32 : index
            %swap3A_1003 = tpu.vector_load %arg8[%swap3A_1001, %swap3A_1002] {strides = array<i32>} : memref<64x128xf32, #tpu.memory_space<vmem>>, vector<16xf32>,
            tpu.vector_store %arg8[%swap3A_1001, %swap3A_1002], %gather3A_1000 {strides = array<i32>} : memref<64x128xf32, #tpu.memory_space<vmem>>, vector<16xf32>,
            %add3A_1004 = vector.broadcast %mul3A_976 : i32 to vector<16xi32>
            %add3A_1005 = arith.addi %add3A_1004, %min3A_908 : vector<16xi32>
            %gather3A_1006 = tpu.vector_load_idx %arg7[%add3A_1005, %mul3A_982] : memref<672x128xf32, #tpu.memory_space<vmem>>[vector<16xi32>, vector<16xi32>], vector<16xf32>,
            %swap3A_1007 = arith.index_cast %and3A_986 : i32 to index
            %swap3A_1008 = arith.constant 48 : index
            %swap3A_1009 = tpu.vector_load %arg8[%swap3A_1007, %swap3A_1008] {strides = array<i32>} : memref<64x128xf32, #tpu.memory_space<vmem>>, vector<16xf32>,
            tpu.vector_store %arg8[%swap3A_1007, %swap3A_1008], %gather3A_1006 {strides = array<i32>} : memref<64x128xf32, #tpu.memory_space<vmem>>, vector<16xf32>,
            %and3A_1010 = arith.constant 15 : i32
            %and3A_1011 = arith.andi %and3A_986, %and3A_1010 : i32
            %sub3A_1012 = arith.subi %and3A_986, %and3A_1011 : i32
            %and3A_1013 = arith.constant 15 : i32
            %and3A_1014 = arith.andi %and3A_986, %and3A_1013 : i32
            %eq3A = vector.broadcast %and3A_1014 : i32 to vector<16xi32>
            %eq3A_1015 = arith.cmpi eq, %iota3A, %eq3A : vector<16xi32>
            %get3A_1016 = arith.constant 0 : i32
            %get3A_1017 = arith.index_cast %get3A_1016 : i32 to index
            %get3A_1018 = arith.index_cast %sub3A_1012 : i32 to index
            %get3A_1019 = tpu.vector_load %arg9[%get3A_1017, %get3A_1018] {strides = array<i32>} : memref<1x64xi32, #tpu.memory_space<vmem>>, vector<16xi32>,
            %broadcast_in_dim3A_1020 = vector.broadcast %and3A_984 : i32 to vector<16xi32>
            %select_n3A_1021 = arith.select %eq3A_1015, %broadcast_in_dim3A_1020, %get3A_1019 : vector<16xi1>, vector<16xi32>
            %swap3A_1022 = arith.constant 0 : i32
            %swap3A_1023 = arith.index_cast %swap3A_1022 : i32 to index
            %swap3A_1024 = arith.index_cast %sub3A_1012 : i32 to index
            %swap3A_1025 = tpu.vector_load %arg9[%swap3A_1023, %swap3A_1024] {strides = array<i32>} : memref<1x64xi32, #tpu.memory_space<vmem>>, vector<16xi32>,
            tpu.vector_store %arg9[%swap3A_1023, %swap3A_1024], %select_n3A_1021 {strides = array<i32>} : memref<1x64xi32, #tpu.memory_space<vmem>>, vector<16xi32>,
            %eq3A_1026 = arith.constant 63 : i32
            %eq3A_1027 = arith.cmpi eq, %and3A_986, %eq3A_1026 : i32
            %convert_element_type3A_1028 = arith.extui %eq3A_1027 : i1 to i32
            %cond3A_1029 = arith.constant 0 : i32
            %cond3A_1030 = arith.cmpi ne, %convert_element_type3A_1028, %cond3A_1029 : i32
            scf.if %cond3A_1030 {
              %dma_start3A_1036 = arith.constant 0 : i32
              %dma_start3A_1037 = arith.constant 0 : i32
              %dma_start3A_1038 = tpu.memref_slice %arg9[%dma_start3A_1036, %dma_start3A_1037] : memref<1x64xi32, #tpu.memory_space<vmem>> -> memref<1x64xi32, #tpu.memory_space<vmem>>
              %dma_start3A_1039 = tpu.memref_squeeze %dma_start3A_1038 : memref<1x64xi32, #tpu.memory_space<vmem>> -> memref<64xi32, #tpu.memory_space<vmem>>
              %dma_start3A_1040 = arith.constant 0 : i32
              %dma_start3A_1041 = arith.constant 0 : i32
              %dma_start3A_1042 = tpu.memref_slice %arg4[%dma_start3A_1040, %dma_start3A_1041] : memref<16512x128xf32, #tpu.memory_space<hbm>> -> memref<16512x128xf32, #tpu.memory_space<hbm>>
              tpu.enqueue_indirect_dma source(%arg8 : memref<64x128xf32, #tpu.memory_space<vmem>>) target(%dma_start3A_1042 : memref<16512x128xf32, #tpu.memory_space<hbm>>) offsets(%dma_start3A_1039 : memref<64xi32, #tpu.memory_space<vmem>>) semaphore(%arg13 : memref<!tpu.dma_semaphore, #tpu.memory_space<semaphore_mem>>)
              %dma_wait3A_1043 = arith.constant 0 : i32
              %dma_wait3A_1044 = arith.constant 0 : i32
              %dma_wait3A_1045 = tpu.memref_slice %arg9[%dma_wait3A_1043, %dma_wait3A_1044] : memref<1x64xi32, #tpu.memory_space<vmem>> -> memref<1x64xi32, #tpu.memory_space<vmem>>
              %dma_wait3A_1046 = tpu.memref_squeeze %dma_wait3A_1045 : memref<1x64xi32, #tpu.memory_space<vmem>> -> memref<64xi32, #tpu.memory_space<vmem>>
              %dma_wait3A_1047 = arith.constant 0 : i32
              %dma_wait3A_1048 = arith.constant 0 : i32
              %dma_wait3A_1049 = tpu.memref_slice %arg4[%dma_wait3A_1047, %dma_wait3A_1048] : memref<16512x128xf32, #tpu.memory_space<hbm>> -> memref<16512x128xf32, #tpu.memory_space<hbm>>
              tpu.wait_indirect_dma semaphore(%arg13 : memref<!tpu.dma_semaphore, #tpu.memory_space<semaphore_mem>>) src(%arg8 : memref<64x128xf32, #tpu.memory_space<vmem>>) dst(%dma_wait3A_1049 : memref<16512x128xf32, #tpu.memory_space<hbm>>)
              %add3A_1050 = arith.constant 16384 : i32
              %add3A_1051 = vector.broadcast %add3A_1050 : i32 to vector<16xi32>
              %add3A_1052 = arith.addi %add3A_1051, %iota3A : vector<16xi32>
              %add3A_1053 = arith.constant 0 : i32
              %add3A_1054 = vector.broadcast %add3A_1053 : i32 to vector<16xi32>
              %add3A_1055 = arith.addi %add3A_1052, %add3A_1054 : vector<16xi32>
              %swap3A_1056 = arith.constant 0 : i32
              %swap3A_1057 = arith.index_cast %swap3A_1056 : i32 to index
              %swap3A_1058 = arith.constant 0 : index
              %swap3A_1059 = tpu.vector_load %arg9[%swap3A_1057, %swap3A_1058] {strides = array<i32>} : memref<1x64xi32, #tpu.memory_space<vmem>>, vector<16xi32>,
              tpu.vector_store %arg9[%swap3A_1057, %swap3A_1058], %add3A_1055 {strides = array<i32>} : memref<1x64xi32, #tpu.memory_space<vmem>>, vector<16xi32>,
              %add3A_1060 = arith.constant 16384 : i32
              %add3A_1061 = vector.broadcast %add3A_1060 : i32 to vector<16xi32>
              %add3A_1062 = arith.addi %add3A_1061, %iota3A : vector<16xi32>
              %add3A_1063 = arith.constant 16 : i32
              %add3A_1064 = vector.broadcast %add3A_1063 : i32 to vector<16xi32>
              %add3A_1065 = arith.addi %add3A_1062, %add3A_1064 : vector<16xi32>
              %swap3A_1066 = arith.constant 0 : i32
              %swap3A_1067 = arith.index_cast %swap3A_1066 : i32 to index
              %swap3A_1068 = arith.constant 16 : index
              %swap3A_1069 = tpu.vector_load %arg9[%swap3A_1067, %swap3A_1068] {strides = array<i32>} : memref<1x64xi32, #tpu.memory_space<vmem>>, vector<16xi32>,
              tpu.vector_store %arg9[%swap3A_1067, %swap3A_1068], %add3A_1065 {strides = array<i32>} : memref<1x64xi32, #tpu.memory_space<vmem>>, vector<16xi32>,
              %add3A_1070 = arith.constant 16384 : i32
              %add3A_1071 = vector.broadcast %add3A_1070 : i32 to vector<16xi32>
              %add3A_1072 = arith.addi %add3A_1071, %iota3A : vector<16xi32>
              %add3A_1073 = arith.constant 32 : i32
              %add3A_1074 = vector.broadcast %add3A_1073 : i32 to vector<16xi32>
              %add3A_1075 = arith.addi %add3A_1072, %add3A_1074 : vector<16xi32>
              %swap3A_1076 = arith.constant 0 : i32
              %swap3A_1077 = arith.index_cast %swap3A_1076 : i32 to index
              %swap3A_1078 = arith.constant 32 : index
              %swap3A_1079 = tpu.vector_load %arg9[%swap3A_1077, %swap3A_1078] {strides = array<i32>} : memref<1x64xi32, #tpu.memory_space<vmem>>, vector<16xi32>,
              tpu.vector_store %arg9[%swap3A_1077, %swap3A_1078], %add3A_1075 {strides = array<i32>} : memref<1x64xi32, #tpu.memory_space<vmem>>, vector<16xi32>,
              %add3A_1080 = arith.constant 16384 : i32
              %add3A_1081 = vector.broadcast %add3A_1080 : i32 to vector<16xi32>
              %add3A_1082 = arith.addi %add3A_1081, %iota3A : vector<16xi32>
              %add3A_1083 = arith.constant 48 : i32
              %add3A_1084 = vector.broadcast %add3A_1083 : i32 to vector<16xi32>
              %add3A_1085 = arith.addi %add3A_1082, %add3A_1084 : vector<16xi32>
              %swap3A_1086 = arith.constant 0 : i32
              %swap3A_1087 = arith.index_cast %swap3A_1086 : i32 to index
              %swap3A_1088 = arith.constant 48 : index
              %swap3A_1089 = tpu.vector_load %arg9[%swap3A_1087, %swap3A_1088] {strides = array<i32>} : memref<1x64xi32, #tpu.memory_space<vmem>>, vector<16xi32>,
              tpu.vector_store %arg9[%swap3A_1087, %swap3A_1088], %add3A_1085 {strides = array<i32>} : memref<1x64xi32, #tpu.memory_space<vmem>>, vector<16xi32>,
            } else {
            }
            %add3A_1031 = arith.constant 1 : i32
            %add3A_1032 = arith.addi %while3A_960, %add3A_1031 : i32
            %ne3A_1033 = vector.broadcast %squeeze3A_963 : i32 to vector<16xi32>
            %ne3A_1034 = arith.cmpi ne, %iota3A, %ne3A_1033 : vector<16xi32>
            %and3A_1035 = arith.andi %while3A_961, %ne3A_1034 : vector<16xi1>
            scf.yield %add3A_1032, %and3A_1035 : i32, vector<16xi1>
          }
          scf.yield %while3A_958#0 : i32
        } else {
          scf.yield %while3A_921 : i32
        }
        scf.yield %cond3A_945 : i32
      }
      scf.yield %while3A_919 : i32
    }
    %scan3A_302 = arith.constant 21 : i32
    %dma_start3A = arith.constant 0 : i32
    %dma_start3A_303 = arith.constant 0 : i32
    %dma_start3A_304 = tpu.memref_slice %arg9[%dma_start3A, %dma_start3A_303] : memref<1x64xi32, #tpu.memory_space<vmem>> -> memref<1x64xi32, #tpu.memory_space<vmem>>
    %dma_start3A_305 = tpu.memref_squeeze %dma_start3A_304 : memref<1x64xi32, #tpu.memory_space<vmem>> -> memref<64xi32, #tpu.memory_space<vmem>>
    %dma_start3A_306 = arith.constant 0 : i32
    %dma_start3A_307 = arith.constant 0 : i32
    %dma_start3A_308 = tpu.memref_slice %arg4[%dma_start3A_306, %dma_start3A_307] : memref<16512x128xf32, #tpu.memory_space<hbm>> -> memref<16512x128xf32, #tpu.memory_space<hbm>>
    tpu.enqueue_indirect_dma source(%arg8 : memref<64x128xf32, #tpu.memory_space<vmem>>) target(%dma_start3A_308 : memref<16512x128xf32, #tpu.memory_space<hbm>>) offsets(%dma_start3A_305 : memref<64xi32, #tpu.memory_space<vmem>>) semaphore(%arg13 : memref<!tpu.dma_semaphore, #tpu.memory_space<semaphore_mem>>)
    %dma_wait3A = arith.constant 0 : i32
    %dma_wait3A_309 = arith.constant 0 : i32
    %dma_wait3A_310 = tpu.memref_slice %arg9[%dma_wait3A, %dma_wait3A_309] : memref<1x64xi32, #tpu.memory_space<vmem>> -> memref<1x64xi32, #tpu.memory_space<vmem>>
    %dma_wait3A_311 = tpu.memref_squeeze %dma_wait3A_310 : memref<1x64xi32, #tpu.memory_space<vmem>> -> memref<64xi32, #tpu.memory_space<vmem>>
    %dma_wait3A_312 = arith.constant 0 : i32
    %dma_wait3A_313 = arith.constant 0 : i32
    %dma_wait3A_314 = tpu.memref_slice %arg4[%dma_wait3A_312, %dma_wait3A_313] : memref<16512x128xf32, #tpu.memory_space<hbm>> -> memref<16512x128xf32, #tpu.memory_space<hbm>>
    tpu.wait_indirect_dma semaphore(%arg13 : memref<!tpu.dma_semaphore, #tpu.memory_space<semaphore_mem>>) src(%arg8 : memref<64x128xf32, #tpu.memory_space<vmem>>) dst(%dma_wait3A_314 : memref<16512x128xf32, #tpu.memory_space<hbm>>)
    %add3A_315 = arith.constant 16384 : i32
    %add3A_316 = vector.broadcast %add3A_315 : i32 to vector<16xi32>
    %add3A_317 = arith.addi %add3A_316, %iota3A : vector<16xi32>
    %add3A_318 = arith.constant 0 : i32
    %add3A_319 = vector.broadcast %add3A_318 : i32 to vector<16xi32>
    %add3A_320 = arith.addi %add3A_317, %add3A_319 : vector<16xi32>
    %swap3A_321 = arith.constant 0 : i32
    %swap3A_322 = arith.index_cast %swap3A_321 : i32 to index
    %swap3A_323 = arith.constant 0 : index
    %swap3A_324 = tpu.vector_load %arg9[%swap3A_322, %swap3A_323] {strides = array<i32>} : memref<1x64xi32, #tpu.memory_space<vmem>>, vector<16xi32>,
    tpu.vector_store %arg9[%swap3A_322, %swap3A_323], %add3A_320 {strides = array<i32>} : memref<1x64xi32, #tpu.memory_space<vmem>>, vector<16xi32>,
    %add3A_325 = arith.constant 16384 : i32
    %add3A_326 = vector.broadcast %add3A_325 : i32 to vector<16xi32>
    %add3A_327 = arith.addi %add3A_326, %iota3A : vector<16xi32>
    %add3A_328 = arith.constant 16 : i32
    %add3A_329 = vector.broadcast %add3A_328 : i32 to vector<16xi32>
    %add3A_330 = arith.addi %add3A_327, %add3A_329 : vector<16xi32>
    %swap3A_331 = arith.constant 0 : i32
    %swap3A_332 = arith.index_cast %swap3A_331 : i32 to index
    %swap3A_333 = arith.constant 16 : index
    %swap3A_334 = tpu.vector_load %arg9[%swap3A_332, %swap3A_333] {strides = array<i32>} : memref<1x64xi32, #tpu.memory_space<vmem>>, vector<16xi32>,
    tpu.vector_store %arg9[%swap3A_332, %swap3A_333], %add3A_330 {strides = array<i32>} : memref<1x64xi32, #tpu.memory_space<vmem>>, vector<16xi32>,
    %add3A_335 = arith.constant 16384 : i32
    %add3A_336 = vector.broadcast %add3A_335 : i32 to vector<16xi32>
    %add3A_337 = arith.addi %add3A_336, %iota3A : vector<16xi32>
    %add3A_338 = arith.constant 32 : i32
    %add3A_339 = vector.broadcast %add3A_338 : i32 to vector<16xi32>
    %add3A_340 = arith.addi %add3A_337, %add3A_339 : vector<16xi32>
    %swap3A_341 = arith.constant 0 : i32
    %swap3A_342 = arith.index_cast %swap3A_341 : i32 to index
    %swap3A_343 = arith.constant 32 : index
    %swap3A_344 = tpu.vector_load %arg9[%swap3A_342, %swap3A_343] {strides = array<i32>} : memref<1x64xi32, #tpu.memory_space<vmem>>, vector<16xi32>,
    tpu.vector_store %arg9[%swap3A_342, %swap3A_343], %add3A_340 {strides = array<i32>} : memref<1x64xi32, #tpu.memory_space<vmem>>, vector<16xi32>,
    %add3A_345 = arith.constant 16384 : i32
    %add3A_346 = vector.broadcast %add3A_345 : i32 to vector<16xi32>
    %add3A_347 = arith.addi %add3A_346, %iota3A : vector<16xi32>
    %add3A_348 = arith.constant 48 : i32
    %add3A_349 = vector.broadcast %add3A_348 : i32 to vector<16xi32>
    %add3A_350 = arith.addi %add3A_347, %add3A_349 : vector<16xi32>
    %swap3A_351 = arith.constant 0 : i32
    %swap3A_352 = arith.index_cast %swap3A_351 : i32 to index
    %swap3A_353 = arith.constant 48 : index
    %swap3A_354 = tpu.vector_load %arg9[%swap3A_352, %swap3A_353] {strides = array<i32>} : memref<1x64xi32, #tpu.memory_space<vmem>>, vector<16xi32>,
    tpu.vector_store %arg9[%swap3A_352, %swap3A_353], %add3A_350 {strides = array<i32>} : memref<1x64xi32, #tpu.memory_space<vmem>>, vector<16xi32>,
    return
  }
}

module attributes {stable_mosaic.version = 14 : i64} {
  func.func @proj_kernel(%arg0: i32, %arg1: memref<128x4096xf32, #tpu.memory_space<vmem>>, %arg2: memref<1x4096xi32, #tpu.memory_space<vmem>>, %arg3: memref<128x200xf32, #tpu.memory_space<vmem>>, %arg4: memref<200x1xf32, #tpu.memory_space<vmem>>, %arg5: memref<128x200xf32, #tpu.memory_space<vmem>>, %arg6: memref<200x1xf32, #tpu.memory_space<vmem>>, %arg7: memref<200x4096xf32, #tpu.memory_space<vmem>>, %arg8: memref<200x4096xf32, #tpu.memory_space<vmem>>) attributes {dimension_semantics = [#tpu.dimension_semantics<arbitrary>], iteration_bounds = array<i64: 4>, scalar_prefetch = 0 : i64, scratch_operands = 0 : i64, tpu.core_type = #tpu.core_type<tc>, window_params = [{transform_indices = @transform_0, window_bounds = array<i64: 128, 4096>}, {transform_indices = @transform_1, window_bounds = array<i64: 1, 4096>}, {pipeline_mode = #tpu.pipeline_mode<synchronous>, transform_indices = @transform_2, window_bounds = array<i64: 128, 200>}, {pipeline_mode = #tpu.pipeline_mode<synchronous>, transform_indices = @transform_3, window_bounds = array<i64: 200, 1>}, {pipeline_mode = #tpu.pipeline_mode<synchronous>, transform_indices = @transform_4, window_bounds = array<i64: 128, 200>}, {pipeline_mode = #tpu.pipeline_mode<synchronous>, transform_indices = @transform_5, window_bounds = array<i64: 200, 1>}, {transform_indices = @transform_6, window_bounds = array<i64: 200, 4096>}, {transform_indices = @transform_7, window_bounds = array<i64: 200, 4096>}]} {
    %get3A = arith.constant 0 : index
    %get3A_0 = arith.constant 0 : index
    %get3A_1 = vector.load %arg2[%get3A, %get3A_0] : memref<1x4096xi32, #tpu.memory_space<vmem>>, vector<1x4096xi32>
    %ne3A = arith.constant 0 : i32
    %ne3A_2 = vector.broadcast %ne3A : i32 to vector<1x4096xi32>
    %ne3A_3 = arith.cmpi ne, %get3A_1, %ne3A_2 : vector<1x4096xi32>
    %convert_element_type3A = arith.extui %ne3A_3 : vector<1x4096xi1> to vector<1x4096xi32>
    %convert_element_type3A_4 = arith.sitofp %convert_element_type3A : vector<1x4096xi32> to vector<1x4096xf32>
    %get3A_5 = arith.constant 0 : index
    %get3A_6 = arith.constant 0 : index
    %get3A_7 = vector.load %arg1[%get3A_5, %get3A_6] : memref<128x4096xf32, #tpu.memory_space<vmem>>, vector<128x4096xf32>
    %mul3A = vector.broadcast %convert_element_type3A_4 : vector<1x4096xf32> to vector<128x4096xf32>
    %mul3A_8 = arith.mulf %get3A_7, %mul3A : vector<128x4096xf32>
    %get3A_9 = arith.constant 0 : index
    %get3A_10 = arith.constant 0 : index
    %get3A_11 = vector.load %arg3[%get3A_9, %get3A_10] : memref<128x200xf32, #tpu.memory_space<vmem>>, vector<128x200xf32>
    %dot_general3A = arith.constant dense<0.000000e+00> : vector<200x4096xf32>
    %dot_general3A_12 = tpu.matmul %get3A_11, %mul3A_8, %dot_general3A {dimension_numbers = #tpu.dot_dimension_numbers<[0], [0], [1], [1], [0, 1, 1, 1], [], []>, transpose_lhs_hint = false} : vector<128x200xf32>, vector<128x4096xf32>, vector<200x4096xf32> -> vector<200x4096xf32>
    %get3A_13 = arith.constant 0 : index
    %get3A_14 = arith.constant 0 : index
    %get3A_15 = vector.load %arg4[%get3A_13, %get3A_14] : memref<200x1xf32, #tpu.memory_space<vmem>>, vector<200x1xf32>
    %add3A = vector.broadcast %get3A_15 : vector<200x1xf32> to vector<200x4096xf32>
    %add3A_16 = arith.addf %dot_general3A_12, %add3A : vector<200x4096xf32>
    %get3A_17 = arith.constant 0 : index
    %get3A_18 = arith.constant 0 : index
    %get3A_19 = vector.load %arg5[%get3A_17, %get3A_18] : memref<128x200xf32, #tpu.memory_space<vmem>>, vector<128x200xf32>
    %dot_general3A_20 = arith.constant dense<0.000000e+00> : vector<200x4096xf32>
    %dot_general3A_21 = tpu.matmul %get3A_19, %mul3A_8, %dot_general3A_20 {dimension_numbers = #tpu.dot_dimension_numbers<[0], [0], [1], [1], [0, 1, 1, 1], [], []>, transpose_lhs_hint = false} : vector<128x200xf32>, vector<128x4096xf32>, vector<200x4096xf32> -> vector<200x4096xf32>
    %get3A_22 = arith.constant 0 : index
    %get3A_23 = arith.constant 0 : index
    %get3A_24 = vector.load %arg6[%get3A_22, %get3A_23] : memref<200x1xf32, #tpu.memory_space<vmem>>, vector<200x1xf32>
    %add3A_25 = vector.broadcast %get3A_24 : vector<200x1xf32> to vector<200x4096xf32>
    %add3A_26 = arith.addf %dot_general3A_21, %add3A_25 : vector<200x4096xf32>
    %max3A = arith.constant 0.000000e+00 : f32
    %max3A_27 = vector.broadcast %max3A : f32 to vector<200x4096xf32>
    %max3A_28 = arith.maximumf %add3A_16, %max3A_27 : vector<200x4096xf32>
    %swap3A = arith.constant 0 : index
    %swap3A_29 = arith.constant 0 : index
    %swap3A_30 = vector.load %arg7[%swap3A, %swap3A_29] : memref<200x4096xf32, #tpu.memory_space<vmem>>, vector<200x4096xf32>
    tpu.vector_store %arg7[%swap3A, %swap3A_29], %max3A_28 {strides = array<i32>} : memref<200x4096xf32, #tpu.memory_space<vmem>>, vector<200x4096xf32>,
    %max3A_31 = arith.constant 0.000000e+00 : f32
    %max3A_32 = vector.broadcast %max3A_31 : f32 to vector<200x4096xf32>
    %max3A_33 = arith.maximumf %add3A_26, %max3A_32 : vector<200x4096xf32>
    %swap3A_34 = arith.constant 0 : index
    %swap3A_35 = arith.constant 0 : index
    %swap3A_36 = vector.load %arg8[%swap3A_34, %swap3A_35] : memref<200x4096xf32, #tpu.memory_space<vmem>>, vector<200x4096xf32>
    tpu.vector_store %arg8[%swap3A_34, %swap3A_35], %max3A_33 {strides = array<i32>} : memref<200x4096xf32, #tpu.memory_space<vmem>>, vector<200x4096xf32>,
    return
  }
  func.func @transform_0(%arg0: i32) -> (i32, i32) {
    %c0_i32 = arith.constant 0 : i32
    %c0_i32_0 = arith.constant 0 : i32
    return %c0_i32, %arg0 : i32, i32
  }
  func.func @transform_1(%arg0: i32) -> (i32, i32) {
    %c0_i32 = arith.constant 0 : i32
    %c0_i32_0 = arith.constant 0 : i32
    return %c0_i32, %arg0 : i32, i32
  }
  func.func @transform_2(%arg0: i32) -> (i32, i32) {
    %c0_i32 = arith.constant 0 : i32
    %c0_i32_0 = arith.constant 0 : i32
    %c0_i32_1 = arith.constant 0 : i32
    return %c0_i32, %c0_i32_0 : i32, i32
  }
  func.func @transform_3(%arg0: i32) -> (i32, i32) {
    %c0_i32 = arith.constant 0 : i32
    %c0_i32_0 = arith.constant 0 : i32
    %c0_i32_1 = arith.constant 0 : i32
    return %c0_i32, %c0_i32_0 : i32, i32
  }
  func.func @transform_4(%arg0: i32) -> (i32, i32) {
    %c0_i32 = arith.constant 0 : i32
    %c0_i32_0 = arith.constant 0 : i32
    %c0_i32_1 = arith.constant 0 : i32
    return %c0_i32, %c0_i32_0 : i32, i32
  }
  func.func @transform_5(%arg0: i32) -> (i32, i32) {
    %c0_i32 = arith.constant 0 : i32
    %c0_i32_0 = arith.constant 0 : i32
    %c0_i32_1 = arith.constant 0 : i32
    return %c0_i32, %c0_i32_0 : i32, i32
  }
  func.func @transform_6(%arg0: i32) -> (i32, i32) {
    %c0_i32 = arith.constant 0 : i32
    %c0_i32_0 = arith.constant 0 : i32
    return %c0_i32, %arg0 : i32, i32
  }
  func.func @transform_7(%arg0: i32) -> (i32, i32) {
    %c0_i32 = arith.constant 0 : i32
    %c0_i32_0 = arith.constant 0 : i32
    return %c0_i32, %arg0 : i32, i32
  }
}

</mosaic_0001>

<sc_bundles>
// kernel: kernel.4.cloned.1.call-start
scs
__scs_entry_jumppad:
0x0: {  	(pc) =	sbr.rel $0x88, $3  }
0x1: {  	(tag) =	ssettag $0x0;
	lr =	simm.s32 $0x1  }
0x2: {  	[smem:$0x3F9B] =	sst lr;
	_ =	strace $0xD0000000  }
0x3: {  	_ = 	snop  }
0x4: {  	_ = 	snop  }
0x5: {  	_ = 	snop  }
0x6: {  	_ = 	snop  }
0x7: {  	_ = 	snop  }
__scs_overlays_trampoline_lowered:
0x8: {  	[smem:$0x3FAA] =	sst s0  }
0x9: {  	[smem:$0x3FAB] =	sst s1  }
0xa: {  	[smem:$0x3FAC] =	sst s2  }
0xb: {  	[smem:$0x3FAD] =	sst s3  }
0xc: {  	[smem:$0x3FAE] =	sst s4  }
0xd: {  	[smem:$0x3FAF] =	sst s5  }
0xe: {  	[smem:$0x3FB0] =	sst s6  }
0xf: {  	[smem:$0x3FB1] =	sst s7  }
0x10: {  	[smem:$0x3FB2] =	sst s8  }
0x11: {  	[smem:$0x3FB3] =	sst s9;
	s0 =	simm.s32 @!p0 $0x0  }
0x12: {  	s1 =	sld [smem:$0x3F99];
	s0 =	simm.s32 @p0 $0x1  }
0x13: {  	[smem:$0x3FB4] =	sst s0;
	s0 =	simm.s32 @!p1 $0x0  }
0x14: {  	s2 =	sld [smem:$0x3F98];
	s0 =	simm.s32 @p1 $0x1  }
0x15: {  	[smem:$0x3FB5] =	sst s0;
	s0 =	simm.s32 @!p2 $0x0  }
0x16: {  	s3 =	sld [smem:$0x3FDB];
	s0 =	simm.s32 @p2 $0x1  }
0x17: {  	s4 =	simm.s32 $0x1BF5;
	[smem:$0x3FB7] =	sst s0  }
0x18: {  	s0 =	sld [smem:$0x3F9A];
	_ =	swait.ge [sflag:s4], $0x0  }
0x19: {  	s7 =	sld [smem:$0x3F9B]  }
0x1a: {  	s8 =	sadd.s32 $0xFFFFE003, lr  }
0x1b: {  	s9 =	sadd.s32 $0xFFFFFEF7, lr;
	s5 =	simm.s32 $0xFFFFFFFF;
	p2 =	slt.u32 s8, $0xFFFFF086  }
0x1c: {  	p1 =	slt.u32 s9, $0xF7A;
	s5 =	simm.s32 @!p2 $0x0  }
0x1d: {  	s5 =	simm.s32 @p1 $0x1;
	p0 =	seq.s32 s7, s2  }
0x1e: {  	s7 =	smul.u32 @!p0 $0xF7A, s2;
	p2 =	seq.s32 @!p0 s5, $0x0  }
0x1f: {  	s9 =	smul.u32 $0xF7A, s1;
	s8 =	simm.s32 @!p0 $0x1BF5;
	p2 =	por !p2, p0  }
0x20: {  	[sflag:s8] =	ssyncset.s32 @!p0 $0xFFFFF086;
	s6 =	sadd.s32 @!p0 s3, s7;
	s7 =	simm.s32 @!p0 $0x108  }
0x21: {  	s3 =	sadd.s32 s3, s9;
	s6 =	sadd.s32 @!p0 $0x88, s6;
	s7 =	simm.s32 @p2 $0x1082  }
0x22: {  	[simem:s7], [sflag:s8] =	dma.local @!p0 [hbm:s6], $0xF7A  }
0x23: {  	s9 =	sor.u32 $0xD0000000, s2;
	s6 =	simm.s32 $0x108;
	_ =	swait.ge @!p0 [sflag:s8], $0x0  }
0x24: {  	s3 =	sadd.s32 $0x88, s3;
	s6 =	simm.s32 @!p1 $0x1082;
	[sflag:s4] =	ssyncset.s32 $0xFFFFF086  }
0x25: {  	[simem:s6], [sflag:s4] =	dma.local [hbm:s3], $0xF7A  }
0x26: {  	[smem:$0x3F9B] =	sst s1;
	(tag) =	ssettag s2;
	_ =	strace s9  }
0x27: {  	s1 =	sld [smem:$0x3FAB]  }
0x28: {  	s2 =	sld [smem:$0x3FAC]  }
0x29: {  	s4 =	sld [smem:$0x3FAE]  }
0x2a: {  	p0 =	seq.s32 s5, $0x0;
	s5 =	sld [smem:$0x3FAF]  }
0x2b: {  	s6 =	sld [smem:$0x3FB0]  }
0x2c: {  	s7 =	sld [smem:$0x3FB1]  }
0x2d: {  	s3 =	simm.s32 $0x108;
	s8 =	sld [smem:$0x3FB2]  }
0x2e: {  	s3 =	simm.s32 @!p0 $0x1082;
	s9 =	sld [smem:$0x3FB3]  }
0x2f: {  	lr =	sadd.s32 s0, s3;
	s0 =	sld [smem:$0x3FAA]  }
0x30: {  	s3 =	sld [smem:$0x3FAD]  }
0x31: {  	[smem:$0x3FB6] =	sst s10  }
0x32: {  	s10 =	sld [smem:$0x3FB4];
	_ =	sdelay $0x3  }
0x33: {  	p0 =	seq.s32 s10, $0x1;
	s10 =	sld [smem:$0x3FB6];
	_ =	sdelay $0x3  }
0x34: {  	[smem:$0x3FB6] =	sst s10  }
0x35: {  	s10 =	sld [smem:$0x3FB5];
	_ =	sdelay $0x3  }
0x36: {  	p1 =	seq.s32 s10, $0x1;
	s10 =	sld [smem:$0x3FB6];
	_ =	sdelay $0x3  }
0x37: {  	[smem:$0x3FB6] =	sst s10  }
0x38: {  	s10 =	sld [smem:$0x3FB7]  }
0x39: {  	_ = 	snop;
	(pc) =	sbr.ind lr, $3  }
0x3a: {  	_ = 	snop  }
0x3b: {  	_ = 	snop  }
0x3c: {  	p2 =	seq.s32 s10, $0x1;
	s10 =	sld [smem:$0x3FB6]  }
0x3d: {  	_ =	shalt  }
0x3e: {  	_ =	shalt  }
0x3f: {  	_ =	shalt  }
0x40: {  	_ =	shalt  }
0x41: {  	_ =	shalt  }
0x42: {  	_ =	shalt  }
0x43: {  	_ =	shalt  }
0x44: {  	_ =	shalt  }
0x45: {  	_ =	shalt  }
0x46: {  	_ =	shalt  }
0x47: {  	_ =	shalt  }
0x48: {  	_ =	shalt  }
0x49: {  	_ =	shalt  }
0x4a: {  	_ =	shalt  }
0x4b: {  	_ =	shalt  }
0x4c: {  	_ =	shalt  }
0x4d: {  	_ =	shalt  }
0x4e: {  	_ =	shalt  }
0x4f: {  	_ =	shalt  }
0x50: {  	_ =	shalt  }
0x51: {  	_ =	shalt  }
0x52: {  	_ =	shalt  }
0x53: {  	_ =	shalt  }
0x54: {  	_ =	shalt  }
0x55: {  	_ =	shalt  }
0x56: {  	_ =	shalt  }
0x57: {  	_ =	shalt  }
0x58: {  	_ =	shalt  }
0x59: {  	_ =	shalt  }
0x5a: {  	_ =	shalt  }
0x5b: {  	_ =	shalt  }
0x5c: {  	_ =	shalt  }
0x5d: {  	_ =	shalt  }
0x5e: {  	_ =	shalt  }
0x5f: {  	_ =	shalt  }
0x60: {  	_ =	shalt  }
0x61: {  	_ =	shalt  }
0x62: {  	_ =	shalt  }
0x63: {  	_ =	shalt  }
0x64: {  	_ =	shalt  }
0x65: {  	_ =	shalt  }
0x66: {  	_ =	shalt  }
0x67: {  	_ =	shalt  }
0x68: {  	_ =	shalt  }
0x69: {  	_ =	shalt  }
0x6a: {  	_ =	shalt  }
0x6b: {  	_ =	shalt  }
0x6c: {  	_ =	shalt  }
0x6d: {  	_ =	shalt  }
0x6e: {  	_ =	shalt  }
0x6f: {  	_ =	shalt  }
0x70: {  	_ =	shalt  }
0x71: {  	_ =	shalt  }
0x72: {  	_ =	shalt  }
0x73: {  	_ =	shalt  }
0x74: {  	_ =	shalt  }
0x75: {  	_ =	shalt  }
0x76: {  	_ =	shalt  }
0x77: {  	_ =	shalt  }
0x78: {  	_ =	shalt  }
0x79: {  	_ =	shalt  }
0x7a: {  	_ =	shalt  }
0x7b: {  	_ =	shalt  }
0x7c: {  	_ =	shalt  }
0x7d: {  	_ =	shalt  }
0x7e: {  	_ =	shalt  }
0x7f: {  	_ =	shalt  }
0x80: {  	_ =	shalt  }
0x81: {  	_ =	shalt  }
0x82: {  	_ =	shalt  }
0x83: {  	_ =	shalt  }
0x84: {  	_ =	shalt  }
0x85: {  	_ =	shalt  }
0x86: {  	_ =	shalt  }
0x87: {  	_ =	shalt  }
.Lfunc_end0:
.L_simem_size_0:
called_computation_lowered:
.L_overlay_start_0:
0x88: {  	s2 =	sld [smem:$0x3FD9]  }
0x89: {  	s3 =	sld [smem:$0x3FFE];
	_ =	sdelay $0x1  }
0x8a: {  	s1 =	srdreg.scid  }
0x8b: {  	s0 =	sand.u32 $0x1, s1  }
0x8c: {  	s15 =	sshll.u32 s0, $0xA;
	s2 =	sadd.s32 s3, s2  }
0x8d: {  	s2 =	sadd.s32 s2, s15  }
0x8e: {  	[smem:$0x3FC2] =	sst s2  }
0x8f: {  	_ = 	snop  }
0x90: {  	s2 =	sld [smem:$0x3FD0];
	_ =	sdelay $0x1  }
0x91: {  	s16 =	sld [smem:$0x3FC9]  }
0x92: {  	s5 =	simm.s32 $0xA;
	s6 =	simm.s32 $0x10;
	s4 =	sld [smem:$0x3FC8]  }
0x93: {  	[smem:s6], [sflag:s5] =	dma.local [hbm:s2], $0x1  }
0x94: {  	_ =	swait.eq [sflag:s5], $0x1  }
0x95: {  	[sflag:s5] =	ssyncset.done $0x0  }
0x96: {  	[sflag:s5] =	ssyncadd.s32 $0xFFFFFFFF  }
0x97: {  	s17 =	sld [smem:$0x11];
	(tm) =	ssettm $0x1  }
0x98: {  	s18 =	sld [smem:$0x3FFB];
	_ =	sdelay $0x3  }
0x99: {  	_ =	strace s18  }
0x9a: {  	s5 =	sld [smem:$0x3FFC];
	_ =	sdelay $0x3  }
0x9b: {  	_ =	strace s5  }
0x9c: {  	s5 =	sld [smem:$0x3FFD];
	_ =	sdelay $0x3  }
0x9d: {  	_ =	strace s5  }
0x9e: {  	_ =	strace $0x8FFFFFFF  }
0x9f: {  	s19 =	sld [smem:$0x3FDB];
	_ =	sdelay $0x1  }
0xa0: {  	s20 =	simm.s32 $_scs_section_size  }
0xa1: {  	s7 =	simm.s32 $_size__tile_overlayer_lowered;
	s8 =	simm.s32 $_tile_overlayer_lowered  }
0xa2: {  	s23 =	simm.s32 $0x1BFF;
	s22 =	sshll.u32 s8, $0x1;
	s5 =	sadd.s32 s20, s19  }
0xa3: {  	s9 =	simm.s32 $0x0;
	s21 =	sshll.u32 s7, $0x1;
	s7 =	sadd.s32 s22, s5  }
0xa4: {  	[timem:s9], [sflag:s23] =	dma.local [hbm:s7], s21  }
0xa5: {  	_ =	swait.ge [sflag:s23], s21  }
0xa6: {  	s6 =	ssub.s32 $0x0, s21;
	[sflag:s23] =	ssyncset.done $0x0  }
0xa7: {  	[sflag:s23] =	ssyncadd.s32 s6;
	_ =	sdelay $0x1  }
0xa8: {  	s24 =	simm.s32 $0x1B8B  }
0xa9: {  	_ =	swait.ge [sflag:s24], $0x1  }
0xaa: {  	[sflag:s24] =	ssyncset.done $0x0  }
0xab: {  	s25 =	simm.s32 $0x1B8E;
	[sflag:s24] =	ssyncadd.s32 $0xFFFFFFFF  }
0xac: {  	s26 =	simm.s32 $execute0_lowered;
	[smem:$0x3FD2] =	sst s25  }
0xad: {  	s6 =	sshll.u32 s26, $0x1;
	_ =	strace $0x80000046;
	[dreg:$0x1] =	wrdreg $0xFFFFFFFF  }
0xae: {  	s28 =	simm.s32 $_size_execute0_lowered;
	s5 =	sadd.s32 s5, s6;
	[dreg:$0x0] =	wrdreg $0x0  }
0xaf: {  	s6 =	sshll.u32 s28, $0x1;
	[dreg:$0x2] =	wrdreg s5  }
0xb0: {  	[dreg:$0x3] =	wrdreg s6  }
0xb1: {  	[dreg:$0x4] =	wrdreg $0xC0  }
0xb2: {  	_ =	task [dreg:s9], $0x5FFFF  }
0xb3: {  	[dreg:$0x1] =	wrdreg $0xFFFFFFFF  }
0xb4: {  	[dreg:$0x0] =	wrdreg $0x60  }
0xb5: {  	[dreg:$0x2] =	wrdreg s4  }
0xb6: {  	[dreg:$0x3] =	wrdreg s16  }
0xb7: {  	[dreg:$0x4] =	wrdreg s17  }
0xb8: {  	[dreg:$0x5] =	wrdreg $0x9  }
0xb9: {  	_ =	task.clear_ibuf [dreg:s9], $0x6FFFF;
	_ =	strace $0x90000046  }
0xba: {  	s29 =	simm.s32 $0x9;
	_ =	strace $0x80000048  }
0xbb: {  	_ =	swait.ge [sflag:s29], $0x1  }
0xbc: {  	[sflag:s29] =	ssyncadd.s32 $0xFFFFFFFF  }
0xbd: {  	_ =	strace $0x90000048  }
0xbe: {  	_ =	sfence  }
0xbf: {  	s30 =	sld [smem:$0x0];
	_ =	sdelay $0x2  }
0xc0: {  	s31 =	sshll.u32 s1, $0xD;
	s1 =	sshrl.u32 s1, $0x2  }
0xc1: {  	s3 =	sand.u32 $0x4000, s31;
	s1 =	sadd.s32 s1, s30  }
0xc2: {  	s0 =	sor.u32 s3, s0;
	s1 =	sshll.u32 s1, $0x11  }
0xc3: {  	s0 =	sor.u32 s1, s0  }
0xc4: {  	s0 =	sadd.s32 $0x8F2B, s0  }
0xc5: {  	[sflag:s0] =	ssyncadd.remote.s32 $0x1  }
0xc6: {  	_ =	sfence.sel $0xFFFF  }
0xc7: {  	[dreg:$0x0] =	wrdreg $0xFFFFFFFF;
	(pc) =	sbr.abs _section_cstart, $3  }
0xc8: {  	[dreg:$0x1] =	wrdreg $0xFFFFFFFF  }
0xc9: {  	_ =	task.clear_ibuf [dreg:s9], $0x2FFFF;
	_ =	strace $0x9FFFFFFF  }
0xca: {  	(tm) =	ssettm $0x7FFFFFFF  }
0xcb: {  	_ =	shalt  }
tec
execute0_lowered:
.L_overlay_start_1:
0x0: {  	(tag) =	ssettag $0x1  }
0x1: {  	s1 =	rddreg [dreg:$0x0]  }
0x2: {  	s0 =	srdreg.scid;
	s2 =	stileid.u32  }
0x3: {  	s4 =	rddreg [dreg:$0x2];
	s0 =	sand.u32 $0x1, s0;
	s2 =	sshll.u32 s2, $0x1  }
0x4: {  	s3 =	simm.s32 $0x0;
	s16 =	simm.s32 $0x1F100;
	s2 =	sor.u32 s0, s2  }
0x5: {  	[smem:$0x7FF] =	sst s3;
	s0 =	ssub.s32 $0x2, s0;
	s2 =	smul.u32 $0x1E85, s2  }
0x6: {  	s22 =	simm.s32 $0x0;
	_ =	strace $0x80000047;
	s28 =	sshrl.u32 s0, $0x1  }
0x7: {  	s0 =	ssub.s32 s0, s28;
	s7 =	sadd.s32 $0x1E85, s2;
	s6 =	sshrl.u32 s2, $0x5  }
0x8: {  	s2 =	sshll.u32 s2, $0x2;
	s0 =	smax.u32 s0, $0x1;
	s7 =	sshrl.u32 s7, $0x5  }
0x9: {  	s14 =	sadd.s32 $0x1, s6;
	s17 =	sadd.s32 $0x2, s6;
	s2 =	sand.u32 $0xFFF80, s2  }
0xa: {  	s30 =	sadd.s32 $0x3, s6;
	s18 =	sadd.s32 $0x4, s6;
	s19 =	sadd.s32 $0x5, s6  }
0xb: {  	[dreg:$0x5] =	wrdreg s0;
	s29 =	ssub.s32 s7, s6;
	s8 =	sshll.u32 s14, $0x7  }
0xc: {  	s9 =	sshll.u32 s17, $0x7;
	s2 =	sadd.s32 s1, s2;
	p0 =	sle.u32 s7, s6  }
0xd: {  	s31 =	sshll.u32 s30, $0x7;
	s12 =	sshll.u32 s18, $0x7;
	s0 =	simm.s32 @!p0 $0x0  }
0xe: {  	s13 =	sshll.u32 s19, $0x7;
	s0 =	simm.s32 @p0 $0x1;
	p0 =	sge.u32 s14, s7  }
0xf: {  	s10 =	sand.u32 $0x1FFFFF80, s8;
	[smem:$0x7F8] =	sst s0;
	s0 =	simm.s32 @!p0 $0x0  }
0x10: {  	[dreg:$0x4] =	wrdreg s2;
	s0 =	simm.s32 @p0 $0x1;
	p0 =	sge.u32 s17, s7  }
0x11: {  	s11 =	sand.u32 $0x1FFFFF80, s9;
	[smem:$0x7F9] =	sst s0;
	s0 =	simm.s32 @!p0 $0x0  }
0x12: {  	s12 =	sand.u32 $0x1FFFFF80, s12;
	s0 =	simm.s32 @p0 $0x1;
	p0 =	sge.u32 s30, s7  }
0x13: {  	s13 =	sand.u32 $0x1FFFFF80, s13;
	[smem:$0x7FA] =	sst s0;
	s0 =	simm.s32 @!p0 $0x0  }
0x14: {  	v2 =	vimm.s32 $0x0;
	v3 =	vlaneseq.u32;
	s9 =	sadd.s32 s1, s10;
	s0 =	simm.s32 @p0 $0x1;
	p0 =	sge.u32 s18, s7  }
.Ltmp0:
0x15: {  	v4 =	vimm.s32 $0x1;
	v5 =	vimm.s32 $0xFFFFFFFF;
	v6 =	vimm.f32 $0.0e+00;
	[smem:$0x7FB] =	sst s0;
	s0 =	simm.s32 @!p0 $0x0;
	(pc) =	sbr.rel .LBB2_1-.Ltmp0, $4  }
0x16: {  	v12 =	vimm.s32 $0x1880;
	vm0 =	vcmask $0x300;
	v10 =	vmul.u32 $0x80, v3;
	s10 =	sadd.s32 s1, s11;
	s0 =	simm.s32 @p0 $0x1;
	p0 =	sge.u32 s19, s7  }
0x17: {  	v7 =	vor.u32 $0x4000, v3;
	v8 =	vor.u32 $0x4010, v3;
	v9 =	vor.u32 $0x4020, v3;
	s11 =	sand.u32 $0x1FFFFF80, s31;
	[smem:$0x7FC] =	sst s0;
	s0 =	simm.s32 @!p0 $0x0  }
0x18: {  	v11 =	vor.u32 $0x4030, v3;
	v12 =	vsel vm0, $0x1800, v12;
	v13 =	vor.u32 $0x1000, v10;
	s12 =	sadd.s32 s1, s12;
	s13 =	sadd.s32 s1, s13;
	s0 =	simm.s32 @p0 $0x1  }
0x19: {  	v14 =	vor.u32 $0x800, v10;
	v0 =	vmov s6;
	v1 =	vmov s29;
	s11 =	sadd.s32 s1, s11;
	s17 =	simm.s32 $0x8080;
	[smem:$0x7FD] =	sst s0  }
.LBB2_27:
0x1a: {  	s0 =	simm.s32 $0x40  }
0x1b: {  	s2 =	simm.s32 $0x1F080;
	s3 =	simm.s32 $0x1D080;
	s30 =	simm.s32 $0xD  }
0x1c: {  	[hbm4b:s4+s0] =	stream.indirect.scatter [tilespmem:s3], [sflag:$0xD], $0x80, s2, s0, $0xb8;
	[tilespmem:$0x1F300] =	vst v63  }
0x1d: {  	_ =	swait.ge [sflag:s30], $0x2000  }
0x1e: {  	s22 =	sadd.s32 $0x1, s22;
	s31 =	rddreg [dreg:$0x5]  }
0x1f: {  	[sflag:s30] =	ssyncset.done $0x0;
	p0 =	sne.s32 s22, s31  }
.Ltmp1:
0x20: {  	[sflag:s30] =	ssyncadd.s32 $0xFFFFE000;
	(pc) =	sbr.rel @!p0 .LBB2_28-.Ltmp1, $4  }
0x21: {  	[tilespmem:$0x1F080] =	vst v7  }
0x22: {  	[tilespmem:$0x1F090] =	vst v8  }
0x23: {  	[tilespmem:$0x1F0A0] =	vst v9  }
0x24: {  	[tilespmem:$0x1F0B0] =	vst v11  }
.LBB2_1:
0x25: {  	s0 =	rddreg [dreg:$0x1];
	s2 =	simm.s32 $0x0;
	s31 =	simm.s32 $0xE  }
0x26: {  	[tilespmem:s2], [sflag:$0xE] =	stream.linear.gather [hbm4b:s0+s2], $0x4000, $0x38;
	[tilespmem:$0x1F300] =	vst v63  }
0x27: {  	_ =	swait.ge [sflag:s31], $0x4000  }
0x28: {  	[sflag:s31] =	ssyncset.done $0x0  }
0x29: {  	[sflag:s31] =	ssyncadd.s32 $0xFFFFC000  }
0x2a: {  	[tilespmem:$0x1F100] =	vst v2  }
0x2b: {  	[tilespmem:$0x1F110] =	vst v2  }
0x2c: {  	[tilespmem:$0x1F120] =	vst v2  }
0x2d: {  	[tilespmem:$0x1F130] =	vst v2  }
0x2e: {  	[tilespmem:$0x1F140] =	vst v2  }
0x2f: {  	[tilespmem:$0x1F150] =	vst v2  }
0x30: {  	[tilespmem:$0x1F160] =	vst v2  }
0x31: {  	[tilespmem:$0x1F170] =	vst v2  }
0x32: {  	[tilespmem:$0x1F180] =	vst v2  }
0x33: {  	[tilespmem:$0x1F190] =	vst v2  }
0x34: {  	[tilespmem:$0x1F1A0] =	vst v2  }
0x35: {  	[tilespmem:$0x1F1B0] =	vst v2  }
0x36: {  	[tilespmem:$0x1F1C0] =	vst v2  }
0x37: {  	[tilespmem:$0x1F1D0] =	vst v2  }
0x38: {  	[tilespmem:$0x1F1E0] =	vst v2  }
0x39: {  	[tilespmem:$0x1F1F0] =	vst v2  }
0x3a: {  	[tilespmem:$0x1F200] =	vst v2  }
0x3b: {  	v15 =	vld [tilespmem:s2+$0x0];
	_ =	sdelay $0x4  }
0x3c: {  	v16 =	vshrl.u32 v15, $0x7  }
0x3d: {  	v16 =	vsub.s32 v16, v0  }
0x3e: {  	vm0 =	vgt.s32 v16, $0x0  }
0x3f: {  	vm1 =	vgt.s32 v16, $0xFFFFFFFF;
	vm2 =	vlt.s32 v16, v1;
	v16 =	vnsel vm0, $0x0, v16  }
0x40: {  	v15 =	vshll.u32 v15, $0xE;
	v16 =	vmin.u32 v16, $0xFF  }
0x41: {  	v15 =	vand.u32 $0x1FC000, v15;
	vm15 =	vmand vm1, vm2;
	v17 =	vshll.u32 v16, $0x15  }
0x42: {  	v15 =	vor.u32 v15, v17;
	v17 =	vmpcnt.ones.xlane vm15;
	_ =	sdelay $0x1  }
0x43: {  	v15 =	vadd.s32 s2, v15;
	(v2sf) =	vpush v17, $0x0  }
0x44: {  	v15 =	vadd.s32 v3, v15  }
0x45: {  	[tilespmem:s2+$0x4000] =	vst.msk vm15, v15  }
0x46: {  	s3 =	simm.s32 $0x10;
	[tilespmem:v16+s16+$0x0] =	vst.idx.msk vm15, v4  }
0x47: {  	v15 =	vld [tilespmem:s3+$0x0];
	_ =	sdelay $0x2  }
0x48: {  	s18 =	simm.s32 $0x30  }
0x49: {  	s14 =	simm.s32 $0x0;
	s0 =	simm.s32 $0x20;
	s2 =	simm.s32 $0x10  }
.LBB2_2:
0x4a: {  	p0 =	sne.s32 s18, $0x3FF0;
	v16 =	vshrl.u32 v15, $0x7  }
0x4b: {  	v16 =	vsub.s32 v16, v0  }
0x4c: {  	vm0 =	vgt.s32 v16, $0x0  }
0x4d: {  	vm1 =	vgt.s32 v16, $0xFFFFFFFF;
	vm2 =	vlt.s32 v16, v1;
	v16 =	vnsel vm0, $0x0, v16  }
0x4e: {  	v15 =	vshll.u32 v15, $0xE;
	vm0 =	vmand vm1, vm2;
	v16 =	vmin.u32 v16, $0xFF  }
0x4f: {  	v15 =	vand.u32 $0x1FC000, v15;
	v18 =	vmpcnt.ones.xlane vm0;
	v17 =	vshll.u32 v16, $0x15  }
0x50: {  	v15 =	vor.u32 v15, v17;
	s19 =	spop (v2sf)  }
0x51: {  	v15 =	vadd.s32 s3, v15;
	(v2sf) =	vpush v18, $0x0;
	s14 =	sadd.s32 s14, s19;
	s3 =	smov.u32 s0;
	s0 =	smov.u32 s18  }
0x52: {  	v15 =	vadd.s32 v3, v15  }
0x53: {  	[tilespmem:s14+$0x4000] =	vst.msk vm0, v15  }
0x54: {  	s2 =	sadd.s32 $0x10, s2;
	[tilespmem:v16+s16+$0x0] =	vst.idx.msk vm0, v4  }
.Ltmp2:
0x55: {  	v15 =	vld [tilespmem:s2+$0x0];
	(pc) =	sbr.rel @p0 .LBB2_2-.Ltmp2, $2  }
0x56: {  	_ =	sdelay $0x2  }
0x57: {  	s18 =	sadd.s32 $0x10, s18  }
0x58: {  	v16 =	vshrl.u32 v15, $0x7  }
0x59: {  	v16 =	vsub.s32 v16, v0  }
0x5a: {  	vm0 =	vgt.s32 v16, $0x0  }
0x5b: {  	vm1 =	vgt.s32 v16, $0xFFFFFFFF;
	vm2 =	vlt.s32 v16, v1;
	v16 =	vnsel vm0, $0x0, v16  }
0x5c: {  	v15 =	vshll.u32 v15, $0xE;
	vm12 =	vmand vm1, vm2;
	v16 =	vmin.u32 v16, $0xFF  }
0x5d: {  	v15 =	vand.u32 $0x1FC000, v15;
	v17 =	vshll.u32 v16, $0x15  }
0x5e: {  	v15 =	vor.u32 v15, v17  }
0x5f: {  	s18 =	spop (v2sf);
	v15 =	vadd.s32 s3, v15  }
0x60: {  	s28 =	sadd.s32 s14, s18;
	v15 =	vadd.s32 v3, v15  }
0x61: {  	[tilespmem:s28+$0x4000] =	vst.msk vm12, v15  }
0x62: {  	s2 =	sadd.s32 $0x10, s2;
	[tilespmem:v16+s16+$0x0] =	vst.idx.msk vm12, v4  }
0x63: {  	v15 =	vld [tilespmem:s2+$0x0];
	_ =	sdelay $0x4  }
0x64: {  	v60 =	vshrl.u32 v15, $0x7  }
0x65: {  	v16 =	vsub.s32 v60, v0  }
0x66: {  	v61 =	vmpcnt.ones.xlane vm12;
	vm13 =	vgt.s32 v16, $0xFFFFFFFF;
	vm14 =	vlt.s32 v16, v1  }
0x67: {  	vm0 =	vmand vm13, vm14  }
0x68: {  	(v2sf) =	vpush v61, $0x0;
	v62 =	vmpcnt.ones.xlane vm0;
	_ =	sdelay $0x1  }
0x69: {  	(v2sf) =	vpush v62, $0x0;
	_ =	sdelay $0x7  }
0x6a: {  	vm15 =	vgt.s32 v16, $0x0  }
0x6b: {  	v16 =	vnsel vm15, $0x0, v16  }
0x6c: {  	v15 =	vshll.u32 v15, $0xE;
	v16 =	vmin.u32 v16, $0xFF  }
0x6d: {  	v15 =	vand.u32 $0x1FC000, v15;
	v63 =	vshll.u32 v16, $0x15  }
0x6e: {  	v15 =	vor.u32 v15, v63  }
0x6f: {  	s29 =	spop (v2sf);
	v15 =	vadd.s32 s0, v15  }
0x70: {  	s30 =	sadd.s32 s28, s29;
	v15 =	vadd.s32 v3, v15  }
0x71: {  	[tilespmem:s30+$0x4000] =	vst.msk vm0, v15;
	s31 =	spop (v2sf)  }
0x72: {  	[tilespmem:v16+s16+$0x0] =	vst.idx.msk vm0, v4;
	s0 =	sadd.s32 s30, s31  }
0x73: {  	s3 =	simm.s32 $0x200;
	s2 =	simm.s32 $0x0;
	[tilespmem:s0+$0x4000] =	vst v5  }
.LBB2_4:
0x74: {  	p0 =	sne.s32 s3, $0x7E00;
	[tilespmem:s2+$0x1D0F0] =	vst v6  }
0x75: {  	[tilespmem:s2+$0x1D080] =	vst v6  }
0x76: {  	[tilespmem:s2+$0x1D090] =	vst v6  }
.Ltmp3:
0x77: {  	[tilespmem:s2+$0x1D0A0] =	vst v6;
	(pc) =	sbr.rel @p0 .LBB2_4-.Ltmp3, $4  }
0x78: {  	[tilespmem:s2+$0x1D0B0] =	vst v6  }
0x79: {  	[tilespmem:s2+$0x1D0C0] =	vst v6  }
0x7a: {  	[tilespmem:s2+$0x1D0D0] =	vst v6  }
0x7b: {  	[tilespmem:s2+$0x1D0E0] =	vst v6;
	s2 =	sshra.s32 s3, $0x2;
	s3 =	sadd.s32 $0x200, s3  }
0x7c: {  	[tilespmem:s2+$0x1D0F0] =	vst v6  }
0x7d: {  	[tilespmem:s2+$0x1D080] =	vst v6  }
0x7e: {  	[tilespmem:s2+$0x1D090] =	vst v6  }
0x7f: {  	[tilespmem:s2+$0x1D0A0] =	vst v6  }
0x80: {  	[tilespmem:s2+$0x1D0B0] =	vst v6  }
0x81: {  	[tilespmem:s2+$0x1D0C0] =	vst v6  }
0x82: {  	[tilespmem:s2+$0x1D0D0] =	vst v6  }
0x83: {  	[tilespmem:s2+$0x1D0E0] =	vst v6  }
0x84: {  	v15 =	vld [tilespmem:$0x1F100];
	_ =	sdelay $0x4  }
0x85: {  	(v2sf) =	vpush v15, $0x0;
	_ =	sdelay $0xb  }
0x86: {  	s3 =	sld [smem:$0x7F8];
	_ =	sdelay $0x2  }
0x87: {  	[tilespmem:$0x1F080] =	vst v7;
	p1 =	seq.s32 s3, $0x1;
	s2 =	spop (v2sf)  }
0x88: {  	[tilespmem:$0x1F090] =	vst v8;
	p0 =	slt.s32 @!p1 s2, $0x1  }
0x89: {  	s5 =	rddreg [dreg:$0x4];
	[tilespmem:$0x1F0A0] =	vst v9;
	p0 =	por p0, p1  }
0x8a: {  	[tilespmem:$0x1F0B0] =	vst v11;
	s2 =	simm.s32 @!p0 $0x400;
	s3 =	simm.s32 @!p0 $0x7A1400;
	s14 =	simm.s32 @!p0 $0x8080  }
0x8b: {  	[tilespmem:s14], [sflag:$0x1] =	stream.strided.gather @!p0 [hbm4b:s5+s2], $0x1800, s3, s2, $0x38;
	[tilespmem:$0x1F300] =	vst v63  }
0x8c: {  	s2 =	sadd.s32 @!p0 $0x5B8F00, s5;
	s3 =	simm.s32 @!p0 $0x0;
	s14 =	simm.s32 @!p0 $0x9880  }
0x8d: {  	[tilespmem:s14], [sflag:$0x1] =	stream.linear.gather @!p0 [hbm4b:s2+s3], $0x100, $0x38;
	[tilespmem:$0x1F300] =	vst v63  }
0x8e: {  	v15 =	vld [tilespmem:$0x1F101];
	_ =	sdelay $0x4  }
0x8f: {  	(v2sf) =	vpush v15, $0x0;
	_ =	sdelay $0xb  }
0x90: {  	s26 =	sld [smem:$0x7F9];
	_ =	sdelay $0x2  }
0x91: {  	p1 =	seq.s32 s26, $0x1;
	s2 =	spop (v2sf)  }
0x92: {  	p0 =	slt.s32 @!p1 s2, $0x1  }
0x93: {  	p0 =	por p0, p1  }
0x94: {  	s2 =	simm.s32 @!p0 $0x400;
	s3 =	simm.s32 @!p0 $0x7A1400;
	s14 =	simm.s32 @!p0 $0x9C80  }
0x95: {  	[tilespmem:s14], [sflag:$0x2] =	stream.strided.gather @!p0 [hbm4b:s9+s2], $0x1800, s3, s2, $0x38;
	[tilespmem:$0x1F300] =	vst v63  }
0x96: {  	s2 =	sadd.s32 @!p0 $0x5B8F00, s9;
	s3 =	simm.s32 @!p0 $0x0;
	s14 =	simm.s32 @!p0 $0xB480  }
0x97: {  	[tilespmem:s14], [sflag:$0x2] =	stream.linear.gather @!p0 [hbm4b:s2+s3], $0x100, $0x38;
	[tilespmem:$0x1F300] =	vst v63  }
0x98: {  	v15 =	vld [tilespmem:$0x1F102];
	_ =	sdelay $0x4  }
0x99: {  	(v2sf) =	vpush v15, $0x0;
	_ =	sdelay $0xb  }
0x9a: {  	s28 =	sld [smem:$0x7FA];
	_ =	sdelay $0x2  }
0x9b: {  	p1 =	seq.s32 s28, $0x1;
	s2 =	spop (v2sf)  }
0x9c: {  	p0 =	slt.s32 @!p1 s2, $0x1  }
0x9d: {  	p0 =	por p0, p1  }
0x9e: {  	s2 =	simm.s32 @!p0 $0x400;
	s3 =	simm.s32 @!p0 $0x7A1400;
	s14 =	simm.s32 @!p0 $0xB880  }
0x9f: {  	[tilespmem:s14], [sflag:$0x3] =	stream.strided.gather @!p0 [hbm4b:s10+s2], $0x1800, s3, s2, $0x38;
	[tilespmem:$0x1F300] =	vst v63  }
0xa0: {  	s2 =	sadd.s32 @!p0 $0x5B8F00, s10;
	s3 =	simm.s32 @!p0 $0x0;
	s14 =	simm.s32 @!p0 $0xD080  }
0xa1: {  	[tilespmem:s14], [sflag:$0x3] =	stream.linear.gather @!p0 [hbm4b:s2+s3], $0x100, $0x38;
	[tilespmem:$0x1F300] =	vst v63  }
0xa2: {  	v15 =	vld [tilespmem:$0x1F103];
	_ =	sdelay $0x4  }
0xa3: {  	(v2sf) =	vpush v15, $0x0;
	_ =	sdelay $0xb  }
0xa4: {  	s29 =	sld [smem:$0x7FB];
	_ =	sdelay $0x2  }
0xa5: {  	p1 =	seq.s32 s29, $0x1;
	s2 =	spop (v2sf)  }
0xa6: {  	p0 =	slt.s32 @!p1 s2, $0x1  }
0xa7: {  	p0 =	por p0, p1  }
0xa8: {  	s2 =	simm.s32 @!p0 $0x400;
	s3 =	simm.s32 @!p0 $0x7A1400;
	s14 =	simm.s32 @!p0 $0xD480  }
0xa9: {  	[tilespmem:s14], [sflag:$0x4] =	stream.strided.gather @!p0 [hbm4b:s11+s2], $0x1800, s3, s2, $0x38;
	[tilespmem:$0x1F300] =	vst v63  }
0xaa: {  	s2 =	sadd.s32 @!p0 $0x5B8F00, s11;
	s3 =	simm.s32 @!p0 $0x0;
	s14 =	simm.s32 @!p0 $0xEC80  }
0xab: {  	[tilespmem:s14], [sflag:$0x4] =	stream.linear.gather @!p0 [hbm4b:s2+s3], $0x100, $0x38;
	[tilespmem:$0x1F300] =	vst v63  }
0xac: {  	v15 =	vld [tilespmem:$0x1F104];
	_ =	sdelay $0x4  }
0xad: {  	(v2sf) =	vpush v15, $0x0;
	_ =	sdelay $0xb  }
0xae: {  	s30 =	sld [smem:$0x7FC];
	_ =	sdelay $0x2  }
0xaf: {  	p1 =	seq.s32 s30, $0x1;
	s2 =	spop (v2sf)  }
0xb0: {  	p0 =	slt.s32 @!p1 s2, $0x1  }
0xb1: {  	p0 =	por p0, p1  }
0xb2: {  	s2 =	simm.s32 @!p0 $0x400;
	s3 =	simm.s32 @!p0 $0x7A1400;
	s14 =	simm.s32 @!p0 $0xF080  }
0xb3: {  	[tilespmem:s14], [sflag:$0x5] =	stream.strided.gather @!p0 [hbm4b:s12+s2], $0x1800, s3, s2, $0x38;
	[tilespmem:$0x1F300] =	vst v63  }
0xb4: {  	s2 =	sadd.s32 @!p0 $0x5B8F00, s12;
	s3 =	simm.s32 @!p0 $0x0;
	s14 =	simm.s32 @!p0 $0x10880  }
0xb5: {  	[tilespmem:s14], [sflag:$0x5] =	stream.linear.gather @!p0 [hbm4b:s2+s3], $0x100, $0x38;
	[tilespmem:$0x1F300] =	vst v63  }
0xb6: {  	v15 =	vld [tilespmem:$0x1F105];
	_ =	sdelay $0x4  }
0xb7: {  	(v2sf) =	vpush v15, $0x0;
	_ =	sdelay $0xb  }
0xb8: {  	s31 =	sld [smem:$0x7FD];
	_ =	sdelay $0x2  }
0xb9: {  	p1 =	seq.s32 s31, $0x1;
	s2 =	spop (v2sf)  }
0xba: {  	p0 =	slt.s32 @!p1 s2, $0x1  }
0xbb: {  	s0 =	sadd.s32 $0xF, s0;
	p0 =	por p0, p1  }
0xbc: {  	s2 =	simm.s32 @!p0 $0x400;
	s3 =	simm.s32 @!p0 $0x7A1400;
	s14 =	simm.s32 @!p0 $0x10C80  }
0xbd: {  	[tilespmem:s14], [sflag:$0x6] =	stream.strided.gather @!p0 [hbm4b:s13+s2], $0x1800, s3, s2, $0x38;
	[tilespmem:$0x1F300] =	vst v63  }
0xbe: {  	s2 =	sadd.s32 @!p0 $0x5B8F00, s13;
	s3 =	simm.s32 @!p0 $0x0;
	s14 =	simm.s32 @!p0 $0x12480  }
0xbf: {  	[tilespmem:s14], [sflag:$0x6] =	stream.linear.gather @!p0 [hbm4b:s2+s3], $0x100, $0x38;
	[tilespmem:$0x1F300] =	vst v63  }
.Ltmp4:
0xc0: {  	s23 =	sshra.s32 s0, $0x4;
	(pc) =	sbr.rel .LBB2_6-.Ltmp4, $4  }
0xc1: {  	p0 =	slt.s32 s23, $0x1  }
0xc2: {  	s0 =	simm.s32 @!p0 $0x0  }
0xc3: {  	s0 =	simm.s32 @p0 $0x1  }
0xc4: {  	s19 =	simm.s32 $0x0;
	s25 =	simm.s32 $0x0;
	[smem:$0x7F7] =	sst s0  }
.LBB2_26:
0xc5: {  	s25 =	sadd.s32 $0x1, s25  }
0xc6: {  	p0 =	sne.s32 s25, $0x15  }
.Ltmp5:
0xc7: {  	_ = 	snop;
	(pc) =	sbr.rel @!p0 .LBB2_27-.Ltmp5, $1  }
0xc8: {  	_ =	sdelay $0x3  }
.LBB2_6:
0xc9: {  	s29 =	smul.u32 $0xC, s25;
	_ =	sdelay $0x1  }
0xca: {  	v15 =	vld [tilespmem:s29+$0x1F106];
	_ =	sdelay $0x4  }
0xcb: {  	(v2sf) =	vpush v15, $0x0;
	_ =	sdelay $0xc  }
0xcc: {  	s26 =	sadd.s32 $0x6, s29  }
0xcd: {  	s0 =	sadd.s32 s6, s26  }
0xce: {  	p1 =	sge.u32 s0, s7;
	s2 =	spop (v2sf)  }
0xcf: {  	p0 =	slt.s32 @!p1 s2, $0x1;
	s2 =	simm.s32 @!p1 $0x0  }
0xd0: {  	s2 =	simm.s32 @p1 $0x1;
	p0 =	por p0, p1  }
0xd1: {  	[smem:$0x7F5] =	sst s2;
	s0 =	sshll.u32 @!p0 s0, $0x7;
	s2 =	simm.s32 @!p0 $0x400  }
0xd2: {  	s3 =	simm.s32 @!p0 $0x7A1400;
	s14 =	simm.s32 @!p0 $0x12880;
	s0 =	sadd.s32 @!p0 s1, s0  }
0xd3: {  	[tilespmem:s14], [sflag:$0x7] =	stream.strided.gather @!p0 [hbm4b:s0+s2], $0x1800, s3, s2, $0x38;
	[tilespmem:$0x1F300] =	vst v63  }
0xd4: {  	s0 =	sadd.s32 @!p0 $0x5B8F00, s0;
	s2 =	simm.s32 @!p0 $0x0;
	s3 =	simm.s32 @!p0 $0x14080  }
0xd5: {  	[tilespmem:s3], [sflag:$0x7] =	stream.linear.gather @!p0 [hbm4b:s0+s2], $0x100, $0x38;
	[tilespmem:$0x1F300] =	vst v63  }
0xd6: {  	v15 =	vld [tilespmem:s29+$0x1F107];
	_ =	sdelay $0x4  }
0xd7: {  	(v2sf) =	vpush v15, $0x0;
	_ =	sdelay $0xc  }
0xd8: {  	s28 =	sadd.s32 $0x7, s29  }
0xd9: {  	s0 =	sadd.s32 s6, s28  }
0xda: {  	p1 =	sge.u32 s0, s7;
	s2 =	spop (v2sf)  }
0xdb: {  	p0 =	slt.s32 @!p1 s2, $0x1;
	s2 =	simm.s32 @!p1 $0x0  }
0xdc: {  	s2 =	simm.s32 @p1 $0x1;
	p0 =	por p0, p1  }
0xdd: {  	[smem:$0x7F6] =	sst s2;
	s0 =	sshll.u32 @!p0 s0, $0x7;
	s2 =	simm.s32 @!p0 $0x400  }
0xde: {  	s3 =	simm.s32 @!p0 $0x7A1400;
	s14 =	simm.s32 @!p0 $0x14480;
	s0 =	sadd.s32 @!p0 s1, s0  }
0xdf: {  	[tilespmem:s14], [sflag:$0x8] =	stream.strided.gather @!p0 [hbm4b:s0+s2], $0x1800, s3, s2, $0x38;
	[tilespmem:$0x1F300] =	vst v63  }
0xe0: {  	s0 =	sadd.s32 @!p0 $0x5B8F00, s0;
	s2 =	simm.s32 @!p0 $0x0;
	s3 =	simm.s32 @!p0 $0x15C80  }
0xe1: {  	[tilespmem:s3], [sflag:$0x8] =	stream.linear.gather @!p0 [hbm4b:s0+s2], $0x100, $0x38;
	[tilespmem:$0x1F300] =	vst v63  }
0xe2: {  	v15 =	vld [tilespmem:s29+$0x1F108];
	_ =	sdelay $0x4  }
0xe3: {  	(v2sf) =	vpush v15, $0x0;
	_ =	sdelay $0xc  }
0xe4: {  	s30 =	sadd.s32 $0x8, s29  }
0xe5: {  	s0 =	sadd.s32 s6, s30  }
0xe6: {  	p2 =	sge.u32 s0, s7;
	s2 =	spop (v2sf)  }
0xe7: {  	p0 =	slt.s32 @!p2 s2, $0x1  }
0xe8: {  	p0 =	por p0, p2  }
0xe9: {  	s0 =	sshll.u32 @!p0 s0, $0x7;
	s2 =	simm.s32 @!p0 $0x400  }
0xea: {  	s3 =	simm.s32 @!p0 $0x7A1400;
	s14 =	simm.s32 @!p0 $0x16080;
	s0 =	sadd.s32 @!p0 s1, s0  }
0xeb: {  	[tilespmem:s14], [sflag:$0x9] =	stream.strided.gather @!p0 [hbm4b:s0+s2], $0x1800, s3, s2, $0x38;
	[tilespmem:$0x1F300] =	vst v63  }
0xec: {  	s0 =	sadd.s32 @!p0 $0x5B8F00, s0;
	s2 =	simm.s32 @!p0 $0x0;
	s3 =	simm.s32 @!p0 $0x17880  }
0xed: {  	[tilespmem:s3], [sflag:$0x9] =	stream.linear.gather @!p0 [hbm4b:s0+s2], $0x100, $0x38;
	[tilespmem:$0x1F300] =	vst v63  }
0xee: {  	v15 =	vld [tilespmem:s29+$0x1F109];
	_ =	sdelay $0x4  }
0xef: {  	(v2sf) =	vpush v15, $0x0;
	_ =	sdelay $0xc  }
0xf0: {  	s31 =	sadd.s32 $0x9, s29  }
0xf1: {  	s0 =	sadd.s32 s6, s31  }
0xf2: {  	p3 =	sge.u32 s0, s7;
	s2 =	spop (v2sf)  }
0xf3: {  	p0 =	slt.s32 @!p3 s2, $0x1  }
0xf4: {  	p0 =	por p0, p3  }
0xf5: {  	s0 =	sshll.u32 @!p0 s0, $0x7;
	s2 =	simm.s32 @!p0 $0x400  }
0xf6: {  	s3 =	simm.s32 @!p0 $0x7A1400;
	s14 =	simm.s32 @!p0 $0x17C80;
	s0 =	sadd.s32 @!p0 s1, s0  }
0xf7: {  	[tilespmem:s14], [sflag:$0xA] =	stream.strided.gather @!p0 [hbm4b:s0+s2], $0x1800, s3, s2, $0x38;
	[tilespmem:$0x1F300] =	vst v63  }
0xf8: {  	s0 =	sadd.s32 @!p0 $0x5B8F00, s0;
	s2 =	simm.s32 @!p0 $0x0;
	s3 =	simm.s32 @!p0 $0x19480  }
0xf9: {  	[tilespmem:s3], [sflag:$0xA] =	stream.linear.gather @!p0 [hbm4b:s0+s2], $0x100, $0x38;
	[tilespmem:$0x1F300] =	vst v63  }
0xfa: {  	v15 =	vld [tilespmem:s29+$0x1F10A];
	_ =	sdelay $0x4  }
0xfb: {  	(v2sf) =	vpush v15, $0x0;
	_ =	sdelay $0xc  }
0xfc: {  	s2 =	sadd.s32 $0xA, s29  }
0xfd: {  	s0 =	sadd.s32 s6, s2  }
0xfe: {  	p4 =	sge.u32 s0, s7;
	s3 =	spop (v2sf)  }
0xff: {  	p0 =	slt.s32 @!p4 s3, $0x1  }
0x100: {  	p0 =	por p0, p4  }
0x101: {  	s0 =	sshll.u32 @!p0 s0, $0x7;
	s3 =	simm.s32 @!p0 $0x400  }
0x102: {  	s14 =	simm.s32 @!p0 $0x7A1400;
	s18 =	simm.s32 @!p0 $0x19880;
	s0 =	sadd.s32 @!p0 s1, s0  }
0x103: {  	[tilespmem:s18], [sflag:$0xB] =	stream.strided.gather @!p0 [hbm4b:s0+s3], $0x1800, s14, s3, $0x38;
	[tilespmem:$0x1F300] =	vst v63  }
0x104: {  	s0 =	sadd.s32 @!p0 $0x5B8F00, s0;
	s3 =	simm.s32 @!p0 $0x0;
	s14 =	simm.s32 @!p0 $0x1B080  }
0x105: {  	[tilespmem:s14], [sflag:$0xB] =	stream.linear.gather @!p0 [hbm4b:s0+s3], $0x100, $0x38;
	[tilespmem:$0x1F300] =	vst v63  }
0x106: {  	v15 =	vld [tilespmem:s29+$0x1F10B];
	_ =	sdelay $0x4  }
0x107: {  	(v2sf) =	vpush v15, $0x0;
	_ =	sdelay $0xc  }
0x108: {  	s0 =	sadd.s32 $0xB, s29  }
0x109: {  	s3 =	sadd.s32 s6, s0  }
0x10a: {  	p5 =	sge.u32 s3, s7;
	s14 =	spop (v2sf)  }
0x10b: {  	p0 =	slt.s32 @!p5 s14, $0x1  }
0x10c: {  	p0 =	por p0, p5  }
0x10d: {  	s3 =	sshll.u32 @!p0 s3, $0x7;
	s14 =	simm.s32 @!p0 $0x400  }
0x10e: {  	s18 =	simm.s32 @!p0 $0x7A1400;
	s20 =	simm.s32 @!p0 $0x1B480;
	s3 =	sadd.s32 @!p0 s1, s3  }
0x10f: {  	[tilespmem:s20], [sflag:$0xC] =	stream.strided.gather @!p0 [hbm4b:s3+s14], $0x1800, s18, s14, $0x38;
	[tilespmem:$0x1F300] =	vst v63  }
0x110: {  	s3 =	sadd.s32 @!p0 $0x5B8F00, s3;
	s14 =	simm.s32 @!p0 $0x0;
	s18 =	simm.s32 @!p0 $0x1CC80  }
0x111: {  	[tilespmem:s18], [sflag:$0xC] =	stream.linear.gather @!p0 [hbm4b:s3+s14], $0x100, $0x38;
	[tilespmem:$0x1F300] =	vst v63  }
0x112: {  	v15 =	vld [tilespmem:s29+$0x1F100];
	_ =	sdelay $0x4  }
0x113: {  	(v2sf) =	vpush v15, $0x0;
	_ =	sdelay $0xd  }
0x114: {  	s3 =	sadd.s32 s6, s29  }
0x115: {  	p0 =	sge.u32 s3, s7;
	s14 =	spop (v2sf)  }
0x116: {  	p1 =	slt.s32 @!p0 s14, $0x1  }
0x117: {  	p0 =	por p1, p0  }
0x118: {  	s14 =	simm.s32 @!p0 $0x1  }
0x119: {  	_ =	swait.ge @!p0 [sflag:s14], $0x1900  }
0x11a: {  	[sflag:s14] =	ssyncset.done @!p0 $0x0  }
0x11b: {  	[sflag:s14] =	ssyncadd.s32 @!p0 $0xFFFFE700  }
0x11c: {  	v15 =	vld [tilespmem:s29+$0x1F101];
	_ =	sdelay $0x4  }
0x11d: {  	(v2sf) =	vpush v15, $0x0;
	_ =	sdelay $0xc  }
0x11e: {  	s8 =	sadd.s32 s29, s6  }
0x11f: {  	s15 =	sadd.s32 $0x1, s8  }
0x120: {  	p0 =	sge.u32 s15, s7;
	s18 =	spop (v2sf)  }
0x121: {  	p1 =	slt.s32 @!p0 s18, $0x1  }
0x122: {  	p0 =	por p1, p0  }
0x123: {  	s18 =	simm.s32 @!p0 $0x2  }
0x124: {  	_ =	swait.ge @!p0 [sflag:s18], $0x1900  }
0x125: {  	[sflag:s18] =	ssyncset.done @!p0 $0x0  }
0x126: {  	[sflag:s18] =	ssyncadd.s32 @!p0 $0xFFFFE700  }
0x127: {  	v15 =	vld [tilespmem:s29+$0x1F102];
	_ =	sdelay $0x4  }
0x128: {  	(v2sf) =	vpush v15, $0x0;
	_ =	sdelay $0xd  }
0x129: {  	s20 =	sadd.s32 $0x2, s8  }
0x12a: {  	p0 =	sge.u32 s20, s7;
	s18 =	spop (v2sf)  }
0x12b: {  	p1 =	slt.s32 @!p0 s18, $0x1  }
0x12c: {  	p0 =	por p1, p0  }
0x12d: {  	s18 =	simm.s32 @!p0 $0x3  }
0x12e: {  	_ =	swait.ge @!p0 [sflag:s18], $0x1900  }
0x12f: {  	[sflag:s18] =	ssyncset.done @!p0 $0x0  }
0x130: {  	[sflag:s18] =	ssyncadd.s32 @!p0 $0xFFFFE700  }
0x131: {  	v15 =	vld [tilespmem:s29+$0x1F103];
	_ =	sdelay $0x4  }
0x132: {  	(v2sf) =	vpush v15, $0x0;
	_ =	sdelay $0xd  }
0x133: {  	s14 =	sadd.s32 $0x3, s8  }
0x134: {  	p0 =	sge.u32 s14, s7;
	s14 =	spop (v2sf)  }
0x135: {  	p1 =	slt.s32 @!p0 s14, $0x1  }
0x136: {  	p0 =	por p1, p0  }
0x137: {  	s14 =	simm.s32 @!p0 $0x4  }
0x138: {  	_ =	swait.ge @!p0 [sflag:s14], $0x1900  }
0x139: {  	[sflag:s14] =	ssyncset.done @!p0 $0x0  }
0x13a: {  	[sflag:s14] =	ssyncadd.s32 @!p0 $0xFFFFE700  }
0x13b: {  	v15 =	vld [tilespmem:s29+$0x1F104];
	_ =	sdelay $0x4  }
0x13c: {  	(v2sf) =	vpush v15, $0x0;
	_ =	sdelay $0xd  }
0x13d: {  	s21 =	sadd.s32 $0x4, s3  }
0x13e: {  	p0 =	sge.u32 s21, s7;
	s14 =	spop (v2sf)  }
0x13f: {  	p1 =	slt.s32 @!p0 s14, $0x1  }
0x140: {  	p0 =	por p1, p0  }
0x141: {  	s14 =	simm.s32 @!p0 $0x5  }
0x142: {  	_ =	swait.ge @!p0 [sflag:s14], $0x1900  }
0x143: {  	[sflag:s14] =	ssyncset.done @!p0 $0x0  }
0x144: {  	[sflag:s14] =	ssyncadd.s32 @!p0 $0xFFFFE700  }
0x145: {  	v15 =	vld [tilespmem:s29+$0x1F105];
	_ =	sdelay $0x4  }
0x146: {  	(v2sf) =	vpush v15, $0x0;
	_ =	sdelay $0xd  }
0x147: {  	s24 =	sadd.s32 $0x5, s3  }
0x148: {  	p0 =	sge.u32 s24, s7;
	s14 =	spop (v2sf)  }
0x149: {  	p1 =	slt.s32 @!p0 s14, $0x1  }
0x14a: {  	p0 =	por p1, p0  }
0x14b: {  	s14 =	simm.s32 @!p0 $0x6  }
0x14c: {  	_ =	swait.ge @!p0 [sflag:s14], $0x1900  }
0x14d: {  	s5 =	sld [smem:$0x7F7];
	_ =	sdelay $0x1  }
0x14e: {  	[sflag:s14] =	ssyncset.done @!p0 $0x0  }
0x14f: {  	[sflag:s14] =	ssyncadd.s32 @!p0 $0xFFFFE700;
	p0 =	seq.s32 s5, $0x1  }
.Ltmp6:
0x150: {  	_ = 	snop;
	(pc) =	sbr.rel @p0 .LBB2_16-.Ltmp6, $2  }
0x151: {  	_ =	sdelay $0x2  }
0x152: {  	v15 =	vmov s26  }
.Ltmp7:
0x153: {  	(pc) =	sbr.rel .LBB2_8-.Ltmp7, $2  }
0x154: {  	_ =	sdelay $0x2  }
0x155: {  	v16 =	vmov s29;
	s18 =	simm.s32 $0x0  }
.LBB2_10:
0x156: {  	s24 =	smov.u32 s19  }
.LBB2_14:
0x157: {  	p0 =	por p1, !p6  }
0x158: {  	[sflag:s14] =	ssyncset.done @!p0 $0x0  }
0x159: {  	[sflag:s14] =	ssyncadd.s32 @!p0 $0xFFFFE000  }
0x15a: {  	[tilespmem:$0x1F0B0] =	vst @!p0 v20  }
0x15b: {  	v18 =	vor.u32 @!p0 $0x4000, v18;
	[tilespmem:$0x1F0A0] =	vst @!p0 v19  }
0x15c: {  	[tilespmem:$0x1F080] =	vst @!p0 v18  }
0x15d: {  	s5 =	spop (v2sf);
	[tilespmem:$0x1F090] =	vst @!p0 v17  }
0x15e: {  	v17 =	vld [tilespmem:s5+$0x1F280];
	_ =	sdelay $0x4  }
0x15f: {  	(v2sf) =	vpush v17, $0x0;
	_ =	sdelay $0xe  }
0x160: {  	s5 =	spop (v2sf)  }
0x161: {  	s8 =	sshrl.u32 s5, $0x15  }
0x162: {  	s8 =	ssub.s32 s8, s29  }
0x163: {  	s8 =	smul.u32 $0x38, s8;
	_ =	sdelay $0x1  }
0x164: {  	v17 =	vmov s8  }
0x165: {  	s20 =	sshrl.u32 s5, $0xE;
	v17 =	vshll.u32 v17, $0x7  }
0x166: {  	s8 =	sand.u32 $0x7F, s20;
	v18 =	vadd.s32 v10, v17  }
0x167: {  	v18 =	vor.u32 s8, v18;
	_ =	sdelay $0x4  }
0x168: {  	v19 =	vadd.s32 v14, v17;
	v18 =	vld.idx.msk [tilespmem:v18+s17+$0x0], $0xffff  }
0x169: {  	s14 =	sadd.s32 @p6 $0x1, s24;
	v19 =	vor.u32 s8, v19  }
0x16a: {  	s19 =	smov.u32 @p6 s14  }
0x16b: {  	s14 =	sand.u32 $0x3F, s19  }
0x16c: {  	s15 =	sshll.u32 s14, $0x7  }
0x16d: {  	[tilespmem:s15+$0x1D080] =	vst v18  }
0x16e: {  	v18 =	vadd.s32 v13, v17;
	v19 =	vld.idx.msk [tilespmem:v19+s17+$0x0], $0xffff  }
0x16f: {  	v18 =	vor.u32 s8, v18;
	_ =	sdelay $0x3  }
0x170: {  	[tilespmem:s15+$0x1D090] =	vst v19  }
0x171: {  	v17 =	vadd.s32 v12, v17;
	v18 =	vld.idx.msk [tilespmem:v18+s17+$0x0], $0xffff  }
0x172: {  	v17 =	vor.u32 s8, v17;
	_ =	sdelay $0x3  }
0x173: {  	[tilespmem:s15+$0x1D0A0] =	vst v18  }
0x174: {  	v17 =	vld.idx.msk [tilespmem:v17+s17+$0x0], $0xffff;
	_ =	sdelay $0x4  }
0x175: {  	s21 =	sand.u32 $0x30, s19;
	[tilespmem:s15+$0x1D0B0] =	vst v17  }
0x176: {  	v17 =	vld [tilespmem:s21+$0x1F080];
	_ =	sdelay $0x1  }
0x177: {  	s24 =	sand.u32 $0xF, s19  }
0x178: {  	v18 =	vmov s24  }
0x179: {  	p0 =	sne.s32 s14, $0x3F;
	s5 =	sand.u32 $0x3FFF, s5;
	vm0 =	veq.s32 v18, v3  }
0x17a: {  	s14 =	simm.s32 @!p0 $0x40;
	v17 =	vsel vm0, s5, v17  }
0x17b: {  	s20 =	simm.s32 @!p0 $0x1F080;
	s15 =	simm.s32 @!p0 $0xD;
	s5 =	simm.s32 @!p0 $0x1D080;
	[tilespmem:s21+$0x1F080] =	vst v17  }
0x17c: {  	[hbm4b:s4+s14] =	stream.indirect.scatter @!p0 [tilespmem:s5], [sflag:$0xD], $0x80, s20, s14, $0xb8;
	[tilespmem:$0x1F300] =	vst v63  }
0x17d: {  	_ =	swait.ge @!p0 [sflag:s15], $0x2000  }
0x17e: {  	v17 =	vlaneseq.u32 @!p0;
	[sflag:s15] =	ssyncset.done @!p0 $0x0  }
0x17f: {  	v18 =	vor.u32 @!p0 $0x4030, v17;
	[sflag:s15] =	ssyncadd.s32 @!p0 $0xFFFFE000  }
0x180: {  	v19 =	vor.u32 @!p0 $0x4020, v17;
	[tilespmem:$0x1F0B0] =	vst @!p0 v18  }
0x181: {  	v18 =	vor.u32 @!p0 $0x4000, v17;
	[tilespmem:$0x1F0A0] =	vst @!p0 v19  }
0x182: {  	v17 =	vor.u32 @!p0 $0x4010, v17;
	[tilespmem:$0x1F080] =	vst @!p0 v18  }
0x183: {  	s19 =	sadd.s32 $0x1, s19;
	[tilespmem:$0x1F090] =	vst @!p0 v17  }
.LBB2_15:
0x184: {  	s18 =	sadd.s32 $0x1, s18  }
0x185: {  	p0 =	sne.s32 s18, s23  }
.Ltmp8:
0x186: {  	_ = 	snop;
	(pc) =	sbr.rel @!p0 .LBB2_16-.Ltmp8, $1  }
0x187: {  	_ =	sdelay $0x3  }
.LBB2_8:
0x188: {  	s14 =	sshll.u32 s18, $0x6  }
0x189: {  	s14 =	sshra.s32 s14, $0x2  }
0x18a: {  	v17 =	vld [tilespmem:s14+$0x4000];
	_ =	sdelay $0x4  }
0x18b: {  	v18 =	vshrl.u32 v17, $0x15  }
0x18c: {  	vm0 =	vge.u32 v18, v16;
	vm1 =	vlt.u32 v18, v15  }
0x18d: {  	vm0 =	vmand vm0, vm1  }
0x18e: {  	v18 =	vmpcnt.ones.xlane vm0;
	_ =	sdelay $0x1  }
0x18f: {  	(v2sf) =	vpush v18, $0x0;
	_ =	sdelay $0xe  }
0x190: {  	s14 =	spop (v2sf)  }
0x191: {  	p0 =	slt.s32 s14, $0x1  }
.Ltmp9:
0x192: {  	_ = 	snop;
	(pc) =	sbr.rel @p0 .LBB2_15-.Ltmp9, $1  }
0x193: {  	_ =	sdelay $0x3  }
0x194: {  	v18 =	vmctz.xlane vm0;
	_ =	sdelay $0x1  }
0x195: {  	(v2sf) =	vpush v18, $0x0;
	_ =	sdelay $0x1  }
0x196: {  	s14 =	sadd.s32 $0xFFFFFFFF, s14  }
0x197: {  	p0 =	sne.s32 s14, $0x0  }
.Ltmp10:
0x198: {  	_ = 	snop;
	(pc) =	sbr.rel @!p0 .LBB2_10-.Ltmp10, $3  }
0x199: {  	v19 =	vbroadcast v18, $0x0;
	_ =	sdelay $0x1  }
0x19a: {  	vm1 =	vne.s32 v19, v3  }
0x19b: {  	[tilespmem:$0x1F280] =	vst v17;
	p6 =	por $0x0, $0x0;
	vm0 =	vmand vm0, vm1  }
0x19c: {  	_ =	sdelay $0x5  }
0x19d: {  	s20 =	spop (v2sf)  }
0x19e: {  	v17 =	vld [tilespmem:s20+$0x1F280];
	_ =	sdelay $0x4  }
0x19f: {  	(v2sf) =	vpush v17, $0x0;
	_ =	sdelay $0xe  }
0x1a0: {  	s8 =	spop (v2sf)  }
0x1a1: {  	s24 =	sshrl.u32 s8, $0x15  }
0x1a2: {  	s24 =	ssub.s32 s24, s29  }
0x1a3: {  	s24 =	smul.u32 $0x38, s24;
	_ =	sdelay $0x1  }
0x1a4: {  	v17 =	vmov s24  }
0x1a5: {  	s21 =	sshrl.u32 s8, $0xE;
	v17 =	vshll.u32 v17, $0x7  }
0x1a6: {  	s24 =	sand.u32 $0x7F, s21;
	v18 =	vadd.s32 v10, v17  }
0x1a7: {  	v18 =	vor.u32 s24, v18;
	_ =	sdelay $0x4  }
0x1a8: {  	v19 =	vadd.s32 v14, v17;
	v18 =	vld.idx.msk [tilespmem:v18+s17+$0x0], $0xffff  }
0x1a9: {  	v19 =	vor.u32 s24, v19;
	_ =	sdelay $0x1  }
0x1aa: {  	s15 =	sand.u32 $0x3F, s19  }
0x1ab: {  	s21 =	sshll.u32 s15, $0x7  }
0x1ac: {  	[tilespmem:s21+$0x1D080] =	vst v18  }
0x1ad: {  	v18 =	vadd.s32 v13, v17;
	v19 =	vld.idx.msk [tilespmem:v19+s17+$0x0], $0xffff  }
0x1ae: {  	v18 =	vor.u32 s24, v18;
	_ =	sdelay $0x3  }
0x1af: {  	[tilespmem:s21+$0x1D090] =	vst v19  }
0x1b0: {  	v17 =	vadd.s32 v12, v17;
	v18 =	vld.idx.msk [tilespmem:v18+s17+$0x0], $0xffff  }
0x1b1: {  	v17 =	vor.u32 s24, v17;
	_ =	sdelay $0x3  }
0x1b2: {  	[tilespmem:s21+$0x1D0A0] =	vst v18  }
0x1b3: {  	v17 =	vld.idx.msk [tilespmem:v17+s17+$0x0], $0xffff;
	_ =	sdelay $0x1  }
0x1b4: {  	v18 =	vmctz.xlane vm0;
	_ =	sdelay $0x1  }
0x1b5: {  	(v2sf) =	vpush v18, $0x0  }
0x1b6: {  	s24 =	sand.u32 $0x30, s19;
	[tilespmem:s21+$0x1D0B0] =	vst v17  }
0x1b7: {  	v17 =	vld [tilespmem:s24+$0x1F080];
	_ =	sdelay $0x1  }
0x1b8: {  	s5 =	sand.u32 $0xF, s19  }
0x1b9: {  	s20 =	sadd.s32 $0xFFFFFFFF, s14;
	v19 =	vmov s5  }
0x1ba: {  	p0 =	sne.s32 s20, $0x0;
	s8 =	sand.u32 $0x3FFF, s8;
	vm1 =	veq.s32 v19, v3  }
.Ltmp11:
0x1bb: {  	p1 =	sne.s32 s15, $0x3F;
	v17 =	vsel vm1, s8, v17;
	(pc) =	sbr.rel @!p0 .LBB2_12-.Ltmp11, $4  }
0x1bc: {  	s14 =	simm.s32 @!p1 $0x40;
	s15 =	simm.s32 @!p1 $0x1D080;
	v19 =	vbroadcast v18, $0x0;
	s21 =	simm.s32 @!p1 $0x1F080;
	[tilespmem:s24+$0x1F080] =	vst v17  }
0x1bd: {  	v18 =	vlaneseq.u32 @!p1;
	[hbm4b:s4+s14] =	stream.indirect.scatter @!p1 [tilespmem:s15], [sflag:$0xD], $0x80, s21, s14, $0xb8;
	[tilespmem:$0x1F300] =	vst v63  }
0x1be: {  	v20 =	vor.u32 @!p1 $0x4030, v18;
	vm1 =	vne.s32 v19, v3;
	s14 =	simm.s32 @!p1 $0xD  }
0x1bf: {  	p6 =	por $0x1, $0x1;
	v19 =	vor.u32 @!p1 $0x4020, v18;
	vm0 =	vmand vm0, vm1;
	v17 =	vor.u32 @!p1 $0x4010, v18;
	s24 =	smov.u32 s19;
	_ =	swait.ge @!p1 [sflag:s14], $0x2000  }
.LBB2_13:
0x1c0: {  	s20 =	sadd.s32 $0xFFFFFFFF, s20;
	[sflag:s14] =	ssyncset.done @!p1 $0x0;
	s24 =	sadd.s32 $0x1, s24  }
0x1c1: {  	v18 =	vor.u32 @!p1 $0x4000, v18;
	p0 =	sne.s32 s20, $0x0;
	[sflag:s14] =	ssyncadd.s32 @!p1 $0xFFFFE000  }
0x1c2: {  	[tilespmem:$0x1F0B0] =	vst @!p1 v20  }
0x1c3: {  	s14 =	spop (v2sf);
	[tilespmem:$0x1F0A0] =	vst @!p1 v19  }
0x1c4: {  	[tilespmem:$0x1F080] =	vst @!p1 v18  }
0x1c5: {  	[tilespmem:$0x1F090] =	vst @!p1 v17  }
0x1c6: {  	v17 =	vld [tilespmem:s14+$0x1F280];
	_ =	sdelay $0x4  }
0x1c7: {  	(v2sf) =	vpush v17, $0x0;
	_ =	sdelay $0xe  }
0x1c8: {  	s14 =	spop (v2sf)  }
0x1c9: {  	s15 =	sshrl.u32 s14, $0x15  }
0x1ca: {  	s15 =	ssub.s32 s15, s29  }
0x1cb: {  	s15 =	smul.u32 $0x38, s15  }
0x1cc: {  	s21 =	sshrl.u32 s14, $0xE  }
0x1cd: {  	s21 =	sand.u32 $0x7F, s21;
	v17 =	vmov s15  }
0x1ce: {  	v17 =	vshll.u32 v17, $0x7  }
0x1cf: {  	v18 =	vadd.s32 v10, v17;
	v19 =	vadd.s32 v14, v17;
	v20 =	vadd.s32 v12, v17  }
0x1d0: {  	v18 =	vor.u32 s21, v18;
	v19 =	vor.u32 s21, v19;
	v20 =	vor.u32 s21, v20  }
0x1d1: {  	v17 =	vadd.s32 v13, v17  }
0x1d2: {  	v17 =	vor.u32 s21, v17;
	_ =	sdelay $0x2  }
0x1d3: {  	v18 =	vld.idx.msk [tilespmem:v18+s17+$0x0], $0xffff;
	_ =	sdelay $0x1  }
0x1d4: {  	s15 =	sand.u32 $0x3F, s24  }
0x1d5: {  	s21 =	sshll.u32 s15, $0x7;
	_ =	sdelay $0x2  }
0x1d6: {  	[tilespmem:s21+$0x1D080] =	vst v18  }
0x1d7: {  	v18 =	vld.idx.msk [tilespmem:v19+s17+$0x0], $0xffff;
	_ =	sdelay $0x5  }
0x1d8: {  	[tilespmem:s21+$0x1D090] =	vst v18  }
0x1d9: {  	v17 =	vld.idx.msk [tilespmem:v17+s17+$0x0], $0xffff;
	_ =	sdelay $0x5  }
0x1da: {  	[tilespmem:s21+$0x1D0A0] =	vst v17  }
0x1db: {  	v17 =	vld.idx.msk [tilespmem:v20+s17+$0x0], $0xffff;
	_ =	sdelay $0x1  }
0x1dc: {  	v18 =	vmctz.xlane vm0;
	_ =	sdelay $0x1  }
0x1dd: {  	s5 =	sand.u32 $0x30, s24;
	v19 =	vbroadcast v18, $0x0;
	(v2sf) =	vpush v18, $0x0;
	_ =	sdelay $0x1  }
0x1de: {  	vm1 =	vne.s32 v19, v3;
	[tilespmem:s21+$0x1D0B0] =	vst v17  }
0x1df: {  	vm0 =	vmand vm0, vm1;
	s21 =	sand.u32 $0xF, s24;
	v17 =	vld [tilespmem:s5+$0x1F080]  }
0x1e0: {  	v18 =	vmov s21  }
0x1e1: {  	p1 =	sne.s32 s15, $0x3F;
	s21 =	sand.u32 $0x3FFF, s14;
	vm1 =	veq.s32 v18, v3  }
0x1e2: {  	s8 =	simm.s32 @!p1 $0x1D080  }
.Ltmp12:
0x1e3: {  	s15 =	simm.s32 @!p1 $0x40;
	s14 =	simm.s32 @!p1 $0xD;
	(pc) =	sbr.rel @p0 .LBB2_13-.Ltmp12, $4  }
0x1e4: {  	v17 =	vsel vm1, s21, v17;
	s21 =	simm.s32 @!p1 $0x1F080  }
0x1e5: {  	[tilespmem:s5+$0x1F080] =	vst v17  }
0x1e6: {  	v18 =	vlaneseq.u32 @!p1;
	[hbm4b:s4+s15] =	stream.indirect.scatter @!p1 [tilespmem:s8], [sflag:$0xD], $0x80, s21, s15, $0xb8;
	[tilespmem:$0x1F300] =	vst v63  }
0x1e7: {  	v19 =	vor.u32 @!p1 $0x4020, v18;
	v20 =	vor.u32 @!p1 $0x4030, v18;
	v17 =	vor.u32 @!p1 $0x4010, v18;
	_ =	swait.ge @!p1 [sflag:s14], $0x2000  }
.Ltmp13:
0x1e8: {  	_ = 	snop;
	(pc) =	sbr.rel .LBB2_14-.Ltmp13, $1  }
0x1e9: {  	_ =	sdelay $0x3  }
.LBB2_12:
.Ltmp14:
0x1ea: {  	(pc) =	sbr.rel .LBB2_14-.Ltmp14, $2  }
0x1eb: {  	_ =	sdelay $0x2  }
0x1ec: {  	s24 =	smov.u32 s19  }
.LBB2_16:
0x1ed: {  	v16 =	vld [tilespmem:s29+$0x1F10C];
	_ =	sdelay $0x4  }
0x1ee: {  	(v2sf) =	vpush v16, $0x0;
	_ =	sdelay $0xc  }
0x1ef: {  	s18 =	sadd.s32 $0xC, s29  }
0x1f0: {  	s5 =	sadd.s32 s6, s18  }
0x1f1: {  	p0 =	sge.u32 s5, s7;
	s8 =	spop (v2sf)  }
0x1f2: {  	p1 =	slt.s32 @!p0 s8, $0x1  }
0x1f3: {  	p0 =	por p1, p0  }
0x1f4: {  	s5 =	sshll.u32 @!p0 s5, $0x7;
	s8 =	simm.s32 @!p0 $0x400  }
0x1f5: {  	s14 =	simm.s32 @!p0 $0x7A1400;
	s15 =	simm.s32 @!p0 $0x8080;
	s5 =	sadd.s32 @!p0 s1, s5  }
0x1f6: {  	[tilespmem:s15], [sflag:$0x1] =	stream.strided.gather @!p0 [hbm4b:s5+s8], $0x1800, s14, s8, $0x38;
	[tilespmem:$0x1F300] =	vst v63  }
0x1f7: {  	s5 =	sadd.s32 @!p0 $0x5B8F00, s5;
	s8 =	simm.s32 @!p0 $0x0;
	s14 =	simm.s32 @!p0 $0x9880  }
0x1f8: {  	[tilespmem:s14], [sflag:$0x1] =	stream.linear.gather @!p0 [hbm4b:s5+s8], $0x100, $0x38;
	[tilespmem:$0x1F300] =	vst v63  }
0x1f9: {  	v16 =	vld [tilespmem:s29+$0x1F10D];
	_ =	sdelay $0x4  }
0x1fa: {  	(v2sf) =	vpush v16, $0x0;
	_ =	sdelay $0xd  }
0x1fb: {  	s5 =	sadd.s32 $0xD, s3  }
0x1fc: {  	p0 =	sge.u32 s5, s7;
	s8 =	spop (v2sf)  }
0x1fd: {  	p1 =	slt.s32 @!p0 s8, $0x1  }
0x1fe: {  	p0 =	por p1, p0  }
0x1ff: {  	s5 =	sshll.u32 @!p0 s5, $0x7;
	s8 =	simm.s32 @!p0 $0x400  }
0x200: {  	s14 =	simm.s32 @!p0 $0x7A1400;
	s15 =	simm.s32 @!p0 $0x9C80;
	s5 =	sadd.s32 @!p0 s1, s5  }
0x201: {  	[tilespmem:s15], [sflag:$0x2] =	stream.strided.gather @!p0 [hbm4b:s5+s8], $0x1800, s14, s8, $0x38;
	[tilespmem:$0x1F300] =	vst v63  }
0x202: {  	s5 =	sadd.s32 @!p0 $0x5B8F00, s5;
	s8 =	simm.s32 @!p0 $0x0;
	s14 =	simm.s32 @!p0 $0xB480  }
0x203: {  	[tilespmem:s14], [sflag:$0x2] =	stream.linear.gather @!p0 [hbm4b:s5+s8], $0x100, $0x38;
	[tilespmem:$0x1F300] =	vst v63  }
0x204: {  	v16 =	vld [tilespmem:s29+$0x1F10E];
	_ =	sdelay $0x4  }
0x205: {  	(v2sf) =	vpush v16, $0x0;
	_ =	sdelay $0xd  }
0x206: {  	s5 =	sadd.s32 $0xE, s3  }
0x207: {  	p0 =	sge.u32 s5, s7;
	s8 =	spop (v2sf)  }
0x208: {  	p1 =	slt.s32 @!p0 s8, $0x1  }
0x209: {  	p0 =	por p1, p0  }
0x20a: {  	s5 =	sshll.u32 @!p0 s5, $0x7;
	s8 =	simm.s32 @!p0 $0x400  }
0x20b: {  	s14 =	simm.s32 @!p0 $0x7A1400;
	s15 =	simm.s32 @!p0 $0xB880;
	s5 =	sadd.s32 @!p0 s1, s5  }
0x20c: {  	[tilespmem:s15], [sflag:$0x3] =	stream.strided.gather @!p0 [hbm4b:s5+s8], $0x1800, s14, s8, $0x38;
	[tilespmem:$0x1F300] =	vst v63  }
0x20d: {  	s5 =	sadd.s32 @!p0 $0x5B8F00, s5;
	s8 =	simm.s32 @!p0 $0x0;
	s14 =	simm.s32 @!p0 $0xD080  }
0x20e: {  	[tilespmem:s14], [sflag:$0x3] =	stream.linear.gather @!p0 [hbm4b:s5+s8], $0x100, $0x38;
	[tilespmem:$0x1F300] =	vst v63  }
0x20f: {  	v16 =	vld [tilespmem:s29+$0x1F10F];
	_ =	sdelay $0x4  }
0x210: {  	(v2sf) =	vpush v16, $0x0;
	_ =	sdelay $0xd  }
0x211: {  	s3 =	sadd.s32 $0xF, s3  }
0x212: {  	p0 =	sge.u32 s3, s7;
	s5 =	spop (v2sf)  }
0x213: {  	p1 =	slt.s32 @!p0 s5, $0x1  }
0x214: {  	p0 =	por p1, p0  }
0x215: {  	s3 =	sshll.u32 @!p0 s3, $0x7;
	s5 =	simm.s32 @!p0 $0x400  }
0x216: {  	s8 =	simm.s32 @!p0 $0x7A1400;
	s14 =	simm.s32 @!p0 $0xD480;
	s3 =	sadd.s32 @!p0 s1, s3  }
0x217: {  	[tilespmem:s14], [sflag:$0x4] =	stream.strided.gather @!p0 [hbm4b:s3+s5], $0x1800, s8, s5, $0x38;
	[tilespmem:$0x1F300] =	vst v63  }
0x218: {  	s3 =	sadd.s32 @!p0 $0x5B8F00, s3;
	s5 =	simm.s32 @!p0 $0x0;
	s8 =	simm.s32 @!p0 $0xEC80  }
0x219: {  	[tilespmem:s8], [sflag:$0x4] =	stream.linear.gather @!p0 [hbm4b:s3+s5], $0x100, $0x38;
	[tilespmem:$0x1F300] =	vst v63  }
0x21a: {  	s3 =	sadd.s32 $0x10, s29  }
0x21b: {  	p0 =	slt.s32 s3, $0xFF  }
0x21c: {  	s5 =	sadd.s32 s6, s3;
	s3 =	simm.s32 @!p0 $0xFF  }
0x21d: {  	v16 =	vld [tilespmem:s3+$0x1F100];
	_ =	sdelay $0x4  }
0x21e: {  	(v2sf) =	vpush v16, $0x0;
	_ =	sdelay $0xe  }
0x21f: {  	p0 =	sge.u32 s5, s7;
	s3 =	spop (v2sf)  }
0x220: {  	p1 =	slt.s32 @!p0 s3, $0x1  }
0x221: {  	p0 =	por p1, p0  }
0x222: {  	s3 =	sshll.u32 @!p0 s5, $0x7;
	s5 =	simm.s32 @!p0 $0x400  }
0x223: {  	s8 =	simm.s32 @!p0 $0x7A1400;
	s14 =	simm.s32 @!p0 $0xF080;
	s3 =	sadd.s32 @!p0 s1, s3  }
0x224: {  	[tilespmem:s14], [sflag:$0x5] =	stream.strided.gather @!p0 [hbm4b:s3+s5], $0x1800, s8, s5, $0x38;
	[tilespmem:$0x1F300] =	vst v63  }
0x225: {  	s3 =	sadd.s32 @!p0 $0x5B8F00, s3;
	s5 =	simm.s32 @!p0 $0x0;
	s8 =	simm.s32 @!p0 $0x10880  }
0x226: {  	[tilespmem:s8], [sflag:$0x5] =	stream.linear.gather @!p0 [hbm4b:s3+s5], $0x100, $0x38;
	[tilespmem:$0x1F300] =	vst v63  }
0x227: {  	s3 =	sadd.s32 $0x11, s29  }
0x228: {  	p0 =	slt.s32 s3, $0xFF  }
0x229: {  	s5 =	sadd.s32 s6, s3;
	s3 =	simm.s32 @!p0 $0xFF  }
0x22a: {  	v16 =	vld [tilespmem:s3+$0x1F100];
	_ =	sdelay $0x4  }
0x22b: {  	(v2sf) =	vpush v16, $0x0;
	_ =	sdelay $0xe  }
0x22c: {  	p0 =	sge.u32 s5, s7;
	s3 =	spop (v2sf)  }
0x22d: {  	p1 =	slt.s32 @!p0 s3, $0x1  }
0x22e: {  	p0 =	por p1, p0  }
0x22f: {  	s3 =	sshll.u32 @!p0 s5, $0x7;
	s5 =	simm.s32 @!p0 $0x400  }
0x230: {  	s8 =	simm.s32 @!p0 $0x7A1400;
	s14 =	simm.s32 @!p0 $0x10C80;
	s3 =	sadd.s32 @!p0 s1, s3  }
0x231: {  	[tilespmem:s14], [sflag:$0x6] =	stream.strided.gather @!p0 [hbm4b:s3+s5], $0x1800, s8, s5, $0x38;
	[tilespmem:$0x1F300] =	vst v63  }
0x232: {  	s3 =	sadd.s32 @!p0 $0x5B8F00, s3;
	s5 =	simm.s32 @!p0 $0x0;
	s8 =	simm.s32 @!p0 $0x12480  }
0x233: {  	[tilespmem:s8], [sflag:$0x6] =	stream.linear.gather @!p0 [hbm4b:s3+s5], $0x100, $0x38;
	[tilespmem:$0x1F300] =	vst v63  }
0x234: {  	v16 =	vld [tilespmem:s26+$0x1F100];
	_ =	sdelay $0x4  }
0x235: {  	(v2sf) =	vpush v16, $0x0;
	_ =	sdelay $0xb  }
0x236: {  	s24 =	sld [smem:$0x7F5];
	_ =	sdelay $0x2  }
0x237: {  	p1 =	seq.s32 s24, $0x1;
	s3 =	spop (v2sf)  }
0x238: {  	p0 =	slt.s32 @!p1 s3, $0x1  }
0x239: {  	p0 =	por p0, p1  }
0x23a: {  	s3 =	simm.s32 @!p0 $0x7  }
0x23b: {  	_ =	swait.ge @!p0 [sflag:s3], $0x1900  }
0x23c: {  	[sflag:s3] =	ssyncset.done @!p0 $0x0  }
0x23d: {  	[sflag:s3] =	ssyncadd.s32 @!p0 $0xFFFFE700  }
0x23e: {  	v16 =	vld [tilespmem:s28+$0x1F100];
	_ =	sdelay $0x4  }
0x23f: {  	(v2sf) =	vpush v16, $0x0;
	_ =	sdelay $0xb  }
0x240: {  	s29 =	sld [smem:$0x7F6];
	_ =	sdelay $0x2  }
0x241: {  	p1 =	seq.s32 s29, $0x1;
	s3 =	spop (v2sf)  }
0x242: {  	p0 =	slt.s32 @!p1 s3, $0x1  }
0x243: {  	p0 =	por p0, p1  }
0x244: {  	s3 =	simm.s32 @!p0 $0x8  }
0x245: {  	_ =	swait.ge @!p0 [sflag:s3], $0x1900  }
0x246: {  	[sflag:s3] =	ssyncset.done @!p0 $0x0  }
0x247: {  	[sflag:s3] =	ssyncadd.s32 @!p0 $0xFFFFE700  }
0x248: {  	v16 =	vld [tilespmem:s30+$0x1F100];
	_ =	sdelay $0x4  }
0x249: {  	(v2sf) =	vpush v16, $0x0;
	_ =	sdelay $0xe  }
0x24a: {  	s3 =	spop (v2sf)  }
0x24b: {  	p0 =	slt.s32 @!p2 s3, $0x1  }
0x24c: {  	p0 =	por p0, p2  }
0x24d: {  	s3 =	simm.s32 @!p0 $0x9  }
0x24e: {  	_ =	swait.ge @!p0 [sflag:s3], $0x1900  }
0x24f: {  	[sflag:s3] =	ssyncset.done @!p0 $0x0  }
0x250: {  	[sflag:s3] =	ssyncadd.s32 @!p0 $0xFFFFE700  }
0x251: {  	v16 =	vld [tilespmem:s31+$0x1F100];
	_ =	sdelay $0x4  }
0x252: {  	(v2sf) =	vpush v16, $0x0;
	_ =	sdelay $0xe  }
0x253: {  	s3 =	spop (v2sf)  }
0x254: {  	p0 =	slt.s32 @!p3 s3, $0x1  }
0x255: {  	p0 =	por p0, p3  }
0x256: {  	s3 =	simm.s32 @!p0 $0xA  }
0x257: {  	_ =	swait.ge @!p0 [sflag:s3], $0x1900  }
0x258: {  	[sflag:s3] =	ssyncset.done @!p0 $0x0  }
0x259: {  	[sflag:s3] =	ssyncadd.s32 @!p0 $0xFFFFE700  }
0x25a: {  	v16 =	vld [tilespmem:s2+$0x1F100];
	_ =	sdelay $0x4  }
0x25b: {  	(v2sf) =	vpush v16, $0x0;
	_ =	sdelay $0xe  }
0x25c: {  	s2 =	spop (v2sf)  }
0x25d: {  	p0 =	slt.s32 @!p4 s2, $0x1  }
0x25e: {  	p0 =	por p0, p4  }
0x25f: {  	s2 =	simm.s32 @!p0 $0xB  }
0x260: {  	_ =	swait.ge @!p0 [sflag:s2], $0x1900  }
0x261: {  	[sflag:s2] =	ssyncset.done @!p0 $0x0  }
0x262: {  	[sflag:s2] =	ssyncadd.s32 @!p0 $0xFFFFE700  }
0x263: {  	v16 =	vld [tilespmem:s0+$0x1F100];
	_ =	sdelay $0x4  }
0x264: {  	(v2sf) =	vpush v16, $0x0;
	_ =	sdelay $0xe  }
0x265: {  	s0 =	spop (v2sf)  }
0x266: {  	p0 =	slt.s32 @!p5 s0, $0x1  }
0x267: {  	p0 =	por p0, p5  }
0x268: {  	s0 =	simm.s32 @!p0 $0xC  }
0x269: {  	_ =	swait.ge @!p0 [sflag:s0], $0x1900  }
0x26a: {  	s31 =	sld [smem:$0x7F7];
	_ =	sdelay $0x1  }
0x26b: {  	[sflag:s0] =	ssyncset.done @!p0 $0x0  }
0x26c: {  	[sflag:s0] =	ssyncadd.s32 @!p0 $0xFFFFE700;
	p0 =	seq.s32 s31, $0x1  }
.Ltmp15:
0x26d: {  	_ = 	snop;
	(pc) =	sbr.rel @p0 .LBB2_26-.Ltmp15, $1  }
0x26e: {  	_ =	sdelay $0x3  }
.Ltmp16:
0x26f: {  	(pc) =	sbr.rel .LBB2_18-.Ltmp16, $2  }
0x270: {  	_ =	sdelay $0x2  }
0x271: {  	v16 =	vmov s18;
	s0 =	simm.s32 $0x0  }
.LBB2_20:
0x272: {  	s2 =	smov.u32 s19  }
.LBB2_24:
0x273: {  	p1 =	por p2, !p0  }
0x274: {  	[sflag:s14] =	ssyncset.done @!p1 $0x0  }
0x275: {  	[sflag:s14] =	ssyncadd.s32 @!p1 $0xFFFFE000  }
0x276: {  	[tilespmem:$0x1F0B0] =	vst @!p1 v20  }
0x277: {  	v18 =	vor.u32 @!p1 $0x4000, v18;
	[tilespmem:$0x1F0A0] =	vst @!p1 v19  }
0x278: {  	[tilespmem:$0x1F080] =	vst @!p1 v18  }
0x279: {  	s3 =	spop (v2sf);
	[tilespmem:$0x1F090] =	vst @!p1 v17  }
0x27a: {  	v17 =	vld [tilespmem:s3+$0x1F280];
	_ =	sdelay $0x4  }
0x27b: {  	(v2sf) =	vpush v17, $0x0;
	_ =	sdelay $0xe  }
0x27c: {  	s28 =	spop (v2sf)  }
0x27d: {  	s5 =	sshrl.u32 s28, $0x15  }
0x27e: {  	s5 =	ssub.s32 s5, s26  }
0x27f: {  	s5 =	smul.u32 $0x38, s5;
	_ =	sdelay $0x1  }
0x280: {  	s5 =	sadd.s32 $0x150, s5  }
0x281: {  	v17 =	vmov s5  }
0x282: {  	s29 =	sshrl.u32 s28, $0xE;
	v17 =	vshll.u32 v17, $0x7  }
0x283: {  	s5 =	sand.u32 $0x7F, s29;
	v18 =	vadd.s32 v10, v17  }
0x284: {  	v18 =	vor.u32 s5, v18;
	_ =	sdelay $0x4  }
0x285: {  	v19 =	vadd.s32 v14, v17;
	v18 =	vld.idx.msk [tilespmem:v18+s17+$0x0], $0xffff  }
0x286: {  	s2 =	sadd.s32 @p0 $0x1, s2;
	v19 =	vor.u32 s5, v19  }
0x287: {  	s19 =	smov.u32 @p0 s2  }
0x288: {  	s2 =	sand.u32 $0x3F, s19  }
0x289: {  	s8 =	sshll.u32 s2, $0x7  }
0x28a: {  	[tilespmem:s8+$0x1D080] =	vst v18  }
0x28b: {  	v18 =	vadd.s32 v13, v17;
	v19 =	vld.idx.msk [tilespmem:v19+s17+$0x0], $0xffff  }
0x28c: {  	v18 =	vor.u32 s5, v18;
	_ =	sdelay $0x3  }
0x28d: {  	[tilespmem:s8+$0x1D090] =	vst v19  }
0x28e: {  	v17 =	vadd.s32 v12, v17;
	v18 =	vld.idx.msk [tilespmem:v18+s17+$0x0], $0xffff  }
0x28f: {  	v17 =	vor.u32 s5, v17;
	_ =	sdelay $0x3  }
0x290: {  	[tilespmem:s8+$0x1D0A0] =	vst v18  }
0x291: {  	v17 =	vld.idx.msk [tilespmem:v17+s17+$0x0], $0xffff;
	_ =	sdelay $0x4  }
0x292: {  	s30 =	sand.u32 $0x30, s19;
	[tilespmem:s8+$0x1D0B0] =	vst v17  }
0x293: {  	v17 =	vld [tilespmem:s30+$0x1F080];
	_ =	sdelay $0x1  }
0x294: {  	s31 =	sand.u32 $0xF, s19  }
0x295: {  	v18 =	vmov s31  }
0x296: {  	p0 =	sne.s32 s2, $0x3F;
	s3 =	sand.u32 $0x3FFF, s28;
	vm0 =	veq.s32 v18, v3  }
0x297: {  	s2 =	simm.s32 @!p0 $0x40;
	v17 =	vsel vm0, s3, v17  }
0x298: {  	s14 =	simm.s32 @!p0 $0x1F080;
	s8 =	simm.s32 @!p0 $0xD;
	s3 =	simm.s32 @!p0 $0x1D080;
	[tilespmem:s30+$0x1F080] =	vst v17  }
0x299: {  	[hbm4b:s4+s2] =	stream.indirect.scatter @!p0 [tilespmem:s3], [sflag:$0xD], $0x80, s14, s2, $0xb8;
	[tilespmem:$0x1F300] =	vst v63  }
0x29a: {  	_ =	swait.ge @!p0 [sflag:s8], $0x2000  }
0x29b: {  	v17 =	vlaneseq.u32 @!p0;
	[sflag:s8] =	ssyncset.done @!p0 $0x0  }
0x29c: {  	v18 =	vor.u32 @!p0 $0x4030, v17;
	[sflag:s8] =	ssyncadd.s32 @!p0 $0xFFFFE000  }
0x29d: {  	v19 =	vor.u32 @!p0 $0x4020, v17;
	[tilespmem:$0x1F0B0] =	vst @!p0 v18  }
0x29e: {  	v18 =	vor.u32 @!p0 $0x4000, v17;
	[tilespmem:$0x1F0A0] =	vst @!p0 v19  }
0x29f: {  	v17 =	vor.u32 @!p0 $0x4010, v17;
	[tilespmem:$0x1F080] =	vst @!p0 v18  }
0x2a0: {  	s19 =	sadd.s32 $0x1, s19;
	[tilespmem:$0x1F090] =	vst @!p0 v17  }
.LBB2_25:
0x2a1: {  	s0 =	sadd.s32 $0x1, s0  }
0x2a2: {  	p0 =	sne.s32 s0, s23  }
.Ltmp17:
0x2a3: {  	_ = 	snop;
	(pc) =	sbr.rel @!p0 .LBB2_26-.Ltmp17, $1  }
0x2a4: {  	_ =	sdelay $0x3  }
.LBB2_18:
0x2a5: {  	s2 =	sshll.u32 s0, $0x6  }
0x2a6: {  	s2 =	sshra.s32 s2, $0x2  }
0x2a7: {  	v17 =	vld [tilespmem:s2+$0x4000];
	_ =	sdelay $0x4  }
0x2a8: {  	v18 =	vshrl.u32 v17, $0x15  }
0x2a9: {  	vm0 =	vge.u32 v18, v15;
	vm1 =	vlt.u32 v18, v16  }
0x2aa: {  	vm0 =	vmand vm0, vm1  }
0x2ab: {  	v18 =	vmpcnt.ones.xlane vm0;
	_ =	sdelay $0x1  }
0x2ac: {  	(v2sf) =	vpush v18, $0x0;
	_ =	sdelay $0xe  }
0x2ad: {  	s2 =	spop (v2sf)  }
0x2ae: {  	p0 =	slt.s32 s2, $0x1  }
.Ltmp18:
0x2af: {  	_ = 	snop;
	(pc) =	sbr.rel @p0 .LBB2_25-.Ltmp18, $1  }
0x2b0: {  	_ =	sdelay $0x3  }
0x2b1: {  	v18 =	vmctz.xlane vm0;
	_ =	sdelay $0x1  }
0x2b2: {  	(v2sf) =	vpush v18, $0x0;
	_ =	sdelay $0x1  }
0x2b3: {  	s2 =	sadd.s32 $0xFFFFFFFF, s2  }
0x2b4: {  	p1 =	sne.s32 s2, $0x0  }
.Ltmp19:
0x2b5: {  	_ = 	snop;
	(pc) =	sbr.rel @!p1 .LBB2_20-.Ltmp19, $3  }
0x2b6: {  	v19 =	vbroadcast v18, $0x0;
	_ =	sdelay $0x1  }
0x2b7: {  	vm1 =	vne.s32 v19, v3  }
0x2b8: {  	[tilespmem:$0x1F280] =	vst v17;
	p0 =	por $0x0, $0x0;
	vm0 =	vmand vm0, vm1  }
0x2b9: {  	_ =	sdelay $0x5  }
0x2ba: {  	s3 =	spop (v2sf)  }
0x2bb: {  	v17 =	vld [tilespmem:s3+$0x1F280];
	_ =	sdelay $0x4  }
0x2bc: {  	(v2sf) =	vpush v17, $0x0;
	_ =	sdelay $0xe  }
0x2bd: {  	s24 =	spop (v2sf)  }
0x2be: {  	s5 =	sshrl.u32 s24, $0x15  }
0x2bf: {  	s5 =	ssub.s32 s5, s26  }
0x2c0: {  	s5 =	smul.u32 $0x38, s5;
	_ =	sdelay $0x1  }
0x2c1: {  	s5 =	sadd.s32 $0x150, s5  }
0x2c2: {  	v17 =	vmov s5  }
0x2c3: {  	s28 =	sshrl.u32 s24, $0xE;
	v17 =	vshll.u32 v17, $0x7  }
0x2c4: {  	s5 =	sand.u32 $0x7F, s28;
	v18 =	vadd.s32 v10, v17  }
0x2c5: {  	v18 =	vor.u32 s5, v18;
	_ =	sdelay $0x4  }
0x2c6: {  	v19 =	vadd.s32 v14, v17;
	v18 =	vld.idx.msk [tilespmem:v18+s17+$0x0], $0xffff  }
0x2c7: {  	v19 =	vor.u32 s5, v19;
	_ =	sdelay $0x1  }
0x2c8: {  	s8 =	sand.u32 $0x3F, s19  }
0x2c9: {  	s14 =	sshll.u32 s8, $0x7  }
0x2ca: {  	[tilespmem:s14+$0x1D080] =	vst v18  }
0x2cb: {  	v18 =	vadd.s32 v13, v17;
	v19 =	vld.idx.msk [tilespmem:v19+s17+$0x0], $0xffff  }
0x2cc: {  	v18 =	vor.u32 s5, v18;
	_ =	sdelay $0x3  }
0x2cd: {  	[tilespmem:s14+$0x1D090] =	vst v19  }
0x2ce: {  	v17 =	vadd.s32 v12, v17;
	v18 =	vld.idx.msk [tilespmem:v18+s17+$0x0], $0xffff  }
0x2cf: {  	v17 =	vor.u32 s5, v17;
	_ =	sdelay $0x3  }
0x2d0: {  	[tilespmem:s14+$0x1D0A0] =	vst v18  }
0x2d1: {  	v17 =	vld.idx.msk [tilespmem:v17+s17+$0x0], $0xffff;
	_ =	sdelay $0x1  }
0x2d2: {  	v18 =	vmctz.xlane vm0;
	_ =	sdelay $0x1  }
0x2d3: {  	(v2sf) =	vpush v18, $0x0  }
0x2d4: {  	s29 =	sand.u32 $0x30, s19;
	[tilespmem:s14+$0x1D0B0] =	vst v17  }
0x2d5: {  	v17 =	vld [tilespmem:s29+$0x1F080];
	_ =	sdelay $0x1  }
0x2d6: {  	s30 =	sand.u32 $0xF, s19  }
0x2d7: {  	s3 =	sadd.s32 $0xFFFFFFFF, s2;
	v19 =	vmov s30  }
0x2d8: {  	p1 =	sne.s32 s3, $0x0;
	s31 =	sand.u32 $0x3FFF, s24;
	vm1 =	veq.s32 v19, v3  }
.Ltmp20:
0x2d9: {  	p2 =	sne.s32 s8, $0x3F;
	v17 =	vsel vm1, s31, v17;
	(pc) =	sbr.rel @!p1 .LBB2_22-.Ltmp20, $4  }
0x2da: {  	s8 =	simm.s32 @!p2 $0x1D080;
	s2 =	simm.s32 @!p2 $0x40;
	v19 =	vbroadcast v18, $0x0;
	s14 =	simm.s32 @!p2 $0x1F080;
	[tilespmem:s29+$0x1F080] =	vst v17  }
0x2db: {  	v18 =	vlaneseq.u32 @!p2;
	[hbm4b:s4+s2] =	stream.indirect.scatter @!p2 [tilespmem:s8], [sflag:$0xD], $0x80, s14, s2, $0xb8;
	[tilespmem:$0x1F300] =	vst v63  }
0x2dc: {  	v20 =	vor.u32 @!p2 $0x4030, v18;
	vm1 =	vne.s32 v19, v3;
	s14 =	simm.s32 @!p2 $0xD  }
0x2dd: {  	p0 =	por $0x1, $0x1;
	v19 =	vor.u32 @!p2 $0x4020, v18;
	vm0 =	vmand vm0, vm1;
	v17 =	vor.u32 @!p2 $0x4010, v18;
	s2 =	smov.u32 s19;
	_ =	swait.ge @!p2 [sflag:s14], $0x2000  }
.LBB2_23:
0x2de: {  	s3 =	sadd.s32 $0xFFFFFFFF, s3;
	[sflag:s14] =	ssyncset.done @!p2 $0x0;
	s2 =	sadd.s32 $0x1, s2  }
0x2df: {  	v18 =	vor.u32 @!p2 $0x4000, v18;
	p1 =	sne.s32 s3, $0x0;
	[sflag:s14] =	ssyncadd.s32 @!p2 $0xFFFFE000  }
0x2e0: {  	[tilespmem:$0x1F0B0] =	vst @!p2 v20  }
0x2e1: {  	s5 =	spop (v2sf);
	[tilespmem:$0x1F0A0] =	vst @!p2 v19  }
0x2e2: {  	[tilespmem:$0x1F080] =	vst @!p2 v18  }
0x2e3: {  	[tilespmem:$0x1F090] =	vst @!p2 v17  }
0x2e4: {  	v17 =	vld [tilespmem:s5+$0x1F280];
	_ =	sdelay $0x4  }
0x2e5: {  	(v2sf) =	vpush v17, $0x0;
	_ =	sdelay $0xe  }
0x2e6: {  	s18 =	spop (v2sf)  }
0x2e7: {  	s5 =	sshrl.u32 s18, $0x15  }
0x2e8: {  	s5 =	ssub.s32 s5, s26  }
0x2e9: {  	s5 =	smul.u32 $0x38, s5;
	_ =	sdelay $0x1  }
0x2ea: {  	s8 =	sshrl.u32 s18, $0xE;
	s5 =	sadd.s32 $0x150, s5  }
0x2eb: {  	s8 =	sand.u32 $0x7F, s8;
	v17 =	vmov s5  }
0x2ec: {  	v17 =	vshll.u32 v17, $0x7  }
0x2ed: {  	v18 =	vadd.s32 v10, v17;
	v19 =	vadd.s32 v14, v17;
	v20 =	vadd.s32 v12, v17  }
0x2ee: {  	v18 =	vor.u32 s8, v18;
	v19 =	vor.u32 s8, v19;
	v20 =	vor.u32 s8, v20  }
0x2ef: {  	v17 =	vadd.s32 v13, v17  }
0x2f0: {  	v17 =	vor.u32 s8, v17;
	_ =	sdelay $0x2  }
0x2f1: {  	v18 =	vld.idx.msk [tilespmem:v18+s17+$0x0], $0xffff;
	_ =	sdelay $0x1  }
0x2f2: {  	s5 =	sand.u32 $0x3F, s2  }
0x2f3: {  	s8 =	sshll.u32 s5, $0x7;
	_ =	sdelay $0x2  }
0x2f4: {  	[tilespmem:s8+$0x1D080] =	vst v18  }
0x2f5: {  	v18 =	vld.idx.msk [tilespmem:v19+s17+$0x0], $0xffff;
	_ =	sdelay $0x5  }
0x2f6: {  	[tilespmem:s8+$0x1D090] =	vst v18  }
0x2f7: {  	v17 =	vld.idx.msk [tilespmem:v17+s17+$0x0], $0xffff;
	_ =	sdelay $0x5  }
0x2f8: {  	[tilespmem:s8+$0x1D0A0] =	vst v17  }
0x2f9: {  	v17 =	vld.idx.msk [tilespmem:v20+s17+$0x0], $0xffff;
	_ =	sdelay $0x1  }
0x2fa: {  	v18 =	vmctz.xlane vm0;
	_ =	sdelay $0x1  }
0x2fb: {  	s15 =	sand.u32 $0x30, s2;
	v19 =	vbroadcast v18, $0x0;
	(v2sf) =	vpush v18, $0x0;
	_ =	sdelay $0x1  }
0x2fc: {  	vm1 =	vne.s32 v19, v3;
	[tilespmem:s8+$0x1D0B0] =	vst v17  }
0x2fd: {  	vm0 =	vmand vm0, vm1;
	s8 =	sand.u32 $0xF, s2;
	v17 =	vld [tilespmem:s15+$0x1F080]  }
0x2fe: {  	v18 =	vmov s8  }
0x2ff: {  	p2 =	sne.s32 s5, $0x3F;
	s8 =	sand.u32 $0x3FFF, s18;
	vm1 =	veq.s32 v18, v3  }
0x300: {  	s14 =	simm.s32 @!p2 $0xD  }
.Ltmp21:
0x301: {  	s5 =	simm.s32 @!p2 $0x40;
	s18 =	simm.s32 @!p2 $0x1D080;
	(pc) =	sbr.rel @p1 .LBB2_23-.Ltmp21, $4  }
0x302: {  	v17 =	vsel vm1, s8, v17;
	s8 =	simm.s32 @!p2 $0x1F080  }
0x303: {  	[tilespmem:s15+$0x1F080] =	vst v17  }
0x304: {  	v18 =	vlaneseq.u32 @!p2;
	[hbm4b:s4+s5] =	stream.indirect.scatter @!p2 [tilespmem:s18], [sflag:$0xD], $0x80, s8, s5, $0xb8;
	[tilespmem:$0x1F300] =	vst v63  }
0x305: {  	v19 =	vor.u32 @!p2 $0x4020, v18;
	v20 =	vor.u32 @!p2 $0x4030, v18;
	v17 =	vor.u32 @!p2 $0x4010, v18;
	_ =	swait.ge @!p2 [sflag:s14], $0x2000  }
.Ltmp22:
0x306: {  	_ = 	snop;
	(pc) =	sbr.rel .LBB2_24-.Ltmp22, $1  }
0x307: {  	_ =	sdelay $0x3  }
.LBB2_22:
.Ltmp23:
0x308: {  	(pc) =	sbr.rel .LBB2_24-.Ltmp23, $2  }
0x309: {  	_ =	sdelay $0x2  }
0x30a: {  	s2 =	smov.u32 s19  }
.LBB2_28:
0x30b: {  	_ =	sfence.sel $0x180000  }
0x30c: {  	[bflag:$0x0] =	sbarrier.arrive $0xFFFF  }
0x30d: {  	_ =	strace $0x90000047  }
0x30e: {  	s0 =	stileid.u32;
	[bflag:$0x2] =	sbarrier.arrive $0xFFFF  }
0x30f: {  	p0 =	sne.s32 s0, $0x0;
	s0 =	rddreg [dreg:$0x3]  }
0x310: {  	s0 =	sadd.s32 @!p0 $0x100000, s0  }
0x311: {  	[sflag:s0] =	ssyncadd.tile.s32 @!p0 $0x1;
	_ =	shalt  }
.Lfunc_end2:
_tile_overlayer_lowered:
.L_overlay_start_2:
0x312: {  	(tag) =	ssettag $0x2  }
0x313: {  	s0 =	rddreg [dreg:$0x0];
	s2 =	stileid.u32  }
0x314: {  	s1 =	rddreg [dreg:$0x1];
	p0 =	sne.s32 s2, $0x0  }
0x315: {  	s3 =	rddreg [dreg:$0x2];
	[bflag:$0x3] =	sbarrier.arrive $0xFFFF;
	s2 =	simm.s32 @!p0 $0x1C0E  }
0x316: {  	[timem:s3], [sflag:s2] =	dma.local @!p0 [hbm:s0], s1  }
0x317: {  	s0 =	simm.s32 @!p0 $0xE  }
0x318: {  	_ =	swait.ge @!p0 [sflag:s0], s1  }
0x319: {  	s1 =	ssub.s32 @!p0 $0x0, s1;
	[sflag:s0] =	ssyncset.done @!p0 $0x0  }
0x31a: {  	[sflag:s0] =	ssyncadd.s32 @!p0 s1  }
0x31b: {  	[bflag:$0x3] =	sbarrier.arrive $0xFFFF  }
0x31c: {  	_ =	shalt  }

</sc_bundles>
